<compile_context>
chip_gen: v7x
topology: tpu7x:2x2x1
jax: 0.10.2.dev20260603
libtpu: 0.0.44.dev20260713+nightly
codegen_flags: <defaults>
</compile_context>

<pallas_src>
import functools

import jax
import jax.numpy as jnp
from jax import lax
from jax.experimental import pallas as pl
from jax.experimental.pallas import tpu as pltpu
from jax.experimental.pallas import tpu_sc as plsc

_N = 10000
_E = 320000
_H = 128
_G = 256
_NCONV = 5
_NFC = 3

_NC = 2
_NS = 16
_NW = _NC * _NS
_EPW = _E // _NW
_K = 80
_NCH = _EPW // _K
_NP = 10240
_RPT = _NP // _NS


def _mesh():
    return plsc.VectorSubcoreMesh(core_axis_name="c", subcore_axis_name="s")


def _deg_partial(dst3):
    @functools.partial(
        pl.kernel,
        out_type=jax.ShapeDtypeStruct((_NC, _NP), jnp.float32),
        mesh=_mesh(),
        scratch_types=[
            pltpu.VMEM((_NCH, _K), jnp.int32),
            pltpu.VMEM((_K,), jnp.float32),
            pltpu.VMEM_SHARED((_NP,), jnp.float32),
        ],
    )
    def k(dst_hbm, out_hbm, dstv, vals, degsp):
        c = lax.axis_index("c")
        s = lax.axis_index("s")
        wid = s * _NC + c
        pltpu.sync_copy(dst_hbm.at[wid], dstv)

        def fill(v):
            def body(i, _):
                vals[pl.ds(i * 16, 16)] = jnp.full((16,), v, jnp.float32)
                return 0
            lax.fori_loop(0, _K // 16, body, 0)

        fill(0.0)
        for z in range(_RPT // _K):
            pltpu.sync_copy(vals, degsp.at[pl.ds(s * _RPT + z * _K, _K)])
        fill(1.0)
        plsc.subcore_barrier()

        def chunk(j, _):
            pltpu.sync_copy(vals, degsp.at[dstv.at[j]], add=True)
            return 0

        lax.fori_loop(0, _NCH, chunk, 0)
        plsc.subcore_barrier()
        pltpu.sync_copy(degsp.at[pl.ds(s * _RPT, _RPT)],
                        out_hbm.at[c, pl.ds(s * _RPT, _RPT)])

    return k(dst3)


def _edge_scatter(hw, src3, dst3):
    @functools.partial(
        pl.kernel,
        out_type=jax.ShapeDtypeStruct((_NC, _NP, _H), jnp.float32),
        mesh=_mesh(),
        scratch_types=[
            pltpu.VMEM((_EPW,), jnp.int32),
            pltpu.VMEM((_NCH, _K), jnp.int32),
            pltpu.VMEM((_K, _H), jnp.float32),
            pltpu.VMEM((_K, _H), jnp.float32),
            pltpu.VMEM_SHARED((_NP, _H), jnp.float32),
            pltpu.SemaphoreType.DMA,
            pltpu.SemaphoreType.DMA,
        ],
    )
    def k(hw_hbm, src_hbm, dst_hbm, out_hbm, srcv, dstv, rows_a, rows_b,
          aggsp, sem_a, sem_b):
        c = lax.axis_index("c")
        s = lax.axis_index("s")
        wid = s * _NC + c
        pltpu.sync_copy(src_hbm.at[wid], srcv)
        pltpu.sync_copy(dst_hbm.at[wid], dstv)

        def fill_zero(i, _):
            for j in range(_H // 16):
                rows_a[i, pl.ds(j * 16, 16)] = jnp.zeros((16,), jnp.float32)
            return 0

        lax.fori_loop(0, _K, fill_zero, 0)
        for z in range(_RPT // _K):
            pltpu.sync_copy(rows_a, aggsp.at[pl.ds(s * _RPT + z * _K, _K)])
        plsc.subcore_barrier()

        def gather(j, buf, sem):
            return pltpu.async_copy(
                hw_hbm.at[srcv.at[pl.ds(j * _K, _K)]], buf, sem)

        def drain(buf, sem):
            pltpu.make_async_copy(hw_hbm.at[pl.ds(0, _K)], buf, sem).wait()

        def scatter(j, buf):
            pltpu.sync_copy(buf, aggsp.at[dstv.at[j]], add=True)

        gather(0, rows_a, sem_a)

        def pair(i, _):
            j0 = 2 * i
            gather(j0 + 1, rows_b, sem_b)
            drain(rows_a, sem_a)
            scatter(j0, rows_a)
            gather(j0 + 2, rows_a, sem_a)
            drain(rows_b, sem_b)
            scatter(j0 + 1, rows_b)
            return 0

        lax.fori_loop(0, (_NCH - 1) // 2, pair, 0)
        drain(rows_a, sem_a)
        scatter(_NCH - 1, rows_a)
        plsc.subcore_barrier()
        pltpu.sync_copy(aggsp.at[pl.ds(s * _RPT, _RPT)],
                        out_hbm.at[c, pl.ds(s * _RPT, _RPT)])

    return k(hw, src3, dst3)


def _dinv(degp_ref):
    deg = degp_ref[:, 0:1] + degp_ref[:, 1:2] + 1.0
    return lax.rsqrt(deg)


def _bn_relu(t, gamma, beta):
    mu = jnp.mean(t, axis=0, keepdims=True)
    var = jnp.mean((t - mu) ** 2, axis=0, keepdims=True)
    return jnp.maximum(gamma * (t - mu) / jnp.sqrt(var + 1e-5) + beta, 0.0)


def _emb_body(x_ref, ew_ref, eb_ref, out_ref):
    h = jnp.dot(x_ref[...], ew_ref[...], preferred_element_type=jnp.float32)
    h = h + eb_ref[...]
    out_ref[...] = jnp.where(h > 0, h, jnp.exp(jnp.minimum(h, 0.0)) - 1.0)


def _hw0_body(h_ref, w0_ref, degp_ref, out_ref):
    out_ref[...] = _dinv(degp_ref) * jnp.dot(
        h_ref[...], w0_ref[...], preferred_element_type=jnp.float32)


def _conv_body(p_ref, hwp_ref, degp_ref, b_ref, g_ref, be_ref, wn_ref, out_ref):
    dinv = _dinv(degp_ref)
    t = dinv * (p_ref[0][:_N] + p_ref[1][:_N] + hwp_ref[...]) + b_ref[...]
    h = _bn_relu(t, g_ref[...], be_ref[...])
    out_ref[...] = dinv * jnp.dot(h, wn_ref[...],
                                  preferred_element_type=jnp.float32)


def _conv_last_body(p_ref, hwp_ref, degp_ref, b_ref, g_ref, be_ref, out_ref):
    dinv = _dinv(degp_ref)
    t = dinv * (p_ref[0][:_N] + p_ref[1][:_N] + hwp_ref[...]) + b_ref[...]
    out_ref[...] = _bn_relu(t, g_ref[...], be_ref[...])


def _fc_body(h_ref, batch_ref, fw_ref, fb_ref, fg_ref, fbe_ref, ow_ref,
             ob_ref, out_ref):
    bi = jnp.broadcast_to(batch_ref[...], (_G, _N))
    gid = lax.broadcasted_iota(jnp.int32, (_G, _N), 0)
    oh = (bi == gid).astype(jnp.float32)
    g = jnp.dot(oh, h_ref[...], preferred_element_type=jnp.float32)
    for i in range(_NFC):
        t = jnp.dot(g, fw_ref[i], preferred_element_type=jnp.float32)
        t = t + fb_ref[i]
        g = _bn_relu(t, fg_ref[i], fbe_ref[i])
    logits = jnp.dot(g, ow_ref[...], preferred_element_type=jnp.float32)
    logits = logits + ob_ref[...]
    col = lax.broadcasted_iota(jnp.int32, (_G, _H), 1)
    valid = col < 2
    ml = jnp.max(jnp.where(valid, logits, -1e30), axis=1, keepdims=True)
    e = jnp.where(valid, jnp.exp(logits - ml), 0.0)
    lse = jnp.log(jnp.sum(e, axis=1, keepdims=True)) + ml
    out_ref[...] = logits - lse


def _tc(body, out_shape, *args):
    return pl.pallas_call(
        body, out_shape=jax.ShapeDtypeStruct(out_shape, jnp.float32))(*args)


def kernel(x, edge_index, batch, emb_W, emb_b, conv_W, conv_b, conv_gamma,
           conv_beta, fc_W, fc_b, fc_gamma, fc_beta, out_W, out_b):
    src3 = edge_index[0].reshape(_NW, _EPW)
    dst3 = edge_index[1].reshape(_NW, _NCH, _K)

    degp = _deg_partial(dst3)[:, :_N].T
    emb_b2 = emb_b.reshape(1, _H)
    h1 = _tc(_emb_body, (_N, _H), x, emb_W, emb_b2)
    hw = _tc(_hw0_body, (_N, _H), h1, conv_W[0], degp)

    for i in range(_NCONV):
        p = _edge_scatter(hw, src3, dst3)
        b2 = conv_b[i].reshape(1, _H)
        g2 = conv_gamma[i].reshape(1, _H)
        be2 = conv_beta[i].reshape(1, _H)
        if i + 1 < _NCONV:
            hw = _tc(_conv_body, (_N, _H), p, hw, degp, b2, g2, be2,
                     conv_W[i + 1])
        else:
            h5 = _tc(_conv_last_body, (_N, _H), p, hw, degp, b2, g2, be2)

    batch2 = batch.reshape(1, _N)
    fb3 = fc_b.reshape(_NFC, 1, _H)
    fg3 = fc_gamma.reshape(_NFC, 1, _H)
    fbe3 = fc_beta.reshape(_NFC, 1, _H)
    ow = jnp.pad(out_W, ((0, 0), (0, _H - 2)))
    ob = jnp.pad(out_b, (0, _H - 2)).reshape(1, _H)
    out = _tc(_fc_body, (_G, _H), h5, batch2, fc_W, fb3, fg3, fbe3, ow, ob)
    return out[:, :2]

# --- scband reference (transcript-rebuilt; emitter-appended) ---
"""Pipeline reference for scband-model-2860448219157 (READ-ONLY COPY).

The authoritative reference and input builder live on the scoring server;
editing this copy changes nothing except your own understanding.
"""

import jax, jax.numpy as jnp
import numpy as np

N = 10000
E = 320000
D = 128
H = 128
G = 256
NCONV = 5
NFC = 3
NOUT = 2


def setup_inputs(seed: int = 0) -> dict:
    key = jax.random.key(seed)
    ks = jax.random.split(key, 10)
    x = jax.random.normal(ks[0], (N, D), dtype=jnp.float32)
    edge_index = jax.random.randint(ks[1], (2, E), 0, N, dtype=jnp.int32)
    batch = jnp.sort(jax.random.randint(ks[2], (N,), 0, G, dtype=jnp.int32))
    s = 0.05
    emb_W = jax.random.normal(ks[3], (D, H), dtype=jnp.float32) * s
    emb_b = jnp.zeros((H,), jnp.float32)
    conv_W = jax.random.normal(ks[4], (NCONV, H, H), dtype=jnp.float32) * s
    conv_b = jnp.zeros((NCONV, H), jnp.float32)
    conv_gamma = jnp.ones((NCONV, H), jnp.float32)
    conv_beta = jnp.zeros((NCONV, H), jnp.float32)
    fc_W = jax.random.normal(ks[5], (NFC, H, H), dtype=jnp.float32) * s
    fc_b = jnp.zeros((NFC, H), jnp.float32)
    fc_gamma = jnp.ones((NFC, H), jnp.float32)
    fc_beta = jnp.zeros((NFC, H), jnp.float32)
    out_W = jax.random.normal(ks[6], (H, NOUT), dtype=jnp.float32) * s
    out_b = jnp.zeros((NOUT,), jnp.float32)
    return {"x": x, "edge_index": edge_index, "batch": batch,
            "emb_W": emb_W, "emb_b": emb_b,
            "conv_W": conv_W, "conv_b": conv_b,
            "conv_gamma": conv_gamma, "conv_beta": conv_beta,
            "fc_W": fc_W, "fc_b": fc_b,
            "fc_gamma": fc_gamma, "fc_beta": fc_beta,
            "out_W": out_W, "out_b": out_b}


def _batchnorm(h, gamma, beta):
    # torch BatchNorm1d in train mode: batch stats, biased variance, eps=1e-5
    mu = jnp.mean(h, axis=0)
    var = jnp.var(h, axis=0)
    return gamma * (h - mu) / jnp.sqrt(var + 1e-5) + beta


def reference(x, edge_index, batch, emb_W, emb_b, conv_W, conv_b, conv_gamma,
              conv_beta, fc_W, fc_b, fc_gamma, fc_beta, out_W, out_b):
    n = x.shape[0]
    # GCNConv: add self loops, symmetric normalization deg^{-1/2} A deg^{-1/2}
    loop = jnp.arange(n, dtype=edge_index.dtype)
    src = jnp.concatenate([edge_index[0], loop])
    dst = jnp.concatenate([edge_index[1], loop])
    deg = jnp.zeros((n,), jnp.float32).at[dst].add(1.0)
    dinv = jnp.where(deg > 0, jax.lax.rsqrt(deg), 0.0)
    norm = dinv[src] * dinv[dst]
    # atom embedding + ELU
    h = jax.nn.elu(x @ emb_W + emb_b)
    # conv stack: GCNConv -> BatchNorm -> ReLU
    for i in range(NCONV):
        hw = h @ conv_W[i]
        msg = hw[src] * norm[:, None]
        agg = jnp.zeros((n, hw.shape[1]), jnp.float32).at[dst].add(msg) + conv_b[i]
        h = jax.nn.relu(_batchnorm(agg, conv_gamma[i], conv_beta[i]))
    # global_add_pool
    g = jax.ops.segment_sum(h, batch, num_segments=G)
    # fc stack: Linear -> BatchNorm -> ReLU
    for i in range(NFC):
        g = jax.nn.relu(_batchnorm(g @ fc_W[i] + fc_b[i], fc_gamma[i], fc_beta[i]))
    logits = g @ out_W + out_b
    return jax.nn.log_softmax(logits, axis=1)

if __name__ == "__main__":
    import jax
    _d = setup_inputs()
    print(jax.jit(kernel)(*tuple(_d.values())))

</pallas_src>

<mosaic_0001>
#map = affine_map<(d0, d1) -> (0, 0, 0)>
#map1 = affine_map<(d0, d1) -> (0, 0)>
module attributes {stable_mosaic.version = 14 : i64} {
  func.func @k(%arg0: i32, %arg1: i32, %arg2: memref<32x125x80xi32, #tpu.memory_space<hbm>>, %arg3: memref<2x10240xf32, #tpu.memory_space<hbm>>, %arg4: memref<125x80xi32, #tpu.memory_space<vmem>>, %arg5: memref<80xf32, #tpu.memory_space<vmem>>, %arg6: memref<10240xf32, #tpu.memory_space<vmem_shared>>) attributes {dimension_semantics = [#tpu.dimension_semantics<core_parallel>, #tpu.dimension_semantics<subcore_parallel>], iteration_bounds = array<i64: 2, 16>, scalar_prefetch = 0 : i64, scratch_operands = 3 : i64, tpu.core_type = #tpu.core_type<sc_vector_subcore>, window_params = [{transform_indices = #map}, {transform_indices = #map1}]} {
    %mul3A = arith.constant 2 : i32
    %mul3A_0 = arith.muli %arg1, %mul3A : i32
    %add3A = arith.addi %mul3A_0, %arg0 : i32
    "tpu.region"() ({
      %run_scoped3A = tpu.sem_alloc : memref<!tpu.dma_semaphore, #tpu.memory_space<semaphore_mem>>
      %dma_start3A = arith.constant 0 : i32
      %dma_start3A_58 = arith.constant 0 : i32
      %dma_start3A_59 = tpu.memref_slice %arg2[%add3A, %dma_start3A, %dma_start3A_58] : memref<32x125x80xi32, #tpu.memory_space<hbm>> -> memref<1x125x80xi32, #tpu.memory_space<hbm>>
      %dma_start3A_60 = tpu.memref_squeeze %dma_start3A_59 : memref<1x125x80xi32, #tpu.memory_space<hbm>> -> memref<125x80xi32, #tpu.memory_space<hbm>>
      %dma_start3A_61 = arith.constant 0 : i32
      %dma_start3A_62 = arith.constant 0 : i32
      %dma_start3A_63 = tpu.memref_slice %arg2[%add3A, %dma_start3A_61, %dma_start3A_62] : memref<32x125x80xi32, #tpu.memory_space<hbm>> -> memref<1x125x80xi32, #tpu.memory_space<hbm>>
      %dma_start3A_64 = tpu.memref_squeeze %dma_start3A_63 : memref<1x125x80xi32, #tpu.memory_space<hbm>> -> memref<125x80xi32, #tpu.memory_space<hbm>>
      tpu.enqueue_dma source(%dma_start3A_64 : memref<125x80xi32, #tpu.memory_space<hbm>>) target(%arg4 : memref<125x80xi32, #tpu.memory_space<vmem>>) target_semaphore(%run_scoped3A : memref<!tpu.dma_semaphore, #tpu.memory_space<semaphore_mem>>)
      %dma_wait3A = arith.constant 0 : i32
      %dma_wait3A_65 = arith.constant 0 : i32
      %dma_wait3A_66 = tpu.memref_slice %arg2[%add3A, %dma_wait3A, %dma_wait3A_65] : memref<32x125x80xi32, #tpu.memory_space<hbm>> -> memref<1x125x80xi32, #tpu.memory_space<hbm>>
      %dma_wait3A_67 = tpu.memref_squeeze %dma_wait3A_66 : memref<1x125x80xi32, #tpu.memory_space<hbm>> -> memref<125x80xi32, #tpu.memory_space<hbm>>
      %dma_wait3A_68 = arith.constant 0 : i32
      %dma_wait3A_69 = arith.constant 0 : i32
      %dma_wait3A_70 = tpu.memref_slice %arg2[%add3A, %dma_wait3A_68, %dma_wait3A_69] : memref<32x125x80xi32, #tpu.memory_space<hbm>> -> memref<1x125x80xi32, #tpu.memory_space<hbm>>
      %dma_wait3A_71 = tpu.memref_squeeze %dma_wait3A_70 : memref<1x125x80xi32, #tpu.memory_space<hbm>> -> memref<125x80xi32, #tpu.memory_space<hbm>>
      tpu.wait_dma2 semaphore(%run_scoped3A : memref<!tpu.dma_semaphore, #tpu.memory_space<semaphore_mem>>) src(%dma_wait3A_71 : memref<125x80xi32, #tpu.memory_space<hbm>>) dst(%arg4 : memref<125x80xi32, #tpu.memory_space<vmem>>)
      tpu.yield
    }) : () -> ()
    %scan3A = arith.constant 0 : i32
    %scan3A_1 = arith.constant 0 : i32
    %scan3A_2 = arith.constant 5 : i32
    %scan3A_3 = arith.addi %scan3A_1, %scan3A_2 : i32
    %scan3A_4 = arith.constant 1 : i32
    %scan3A_5 = scf.for %scan3A_58 = %scan3A_1 to %scan3A_3 step %scan3A_4 iter_args(%scan3A_59 = %scan3A) -> (i32)  : i32 {
      %broadcast_in_dim3A = arith.constant 0.000000e+00 : f32
      %broadcast_in_dim3A_60 = vector.broadcast %broadcast_in_dim3A : f32 to vector<16xf32>
      %mul3A_61 = arith.constant 16 : i32
      %mul3A_62 = arith.muli %scan3A_58, %mul3A_61 : i32
      %swap3A = arith.index_cast %mul3A_62 : i32 to index
      %swap3A_63 = tpu.vector_load %arg5[%swap3A] {strides = array<i32>} : memref<80xf32, #tpu.memory_space<vmem>>, vector<16xf32>,
      %swap3A_64 = vector.shape_cast %swap3A_63 : vector<16xf32> to vector<16xf32>
      %swap3A_65 = vector.shape_cast %broadcast_in_dim3A_60 : vector<16xf32> to vector<16xf32>
      tpu.vector_store %arg5[%swap3A], %swap3A_65 {strides = array<i32>} : memref<80xf32, #tpu.memory_space<vmem>>, vector<16xf32>,
      %scan3A_66 = arith.constant 0 : i32
      scf.yield %scan3A_66 : i32
    }
    %scan3A_6 = arith.constant 5 : i32
    %mul3A_7 = arith.constant 640 : i32
    %mul3A_8 = arith.muli %arg1, %mul3A_7 : i32
    %add3A_9 = arith.constant 0 : i32
    %add3A_10 = arith.addi %mul3A_8, %add3A_9 : i32
    "tpu.region"() ({
      %run_scoped3A = tpu.sem_alloc : memref<!tpu.dma_semaphore, #tpu.memory_space<semaphore_mem>>
      %dma_start3A = tpu.memref_slice %arg6[%add3A_10] : memref<10240xf32, #tpu.memory_space<vmem_shared>> -> memref<80xf32, #tpu.memory_space<vmem_shared>>
      %dma_start3A_58 = tpu.memref_slice %arg6[%add3A_10] : memref<10240xf32, #tpu.memory_space<vmem_shared>> -> memref<80xf32, #tpu.memory_space<vmem_shared>>
      tpu.enqueue_dma source(%arg5 : memref<80xf32, #tpu.memory_space<vmem>>) target(%dma_start3A_58 : memref<80xf32, #tpu.memory_space<vmem_shared>>) target_semaphore(%run_scoped3A : memref<!tpu.dma_semaphore, #tpu.memory_space<semaphore_mem>>)
      %dma_wait3A = tpu.memref_slice %arg6[%add3A_10] : memref<10240xf32, #tpu.memory_space<vmem_shared>> -> memref<80xf32, #tpu.memory_space<vmem_shared>>
      %dma_wait3A_59 = tpu.memref_slice %arg6[%add3A_10] : memref<10240xf32, #tpu.memory_space<vmem_shared>> -> memref<80xf32, #tpu.memory_space<vmem_shared>>
      tpu.wait_dma2 semaphore(%run_scoped3A : memref<!tpu.dma_semaphore, #tpu.memory_space<semaphore_mem>>) src(%arg5 : memref<80xf32, #tpu.memory_space<vmem>>) dst(%dma_wait3A_59 : memref<80xf32, #tpu.memory_space<vmem_shared>>)
      tpu.yield
    }) : () -> ()
    %mul3A_11 = arith.constant 640 : i32
    %mul3A_12 = arith.muli %arg1, %mul3A_11 : i32
    %add3A_13 = arith.constant 80 : i32
    %add3A_14 = arith.addi %mul3A_12, %add3A_13 : i32
    "tpu.region"() ({
      %run_scoped3A = tpu.sem_alloc : memref<!tpu.dma_semaphore, #tpu.memory_space<semaphore_mem>>
      %dma_start3A = tpu.memref_slice %arg6[%add3A_14] : memref<10240xf32, #tpu.memory_space<vmem_shared>> -> memref<80xf32, #tpu.memory_space<vmem_shared>>
      %dma_start3A_58 = tpu.memref_slice %arg6[%add3A_14] : memref<10240xf32, #tpu.memory_space<vmem_shared>> -> memref<80xf32, #tpu.memory_space<vmem_shared>>
      tpu.enqueue_dma source(%arg5 : memref<80xf32, #tpu.memory_space<vmem>>) target(%dma_start3A_58 : memref<80xf32, #tpu.memory_space<vmem_shared>>) target_semaphore(%run_scoped3A : memref<!tpu.dma_semaphore, #tpu.memory_space<semaphore_mem>>)
      %dma_wait3A = tpu.memref_slice %arg6[%add3A_14] : memref<10240xf32, #tpu.memory_space<vmem_shared>> -> memref<80xf32, #tpu.memory_space<vmem_shared>>
      %dma_wait3A_59 = tpu.memref_slice %arg6[%add3A_14] : memref<10240xf32, #tpu.memory_space<vmem_shared>> -> memref<80xf32, #tpu.memory_space<vmem_shared>>
      tpu.wait_dma2 semaphore(%run_scoped3A : memref<!tpu.dma_semaphore, #tpu.memory_space<semaphore_mem>>) src(%arg5 : memref<80xf32, #tpu.memory_space<vmem>>) dst(%dma_wait3A_59 : memref<80xf32, #tpu.memory_space<vmem_shared>>)
      tpu.yield
    }) : () -> ()
    %mul3A_15 = arith.constant 640 : i32
    %mul3A_16 = arith.muli %arg1, %mul3A_15 : i32
    %add3A_17 = arith.constant 160 : i32
    %add3A_18 = arith.addi %mul3A_16, %add3A_17 : i32
    "tpu.region"() ({
      %run_scoped3A = tpu.sem_alloc : memref<!tpu.dma_semaphore, #tpu.memory_space<semaphore_mem>>
      %dma_start3A = tpu.memref_slice %arg6[%add3A_18] : memref<10240xf32, #tpu.memory_space<vmem_shared>> -> memref<80xf32, #tpu.memory_space<vmem_shared>>
      %dma_start3A_58 = tpu.memref_slice %arg6[%add3A_18] : memref<10240xf32, #tpu.memory_space<vmem_shared>> -> memref<80xf32, #tpu.memory_space<vmem_shared>>
      tpu.enqueue_dma source(%arg5 : memref<80xf32, #tpu.memory_space<vmem>>) target(%dma_start3A_58 : memref<80xf32, #tpu.memory_space<vmem_shared>>) target_semaphore(%run_scoped3A : memref<!tpu.dma_semaphore, #tpu.memory_space<semaphore_mem>>)
      %dma_wait3A = tpu.memref_slice %arg6[%add3A_18] : memref<10240xf32, #tpu.memory_space<vmem_shared>> -> memref<80xf32, #tpu.memory_space<vmem_shared>>
      %dma_wait3A_59 = tpu.memref_slice %arg6[%add3A_18] : memref<10240xf32, #tpu.memory_space<vmem_shared>> -> memref<80xf32, #tpu.memory_space<vmem_shared>>
      tpu.wait_dma2 semaphore(%run_scoped3A : memref<!tpu.dma_semaphore, #tpu.memory_space<semaphore_mem>>) src(%arg5 : memref<80xf32, #tpu.memory_space<vmem>>) dst(%dma_wait3A_59 : memref<80xf32, #tpu.memory_space<vmem_shared>>)
      tpu.yield
    }) : () -> ()
    %mul3A_19 = arith.constant 640 : i32
    %mul3A_20 = arith.muli %arg1, %mul3A_19 : i32
    %add3A_21 = arith.constant 240 : i32
    %add3A_22 = arith.addi %mul3A_20, %add3A_21 : i32
    "tpu.region"() ({
      %run_scoped3A = tpu.sem_alloc : memref<!tpu.dma_semaphore, #tpu.memory_space<semaphore_mem>>
      %dma_start3A = tpu.memref_slice %arg6[%add3A_22] : memref<10240xf32, #tpu.memory_space<vmem_shared>> -> memref<80xf32, #tpu.memory_space<vmem_shared>>
      %dma_start3A_58 = tpu.memref_slice %arg6[%add3A_22] : memref<10240xf32, #tpu.memory_space<vmem_shared>> -> memref<80xf32, #tpu.memory_space<vmem_shared>>
      tpu.enqueue_dma source(%arg5 : memref<80xf32, #tpu.memory_space<vmem>>) target(%dma_start3A_58 : memref<80xf32, #tpu.memory_space<vmem_shared>>) target_semaphore(%run_scoped3A : memref<!tpu.dma_semaphore, #tpu.memory_space<semaphore_mem>>)
      %dma_wait3A = tpu.memref_slice %arg6[%add3A_22] : memref<10240xf32, #tpu.memory_space<vmem_shared>> -> memref<80xf32, #tpu.memory_space<vmem_shared>>
      %dma_wait3A_59 = tpu.memref_slice %arg6[%add3A_22] : memref<10240xf32, #tpu.memory_space<vmem_shared>> -> memref<80xf32, #tpu.memory_space<vmem_shared>>
      tpu.wait_dma2 semaphore(%run_scoped3A : memref<!tpu.dma_semaphore, #tpu.memory_space<semaphore_mem>>) src(%arg5 : memref<80xf32, #tpu.memory_space<vmem>>) dst(%dma_wait3A_59 : memref<80xf32, #tpu.memory_space<vmem_shared>>)
      tpu.yield
    }) : () -> ()
    %mul3A_23 = arith.constant 640 : i32
    %mul3A_24 = arith.muli %arg1, %mul3A_23 : i32
    %add3A_25 = arith.constant 320 : i32
    %add3A_26 = arith.addi %mul3A_24, %add3A_25 : i32
    "tpu.region"() ({
      %run_scoped3A = tpu.sem_alloc : memref<!tpu.dma_semaphore, #tpu.memory_space<semaphore_mem>>
      %dma_start3A = tpu.memref_slice %arg6[%add3A_26] : memref<10240xf32, #tpu.memory_space<vmem_shared>> -> memref<80xf32, #tpu.memory_space<vmem_shared>>
      %dma_start3A_58 = tpu.memref_slice %arg6[%add3A_26] : memref<10240xf32, #tpu.memory_space<vmem_shared>> -> memref<80xf32, #tpu.memory_space<vmem_shared>>
      tpu.enqueue_dma source(%arg5 : memref<80xf32, #tpu.memory_space<vmem>>) target(%dma_start3A_58 : memref<80xf32, #tpu.memory_space<vmem_shared>>) target_semaphore(%run_scoped3A : memref<!tpu.dma_semaphore, #tpu.memory_space<semaphore_mem>>)
      %dma_wait3A = tpu.memref_slice %arg6[%add3A_26] : memref<10240xf32, #tpu.memory_space<vmem_shared>> -> memref<80xf32, #tpu.memory_space<vmem_shared>>
      %dma_wait3A_59 = tpu.memref_slice %arg6[%add3A_26] : memref<10240xf32, #tpu.memory_space<vmem_shared>> -> memref<80xf32, #tpu.memory_space<vmem_shared>>
      tpu.wait_dma2 semaphore(%run_scoped3A : memref<!tpu.dma_semaphore, #tpu.memory_space<semaphore_mem>>) src(%arg5 : memref<80xf32, #tpu.memory_space<vmem>>) dst(%dma_wait3A_59 : memref<80xf32, #tpu.memory_space<vmem_shared>>)
      tpu.yield
    }) : () -> ()
    %mul3A_27 = arith.constant 640 : i32
    %mul3A_28 = arith.muli %arg1, %mul3A_27 : i32
    %add3A_29 = arith.constant 400 : i32
    %add3A_30 = arith.addi %mul3A_28, %add3A_29 : i32
    "tpu.region"() ({
      %run_scoped3A = tpu.sem_alloc : memref<!tpu.dma_semaphore, #tpu.memory_space<semaphore_mem>>
      %dma_start3A = tpu.memref_slice %arg6[%add3A_30] : memref<10240xf32, #tpu.memory_space<vmem_shared>> -> memref<80xf32, #tpu.memory_space<vmem_shared>>
      %dma_start3A_58 = tpu.memref_slice %arg6[%add3A_30] : memref<10240xf32, #tpu.memory_space<vmem_shared>> -> memref<80xf32, #tpu.memory_space<vmem_shared>>
      tpu.enqueue_dma source(%arg5 : memref<80xf32, #tpu.memory_space<vmem>>) target(%dma_start3A_58 : memref<80xf32, #tpu.memory_space<vmem_shared>>) target_semaphore(%run_scoped3A : memref<!tpu.dma_semaphore, #tpu.memory_space<semaphore_mem>>)
      %dma_wait3A = tpu.memref_slice %arg6[%add3A_30] : memref<10240xf32, #tpu.memory_space<vmem_shared>> -> memref<80xf32, #tpu.memory_space<vmem_shared>>
      %dma_wait3A_59 = tpu.memref_slice %arg6[%add3A_30] : memref<10240xf32, #tpu.memory_space<vmem_shared>> -> memref<80xf32, #tpu.memory_space<vmem_shared>>
      tpu.wait_dma2 semaphore(%run_scoped3A : memref<!tpu.dma_semaphore, #tpu.memory_space<semaphore_mem>>) src(%arg5 : memref<80xf32, #tpu.memory_space<vmem>>) dst(%dma_wait3A_59 : memref<80xf32, #tpu.memory_space<vmem_shared>>)
      tpu.yield
    }) : () -> ()
    %mul3A_31 = arith.constant 640 : i32
    %mul3A_32 = arith.muli %arg1, %mul3A_31 : i32
    %add3A_33 = arith.constant 480 : i32
    %add3A_34 = arith.addi %mul3A_32, %add3A_33 : i32
    "tpu.region"() ({
      %run_scoped3A = tpu.sem_alloc : memref<!tpu.dma_semaphore, #tpu.memory_space<semaphore_mem>>
      %dma_start3A = tpu.memref_slice %arg6[%add3A_34] : memref<10240xf32, #tpu.memory_space<vmem_shared>> -> memref<80xf32, #tpu.memory_space<vmem_shared>>
      %dma_start3A_58 = tpu.memref_slice %arg6[%add3A_34] : memref<10240xf32, #tpu.memory_space<vmem_shared>> -> memref<80xf32, #tpu.memory_space<vmem_shared>>
      tpu.enqueue_dma source(%arg5 : memref<80xf32, #tpu.memory_space<vmem>>) target(%dma_start3A_58 : memref<80xf32, #tpu.memory_space<vmem_shared>>) target_semaphore(%run_scoped3A : memref<!tpu.dma_semaphore, #tpu.memory_space<semaphore_mem>>)
      %dma_wait3A = tpu.memref_slice %arg6[%add3A_34] : memref<10240xf32, #tpu.memory_space<vmem_shared>> -> memref<80xf32, #tpu.memory_space<vmem_shared>>
      %dma_wait3A_59 = tpu.memref_slice %arg6[%add3A_34] : memref<10240xf32, #tpu.memory_space<vmem_shared>> -> memref<80xf32, #tpu.memory_space<vmem_shared>>
      tpu.wait_dma2 semaphore(%run_scoped3A : memref<!tpu.dma_semaphore, #tpu.memory_space<semaphore_mem>>) src(%arg5 : memref<80xf32, #tpu.memory_space<vmem>>) dst(%dma_wait3A_59 : memref<80xf32, #tpu.memory_space<vmem_shared>>)
      tpu.yield
    }) : () -> ()
    %mul3A_35 = arith.constant 640 : i32
    %mul3A_36 = arith.muli %arg1, %mul3A_35 : i32
    %add3A_37 = arith.constant 560 : i32
    %add3A_38 = arith.addi %mul3A_36, %add3A_37 : i32
    "tpu.region"() ({
      %run_scoped3A = tpu.sem_alloc : memref<!tpu.dma_semaphore, #tpu.memory_space<semaphore_mem>>
      %dma_start3A = tpu.memref_slice %arg6[%add3A_38] : memref<10240xf32, #tpu.memory_space<vmem_shared>> -> memref<80xf32, #tpu.memory_space<vmem_shared>>
      %dma_start3A_58 = tpu.memref_slice %arg6[%add3A_38] : memref<10240xf32, #tpu.memory_space<vmem_shared>> -> memref<80xf32, #tpu.memory_space<vmem_shared>>
      tpu.enqueue_dma source(%arg5 : memref<80xf32, #tpu.memory_space<vmem>>) target(%dma_start3A_58 : memref<80xf32, #tpu.memory_space<vmem_shared>>) target_semaphore(%run_scoped3A : memref<!tpu.dma_semaphore, #tpu.memory_space<semaphore_mem>>)
      %dma_wait3A = tpu.memref_slice %arg6[%add3A_38] : memref<10240xf32, #tpu.memory_space<vmem_shared>> -> memref<80xf32, #tpu.memory_space<vmem_shared>>
      %dma_wait3A_59 = tpu.memref_slice %arg6[%add3A_38] : memref<10240xf32, #tpu.memory_space<vmem_shared>> -> memref<80xf32, #tpu.memory_space<vmem_shared>>
      tpu.wait_dma2 semaphore(%run_scoped3A : memref<!tpu.dma_semaphore, #tpu.memory_space<semaphore_mem>>) src(%arg5 : memref<80xf32, #tpu.memory_space<vmem>>) dst(%dma_wait3A_59 : memref<80xf32, #tpu.memory_space<vmem_shared>>)
      tpu.yield
    }) : () -> ()
    %scan3A_39 = arith.constant 0 : i32
    %scan3A_40 = arith.constant 0 : i32
    %scan3A_41 = arith.constant 5 : i32
    %scan3A_42 = arith.addi %scan3A_40, %scan3A_41 : i32
    %scan3A_43 = arith.constant 1 : i32
    %scan3A_44 = scf.for %scan3A_58 = %scan3A_40 to %scan3A_42 step %scan3A_43 iter_args(%scan3A_59 = %scan3A_39) -> (i32)  : i32 {
      %broadcast_in_dim3A = arith.constant 1.000000e+00 : f32
      %broadcast_in_dim3A_60 = vector.broadcast %broadcast_in_dim3A : f32 to vector<16xf32>
      %mul3A_61 = arith.constant 16 : i32
      %mul3A_62 = arith.muli %scan3A_58, %mul3A_61 : i32
      %swap3A = arith.index_cast %mul3A_62 : i32 to index
      %swap3A_63 = tpu.vector_load %arg5[%swap3A] {strides = array<i32>} : memref<80xf32, #tpu.memory_space<vmem>>, vector<16xf32>,
      %swap3A_64 = vector.shape_cast %swap3A_63 : vector<16xf32> to vector<16xf32>
      %swap3A_65 = vector.shape_cast %broadcast_in_dim3A_60 : vector<16xf32> to vector<16xf32>
      tpu.vector_store %arg5[%swap3A], %swap3A_65 {strides = array<i32>} : memref<80xf32, #tpu.memory_space<vmem>>, vector<16xf32>,
      %scan3A_66 = arith.constant 0 : i32
      scf.yield %scan3A_66 : i32
    }
    %scan3A_45 = arith.constant 5 : i32
    %barrier3A = arith.constant 0 : index
    tpu.barrier barrier_id(%barrier3A)
    %scan3A_46 = arith.constant 0 : i32
    %scan3A_47 = arith.constant 0 : i32
    %scan3A_48 = arith.constant 125 : i32
    %scan3A_49 = arith.addi %scan3A_47, %scan3A_48 : i32
    %scan3A_50 = arith.constant 1 : i32
    %scan3A_51 = scf.for %scan3A_58 = %scan3A_47 to %scan3A_49 step %scan3A_50 iter_args(%scan3A_59 = %scan3A_46) -> (i32)  : i32 {
      "tpu.region"() ({
        %run_scoped3A = tpu.sem_alloc : memref<!tpu.dma_semaphore, #tpu.memory_space<semaphore_mem>>
        %dma_start3A = arith.constant 0 : i32
        %dma_start3A_61 = tpu.memref_slice %arg4[%scan3A_58, %dma_start3A] : memref<125x80xi32, #tpu.memory_space<vmem>> -> memref<1x80xi32, #tpu.memory_space<vmem>>
        %dma_start3A_62 = tpu.memref_squeeze %dma_start3A_61 : memref<1x80xi32, #tpu.memory_space<vmem>> -> memref<80xi32, #tpu.memory_space<vmem>>
        %dma_start3A_63 = arith.constant 0 : i32
        %dma_start3A_64 = tpu.memref_slice %arg6[%dma_start3A_63] : memref<10240xf32, #tpu.memory_space<vmem_shared>> -> memref<10240xf32, #tpu.memory_space<vmem_shared>>
        tpu.enqueue_indirect_dma source(%arg5 : memref<80xf32, #tpu.memory_space<vmem>>) target(%dma_start3A_64 : memref<10240xf32, #tpu.memory_space<vmem_shared>>) offsets(%dma_start3A_62 : memref<80xi32, #tpu.memory_space<vmem>>) semaphore(%run_scoped3A : memref<!tpu.dma_semaphore, #tpu.memory_space<semaphore_mem>>) {add = true}
        %dma_wait3A = arith.constant 0 : i32
        %dma_wait3A_65 = tpu.memref_slice %arg4[%scan3A_58, %dma_wait3A] : memref<125x80xi32, #tpu.memory_space<vmem>> -> memref<1x80xi32, #tpu.memory_space<vmem>>
        %dma_wait3A_66 = tpu.memref_squeeze %dma_wait3A_65 : memref<1x80xi32, #tpu.memory_space<vmem>> -> memref<80xi32, #tpu.memory_space<vmem>>
        %dma_wait3A_67 = arith.constant 0 : i32
        %dma_wait3A_68 = tpu.memref_slice %arg6[%dma_wait3A_67] : memref<10240xf32, #tpu.memory_space<vmem_shared>> -> memref<10240xf32, #tpu.memory_space<vmem_shared>>
        tpu.wait_indirect_dma semaphore(%run_scoped3A : memref<!tpu.dma_semaphore, #tpu.memory_space<semaphore_mem>>) src(%arg5 : memref<80xf32, #tpu.memory_space<vmem>>) dst(%dma_wait3A_68 : memref<10240xf32, #tpu.memory_space<vmem_shared>>)
        tpu.yield
      }) : () -> ()
      %scan3A_60 = arith.constant 0 : i32
      scf.yield %scan3A_60 : i32
    }
    %scan3A_52 = arith.constant 125 : i32
    %barrier3A_53 = arith.constant 0 : index
    tpu.barrier barrier_id(%barrier3A_53)
    %mul3A_54 = arith.constant 640 : i32
    %mul3A_55 = arith.muli %arg1, %mul3A_54 : i32
    %mul3A_56 = arith.constant 640 : i32
    %mul3A_57 = arith.muli %arg1, %mul3A_56 : i32
    "tpu.region"() ({
      %run_scoped3A = tpu.sem_alloc : memref<!tpu.dma_semaphore, #tpu.memory_space<semaphore_mem>>
      %dma_start3A = tpu.memref_slice %arg3[%arg0, %mul3A_57] : memref<2x10240xf32, #tpu.memory_space<hbm>> -> memref<1x640xf32, #tpu.memory_space<hbm>>
      %dma_start3A_58 = tpu.memref_squeeze %dma_start3A : memref<1x640xf32, #tpu.memory_space<hbm>> -> memref<640xf32, #tpu.memory_space<hbm>>
      %dma_start3A_59 = tpu.memref_slice %arg6[%mul3A_55] : memref<10240xf32, #tpu.memory_space<vmem_shared>> -> memref<640xf32, #tpu.memory_space<vmem_shared>>
      tpu.enqueue_dma source(%dma_start3A_59 : memref<640xf32, #tpu.memory_space<vmem_shared>>) target(%dma_start3A_58 : memref<640xf32, #tpu.memory_space<hbm>>) target_semaphore(%run_scoped3A : memref<!tpu.dma_semaphore, #tpu.memory_space<semaphore_mem>>)
      %dma_wait3A = tpu.memref_slice %arg3[%arg0, %mul3A_57] : memref<2x10240xf32, #tpu.memory_space<hbm>> -> memref<1x640xf32, #tpu.memory_space<hbm>>
      %dma_wait3A_60 = tpu.memref_squeeze %dma_wait3A : memref<1x640xf32, #tpu.memory_space<hbm>> -> memref<640xf32, #tpu.memory_space<hbm>>
      %dma_wait3A_61 = tpu.memref_slice %arg6[%mul3A_55] : memref<10240xf32, #tpu.memory_space<vmem_shared>> -> memref<640xf32, #tpu.memory_space<vmem_shared>>
      tpu.wait_dma2 semaphore(%run_scoped3A : memref<!tpu.dma_semaphore, #tpu.memory_space<semaphore_mem>>) src(%dma_wait3A_61 : memref<640xf32, #tpu.memory_space<vmem_shared>>) dst(%dma_wait3A_60 : memref<640xf32, #tpu.memory_space<hbm>>)
      tpu.yield
    }) : () -> ()
    return
  }
}

#map = affine_map<(d0, d1) -> (0, 0)>
#map1 = affine_map<(d0, d1) -> (0, 0, 0)>
module attributes {stable_mosaic.version = 14 : i64} {
  func.func @k(%arg0: i32, %arg1: i32, %arg2: memref<10000x128xf32, #tpu.memory_space<hbm>>, %arg3: memref<32x10000xi32, #tpu.memory_space<hbm>>, %arg4: memref<32x125x80xi32, #tpu.memory_space<hbm>>, %arg5: memref<2x10240x128xf32, #tpu.memory_space<hbm>>, %arg6: memref<10000xi32, #tpu.memory_space<vmem>>, %arg7: memref<125x80xi32, #tpu.memory_space<vmem>>, %arg8: memref<80x128xf32, #tpu.memory_space<vmem>>, %arg9: memref<80x128xf32, #tpu.memory_space<vmem>>, %arg10: memref<10240x128xf32, #tpu.memory_space<vmem_shared>>, %arg11: memref<!tpu.dma_semaphore, #tpu.memory_space<semaphore_mem>>, %arg12: memref<!tpu.dma_semaphore, #tpu.memory_space<semaphore_mem>>) attributes {dimension_semantics = [#tpu.dimension_semantics<core_parallel>, #tpu.dimension_semantics<subcore_parallel>], iteration_bounds = array<i64: 2, 16>, scalar_prefetch = 0 : i64, scratch_operands = 7 : i64, tpu.core_type = #tpu.core_type<sc_vector_subcore>, window_params = [{transform_indices = #map}, {transform_indices = #map}, {transform_indices = #map1}, {transform_indices = #map1}]} {
    %mul3A = arith.constant 2 : i32
    %mul3A_0 = arith.muli %arg1, %mul3A : i32
    %add3A = arith.addi %mul3A_0, %arg0 : i32
    "tpu.region"() ({
      %run_scoped3A_60 = tpu.sem_alloc : memref<!tpu.dma_semaphore, #tpu.memory_space<semaphore_mem>>
      %dma_start3A_61 = arith.constant 0 : i32
      %dma_start3A_62 = tpu.memref_slice %arg3[%add3A, %dma_start3A_61] : memref<32x10000xi32, #tpu.memory_space<hbm>> -> memref<1x10000xi32, #tpu.memory_space<hbm>>
      %dma_start3A_63 = tpu.memref_squeeze %dma_start3A_62 : memref<1x10000xi32, #tpu.memory_space<hbm>> -> memref<10000xi32, #tpu.memory_space<hbm>>
      %dma_start3A_64 = arith.constant 0 : i32
      %dma_start3A_65 = tpu.memref_slice %arg3[%add3A, %dma_start3A_64] : memref<32x10000xi32, #tpu.memory_space<hbm>> -> memref<1x10000xi32, #tpu.memory_space<hbm>>
      %dma_start3A_66 = tpu.memref_squeeze %dma_start3A_65 : memref<1x10000xi32, #tpu.memory_space<hbm>> -> memref<10000xi32, #tpu.memory_space<hbm>>
      tpu.enqueue_dma source(%dma_start3A_66 : memref<10000xi32, #tpu.memory_space<hbm>>) target(%arg6 : memref<10000xi32, #tpu.memory_space<vmem>>) target_semaphore(%run_scoped3A_60 : memref<!tpu.dma_semaphore, #tpu.memory_space<semaphore_mem>>)
      %dma_wait3A_67 = arith.constant 0 : i32
      %dma_wait3A_68 = tpu.memref_slice %arg3[%add3A, %dma_wait3A_67] : memref<32x10000xi32, #tpu.memory_space<hbm>> -> memref<1x10000xi32, #tpu.memory_space<hbm>>
      %dma_wait3A_69 = tpu.memref_squeeze %dma_wait3A_68 : memref<1x10000xi32, #tpu.memory_space<hbm>> -> memref<10000xi32, #tpu.memory_space<hbm>>
      %dma_wait3A_70 = arith.constant 0 : i32
      %dma_wait3A_71 = tpu.memref_slice %arg3[%add3A, %dma_wait3A_70] : memref<32x10000xi32, #tpu.memory_space<hbm>> -> memref<1x10000xi32, #tpu.memory_space<hbm>>
      %dma_wait3A_72 = tpu.memref_squeeze %dma_wait3A_71 : memref<1x10000xi32, #tpu.memory_space<hbm>> -> memref<10000xi32, #tpu.memory_space<hbm>>
      tpu.wait_dma2 semaphore(%run_scoped3A_60 : memref<!tpu.dma_semaphore, #tpu.memory_space<semaphore_mem>>) src(%dma_wait3A_72 : memref<10000xi32, #tpu.memory_space<hbm>>) dst(%arg6 : memref<10000xi32, #tpu.memory_space<vmem>>)
      tpu.yield
    }) : () -> ()
    "tpu.region"() ({
      %run_scoped3A_60 = tpu.sem_alloc : memref<!tpu.dma_semaphore, #tpu.memory_space<semaphore_mem>>
      %dma_start3A_61 = arith.constant 0 : i32
      %dma_start3A_62 = arith.constant 0 : i32
      %dma_start3A_63 = tpu.memref_slice %arg4[%add3A, %dma_start3A_61, %dma_start3A_62] : memref<32x125x80xi32, #tpu.memory_space<hbm>> -> memref<1x125x80xi32, #tpu.memory_space<hbm>>
      %dma_start3A_64 = tpu.memref_squeeze %dma_start3A_63 : memref<1x125x80xi32, #tpu.memory_space<hbm>> -> memref<125x80xi32, #tpu.memory_space<hbm>>
      %dma_start3A_65 = arith.constant 0 : i32
      %dma_start3A_66 = arith.constant 0 : i32
      %dma_start3A_67 = tpu.memref_slice %arg4[%add3A, %dma_start3A_65, %dma_start3A_66] : memref<32x125x80xi32, #tpu.memory_space<hbm>> -> memref<1x125x80xi32, #tpu.memory_space<hbm>>
      %dma_start3A_68 = tpu.memref_squeeze %dma_start3A_67 : memref<1x125x80xi32, #tpu.memory_space<hbm>> -> memref<125x80xi32, #tpu.memory_space<hbm>>
      tpu.enqueue_dma source(%dma_start3A_68 : memref<125x80xi32, #tpu.memory_space<hbm>>) target(%arg7 : memref<125x80xi32, #tpu.memory_space<vmem>>) target_semaphore(%run_scoped3A_60 : memref<!tpu.dma_semaphore, #tpu.memory_space<semaphore_mem>>)
      %dma_wait3A_69 = arith.constant 0 : i32
      %dma_wait3A_70 = arith.constant 0 : i32
      %dma_wait3A_71 = tpu.memref_slice %arg4[%add3A, %dma_wait3A_69, %dma_wait3A_70] : memref<32x125x80xi32, #tpu.memory_space<hbm>> -> memref<1x125x80xi32, #tpu.memory_space<hbm>>
      %dma_wait3A_72 = tpu.memref_squeeze %dma_wait3A_71 : memref<1x125x80xi32, #tpu.memory_space<hbm>> -> memref<125x80xi32, #tpu.memory_space<hbm>>
      %dma_wait3A_73 = arith.constant 0 : i32
      %dma_wait3A_74 = arith.constant 0 : i32
      %dma_wait3A_75 = tpu.memref_slice %arg4[%add3A, %dma_wait3A_73, %dma_wait3A_74] : memref<32x125x80xi32, #tpu.memory_space<hbm>> -> memref<1x125x80xi32, #tpu.memory_space<hbm>>
      %dma_wait3A_76 = tpu.memref_squeeze %dma_wait3A_75 : memref<1x125x80xi32, #tpu.memory_space<hbm>> -> memref<125x80xi32, #tpu.memory_space<hbm>>
      tpu.wait_dma2 semaphore(%run_scoped3A_60 : memref<!tpu.dma_semaphore, #tpu.memory_space<semaphore_mem>>) src(%dma_wait3A_76 : memref<125x80xi32, #tpu.memory_space<hbm>>) dst(%arg7 : memref<125x80xi32, #tpu.memory_space<vmem>>)
      tpu.yield
    }) : () -> ()
    %scan3A = arith.constant 0 : i32
    %scan3A_1 = arith.constant 0 : i32
    %scan3A_2 = arith.constant 80 : i32
    %scan3A_3 = arith.addi %scan3A_1, %scan3A_2 : i32
    %scan3A_4 = arith.constant 1 : i32
    %scan3A_5 = scf.for %scan3A_60 = %scan3A_1 to %scan3A_3 step %scan3A_4 iter_args(%scan3A_61 = %scan3A) -> (i32)  : i32 {
      %broadcast_in_dim3A = arith.constant 0.000000e+00 : f32
      %broadcast_in_dim3A_62 = vector.broadcast %broadcast_in_dim3A : f32 to vector<16xf32>
      %swap3A = arith.index_cast %scan3A_60 : i32 to index
      %swap3A_63 = arith.constant 0 : index
      %swap3A_64 = tpu.vector_load %arg8[%swap3A, %swap3A_63] {strides = array<i32>} : memref<80x128xf32, #tpu.memory_space<vmem>>, vector<1x16xf32>,
      %swap3A_65 = vector.shape_cast %swap3A_64 : vector<1x16xf32> to vector<16xf32>
      %swap3A_66 = vector.shape_cast %broadcast_in_dim3A_62 : vector<16xf32> to vector<1x16xf32>
      tpu.vector_store %arg8[%swap3A, %swap3A_63], %swap3A_66 {strides = array<i32>} : memref<80x128xf32, #tpu.memory_space<vmem>>, vector<1x16xf32>,
      %broadcast_in_dim3A_67 = arith.constant 0.000000e+00 : f32
      %broadcast_in_dim3A_68 = vector.broadcast %broadcast_in_dim3A_67 : f32 to vector<16xf32>
      %swap3A_69 = arith.index_cast %scan3A_60 : i32 to index
      %swap3A_70 = arith.constant 16 : index
      %swap3A_71 = tpu.vector_load %arg8[%swap3A_69, %swap3A_70] {strides = array<i32>} : memref<80x128xf32, #tpu.memory_space<vmem>>, vector<1x16xf32>,
      %swap3A_72 = vector.shape_cast %swap3A_71 : vector<1x16xf32> to vector<16xf32>
      %swap3A_73 = vector.shape_cast %broadcast_in_dim3A_68 : vector<16xf32> to vector<1x16xf32>
      tpu.vector_store %arg8[%swap3A_69, %swap3A_70], %swap3A_73 {strides = array<i32>} : memref<80x128xf32, #tpu.memory_space<vmem>>, vector<1x16xf32>,
      %broadcast_in_dim3A_74 = arith.constant 0.000000e+00 : f32
      %broadcast_in_dim3A_75 = vector.broadcast %broadcast_in_dim3A_74 : f32 to vector<16xf32>
      %swap3A_76 = arith.index_cast %scan3A_60 : i32 to index
      %swap3A_77 = arith.constant 32 : index
      %swap3A_78 = tpu.vector_load %arg8[%swap3A_76, %swap3A_77] {strides = array<i32>} : memref<80x128xf32, #tpu.memory_space<vmem>>, vector<1x16xf32>,
      %swap3A_79 = vector.shape_cast %swap3A_78 : vector<1x16xf32> to vector<16xf32>
      %swap3A_80 = vector.shape_cast %broadcast_in_dim3A_75 : vector<16xf32> to vector<1x16xf32>
      tpu.vector_store %arg8[%swap3A_76, %swap3A_77], %swap3A_80 {strides = array<i32>} : memref<80x128xf32, #tpu.memory_space<vmem>>, vector<1x16xf32>,
      %broadcast_in_dim3A_81 = arith.constant 0.000000e+00 : f32
      %broadcast_in_dim3A_82 = vector.broadcast %broadcast_in_dim3A_81 : f32 to vector<16xf32>
      %swap3A_83 = arith.index_cast %scan3A_60 : i32 to index
      %swap3A_84 = arith.constant 48 : index
      %swap3A_85 = tpu.vector_load %arg8[%swap3A_83, %swap3A_84] {strides = array<i32>} : memref<80x128xf32, #tpu.memory_space<vmem>>, vector<1x16xf32>,
      %swap3A_86 = vector.shape_cast %swap3A_85 : vector<1x16xf32> to vector<16xf32>
      %swap3A_87 = vector.shape_cast %broadcast_in_dim3A_82 : vector<16xf32> to vector<1x16xf32>
      tpu.vector_store %arg8[%swap3A_83, %swap3A_84], %swap3A_87 {strides = array<i32>} : memref<80x128xf32, #tpu.memory_space<vmem>>, vector<1x16xf32>,
      %broadcast_in_dim3A_88 = arith.constant 0.000000e+00 : f32
      %broadcast_in_dim3A_89 = vector.broadcast %broadcast_in_dim3A_88 : f32 to vector<16xf32>
      %swap3A_90 = arith.index_cast %scan3A_60 : i32 to index
      %swap3A_91 = arith.constant 64 : index
      %swap3A_92 = tpu.vector_load %arg8[%swap3A_90, %swap3A_91] {strides = array<i32>} : memref<80x128xf32, #tpu.memory_space<vmem>>, vector<1x16xf32>,
      %swap3A_93 = vector.shape_cast %swap3A_92 : vector<1x16xf32> to vector<16xf32>
      %swap3A_94 = vector.shape_cast %broadcast_in_dim3A_89 : vector<16xf32> to vector<1x16xf32>
      tpu.vector_store %arg8[%swap3A_90, %swap3A_91], %swap3A_94 {strides = array<i32>} : memref<80x128xf32, #tpu.memory_space<vmem>>, vector<1x16xf32>,
      %broadcast_in_dim3A_95 = arith.constant 0.000000e+00 : f32
      %broadcast_in_dim3A_96 = vector.broadcast %broadcast_in_dim3A_95 : f32 to vector<16xf32>
      %swap3A_97 = arith.index_cast %scan3A_60 : i32 to index
      %swap3A_98 = arith.constant 80 : index
      %swap3A_99 = tpu.vector_load %arg8[%swap3A_97, %swap3A_98] {strides = array<i32>} : memref<80x128xf32, #tpu.memory_space<vmem>>, vector<1x16xf32>,
      %swap3A_100 = vector.shape_cast %swap3A_99 : vector<1x16xf32> to vector<16xf32>
      %swap3A_101 = vector.shape_cast %broadcast_in_dim3A_96 : vector<16xf32> to vector<1x16xf32>
      tpu.vector_store %arg8[%swap3A_97, %swap3A_98], %swap3A_101 {strides = array<i32>} : memref<80x128xf32, #tpu.memory_space<vmem>>, vector<1x16xf32>,
      %broadcast_in_dim3A_102 = arith.constant 0.000000e+00 : f32
      %broadcast_in_dim3A_103 = vector.broadcast %broadcast_in_dim3A_102 : f32 to vector<16xf32>
      %swap3A_104 = arith.index_cast %scan3A_60 : i32 to index
      %swap3A_105 = arith.constant 96 : index
      %swap3A_106 = tpu.vector_load %arg8[%swap3A_104, %swap3A_105] {strides = array<i32>} : memref<80x128xf32, #tpu.memory_space<vmem>>, vector<1x16xf32>,
      %swap3A_107 = vector.shape_cast %swap3A_106 : vector<1x16xf32> to vector<16xf32>
      %swap3A_108 = vector.shape_cast %broadcast_in_dim3A_103 : vector<16xf32> to vector<1x16xf32>
      tpu.vector_store %arg8[%swap3A_104, %swap3A_105], %swap3A_108 {strides = array<i32>} : memref<80x128xf32, #tpu.memory_space<vmem>>, vector<1x16xf32>,
      %broadcast_in_dim3A_109 = arith.constant 0.000000e+00 : f32
      %broadcast_in_dim3A_110 = vector.broadcast %broadcast_in_dim3A_109 : f32 to vector<16xf32>
      %swap3A_111 = arith.index_cast %scan3A_60 : i32 to index
      %swap3A_112 = arith.constant 112 : index
      %swap3A_113 = tpu.vector_load %arg8[%swap3A_111, %swap3A_112] {strides = array<i32>} : memref<80x128xf32, #tpu.memory_space<vmem>>, vector<1x16xf32>,
      %swap3A_114 = vector.shape_cast %swap3A_113 : vector<1x16xf32> to vector<16xf32>
      %swap3A_115 = vector.shape_cast %broadcast_in_dim3A_110 : vector<16xf32> to vector<1x16xf32>
      tpu.vector_store %arg8[%swap3A_111, %swap3A_112], %swap3A_115 {strides = array<i32>} : memref<80x128xf32, #tpu.memory_space<vmem>>, vector<1x16xf32>,
      %scan3A_116 = arith.constant 0 : i32
      scf.yield %scan3A_116 : i32
    }
    %scan3A_6 = arith.constant 80 : i32
    %mul3A_7 = arith.constant 640 : i32
    %mul3A_8 = arith.muli %arg1, %mul3A_7 : i32
    %add3A_9 = arith.constant 0 : i32
    %add3A_10 = arith.addi %mul3A_8, %add3A_9 : i32
    "tpu.region"() ({
      %run_scoped3A_60 = tpu.sem_alloc : memref<!tpu.dma_semaphore, #tpu.memory_space<semaphore_mem>>
      %dma_start3A_61 = arith.constant 0 : i32
      %dma_start3A_62 = tpu.memref_slice %arg10[%add3A_10, %dma_start3A_61] : memref<10240x128xf32, #tpu.memory_space<vmem_shared>> -> memref<80x128xf32, #tpu.memory_space<vmem_shared>>
      %dma_start3A_63 = arith.constant 0 : i32
      %dma_start3A_64 = tpu.memref_slice %arg10[%add3A_10, %dma_start3A_63] : memref<10240x128xf32, #tpu.memory_space<vmem_shared>> -> memref<80x128xf32, #tpu.memory_space<vmem_shared>>
      tpu.enqueue_dma source(%arg8 : memref<80x128xf32, #tpu.memory_space<vmem>>) target(%dma_start3A_64 : memref<80x128xf32, #tpu.memory_space<vmem_shared>>) target_semaphore(%run_scoped3A_60 : memref<!tpu.dma_semaphore, #tpu.memory_space<semaphore_mem>>)
      %dma_wait3A_65 = arith.constant 0 : i32
      %dma_wait3A_66 = tpu.memref_slice %arg10[%add3A_10, %dma_wait3A_65] : memref<10240x128xf32, #tpu.memory_space<vmem_shared>> -> memref<80x128xf32, #tpu.memory_space<vmem_shared>>
      %dma_wait3A_67 = arith.constant 0 : i32
      %dma_wait3A_68 = tpu.memref_slice %arg10[%add3A_10, %dma_wait3A_67] : memref<10240x128xf32, #tpu.memory_space<vmem_shared>> -> memref<80x128xf32, #tpu.memory_space<vmem_shared>>
      tpu.wait_dma2 semaphore(%run_scoped3A_60 : memref<!tpu.dma_semaphore, #tpu.memory_space<semaphore_mem>>) src(%arg8 : memref<80x128xf32, #tpu.memory_space<vmem>>) dst(%dma_wait3A_68 : memref<80x128xf32, #tpu.memory_space<vmem_shared>>)
      tpu.yield
    }) : () -> ()
    %mul3A_11 = arith.constant 640 : i32
    %mul3A_12 = arith.muli %arg1, %mul3A_11 : i32
    %add3A_13 = arith.constant 80 : i32
    %add3A_14 = arith.addi %mul3A_12, %add3A_13 : i32
    "tpu.region"() ({
      %run_scoped3A_60 = tpu.sem_alloc : memref<!tpu.dma_semaphore, #tpu.memory_space<semaphore_mem>>
      %dma_start3A_61 = arith.constant 0 : i32
      %dma_start3A_62 = tpu.memref_slice %arg10[%add3A_14, %dma_start3A_61] : memref<10240x128xf32, #tpu.memory_space<vmem_shared>> -> memref<80x128xf32, #tpu.memory_space<vmem_shared>>
      %dma_start3A_63 = arith.constant 0 : i32
      %dma_start3A_64 = tpu.memref_slice %arg10[%add3A_14, %dma_start3A_63] : memref<10240x128xf32, #tpu.memory_space<vmem_shared>> -> memref<80x128xf32, #tpu.memory_space<vmem_shared>>
      tpu.enqueue_dma source(%arg8 : memref<80x128xf32, #tpu.memory_space<vmem>>) target(%dma_start3A_64 : memref<80x128xf32, #tpu.memory_space<vmem_shared>>) target_semaphore(%run_scoped3A_60 : memref<!tpu.dma_semaphore, #tpu.memory_space<semaphore_mem>>)
      %dma_wait3A_65 = arith.constant 0 : i32
      %dma_wait3A_66 = tpu.memref_slice %arg10[%add3A_14, %dma_wait3A_65] : memref<10240x128xf32, #tpu.memory_space<vmem_shared>> -> memref<80x128xf32, #tpu.memory_space<vmem_shared>>
      %dma_wait3A_67 = arith.constant 0 : i32
      %dma_wait3A_68 = tpu.memref_slice %arg10[%add3A_14, %dma_wait3A_67] : memref<10240x128xf32, #tpu.memory_space<vmem_shared>> -> memref<80x128xf32, #tpu.memory_space<vmem_shared>>
      tpu.wait_dma2 semaphore(%run_scoped3A_60 : memref<!tpu.dma_semaphore, #tpu.memory_space<semaphore_mem>>) src(%arg8 : memref<80x128xf32, #tpu.memory_space<vmem>>) dst(%dma_wait3A_68 : memref<80x128xf32, #tpu.memory_space<vmem_shared>>)
      tpu.yield
    }) : () -> ()
    %mul3A_15 = arith.constant 640 : i32
    %mul3A_16 = arith.muli %arg1, %mul3A_15 : i32
    %add3A_17 = arith.constant 160 : i32
    %add3A_18 = arith.addi %mul3A_16, %add3A_17 : i32
    "tpu.region"() ({
      %run_scoped3A_60 = tpu.sem_alloc : memref<!tpu.dma_semaphore, #tpu.memory_space<semaphore_mem>>
      %dma_start3A_61 = arith.constant 0 : i32
      %dma_start3A_62 = tpu.memref_slice %arg10[%add3A_18, %dma_start3A_61] : memref<10240x128xf32, #tpu.memory_space<vmem_shared>> -> memref<80x128xf32, #tpu.memory_space<vmem_shared>>
      %dma_start3A_63 = arith.constant 0 : i32
      %dma_start3A_64 = tpu.memref_slice %arg10[%add3A_18, %dma_start3A_63] : memref<10240x128xf32, #tpu.memory_space<vmem_shared>> -> memref<80x128xf32, #tpu.memory_space<vmem_shared>>
      tpu.enqueue_dma source(%arg8 : memref<80x128xf32, #tpu.memory_space<vmem>>) target(%dma_start3A_64 : memref<80x128xf32, #tpu.memory_space<vmem_shared>>) target_semaphore(%run_scoped3A_60 : memref<!tpu.dma_semaphore, #tpu.memory_space<semaphore_mem>>)
      %dma_wait3A_65 = arith.constant 0 : i32
      %dma_wait3A_66 = tpu.memref_slice %arg10[%add3A_18, %dma_wait3A_65] : memref<10240x128xf32, #tpu.memory_space<vmem_shared>> -> memref<80x128xf32, #tpu.memory_space<vmem_shared>>
      %dma_wait3A_67 = arith.constant 0 : i32
      %dma_wait3A_68 = tpu.memref_slice %arg10[%add3A_18, %dma_wait3A_67] : memref<10240x128xf32, #tpu.memory_space<vmem_shared>> -> memref<80x128xf32, #tpu.memory_space<vmem_shared>>
      tpu.wait_dma2 semaphore(%run_scoped3A_60 : memref<!tpu.dma_semaphore, #tpu.memory_space<semaphore_mem>>) src(%arg8 : memref<80x128xf32, #tpu.memory_space<vmem>>) dst(%dma_wait3A_68 : memref<80x128xf32, #tpu.memory_space<vmem_shared>>)
      tpu.yield
    }) : () -> ()
    %mul3A_19 = arith.constant 640 : i32
    %mul3A_20 = arith.muli %arg1, %mul3A_19 : i32
    %add3A_21 = arith.constant 240 : i32
    %add3A_22 = arith.addi %mul3A_20, %add3A_21 : i32
    "tpu.region"() ({
      %run_scoped3A_60 = tpu.sem_alloc : memref<!tpu.dma_semaphore, #tpu.memory_space<semaphore_mem>>
      %dma_start3A_61 = arith.constant 0 : i32
      %dma_start3A_62 = tpu.memref_slice %arg10[%add3A_22, %dma_start3A_61] : memref<10240x128xf32, #tpu.memory_space<vmem_shared>> -> memref<80x128xf32, #tpu.memory_space<vmem_shared>>
      %dma_start3A_63 = arith.constant 0 : i32
      %dma_start3A_64 = tpu.memref_slice %arg10[%add3A_22, %dma_start3A_63] : memref<10240x128xf32, #tpu.memory_space<vmem_shared>> -> memref<80x128xf32, #tpu.memory_space<vmem_shared>>
      tpu.enqueue_dma source(%arg8 : memref<80x128xf32, #tpu.memory_space<vmem>>) target(%dma_start3A_64 : memref<80x128xf32, #tpu.memory_space<vmem_shared>>) target_semaphore(%run_scoped3A_60 : memref<!tpu.dma_semaphore, #tpu.memory_space<semaphore_mem>>)
      %dma_wait3A_65 = arith.constant 0 : i32
      %dma_wait3A_66 = tpu.memref_slice %arg10[%add3A_22, %dma_wait3A_65] : memref<10240x128xf32, #tpu.memory_space<vmem_shared>> -> memref<80x128xf32, #tpu.memory_space<vmem_shared>>
      %dma_wait3A_67 = arith.constant 0 : i32
      %dma_wait3A_68 = tpu.memref_slice %arg10[%add3A_22, %dma_wait3A_67] : memref<10240x128xf32, #tpu.memory_space<vmem_shared>> -> memref<80x128xf32, #tpu.memory_space<vmem_shared>>
      tpu.wait_dma2 semaphore(%run_scoped3A_60 : memref<!tpu.dma_semaphore, #tpu.memory_space<semaphore_mem>>) src(%arg8 : memref<80x128xf32, #tpu.memory_space<vmem>>) dst(%dma_wait3A_68 : memref<80x128xf32, #tpu.memory_space<vmem_shared>>)
      tpu.yield
    }) : () -> ()
    %mul3A_23 = arith.constant 640 : i32
    %mul3A_24 = arith.muli %arg1, %mul3A_23 : i32
    %add3A_25 = arith.constant 320 : i32
    %add3A_26 = arith.addi %mul3A_24, %add3A_25 : i32
    "tpu.region"() ({
      %run_scoped3A_60 = tpu.sem_alloc : memref<!tpu.dma_semaphore, #tpu.memory_space<semaphore_mem>>
      %dma_start3A_61 = arith.constant 0 : i32
      %dma_start3A_62 = tpu.memref_slice %arg10[%add3A_26, %dma_start3A_61] : memref<10240x128xf32, #tpu.memory_space<vmem_shared>> -> memref<80x128xf32, #tpu.memory_space<vmem_shared>>
      %dma_start3A_63 = arith.constant 0 : i32
      %dma_start3A_64 = tpu.memref_slice %arg10[%add3A_26, %dma_start3A_63] : memref<10240x128xf32, #tpu.memory_space<vmem_shared>> -> memref<80x128xf32, #tpu.memory_space<vmem_shared>>
      tpu.enqueue_dma source(%arg8 : memref<80x128xf32, #tpu.memory_space<vmem>>) target(%dma_start3A_64 : memref<80x128xf32, #tpu.memory_space<vmem_shared>>) target_semaphore(%run_scoped3A_60 : memref<!tpu.dma_semaphore, #tpu.memory_space<semaphore_mem>>)
      %dma_wait3A_65 = arith.constant 0 : i32
      %dma_wait3A_66 = tpu.memref_slice %arg10[%add3A_26, %dma_wait3A_65] : memref<10240x128xf32, #tpu.memory_space<vmem_shared>> -> memref<80x128xf32, #tpu.memory_space<vmem_shared>>
      %dma_wait3A_67 = arith.constant 0 : i32
      %dma_wait3A_68 = tpu.memref_slice %arg10[%add3A_26, %dma_wait3A_67] : memref<10240x128xf32, #tpu.memory_space<vmem_shared>> -> memref<80x128xf32, #tpu.memory_space<vmem_shared>>
      tpu.wait_dma2 semaphore(%run_scoped3A_60 : memref<!tpu.dma_semaphore, #tpu.memory_space<semaphore_mem>>) src(%arg8 : memref<80x128xf32, #tpu.memory_space<vmem>>) dst(%dma_wait3A_68 : memref<80x128xf32, #tpu.memory_space<vmem_shared>>)
      tpu.yield
    }) : () -> ()
    %mul3A_27 = arith.constant 640 : i32
    %mul3A_28 = arith.muli %arg1, %mul3A_27 : i32
    %add3A_29 = arith.constant 400 : i32
    %add3A_30 = arith.addi %mul3A_28, %add3A_29 : i32
    "tpu.region"() ({
      %run_scoped3A_60 = tpu.sem_alloc : memref<!tpu.dma_semaphore, #tpu.memory_space<semaphore_mem>>
      %dma_start3A_61 = arith.constant 0 : i32
      %dma_start3A_62 = tpu.memref_slice %arg10[%add3A_30, %dma_start3A_61] : memref<10240x128xf32, #tpu.memory_space<vmem_shared>> -> memref<80x128xf32, #tpu.memory_space<vmem_shared>>
      %dma_start3A_63 = arith.constant 0 : i32
      %dma_start3A_64 = tpu.memref_slice %arg10[%add3A_30, %dma_start3A_63] : memref<10240x128xf32, #tpu.memory_space<vmem_shared>> -> memref<80x128xf32, #tpu.memory_space<vmem_shared>>
      tpu.enqueue_dma source(%arg8 : memref<80x128xf32, #tpu.memory_space<vmem>>) target(%dma_start3A_64 : memref<80x128xf32, #tpu.memory_space<vmem_shared>>) target_semaphore(%run_scoped3A_60 : memref<!tpu.dma_semaphore, #tpu.memory_space<semaphore_mem>>)
      %dma_wait3A_65 = arith.constant 0 : i32
      %dma_wait3A_66 = tpu.memref_slice %arg10[%add3A_30, %dma_wait3A_65] : memref<10240x128xf32, #tpu.memory_space<vmem_shared>> -> memref<80x128xf32, #tpu.memory_space<vmem_shared>>
      %dma_wait3A_67 = arith.constant 0 : i32
      %dma_wait3A_68 = tpu.memref_slice %arg10[%add3A_30, %dma_wait3A_67] : memref<10240x128xf32, #tpu.memory_space<vmem_shared>> -> memref<80x128xf32, #tpu.memory_space<vmem_shared>>
      tpu.wait_dma2 semaphore(%run_scoped3A_60 : memref<!tpu.dma_semaphore, #tpu.memory_space<semaphore_mem>>) src(%arg8 : memref<80x128xf32, #tpu.memory_space<vmem>>) dst(%dma_wait3A_68 : memref<80x128xf32, #tpu.memory_space<vmem_shared>>)
      tpu.yield
    }) : () -> ()
    %mul3A_31 = arith.constant 640 : i32
    %mul3A_32 = arith.muli %arg1, %mul3A_31 : i32
    %add3A_33 = arith.constant 480 : i32
    %add3A_34 = arith.addi %mul3A_32, %add3A_33 : i32
    "tpu.region"() ({
      %run_scoped3A_60 = tpu.sem_alloc : memref<!tpu.dma_semaphore, #tpu.memory_space<semaphore_mem>>
      %dma_start3A_61 = arith.constant 0 : i32
      %dma_start3A_62 = tpu.memref_slice %arg10[%add3A_34, %dma_start3A_61] : memref<10240x128xf32, #tpu.memory_space<vmem_shared>> -> memref<80x128xf32, #tpu.memory_space<vmem_shared>>
      %dma_start3A_63 = arith.constant 0 : i32
      %dma_start3A_64 = tpu.memref_slice %arg10[%add3A_34, %dma_start3A_63] : memref<10240x128xf32, #tpu.memory_space<vmem_shared>> -> memref<80x128xf32, #tpu.memory_space<vmem_shared>>
      tpu.enqueue_dma source(%arg8 : memref<80x128xf32, #tpu.memory_space<vmem>>) target(%dma_start3A_64 : memref<80x128xf32, #tpu.memory_space<vmem_shared>>) target_semaphore(%run_scoped3A_60 : memref<!tpu.dma_semaphore, #tpu.memory_space<semaphore_mem>>)
      %dma_wait3A_65 = arith.constant 0 : i32
      %dma_wait3A_66 = tpu.memref_slice %arg10[%add3A_34, %dma_wait3A_65] : memref<10240x128xf32, #tpu.memory_space<vmem_shared>> -> memref<80x128xf32, #tpu.memory_space<vmem_shared>>
      %dma_wait3A_67 = arith.constant 0 : i32
      %dma_wait3A_68 = tpu.memref_slice %arg10[%add3A_34, %dma_wait3A_67] : memref<10240x128xf32, #tpu.memory_space<vmem_shared>> -> memref<80x128xf32, #tpu.memory_space<vmem_shared>>
      tpu.wait_dma2 semaphore(%run_scoped3A_60 : memref<!tpu.dma_semaphore, #tpu.memory_space<semaphore_mem>>) src(%arg8 : memref<80x128xf32, #tpu.memory_space<vmem>>) dst(%dma_wait3A_68 : memref<80x128xf32, #tpu.memory_space<vmem_shared>>)
      tpu.yield
    }) : () -> ()
    %mul3A_35 = arith.constant 640 : i32
    %mul3A_36 = arith.muli %arg1, %mul3A_35 : i32
    %add3A_37 = arith.constant 560 : i32
    %add3A_38 = arith.addi %mul3A_36, %add3A_37 : i32
    "tpu.region"() ({
      %run_scoped3A_60 = tpu.sem_alloc : memref<!tpu.dma_semaphore, #tpu.memory_space<semaphore_mem>>
      %dma_start3A_61 = arith.constant 0 : i32
      %dma_start3A_62 = tpu.memref_slice %arg10[%add3A_38, %dma_start3A_61] : memref<10240x128xf32, #tpu.memory_space<vmem_shared>> -> memref<80x128xf32, #tpu.memory_space<vmem_shared>>
      %dma_start3A_63 = arith.constant 0 : i32
      %dma_start3A_64 = tpu.memref_slice %arg10[%add3A_38, %dma_start3A_63] : memref<10240x128xf32, #tpu.memory_space<vmem_shared>> -> memref<80x128xf32, #tpu.memory_space<vmem_shared>>
      tpu.enqueue_dma source(%arg8 : memref<80x128xf32, #tpu.memory_space<vmem>>) target(%dma_start3A_64 : memref<80x128xf32, #tpu.memory_space<vmem_shared>>) target_semaphore(%run_scoped3A_60 : memref<!tpu.dma_semaphore, #tpu.memory_space<semaphore_mem>>)
      %dma_wait3A_65 = arith.constant 0 : i32
      %dma_wait3A_66 = tpu.memref_slice %arg10[%add3A_38, %dma_wait3A_65] : memref<10240x128xf32, #tpu.memory_space<vmem_shared>> -> memref<80x128xf32, #tpu.memory_space<vmem_shared>>
      %dma_wait3A_67 = arith.constant 0 : i32
      %dma_wait3A_68 = tpu.memref_slice %arg10[%add3A_38, %dma_wait3A_67] : memref<10240x128xf32, #tpu.memory_space<vmem_shared>> -> memref<80x128xf32, #tpu.memory_space<vmem_shared>>
      tpu.wait_dma2 semaphore(%run_scoped3A_60 : memref<!tpu.dma_semaphore, #tpu.memory_space<semaphore_mem>>) src(%arg8 : memref<80x128xf32, #tpu.memory_space<vmem>>) dst(%dma_wait3A_68 : memref<80x128xf32, #tpu.memory_space<vmem_shared>>)
      tpu.yield
    }) : () -> ()
    %barrier3A = arith.constant 0 : index
    tpu.barrier barrier_id(%barrier3A)
    %dma_start3A = arith.constant 0 : i32
    %dma_start3A_39 = tpu.memref_slice %arg6[%dma_start3A] : memref<10000xi32, #tpu.memory_space<vmem>> -> memref<80xi32, #tpu.memory_space<vmem>>
    %dma_start3A_40 = arith.constant 0 : i32
    %dma_start3A_41 = arith.constant 0 : i32
    %dma_start3A_42 = tpu.memref_slice %arg2[%dma_start3A_40, %dma_start3A_41] : memref<10000x128xf32, #tpu.memory_space<hbm>> -> memref<10000x128xf32, #tpu.memory_space<hbm>>
    tpu.enqueue_indirect_dma source(%dma_start3A_42 : memref<10000x128xf32, #tpu.memory_space<hbm>>) target(%arg8 : memref<80x128xf32, #tpu.memory_space<vmem>>) offsets(%dma_start3A_39 : memref<80xi32, #tpu.memory_space<vmem>>) semaphore(%arg11 : memref<!tpu.dma_semaphore, #tpu.memory_space<semaphore_mem>>)
    %scan3A_43 = arith.constant 0 : i32
    %scan3A_44 = arith.constant 0 : i32
    %scan3A_45 = arith.constant 62 : i32
    %scan3A_46 = arith.addi %scan3A_44, %scan3A_45 : i32
    %scan3A_47 = arith.constant 1 : i32
    %scan3A_48 = scf.for %scan3A_60 = %scan3A_44 to %scan3A_46 step %scan3A_47 iter_args(%scan3A_61 = %scan3A_43) -> (i32)  : i32 {
      %mul3A_62 = arith.constant 2 : i32
      %mul3A_63 = arith.muli %mul3A_62, %scan3A_60 : i32
      %add3A_64 = arith.constant 1 : i32
      %add3A_65 = arith.addi %mul3A_63, %add3A_64 : i32
      %mul3A_66 = arith.constant 80 : i32
      %mul3A_67 = arith.muli %add3A_65, %mul3A_66 : i32
      %dma_start3A_68 = tpu.memref_slice %arg6[%mul3A_67] : memref<10000xi32, #tpu.memory_space<vmem>> -> memref<80xi32, #tpu.memory_space<vmem>>
      %dma_start3A_69 = arith.constant 0 : i32
      %dma_start3A_70 = arith.constant 0 : i32
      %dma_start3A_71 = tpu.memref_slice %arg2[%dma_start3A_69, %dma_start3A_70] : memref<10000x128xf32, #tpu.memory_space<hbm>> -> memref<10000x128xf32, #tpu.memory_space<hbm>>
      tpu.enqueue_indirect_dma source(%dma_start3A_71 : memref<10000x128xf32, #tpu.memory_space<hbm>>) target(%arg9 : memref<80x128xf32, #tpu.memory_space<vmem>>) offsets(%dma_start3A_68 : memref<80xi32, #tpu.memory_space<vmem>>) semaphore(%arg12 : memref<!tpu.dma_semaphore, #tpu.memory_space<semaphore_mem>>)
      %dma_wait3A_72 = arith.constant 0 : i32
      %dma_wait3A_73 = arith.constant 0 : i32
      %dma_wait3A_74 = tpu.memref_slice %arg2[%dma_wait3A_72, %dma_wait3A_73] : memref<10000x128xf32, #tpu.memory_space<hbm>> -> memref<80x128xf32, #tpu.memory_space<hbm>>
      %dma_wait3A_75 = arith.constant 0 : i32
      %dma_wait3A_76 = arith.constant 0 : i32
      %dma_wait3A_77 = tpu.memref_slice %arg2[%dma_wait3A_75, %dma_wait3A_76] : memref<10000x128xf32, #tpu.memory_space<hbm>> -> memref<80x128xf32, #tpu.memory_space<hbm>>
      tpu.wait_dma2 semaphore(%arg11 : memref<!tpu.dma_semaphore, #tpu.memory_space<semaphore_mem>>) src(%dma_wait3A_77 : memref<80x128xf32, #tpu.memory_space<hbm>>) dst(%arg8 : memref<80x128xf32, #tpu.memory_space<vmem>>)
      "tpu.region"() ({
        %run_scoped3A_95 = tpu.sem_alloc : memref<!tpu.dma_semaphore, #tpu.memory_space<semaphore_mem>>
        %dma_start3A_96 = arith.constant 0 : i32
        %dma_start3A_97 = tpu.memref_slice %arg7[%mul3A_63, %dma_start3A_96] : memref<125x80xi32, #tpu.memory_space<vmem>> -> memref<1x80xi32, #tpu.memory_space<vmem>>
        %dma_start3A_98 = tpu.memref_squeeze %dma_start3A_97 : memref<1x80xi32, #tpu.memory_space<vmem>> -> memref<80xi32, #tpu.memory_space<vmem>>
        %dma_start3A_99 = arith.constant 0 : i32
        %dma_start3A_100 = arith.constant 0 : i32
        %dma_start3A_101 = tpu.memref_slice %arg10[%dma_start3A_99, %dma_start3A_100] : memref<10240x128xf32, #tpu.memory_space<vmem_shared>> -> memref<10240x128xf32, #tpu.memory_space<vmem_shared>>
        tpu.enqueue_indirect_dma source(%arg8 : memref<80x128xf32, #tpu.memory_space<vmem>>) target(%dma_start3A_101 : memref<10240x128xf32, #tpu.memory_space<vmem_shared>>) offsets(%dma_start3A_98 : memref<80xi32, #tpu.memory_space<vmem>>) semaphore(%run_scoped3A_95 : memref<!tpu.dma_semaphore, #tpu.memory_space<semaphore_mem>>) {add = true}
        %dma_wait3A_102 = arith.constant 0 : i32
        %dma_wait3A_103 = tpu.memref_slice %arg7[%mul3A_63, %dma_wait3A_102] : memref<125x80xi32, #tpu.memory_space<vmem>> -> memref<1x80xi32, #tpu.memory_space<vmem>>
        %dma_wait3A_104 = tpu.memref_squeeze %dma_wait3A_103 : memref<1x80xi32, #tpu.memory_space<vmem>> -> memref<80xi32, #tpu.memory_space<vmem>>
        %dma_wait3A_105 = arith.constant 0 : i32
        %dma_wait3A_106 = arith.constant 0 : i32
        %dma_wait3A_107 = tpu.memref_slice %arg10[%dma_wait3A_105, %dma_wait3A_106] : memref<10240x128xf32, #tpu.memory_space<vmem_shared>> -> memref<10240x128xf32, #tpu.memory_space<vmem_shared>>
        tpu.wait_indirect_dma semaphore(%run_scoped3A_95 : memref<!tpu.dma_semaphore, #tpu.memory_space<semaphore_mem>>) src(%arg8 : memref<80x128xf32, #tpu.memory_space<vmem>>) dst(%dma_wait3A_107 : memref<10240x128xf32, #tpu.memory_space<vmem_shared>>)
        tpu.yield
      }) : () -> ()
      %add3A_78 = arith.constant 2 : i32
      %add3A_79 = arith.addi %mul3A_63, %add3A_78 : i32
      %mul3A_80 = arith.constant 80 : i32
      %mul3A_81 = arith.muli %add3A_79, %mul3A_80 : i32
      %dma_start3A_82 = tpu.memref_slice %arg6[%mul3A_81] : memref<10000xi32, #tpu.memory_space<vmem>> -> memref<80xi32, #tpu.memory_space<vmem>>
      %dma_start3A_83 = arith.constant 0 : i32
      %dma_start3A_84 = arith.constant 0 : i32
      %dma_start3A_85 = tpu.memref_slice %arg2[%dma_start3A_83, %dma_start3A_84] : memref<10000x128xf32, #tpu.memory_space<hbm>> -> memref<10000x128xf32, #tpu.memory_space<hbm>>
      tpu.enqueue_indirect_dma source(%dma_start3A_85 : memref<10000x128xf32, #tpu.memory_space<hbm>>) target(%arg8 : memref<80x128xf32, #tpu.memory_space<vmem>>) offsets(%dma_start3A_82 : memref<80xi32, #tpu.memory_space<vmem>>) semaphore(%arg11 : memref<!tpu.dma_semaphore, #tpu.memory_space<semaphore_mem>>)
      %dma_wait3A_86 = arith.constant 0 : i32
      %dma_wait3A_87 = arith.constant 0 : i32
      %dma_wait3A_88 = tpu.memref_slice %arg2[%dma_wait3A_86, %dma_wait3A_87] : memref<10000x128xf32, #tpu.memory_space<hbm>> -> memref<80x128xf32, #tpu.memory_space<hbm>>
      %dma_wait3A_89 = arith.constant 0 : i32
      %dma_wait3A_90 = arith.constant 0 : i32
      %dma_wait3A_91 = tpu.memref_slice %arg2[%dma_wait3A_89, %dma_wait3A_90] : memref<10000x128xf32, #tpu.memory_space<hbm>> -> memref<80x128xf32, #tpu.memory_space<hbm>>
      tpu.wait_dma2 semaphore(%arg12 : memref<!tpu.dma_semaphore, #tpu.memory_space<semaphore_mem>>) src(%dma_wait3A_91 : memref<80x128xf32, #tpu.memory_space<hbm>>) dst(%arg9 : memref<80x128xf32, #tpu.memory_space<vmem>>)
      %add3A_92 = arith.constant 1 : i32
      %add3A_93 = arith.addi %mul3A_63, %add3A_92 : i32
      "tpu.region"() ({
        %run_scoped3A_95 = tpu.sem_alloc : memref<!tpu.dma_semaphore, #tpu.memory_space<semaphore_mem>>
        %dma_start3A_96 = arith.constant 0 : i32
        %dma_start3A_97 = tpu.memref_slice %arg7[%add3A_93, %dma_start3A_96] : memref<125x80xi32, #tpu.memory_space<vmem>> -> memref<1x80xi32, #tpu.memory_space<vmem>>
        %dma_start3A_98 = tpu.memref_squeeze %dma_start3A_97 : memref<1x80xi32, #tpu.memory_space<vmem>> -> memref<80xi32, #tpu.memory_space<vmem>>
        %dma_start3A_99 = arith.constant 0 : i32
        %dma_start3A_100 = arith.constant 0 : i32
        %dma_start3A_101 = tpu.memref_slice %arg10[%dma_start3A_99, %dma_start3A_100] : memref<10240x128xf32, #tpu.memory_space<vmem_shared>> -> memref<10240x128xf32, #tpu.memory_space<vmem_shared>>
        tpu.enqueue_indirect_dma source(%arg9 : memref<80x128xf32, #tpu.memory_space<vmem>>) target(%dma_start3A_101 : memref<10240x128xf32, #tpu.memory_space<vmem_shared>>) offsets(%dma_start3A_98 : memref<80xi32, #tpu.memory_space<vmem>>) semaphore(%run_scoped3A_95 : memref<!tpu.dma_semaphore, #tpu.memory_space<semaphore_mem>>) {add = true}
        %dma_wait3A_102 = arith.constant 0 : i32
        %dma_wait3A_103 = tpu.memref_slice %arg7[%add3A_93, %dma_wait3A_102] : memref<125x80xi32, #tpu.memory_space<vmem>> -> memref<1x80xi32, #tpu.memory_space<vmem>>
        %dma_wait3A_104 = tpu.memref_squeeze %dma_wait3A_103 : memref<1x80xi32, #tpu.memory_space<vmem>> -> memref<80xi32, #tpu.memory_space<vmem>>
        %dma_wait3A_105 = arith.constant 0 : i32
        %dma_wait3A_106 = arith.constant 0 : i32
        %dma_wait3A_107 = tpu.memref_slice %arg10[%dma_wait3A_105, %dma_wait3A_106] : memref<10240x128xf32, #tpu.memory_space<vmem_shared>> -> memref<10240x128xf32, #tpu.memory_space<vmem_shared>>
        tpu.wait_indirect_dma semaphore(%run_scoped3A_95 : memref<!tpu.dma_semaphore, #tpu.memory_space<semaphore_mem>>) src(%arg9 : memref<80x128xf32, #tpu.memory_space<vmem>>) dst(%dma_wait3A_107 : memref<10240x128xf32, #tpu.memory_space<vmem_shared>>)
        tpu.yield
      }) : () -> ()
      %scan3A_94 = arith.constant 0 : i32
      scf.yield %scan3A_94 : i32
    }
    %scan3A_49 = arith.constant 62 : i32
    %dma_wait3A = arith.constant 0 : i32
    %dma_wait3A_50 = arith.constant 0 : i32
    %dma_wait3A_51 = tpu.memref_slice %arg2[%dma_wait3A, %dma_wait3A_50] : memref<10000x128xf32, #tpu.memory_space<hbm>> -> memref<80x128xf32, #tpu.memory_space<hbm>>
    %dma_wait3A_52 = arith.constant 0 : i32
    %dma_wait3A_53 = arith.constant 0 : i32
    %dma_wait3A_54 = tpu.memref_slice %arg2[%dma_wait3A_52, %dma_wait3A_53] : memref<10000x128xf32, #tpu.memory_space<hbm>> -> memref<80x128xf32, #tpu.memory_space<hbm>>
    tpu.wait_dma2 semaphore(%arg11 : memref<!tpu.dma_semaphore, #tpu.memory_space<semaphore_mem>>) src(%dma_wait3A_54 : memref<80x128xf32, #tpu.memory_space<hbm>>) dst(%arg8 : memref<80x128xf32, #tpu.memory_space<vmem>>)
    %run_scoped3A = arith.constant 124 : i32
    "tpu.region"() ({
      %run_scoped3A_60 = tpu.sem_alloc : memref<!tpu.dma_semaphore, #tpu.memory_space<semaphore_mem>>
      %dma_start3A_61 = arith.constant 0 : i32
      %dma_start3A_62 = tpu.memref_slice %arg7[%run_scoped3A, %dma_start3A_61] : memref<125x80xi32, #tpu.memory_space<vmem>> -> memref<1x80xi32, #tpu.memory_space<vmem>>
      %dma_start3A_63 = tpu.memref_squeeze %dma_start3A_62 : memref<1x80xi32, #tpu.memory_space<vmem>> -> memref<80xi32, #tpu.memory_space<vmem>>
      %dma_start3A_64 = arith.constant 0 : i32
      %dma_start3A_65 = arith.constant 0 : i32
      %dma_start3A_66 = tpu.memref_slice %arg10[%dma_start3A_64, %dma_start3A_65] : memref<10240x128xf32, #tpu.memory_space<vmem_shared>> -> memref<10240x128xf32, #tpu.memory_space<vmem_shared>>
      tpu.enqueue_indirect_dma source(%arg8 : memref<80x128xf32, #tpu.memory_space<vmem>>) target(%dma_start3A_66 : memref<10240x128xf32, #tpu.memory_space<vmem_shared>>) offsets(%dma_start3A_63 : memref<80xi32, #tpu.memory_space<vmem>>) semaphore(%run_scoped3A_60 : memref<!tpu.dma_semaphore, #tpu.memory_space<semaphore_mem>>) {add = true}
      %dma_wait3A_67 = arith.constant 0 : i32
      %dma_wait3A_68 = tpu.memref_slice %arg7[%run_scoped3A, %dma_wait3A_67] : memref<125x80xi32, #tpu.memory_space<vmem>> -> memref<1x80xi32, #tpu.memory_space<vmem>>
      %dma_wait3A_69 = tpu.memref_squeeze %dma_wait3A_68 : memref<1x80xi32, #tpu.memory_space<vmem>> -> memref<80xi32, #tpu.memory_space<vmem>>
      %dma_wait3A_70 = arith.constant 0 : i32
      %dma_wait3A_71 = arith.constant 0 : i32
      %dma_wait3A_72 = tpu.memref_slice %arg10[%dma_wait3A_70, %dma_wait3A_71] : memref<10240x128xf32, #tpu.memory_space<vmem_shared>> -> memref<10240x128xf32, #tpu.memory_space<vmem_shared>>
      tpu.wait_indirect_dma semaphore(%run_scoped3A_60 : memref<!tpu.dma_semaphore, #tpu.memory_space<semaphore_mem>>) src(%arg8 : memref<80x128xf32, #tpu.memory_space<vmem>>) dst(%dma_wait3A_72 : memref<10240x128xf32, #tpu.memory_space<vmem_shared>>)
      tpu.yield
    }) : () -> ()
    %barrier3A_55 = arith.constant 0 : index
    tpu.barrier barrier_id(%barrier3A_55)
    %mul3A_56 = arith.constant 640 : i32
    %mul3A_57 = arith.muli %arg1, %mul3A_56 : i32
    %mul3A_58 = arith.constant 640 : i32
    %mul3A_59 = arith.muli %arg1, %mul3A_58 : i32
    "tpu.region"() ({
      %run_scoped3A_60 = tpu.sem_alloc : memref<!tpu.dma_semaphore, #tpu.memory_space<semaphore_mem>>
      %dma_start3A_61 = arith.constant 0 : i32
      %dma_start3A_62 = tpu.memref_slice %arg5[%arg0, %mul3A_59, %dma_start3A_61] : memref<2x10240x128xf32, #tpu.memory_space<hbm>> -> memref<1x640x128xf32, #tpu.memory_space<hbm>>
      %dma_start3A_63 = tpu.memref_squeeze %dma_start3A_62 : memref<1x640x128xf32, #tpu.memory_space<hbm>> -> memref<640x128xf32, #tpu.memory_space<hbm>>
      %dma_start3A_64 = arith.constant 0 : i32
      %dma_start3A_65 = tpu.memref_slice %arg10[%mul3A_57, %dma_start3A_64] : memref<10240x128xf32, #tpu.memory_space<vmem_shared>> -> memref<640x128xf32, #tpu.memory_space<vmem_shared>>
      tpu.enqueue_dma source(%dma_start3A_65 : memref<640x128xf32, #tpu.memory_space<vmem_shared>>) target(%dma_start3A_63 : memref<640x128xf32, #tpu.memory_space<hbm>>) target_semaphore(%run_scoped3A_60 : memref<!tpu.dma_semaphore, #tpu.memory_space<semaphore_mem>>)
      %dma_wait3A_66 = arith.constant 0 : i32
      %dma_wait3A_67 = tpu.memref_slice %arg5[%arg0, %mul3A_59, %dma_wait3A_66] : memref<2x10240x128xf32, #tpu.memory_space<hbm>> -> memref<1x640x128xf32, #tpu.memory_space<hbm>>
      %dma_wait3A_68 = tpu.memref_squeeze %dma_wait3A_67 : memref<1x640x128xf32, #tpu.memory_space<hbm>> -> memref<640x128xf32, #tpu.memory_space<hbm>>
      %dma_wait3A_69 = arith.constant 0 : i32
      %dma_wait3A_70 = tpu.memref_slice %arg10[%mul3A_57, %dma_wait3A_69] : memref<10240x128xf32, #tpu.memory_space<vmem_shared>> -> memref<640x128xf32, #tpu.memory_space<vmem_shared>>
      tpu.wait_dma2 semaphore(%run_scoped3A_60 : memref<!tpu.dma_semaphore, #tpu.memory_space<semaphore_mem>>) src(%dma_wait3A_70 : memref<640x128xf32, #tpu.memory_space<vmem_shared>>) dst(%dma_wait3A_68 : memref<640x128xf32, #tpu.memory_space<hbm>>)
      tpu.yield
    }) : () -> ()
    return
  }
}

#map = affine_map<(d0, d1) -> (0, 0)>
#map1 = affine_map<(d0, d1) -> (0, 0, 0)>
module attributes {stable_mosaic.version = 14 : i64} {
  func.func @k(%arg0: i32, %arg1: i32, %arg2: memref<10000x128xf32, #tpu.memory_space<hbm>>, %arg3: memref<32x10000xi32, #tpu.memory_space<hbm>>, %arg4: memref<32x125x80xi32, #tpu.memory_space<hbm>>, %arg5: memref<2x10240x128xf32, #tpu.memory_space<hbm>>, %arg6: memref<10000xi32, #tpu.memory_space<vmem>>, %arg7: memref<125x80xi32, #tpu.memory_space<vmem>>, %arg8: memref<80x128xf32, #tpu.memory_space<vmem>>, %arg9: memref<80x128xf32, #tpu.memory_space<vmem>>, %arg10: memref<10240x128xf32, #tpu.memory_space<vmem_shared>>, %arg11: memref<!tpu.dma_semaphore, #tpu.memory_space<semaphore_mem>>, %arg12: memref<!tpu.dma_semaphore, #tpu.memory_space<semaphore_mem>>) attributes {dimension_semantics = [#tpu.dimension_semantics<core_parallel>, #tpu.dimension_semantics<subcore_parallel>], iteration_bounds = array<i64: 2, 16>, scalar_prefetch = 0 : i64, scratch_operands = 7 : i64, tpu.core_type = #tpu.core_type<sc_vector_subcore>, window_params = [{transform_indices = #map}, {transform_indices = #map}, {transform_indices = #map1}, {transform_indices = #map1}]} {
    %mul3A = arith.constant 2 : i32
    %mul3A_0 = arith.muli %arg1, %mul3A : i32
    %add3A = arith.addi %mul3A_0, %arg0 : i32
    "tpu.region"() ({
      %run_scoped3A_60 = tpu.sem_alloc : memref<!tpu.dma_semaphore, #tpu.memory_space<semaphore_mem>>
      %dma_start3A_61 = arith.constant 0 : i32
      %dma_start3A_62 = tpu.memref_slice %arg3[%add3A, %dma_start3A_61] : memref<32x10000xi32, #tpu.memory_space<hbm>> -> memref<1x10000xi32, #tpu.memory_space<hbm>>
      %dma_start3A_63 = tpu.memref_squeeze %dma_start3A_62 : memref<1x10000xi32, #tpu.memory_space<hbm>> -> memref<10000xi32, #tpu.memory_space<hbm>>
      %dma_start3A_64 = arith.constant 0 : i32
      %dma_start3A_65 = tpu.memref_slice %arg3[%add3A, %dma_start3A_64] : memref<32x10000xi32, #tpu.memory_space<hbm>> -> memref<1x10000xi32, #tpu.memory_space<hbm>>
      %dma_start3A_66 = tpu.memref_squeeze %dma_start3A_65 : memref<1x10000xi32, #tpu.memory_space<hbm>> -> memref<10000xi32, #tpu.memory_space<hbm>>
      tpu.enqueue_dma source(%dma_start3A_66 : memref<10000xi32, #tpu.memory_space<hbm>>) target(%arg6 : memref<10000xi32, #tpu.memory_space<vmem>>) target_semaphore(%run_scoped3A_60 : memref<!tpu.dma_semaphore, #tpu.memory_space<semaphore_mem>>)
      %dma_wait3A_67 = arith.constant 0 : i32
      %dma_wait3A_68 = tpu.memref_slice %arg3[%add3A, %dma_wait3A_67] : memref<32x10000xi32, #tpu.memory_space<hbm>> -> memref<1x10000xi32, #tpu.memory_space<hbm>>
      %dma_wait3A_69 = tpu.memref_squeeze %dma_wait3A_68 : memref<1x10000xi32, #tpu.memory_space<hbm>> -> memref<10000xi32, #tpu.memory_space<hbm>>
      %dma_wait3A_70 = arith.constant 0 : i32
      %dma_wait3A_71 = tpu.memref_slice %arg3[%add3A, %dma_wait3A_70] : memref<32x10000xi32, #tpu.memory_space<hbm>> -> memref<1x10000xi32, #tpu.memory_space<hbm>>
      %dma_wait3A_72 = tpu.memref_squeeze %dma_wait3A_71 : memref<1x10000xi32, #tpu.memory_space<hbm>> -> memref<10000xi32, #tpu.memory_space<hbm>>
      tpu.wait_dma2 semaphore(%run_scoped3A_60 : memref<!tpu.dma_semaphore, #tpu.memory_space<semaphore_mem>>) src(%dma_wait3A_72 : memref<10000xi32, #tpu.memory_space<hbm>>) dst(%arg6 : memref<10000xi32, #tpu.memory_space<vmem>>)
      tpu.yield
    }) : () -> ()
    "tpu.region"() ({
      %run_scoped3A_60 = tpu.sem_alloc : memref<!tpu.dma_semaphore, #tpu.memory_space<semaphore_mem>>
      %dma_start3A_61 = arith.constant 0 : i32
      %dma_start3A_62 = arith.constant 0 : i32
      %dma_start3A_63 = tpu.memref_slice %arg4[%add3A, %dma_start3A_61, %dma_start3A_62] : memref<32x125x80xi32, #tpu.memory_space<hbm>> -> memref<1x125x80xi32, #tpu.memory_space<hbm>>
      %dma_start3A_64 = tpu.memref_squeeze %dma_start3A_63 : memref<1x125x80xi32, #tpu.memory_space<hbm>> -> memref<125x80xi32, #tpu.memory_space<hbm>>
      %dma_start3A_65 = arith.constant 0 : i32
      %dma_start3A_66 = arith.constant 0 : i32
      %dma_start3A_67 = tpu.memref_slice %arg4[%add3A, %dma_start3A_65, %dma_start3A_66] : memref<32x125x80xi32, #tpu.memory_space<hbm>> -> memref<1x125x80xi32, #tpu.memory_space<hbm>>
      %dma_start3A_68 = tpu.memref_squeeze %dma_start3A_67 : memref<1x125x80xi32, #tpu.memory_space<hbm>> -> memref<125x80xi32, #tpu.memory_space<hbm>>
      tpu.enqueue_dma source(%dma_start3A_68 : memref<125x80xi32, #tpu.memory_space<hbm>>) target(%arg7 : memref<125x80xi32, #tpu.memory_space<vmem>>) target_semaphore(%run_scoped3A_60 : memref<!tpu.dma_semaphore, #tpu.memory_space<semaphore_mem>>)
      %dma_wait3A_69 = arith.constant 0 : i32
      %dma_wait3A_70 = arith.constant 0 : i32
      %dma_wait3A_71 = tpu.memref_slice %arg4[%add3A, %dma_wait3A_69, %dma_wait3A_70] : memref<32x125x80xi32, #tpu.memory_space<hbm>> -> memref<1x125x80xi32, #tpu.memory_space<hbm>>
      %dma_wait3A_72 = tpu.memref_squeeze %dma_wait3A_71 : memref<1x125x80xi32, #tpu.memory_space<hbm>> -> memref<125x80xi32, #tpu.memory_space<hbm>>
      %dma_wait3A_73 = arith.constant 0 : i32
      %dma_wait3A_74 = arith.constant 0 : i32
      %dma_wait3A_75 = tpu.memref_slice %arg4[%add3A, %dma_wait3A_73, %dma_wait3A_74] : memref<32x125x80xi32, #tpu.memory_space<hbm>> -> memref<1x125x80xi32, #tpu.memory_space<hbm>>
      %dma_wait3A_76 = tpu.memref_squeeze %dma_wait3A_75 : memref<1x125x80xi32, #tpu.memory_space<hbm>> -> memref<125x80xi32, #tpu.memory_space<hbm>>
      tpu.wait_dma2 semaphore(%run_scoped3A_60 : memref<!tpu.dma_semaphore, #tpu.memory_space<semaphore_mem>>) src(%dma_wait3A_76 : memref<125x80xi32, #tpu.memory_space<hbm>>) dst(%arg7 : memref<125x80xi32, #tpu.memory_space<vmem>>)
      tpu.yield
    }) : () -> ()
    %scan3A = arith.constant 0 : i32
    %scan3A_1 = arith.constant 0 : i32
    %scan3A_2 = arith.constant 80 : i32
    %scan3A_3 = arith.addi %scan3A_1, %scan3A_2 : i32
    %scan3A_4 = arith.constant 1 : i32
    %scan3A_5 = scf.for %scan3A_60 = %scan3A_1 to %scan3A_3 step %scan3A_4 iter_args(%scan3A_61 = %scan3A) -> (i32)  : i32 {
      %broadcast_in_dim3A = arith.constant 0.000000e+00 : f32
      %broadcast_in_dim3A_62 = vector.broadcast %broadcast_in_dim3A : f32 to vector<16xf32>
      %swap3A = arith.index_cast %scan3A_60 : i32 to index
      %swap3A_63 = arith.constant 0 : index
      %swap3A_64 = tpu.vector_load %arg8[%swap3A, %swap3A_63] {strides = array<i32>} : memref<80x128xf32, #tpu.memory_space<vmem>>, vector<1x16xf32>,
      %swap3A_65 = vector.shape_cast %swap3A_64 : vector<1x16xf32> to vector<16xf32>
      %swap3A_66 = vector.shape_cast %broadcast_in_dim3A_62 : vector<16xf32> to vector<1x16xf32>
      tpu.vector_store %arg8[%swap3A, %swap3A_63], %swap3A_66 {strides = array<i32>} : memref<80x128xf32, #tpu.memory_space<vmem>>, vector<1x16xf32>,
      %broadcast_in_dim3A_67 = arith.constant 0.000000e+00 : f32
      %broadcast_in_dim3A_68 = vector.broadcast %broadcast_in_dim3A_67 : f32 to vector<16xf32>
      %swap3A_69 = arith.index_cast %scan3A_60 : i32 to index
      %swap3A_70 = arith.constant 16 : index
      %swap3A_71 = tpu.vector_load %arg8[%swap3A_69, %swap3A_70] {strides = array<i32>} : memref<80x128xf32, #tpu.memory_space<vmem>>, vector<1x16xf32>,
      %swap3A_72 = vector.shape_cast %swap3A_71 : vector<1x16xf32> to vector<16xf32>
      %swap3A_73 = vector.shape_cast %broadcast_in_dim3A_68 : vector<16xf32> to vector<1x16xf32>
      tpu.vector_store %arg8[%swap3A_69, %swap3A_70], %swap3A_73 {strides = array<i32>} : memref<80x128xf32, #tpu.memory_space<vmem>>, vector<1x16xf32>,
      %broadcast_in_dim3A_74 = arith.constant 0.000000e+00 : f32
      %broadcast_in_dim3A_75 = vector.broadcast %broadcast_in_dim3A_74 : f32 to vector<16xf32>
      %swap3A_76 = arith.index_cast %scan3A_60 : i32 to index
      %swap3A_77 = arith.constant 32 : index
      %swap3A_78 = tpu.vector_load %arg8[%swap3A_76, %swap3A_77] {strides = array<i32>} : memref<80x128xf32, #tpu.memory_space<vmem>>, vector<1x16xf32>,
      %swap3A_79 = vector.shape_cast %swap3A_78 : vector<1x16xf32> to vector<16xf32>
      %swap3A_80 = vector.shape_cast %broadcast_in_dim3A_75 : vector<16xf32> to vector<1x16xf32>
      tpu.vector_store %arg8[%swap3A_76, %swap3A_77], %swap3A_80 {strides = array<i32>} : memref<80x128xf32, #tpu.memory_space<vmem>>, vector<1x16xf32>,
      %broadcast_in_dim3A_81 = arith.constant 0.000000e+00 : f32
      %broadcast_in_dim3A_82 = vector.broadcast %broadcast_in_dim3A_81 : f32 to vector<16xf32>
      %swap3A_83 = arith.index_cast %scan3A_60 : i32 to index
      %swap3A_84 = arith.constant 48 : index
      %swap3A_85 = tpu.vector_load %arg8[%swap3A_83, %swap3A_84] {strides = array<i32>} : memref<80x128xf32, #tpu.memory_space<vmem>>, vector<1x16xf32>,
      %swap3A_86 = vector.shape_cast %swap3A_85 : vector<1x16xf32> to vector<16xf32>
      %swap3A_87 = vector.shape_cast %broadcast_in_dim3A_82 : vector<16xf32> to vector<1x16xf32>
      tpu.vector_store %arg8[%swap3A_83, %swap3A_84], %swap3A_87 {strides = array<i32>} : memref<80x128xf32, #tpu.memory_space<vmem>>, vector<1x16xf32>,
      %broadcast_in_dim3A_88 = arith.constant 0.000000e+00 : f32
      %broadcast_in_dim3A_89 = vector.broadcast %broadcast_in_dim3A_88 : f32 to vector<16xf32>
      %swap3A_90 = arith.index_cast %scan3A_60 : i32 to index
      %swap3A_91 = arith.constant 64 : index
      %swap3A_92 = tpu.vector_load %arg8[%swap3A_90, %swap3A_91] {strides = array<i32>} : memref<80x128xf32, #tpu.memory_space<vmem>>, vector<1x16xf32>,
      %swap3A_93 = vector.shape_cast %swap3A_92 : vector<1x16xf32> to vector<16xf32>
      %swap3A_94 = vector.shape_cast %broadcast_in_dim3A_89 : vector<16xf32> to vector<1x16xf32>
      tpu.vector_store %arg8[%swap3A_90, %swap3A_91], %swap3A_94 {strides = array<i32>} : memref<80x128xf32, #tpu.memory_space<vmem>>, vector<1x16xf32>,
      %broadcast_in_dim3A_95 = arith.constant 0.000000e+00 : f32
      %broadcast_in_dim3A_96 = vector.broadcast %broadcast_in_dim3A_95 : f32 to vector<16xf32>
      %swap3A_97 = arith.index_cast %scan3A_60 : i32 to index
      %swap3A_98 = arith.constant 80 : index
      %swap3A_99 = tpu.vector_load %arg8[%swap3A_97, %swap3A_98] {strides = array<i32>} : memref<80x128xf32, #tpu.memory_space<vmem>>, vector<1x16xf32>,
      %swap3A_100 = vector.shape_cast %swap3A_99 : vector<1x16xf32> to vector<16xf32>
      %swap3A_101 = vector.shape_cast %broadcast_in_dim3A_96 : vector<16xf32> to vector<1x16xf32>
      tpu.vector_store %arg8[%swap3A_97, %swap3A_98], %swap3A_101 {strides = array<i32>} : memref<80x128xf32, #tpu.memory_space<vmem>>, vector<1x16xf32>,
      %broadcast_in_dim3A_102 = arith.constant 0.000000e+00 : f32
      %broadcast_in_dim3A_103 = vector.broadcast %broadcast_in_dim3A_102 : f32 to vector<16xf32>
      %swap3A_104 = arith.index_cast %scan3A_60 : i32 to index
      %swap3A_105 = arith.constant 96 : index
      %swap3A_106 = tpu.vector_load %arg8[%swap3A_104, %swap3A_105] {strides = array<i32>} : memref<80x128xf32, #tpu.memory_space<vmem>>, vector<1x16xf32>,
      %swap3A_107 = vector.shape_cast %swap3A_106 : vector<1x16xf32> to vector<16xf32>
      %swap3A_108 = vector.shape_cast %broadcast_in_dim3A_103 : vector<16xf32> to vector<1x16xf32>
      tpu.vector_store %arg8[%swap3A_104, %swap3A_105], %swap3A_108 {strides = array<i32>} : memref<80x128xf32, #tpu.memory_space<vmem>>, vector<1x16xf32>,
      %broadcast_in_dim3A_109 = arith.constant 0.000000e+00 : f32
      %broadcast_in_dim3A_110 = vector.broadcast %broadcast_in_dim3A_109 : f32 to vector<16xf32>
      %swap3A_111 = arith.index_cast %scan3A_60 : i32 to index
      %swap3A_112 = arith.constant 112 : index
      %swap3A_113 = tpu.vector_load %arg8[%swap3A_111, %swap3A_112] {strides = array<i32>} : memref<80x128xf32, #tpu.memory_space<vmem>>, vector<1x16xf32>,
      %swap3A_114 = vector.shape_cast %swap3A_113 : vector<1x16xf32> to vector<16xf32>
      %swap3A_115 = vector.shape_cast %broadcast_in_dim3A_110 : vector<16xf32> to vector<1x16xf32>
      tpu.vector_store %arg8[%swap3A_111, %swap3A_112], %swap3A_115 {strides = array<i32>} : memref<80x128xf32, #tpu.memory_space<vmem>>, vector<1x16xf32>,
      %scan3A_116 = arith.constant 0 : i32
      scf.yield %scan3A_116 : i32
    }
    %scan3A_6 = arith.constant 80 : i32
    %mul3A_7 = arith.constant 640 : i32
    %mul3A_8 = arith.muli %arg1, %mul3A_7 : i32
    %add3A_9 = arith.constant 0 : i32
    %add3A_10 = arith.addi %mul3A_8, %add3A_9 : i32
    "tpu.region"() ({
      %run_scoped3A_60 = tpu.sem_alloc : memref<!tpu.dma_semaphore, #tpu.memory_space<semaphore_mem>>
      %dma_start3A_61 = arith.constant 0 : i32
      %dma_start3A_62 = tpu.memref_slice %arg10[%add3A_10, %dma_start3A_61] : memref<10240x128xf32, #tpu.memory_space<vmem_shared>> -> memref<80x128xf32, #tpu.memory_space<vmem_shared>>
      %dma_start3A_63 = arith.constant 0 : i32
      %dma_start3A_64 = tpu.memref_slice %arg10[%add3A_10, %dma_start3A_63] : memref<10240x128xf32, #tpu.memory_space<vmem_shared>> -> memref<80x128xf32, #tpu.memory_space<vmem_shared>>
      tpu.enqueue_dma source(%arg8 : memref<80x128xf32, #tpu.memory_space<vmem>>) target(%dma_start3A_64 : memref<80x128xf32, #tpu.memory_space<vmem_shared>>) target_semaphore(%run_scoped3A_60 : memref<!tpu.dma_semaphore, #tpu.memory_space<semaphore_mem>>)
      %dma_wait3A_65 = arith.constant 0 : i32
      %dma_wait3A_66 = tpu.memref_slice %arg10[%add3A_10, %dma_wait3A_65] : memref<10240x128xf32, #tpu.memory_space<vmem_shared>> -> memref<80x128xf32, #tpu.memory_space<vmem_shared>>
      %dma_wait3A_67 = arith.constant 0 : i32
      %dma_wait3A_68 = tpu.memref_slice %arg10[%add3A_10, %dma_wait3A_67] : memref<10240x128xf32, #tpu.memory_space<vmem_shared>> -> memref<80x128xf32, #tpu.memory_space<vmem_shared>>
      tpu.wait_dma2 semaphore(%run_scoped3A_60 : memref<!tpu.dma_semaphore, #tpu.memory_space<semaphore_mem>>) src(%arg8 : memref<80x128xf32, #tpu.memory_space<vmem>>) dst(%dma_wait3A_68 : memref<80x128xf32, #tpu.memory_space<vmem_shared>>)
      tpu.yield
    }) : () -> ()
    %mul3A_11 = arith.constant 640 : i32
    %mul3A_12 = arith.muli %arg1, %mul3A_11 : i32
    %add3A_13 = arith.constant 80 : i32
    %add3A_14 = arith.addi %mul3A_12, %add3A_13 : i32
    "tpu.region"() ({
      %run_scoped3A_60 = tpu.sem_alloc : memref<!tpu.dma_semaphore, #tpu.memory_space<semaphore_mem>>
      %dma_start3A_61 = arith.constant 0 : i32
      %dma_start3A_62 = tpu.memref_slice %arg10[%add3A_14, %dma_start3A_61] : memref<10240x128xf32, #tpu.memory_space<vmem_shared>> -> memref<80x128xf32, #tpu.memory_space<vmem_shared>>
      %dma_start3A_63 = arith.constant 0 : i32
      %dma_start3A_64 = tpu.memref_slice %arg10[%add3A_14, %dma_start3A_63] : memref<10240x128xf32, #tpu.memory_space<vmem_shared>> -> memref<80x128xf32, #tpu.memory_space<vmem_shared>>
      tpu.enqueue_dma source(%arg8 : memref<80x128xf32, #tpu.memory_space<vmem>>) target(%dma_start3A_64 : memref<80x128xf32, #tpu.memory_space<vmem_shared>>) target_semaphore(%run_scoped3A_60 : memref<!tpu.dma_semaphore, #tpu.memory_space<semaphore_mem>>)
      %dma_wait3A_65 = arith.constant 0 : i32
      %dma_wait3A_66 = tpu.memref_slice %arg10[%add3A_14, %dma_wait3A_65] : memref<10240x128xf32, #tpu.memory_space<vmem_shared>> -> memref<80x128xf32, #tpu.memory_space<vmem_shared>>
      %dma_wait3A_67 = arith.constant 0 : i32
      %dma_wait3A_68 = tpu.memref_slice %arg10[%add3A_14, %dma_wait3A_67] : memref<10240x128xf32, #tpu.memory_space<vmem_shared>> -> memref<80x128xf32, #tpu.memory_space<vmem_shared>>
      tpu.wait_dma2 semaphore(%run_scoped3A_60 : memref<!tpu.dma_semaphore, #tpu.memory_space<semaphore_mem>>) src(%arg8 : memref<80x128xf32, #tpu.memory_space<vmem>>) dst(%dma_wait3A_68 : memref<80x128xf32, #tpu.memory_space<vmem_shared>>)
      tpu.yield
    }) : () -> ()
    %mul3A_15 = arith.constant 640 : i32
    %mul3A_16 = arith.muli %arg1, %mul3A_15 : i32
    %add3A_17 = arith.constant 160 : i32
    %add3A_18 = arith.addi %mul3A_16, %add3A_17 : i32
    "tpu.region"() ({
      %run_scoped3A_60 = tpu.sem_alloc : memref<!tpu.dma_semaphore, #tpu.memory_space<semaphore_mem>>
      %dma_start3A_61 = arith.constant 0 : i32
      %dma_start3A_62 = tpu.memref_slice %arg10[%add3A_18, %dma_start3A_61] : memref<10240x128xf32, #tpu.memory_space<vmem_shared>> -> memref<80x128xf32, #tpu.memory_space<vmem_shared>>
      %dma_start3A_63 = arith.constant 0 : i32
      %dma_start3A_64 = tpu.memref_slice %arg10[%add3A_18, %dma_start3A_63] : memref<10240x128xf32, #tpu.memory_space<vmem_shared>> -> memref<80x128xf32, #tpu.memory_space<vmem_shared>>
      tpu.enqueue_dma source(%arg8 : memref<80x128xf32, #tpu.memory_space<vmem>>) target(%dma_start3A_64 : memref<80x128xf32, #tpu.memory_space<vmem_shared>>) target_semaphore(%run_scoped3A_60 : memref<!tpu.dma_semaphore, #tpu.memory_space<semaphore_mem>>)
      %dma_wait3A_65 = arith.constant 0 : i32
      %dma_wait3A_66 = tpu.memref_slice %arg10[%add3A_18, %dma_wait3A_65] : memref<10240x128xf32, #tpu.memory_space<vmem_shared>> -> memref<80x128xf32, #tpu.memory_space<vmem_shared>>
      %dma_wait3A_67 = arith.constant 0 : i32
      %dma_wait3A_68 = tpu.memref_slice %arg10[%add3A_18, %dma_wait3A_67] : memref<10240x128xf32, #tpu.memory_space<vmem_shared>> -> memref<80x128xf32, #tpu.memory_space<vmem_shared>>
      tpu.wait_dma2 semaphore(%run_scoped3A_60 : memref<!tpu.dma_semaphore, #tpu.memory_space<semaphore_mem>>) src(%arg8 : memref<80x128xf32, #tpu.memory_space<vmem>>) dst(%dma_wait3A_68 : memref<80x128xf32, #tpu.memory_space<vmem_shared>>)
      tpu.yield
    }) : () -> ()
    %mul3A_19 = arith.constant 640 : i32
    %mul3A_20 = arith.muli %arg1, %mul3A_19 : i32
    %add3A_21 = arith.constant 240 : i32
    %add3A_22 = arith.addi %mul3A_20, %add3A_21 : i32
    "tpu.region"() ({
      %run_scoped3A_60 = tpu.sem_alloc : memref<!tpu.dma_semaphore, #tpu.memory_space<semaphore_mem>>
      %dma_start3A_61 = arith.constant 0 : i32
      %dma_start3A_62 = tpu.memref_slice %arg10[%add3A_22, %dma_start3A_61] : memref<10240x128xf32, #tpu.memory_space<vmem_shared>> -> memref<80x128xf32, #tpu.memory_space<vmem_shared>>
      %dma_start3A_63 = arith.constant 0 : i32
      %dma_start3A_64 = tpu.memref_slice %arg10[%add3A_22, %dma_start3A_63] : memref<10240x128xf32, #tpu.memory_space<vmem_shared>> -> memref<80x128xf32, #tpu.memory_space<vmem_shared>>
      tpu.enqueue_dma source(%arg8 : memref<80x128xf32, #tpu.memory_space<vmem>>) target(%dma_start3A_64 : memref<80x128xf32, #tpu.memory_space<vmem_shared>>) target_semaphore(%run_scoped3A_60 : memref<!tpu.dma_semaphore, #tpu.memory_space<semaphore_mem>>)
      %dma_wait3A_65 = arith.constant 0 : i32
      %dma_wait3A_66 = tpu.memref_slice %arg10[%add3A_22, %dma_wait3A_65] : memref<10240x128xf32, #tpu.memory_space<vmem_shared>> -> memref<80x128xf32, #tpu.memory_space<vmem_shared>>
      %dma_wait3A_67 = arith.constant 0 : i32
      %dma_wait3A_68 = tpu.memref_slice %arg10[%add3A_22, %dma_wait3A_67] : memref<10240x128xf32, #tpu.memory_space<vmem_shared>> -> memref<80x128xf32, #tpu.memory_space<vmem_shared>>
      tpu.wait_dma2 semaphore(%run_scoped3A_60 : memref<!tpu.dma_semaphore, #tpu.memory_space<semaphore_mem>>) src(%arg8 : memref<80x128xf32, #tpu.memory_space<vmem>>) dst(%dma_wait3A_68 : memref<80x128xf32, #tpu.memory_space<vmem_shared>>)
      tpu.yield
    }) : () -> ()
    %mul3A_23 = arith.constant 640 : i32
    %mul3A_24 = arith.muli %arg1, %mul3A_23 : i32
    %add3A_25 = arith.constant 320 : i32
    %add3A_26 = arith.addi %mul3A_24, %add3A_25 : i32
    "tpu.region"() ({
      %run_scoped3A_60 = tpu.sem_alloc : memref<!tpu.dma_semaphore, #tpu.memory_space<semaphore_mem>>
      %dma_start3A_61 = arith.constant 0 : i32
      %dma_start3A_62 = tpu.memref_slice %arg10[%add3A_26, %dma_start3A_61] : memref<10240x128xf32, #tpu.memory_space<vmem_shared>> -> memref<80x128xf32, #tpu.memory_space<vmem_shared>>
      %dma_start3A_63 = arith.constant 0 : i32
      %dma_start3A_64 = tpu.memref_slice %arg10[%add3A_26, %dma_start3A_63] : memref<10240x128xf32, #tpu.memory_space<vmem_shared>> -> memref<80x128xf32, #tpu.memory_space<vmem_shared>>
      tpu.enqueue_dma source(%arg8 : memref<80x128xf32, #tpu.memory_space<vmem>>) target(%dma_start3A_64 : memref<80x128xf32, #tpu.memory_space<vmem_shared>>) target_semaphore(%run_scoped3A_60 : memref<!tpu.dma_semaphore, #tpu.memory_space<semaphore_mem>>)
      %dma_wait3A_65 = arith.constant 0 : i32
      %dma_wait3A_66 = tpu.memref_slice %arg10[%add3A_26, %dma_wait3A_65] : memref<10240x128xf32, #tpu.memory_space<vmem_shared>> -> memref<80x128xf32, #tpu.memory_space<vmem_shared>>
      %dma_wait3A_67 = arith.constant 0 : i32
      %dma_wait3A_68 = tpu.memref_slice %arg10[%add3A_26, %dma_wait3A_67] : memref<10240x128xf32, #tpu.memory_space<vmem_shared>> -> memref<80x128xf32, #tpu.memory_space<vmem_shared>>
      tpu.wait_dma2 semaphore(%run_scoped3A_60 : memref<!tpu.dma_semaphore, #tpu.memory_space<semaphore_mem>>) src(%arg8 : memref<80x128xf32, #tpu.memory_space<vmem>>) dst(%dma_wait3A_68 : memref<80x128xf32, #tpu.memory_space<vmem_shared>>)
      tpu.yield
    }) : () -> ()
    %mul3A_27 = arith.constant 640 : i32
    %mul3A_28 = arith.muli %arg1, %mul3A_27 : i32
    %add3A_29 = arith.constant 400 : i32
    %add3A_30 = arith.addi %mul3A_28, %add3A_29 : i32
    "tpu.region"() ({
      %run_scoped3A_60 = tpu.sem_alloc : memref<!tpu.dma_semaphore, #tpu.memory_space<semaphore_mem>>
      %dma_start3A_61 = arith.constant 0 : i32
      %dma_start3A_62 = tpu.memref_slice %arg10[%add3A_30, %dma_start3A_61] : memref<10240x128xf32, #tpu.memory_space<vmem_shared>> -> memref<80x128xf32, #tpu.memory_space<vmem_shared>>
      %dma_start3A_63 = arith.constant 0 : i32
      %dma_start3A_64 = tpu.memref_slice %arg10[%add3A_30, %dma_start3A_63] : memref<10240x128xf32, #tpu.memory_space<vmem_shared>> -> memref<80x128xf32, #tpu.memory_space<vmem_shared>>
      tpu.enqueue_dma source(%arg8 : memref<80x128xf32, #tpu.memory_space<vmem>>) target(%dma_start3A_64 : memref<80x128xf32, #tpu.memory_space<vmem_shared>>) target_semaphore(%run_scoped3A_60 : memref<!tpu.dma_semaphore, #tpu.memory_space<semaphore_mem>>)
      %dma_wait3A_65 = arith.constant 0 : i32
      %dma_wait3A_66 = tpu.memref_slice %arg10[%add3A_30, %dma_wait3A_65] : memref<10240x128xf32, #tpu.memory_space<vmem_shared>> -> memref<80x128xf32, #tpu.memory_space<vmem_shared>>
      %dma_wait3A_67 = arith.constant 0 : i32
      %dma_wait3A_68 = tpu.memref_slice %arg10[%add3A_30, %dma_wait3A_67] : memref<10240x128xf32, #tpu.memory_space<vmem_shared>> -> memref<80x128xf32, #tpu.memory_space<vmem_shared>>
      tpu.wait_dma2 semaphore(%run_scoped3A_60 : memref<!tpu.dma_semaphore, #tpu.memory_space<semaphore_mem>>) src(%arg8 : memref<80x128xf32, #tpu.memory_space<vmem>>) dst(%dma_wait3A_68 : memref<80x128xf32, #tpu.memory_space<vmem_shared>>)
      tpu.yield
    }) : () -> ()
    %mul3A_31 = arith.constant 640 : i32
    %mul3A_32 = arith.muli %arg1, %mul3A_31 : i32
    %add3A_33 = arith.constant 480 : i32
    %add3A_34 = arith.addi %mul3A_32, %add3A_33 : i32
    "tpu.region"() ({
      %run_scoped3A_60 = tpu.sem_alloc : memref<!tpu.dma_semaphore, #tpu.memory_space<semaphore_mem>>
      %dma_start3A_61 = arith.constant 0 : i32
      %dma_start3A_62 = tpu.memref_slice %arg10[%add3A_34, %dma_start3A_61] : memref<10240x128xf32, #tpu.memory_space<vmem_shared>> -> memref<80x128xf32, #tpu.memory_space<vmem_shared>>
      %dma_start3A_63 = arith.constant 0 : i32
      %dma_start3A_64 = tpu.memref_slice %arg10[%add3A_34, %dma_start3A_63] : memref<10240x128xf32, #tpu.memory_space<vmem_shared>> -> memref<80x128xf32, #tpu.memory_space<vmem_shared>>
      tpu.enqueue_dma source(%arg8 : memref<80x128xf32, #tpu.memory_space<vmem>>) target(%dma_start3A_64 : memref<80x128xf32, #tpu.memory_space<vmem_shared>>) target_semaphore(%run_scoped3A_60 : memref<!tpu.dma_semaphore, #tpu.memory_space<semaphore_mem>>)
      %dma_wait3A_65 = arith.constant 0 : i32
      %dma_wait3A_66 = tpu.memref_slice %arg10[%add3A_34, %dma_wait3A_65] : memref<10240x128xf32, #tpu.memory_space<vmem_shared>> -> memref<80x128xf32, #tpu.memory_space<vmem_shared>>
      %dma_wait3A_67 = arith.constant 0 : i32
      %dma_wait3A_68 = tpu.memref_slice %arg10[%add3A_34, %dma_wait3A_67] : memref<10240x128xf32, #tpu.memory_space<vmem_shared>> -> memref<80x128xf32, #tpu.memory_space<vmem_shared>>
      tpu.wait_dma2 semaphore(%run_scoped3A_60 : memref<!tpu.dma_semaphore, #tpu.memory_space<semaphore_mem>>) src(%arg8 : memref<80x128xf32, #tpu.memory_space<vmem>>) dst(%dma_wait3A_68 : memref<80x128xf32, #tpu.memory_space<vmem_shared>>)
      tpu.yield
    }) : () -> ()
    %mul3A_35 = arith.constant 640 : i32
    %mul3A_36 = arith.muli %arg1, %mul3A_35 : i32
    %add3A_37 = arith.constant 560 : i32
    %add3A_38 = arith.addi %mul3A_36, %add3A_37 : i32
    "tpu.region"() ({
      %run_scoped3A_60 = tpu.sem_alloc : memref<!tpu.dma_semaphore, #tpu.memory_space<semaphore_mem>>
      %dma_start3A_61 = arith.constant 0 : i32
      %dma_start3A_62 = tpu.memref_slice %arg10[%add3A_38, %dma_start3A_61] : memref<10240x128xf32, #tpu.memory_space<vmem_shared>> -> memref<80x128xf32, #tpu.memory_space<vmem_shared>>
      %dma_start3A_63 = arith.constant 0 : i32
      %dma_start3A_64 = tpu.memref_slice %arg10[%add3A_38, %dma_start3A_63] : memref<10240x128xf32, #tpu.memory_space<vmem_shared>> -> memref<80x128xf32, #tpu.memory_space<vmem_shared>>
      tpu.enqueue_dma source(%arg8 : memref<80x128xf32, #tpu.memory_space<vmem>>) target(%dma_start3A_64 : memref<80x128xf32, #tpu.memory_space<vmem_shared>>) target_semaphore(%run_scoped3A_60 : memref<!tpu.dma_semaphore, #tpu.memory_space<semaphore_mem>>)
      %dma_wait3A_65 = arith.constant 0 : i32
      %dma_wait3A_66 = tpu.memref_slice %arg10[%add3A_38, %dma_wait3A_65] : memref<10240x128xf32, #tpu.memory_space<vmem_shared>> -> memref<80x128xf32, #tpu.memory_space<vmem_shared>>
      %dma_wait3A_67 = arith.constant 0 : i32
      %dma_wait3A_68 = tpu.memref_slice %arg10[%add3A_38, %dma_wait3A_67] : memref<10240x128xf32, #tpu.memory_space<vmem_shared>> -> memref<80x128xf32, #tpu.memory_space<vmem_shared>>
      tpu.wait_dma2 semaphore(%run_scoped3A_60 : memref<!tpu.dma_semaphore, #tpu.memory_space<semaphore_mem>>) src(%arg8 : memref<80x128xf32, #tpu.memory_space<vmem>>) dst(%dma_wait3A_68 : memref<80x128xf32, #tpu.memory_space<vmem_shared>>)
      tpu.yield
    }) : () -> ()
    %barrier3A = arith.constant 0 : index
    tpu.barrier barrier_id(%barrier3A)
    %dma_start3A = arith.constant 0 : i32
    %dma_start3A_39 = tpu.memref_slice %arg6[%dma_start3A] : memref<10000xi32, #tpu.memory_space<vmem>> -> memref<80xi32, #tpu.memory_space<vmem>>
    %dma_start3A_40 = arith.constant 0 : i32
    %dma_start3A_41 = arith.constant 0 : i32
    %dma_start3A_42 = tpu.memref_slice %arg2[%dma_start3A_40, %dma_start3A_41] : memref<10000x128xf32, #tpu.memory_space<hbm>> -> memref<10000x128xf32, #tpu.memory_space<hbm>>
    tpu.enqueue_indirect_dma source(%dma_start3A_42 : memref<10000x128xf32, #tpu.memory_space<hbm>>) target(%arg8 : memref<80x128xf32, #tpu.memory_space<vmem>>) offsets(%dma_start3A_39 : memref<80xi32, #tpu.memory_space<vmem>>) semaphore(%arg11 : memref<!tpu.dma_semaphore, #tpu.memory_space<semaphore_mem>>)
    %scan3A_43 = arith.constant 0 : i32
    %scan3A_44 = arith.constant 0 : i32
    %scan3A_45 = arith.constant 62 : i32
    %scan3A_46 = arith.addi %scan3A_44, %scan3A_45 : i32
    %scan3A_47 = arith.constant 1 : i32
    %scan3A_48 = scf.for %scan3A_60 = %scan3A_44 to %scan3A_46 step %scan3A_47 iter_args(%scan3A_61 = %scan3A_43) -> (i32)  : i32 {
      %mul3A_62 = arith.constant 2 : i32
      %mul3A_63 = arith.muli %mul3A_62, %scan3A_60 : i32
      %add3A_64 = arith.constant 1 : i32
      %add3A_65 = arith.addi %mul3A_63, %add3A_64 : i32
      %mul3A_66 = arith.constant 80 : i32
      %mul3A_67 = arith.muli %add3A_65, %mul3A_66 : i32
      %dma_start3A_68 = tpu.memref_slice %arg6[%mul3A_67] : memref<10000xi32, #tpu.memory_space<vmem>> -> memref<80xi32, #tpu.memory_space<vmem>>
      %dma_start3A_69 = arith.constant 0 : i32
      %dma_start3A_70 = arith.constant 0 : i32
      %dma_start3A_71 = tpu.memref_slice %arg2[%dma_start3A_69, %dma_start3A_70] : memref<10000x128xf32, #tpu.memory_space<hbm>> -> memref<10000x128xf32, #tpu.memory_space<hbm>>
      tpu.enqueue_indirect_dma source(%dma_start3A_71 : memref<10000x128xf32, #tpu.memory_space<hbm>>) target(%arg9 : memref<80x128xf32, #tpu.memory_space<vmem>>) offsets(%dma_start3A_68 : memref<80xi32, #tpu.memory_space<vmem>>) semaphore(%arg12 : memref<!tpu.dma_semaphore, #tpu.memory_space<semaphore_mem>>)
      %dma_wait3A_72 = arith.constant 0 : i32
      %dma_wait3A_73 = arith.constant 0 : i32
      %dma_wait3A_74 = tpu.memref_slice %arg2[%dma_wait3A_72, %dma_wait3A_73] : memref<10000x128xf32, #tpu.memory_space<hbm>> -> memref<80x128xf32, #tpu.memory_space<hbm>>
      %dma_wait3A_75 = arith.constant 0 : i32
      %dma_wait3A_76 = arith.constant 0 : i32
      %dma_wait3A_77 = tpu.memref_slice %arg2[%dma_wait3A_75, %dma_wait3A_76] : memref<10000x128xf32, #tpu.memory_space<hbm>> -> memref<80x128xf32, #tpu.memory_space<hbm>>
      tpu.wait_dma2 semaphore(%arg11 : memref<!tpu.dma_semaphore, #tpu.memory_space<semaphore_mem>>) src(%dma_wait3A_77 : memref<80x128xf32, #tpu.memory_space<hbm>>) dst(%arg8 : memref<80x128xf32, #tpu.memory_space<vmem>>)
      "tpu.region"() ({
        %run_scoped3A_95 = tpu.sem_alloc : memref<!tpu.dma_semaphore, #tpu.memory_space<semaphore_mem>>
        %dma_start3A_96 = arith.constant 0 : i32
        %dma_start3A_97 = tpu.memref_slice %arg7[%mul3A_63, %dma_start3A_96] : memref<125x80xi32, #tpu.memory_space<vmem>> -> memref<1x80xi32, #tpu.memory_space<vmem>>
        %dma_start3A_98 = tpu.memref_squeeze %dma_start3A_97 : memref<1x80xi32, #tpu.memory_space<vmem>> -> memref<80xi32, #tpu.memory_space<vmem>>
        %dma_start3A_99 = arith.constant 0 : i32
        %dma_start3A_100 = arith.constant 0 : i32
        %dma_start3A_101 = tpu.memref_slice %arg10[%dma_start3A_99, %dma_start3A_100] : memref<10240x128xf32, #tpu.memory_space<vmem_shared>> -> memref<10240x128xf32, #tpu.memory_space<vmem_shared>>
        tpu.enqueue_indirect_dma source(%arg8 : memref<80x128xf32, #tpu.memory_space<vmem>>) target(%dma_start3A_101 : memref<10240x128xf32, #tpu.memory_space<vmem_shared>>) offsets(%dma_start3A_98 : memref<80xi32, #tpu.memory_space<vmem>>) semaphore(%run_scoped3A_95 : memref<!tpu.dma_semaphore, #tpu.memory_space<semaphore_mem>>) {add = true}
        %dma_wait3A_102 = arith.constant 0 : i32
        %dma_wait3A_103 = tpu.memref_slice %arg7[%mul3A_63, %dma_wait3A_102] : memref<125x80xi32, #tpu.memory_space<vmem>> -> memref<1x80xi32, #tpu.memory_space<vmem>>
        %dma_wait3A_104 = tpu.memref_squeeze %dma_wait3A_103 : memref<1x80xi32, #tpu.memory_space<vmem>> -> memref<80xi32, #tpu.memory_space<vmem>>
        %dma_wait3A_105 = arith.constant 0 : i32
        %dma_wait3A_106 = arith.constant 0 : i32
        %dma_wait3A_107 = tpu.memref_slice %arg10[%dma_wait3A_105, %dma_wait3A_106] : memref<10240x128xf32, #tpu.memory_space<vmem_shared>> -> memref<10240x128xf32, #tpu.memory_space<vmem_shared>>
        tpu.wait_indirect_dma semaphore(%run_scoped3A_95 : memref<!tpu.dma_semaphore, #tpu.memory_space<semaphore_mem>>) src(%arg8 : memref<80x128xf32, #tpu.memory_space<vmem>>) dst(%dma_wait3A_107 : memref<10240x128xf32, #tpu.memory_space<vmem_shared>>)
        tpu.yield
      }) : () -> ()
      %add3A_78 = arith.constant 2 : i32
      %add3A_79 = arith.addi %mul3A_63, %add3A_78 : i32
      %mul3A_80 = arith.constant 80 : i32
      %mul3A_81 = arith.muli %add3A_79, %mul3A_80 : i32
      %dma_start3A_82 = tpu.memref_slice %arg6[%mul3A_81] : memref<10000xi32, #tpu.memory_space<vmem>> -> memref<80xi32, #tpu.memory_space<vmem>>
      %dma_start3A_83 = arith.constant 0 : i32
      %dma_start3A_84 = arith.constant 0 : i32
      %dma_start3A_85 = tpu.memref_slice %arg2[%dma_start3A_83, %dma_start3A_84] : memref<10000x128xf32, #tpu.memory_space<hbm>> -> memref<10000x128xf32, #tpu.memory_space<hbm>>
      tpu.enqueue_indirect_dma source(%dma_start3A_85 : memref<10000x128xf32, #tpu.memory_space<hbm>>) target(%arg8 : memref<80x128xf32, #tpu.memory_space<vmem>>) offsets(%dma_start3A_82 : memref<80xi32, #tpu.memory_space<vmem>>) semaphore(%arg11 : memref<!tpu.dma_semaphore, #tpu.memory_space<semaphore_mem>>)
      %dma_wait3A_86 = arith.constant 0 : i32
      %dma_wait3A_87 = arith.constant 0 : i32
      %dma_wait3A_88 = tpu.memref_slice %arg2[%dma_wait3A_86, %dma_wait3A_87] : memref<10000x128xf32, #tpu.memory_space<hbm>> -> memref<80x128xf32, #tpu.memory_space<hbm>>
      %dma_wait3A_89 = arith.constant 0 : i32
      %dma_wait3A_90 = arith.constant 0 : i32
      %dma_wait3A_91 = tpu.memref_slice %arg2[%dma_wait3A_89, %dma_wait3A_90] : memref<10000x128xf32, #tpu.memory_space<hbm>> -> memref<80x128xf32, #tpu.memory_space<hbm>>
      tpu.wait_dma2 semaphore(%arg12 : memref<!tpu.dma_semaphore, #tpu.memory_space<semaphore_mem>>) src(%dma_wait3A_91 : memref<80x128xf32, #tpu.memory_space<hbm>>) dst(%arg9 : memref<80x128xf32, #tpu.memory_space<vmem>>)
      %add3A_92 = arith.constant 1 : i32
      %add3A_93 = arith.addi %mul3A_63, %add3A_92 : i32
      "tpu.region"() ({
        %run_scoped3A_95 = tpu.sem_alloc : memref<!tpu.dma_semaphore, #tpu.memory_space<semaphore_mem>>
        %dma_start3A_96 = arith.constant 0 : i32
        %dma_start3A_97 = tpu.memref_slice %arg7[%add3A_93, %dma_start3A_96] : memref<125x80xi32, #tpu.memory_space<vmem>> -> memref<1x80xi32, #tpu.memory_space<vmem>>
        %dma_start3A_98 = tpu.memref_squeeze %dma_start3A_97 : memref<1x80xi32, #tpu.memory_space<vmem>> -> memref<80xi32, #tpu.memory_space<vmem>>
        %dma_start3A_99 = arith.constant 0 : i32
        %dma_start3A_100 = arith.constant 0 : i32
        %dma_start3A_101 = tpu.memref_slice %arg10[%dma_start3A_99, %dma_start3A_100] : memref<10240x128xf32, #tpu.memory_space<vmem_shared>> -> memref<10240x128xf32, #tpu.memory_space<vmem_shared>>
        tpu.enqueue_indirect_dma source(%arg9 : memref<80x128xf32, #tpu.memory_space<vmem>>) target(%dma_start3A_101 : memref<10240x128xf32, #tpu.memory_space<vmem_shared>>) offsets(%dma_start3A_98 : memref<80xi32, #tpu.memory_space<vmem>>) semaphore(%run_scoped3A_95 : memref<!tpu.dma_semaphore, #tpu.memory_space<semaphore_mem>>) {add = true}
        %dma_wait3A_102 = arith.constant 0 : i32
        %dma_wait3A_103 = tpu.memref_slice %arg7[%add3A_93, %dma_wait3A_102] : memref<125x80xi32, #tpu.memory_space<vmem>> -> memref<1x80xi32, #tpu.memory_space<vmem>>
        %dma_wait3A_104 = tpu.memref_squeeze %dma_wait3A_103 : memref<1x80xi32, #tpu.memory_space<vmem>> -> memref<80xi32, #tpu.memory_space<vmem>>
        %dma_wait3A_105 = arith.constant 0 : i32
        %dma_wait3A_106 = arith.constant 0 : i32
        %dma_wait3A_107 = tpu.memref_slice %arg10[%dma_wait3A_105, %dma_wait3A_106] : memref<10240x128xf32, #tpu.memory_space<vmem_shared>> -> memref<10240x128xf32, #tpu.memory_space<vmem_shared>>
        tpu.wait_indirect_dma semaphore(%run_scoped3A_95 : memref<!tpu.dma_semaphore, #tpu.memory_space<semaphore_mem>>) src(%arg9 : memref<80x128xf32, #tpu.memory_space<vmem>>) dst(%dma_wait3A_107 : memref<10240x128xf32, #tpu.memory_space<vmem_shared>>)
        tpu.yield
      }) : () -> ()
      %scan3A_94 = arith.constant 0 : i32
      scf.yield %scan3A_94 : i32
    }
    %scan3A_49 = arith.constant 62 : i32
    %dma_wait3A = arith.constant 0 : i32
    %dma_wait3A_50 = arith.constant 0 : i32
    %dma_wait3A_51 = tpu.memref_slice %arg2[%dma_wait3A, %dma_wait3A_50] : memref<10000x128xf32, #tpu.memory_space<hbm>> -> memref<80x128xf32, #tpu.memory_space<hbm>>
    %dma_wait3A_52 = arith.constant 0 : i32
    %dma_wait3A_53 = arith.constant 0 : i32
    %dma_wait3A_54 = tpu.memref_slice %arg2[%dma_wait3A_52, %dma_wait3A_53] : memref<10000x128xf32, #tpu.memory_space<hbm>> -> memref<80x128xf32, #tpu.memory_space<hbm>>
    tpu.wait_dma2 semaphore(%arg11 : memref<!tpu.dma_semaphore, #tpu.memory_space<semaphore_mem>>) src(%dma_wait3A_54 : memref<80x128xf32, #tpu.memory_space<hbm>>) dst(%arg8 : memref<80x128xf32, #tpu.memory_space<vmem>>)
    %run_scoped3A = arith.constant 124 : i32
    "tpu.region"() ({
      %run_scoped3A_60 = tpu.sem_alloc : memref<!tpu.dma_semaphore, #tpu.memory_space<semaphore_mem>>
      %dma_start3A_61 = arith.constant 0 : i32
      %dma_start3A_62 = tpu.memref_slice %arg7[%run_scoped3A, %dma_start3A_61] : memref<125x80xi32, #tpu.memory_space<vmem>> -> memref<1x80xi32, #tpu.memory_space<vmem>>
      %dma_start3A_63 = tpu.memref_squeeze %dma_start3A_62 : memref<1x80xi32, #tpu.memory_space<vmem>> -> memref<80xi32, #tpu.memory_space<vmem>>
      %dma_start3A_64 = arith.constant 0 : i32
      %dma_start3A_65 = arith.constant 0 : i32
      %dma_start3A_66 = tpu.memref_slice %arg10[%dma_start3A_64, %dma_start3A_65] : memref<10240x128xf32, #tpu.memory_space<vmem_shared>> -> memref<10240x128xf32, #tpu.memory_space<vmem_shared>>
      tpu.enqueue_indirect_dma source(%arg8 : memref<80x128xf32, #tpu.memory_space<vmem>>) target(%dma_start3A_66 : memref<10240x128xf32, #tpu.memory_space<vmem_shared>>) offsets(%dma_start3A_63 : memref<80xi32, #tpu.memory_space<vmem>>) semaphore(%run_scoped3A_60 : memref<!tpu.dma_semaphore, #tpu.memory_space<semaphore_mem>>) {add = true}
      %dma_wait3A_67 = arith.constant 0 : i32
      %dma_wait3A_68 = tpu.memref_slice %arg7[%run_scoped3A, %dma_wait3A_67] : memref<125x80xi32, #tpu.memory_space<vmem>> -> memref<1x80xi32, #tpu.memory_space<vmem>>
      %dma_wait3A_69 = tpu.memref_squeeze %dma_wait3A_68 : memref<1x80xi32, #tpu.memory_space<vmem>> -> memref<80xi32, #tpu.memory_space<vmem>>
      %dma_wait3A_70 = arith.constant 0 : i32
      %dma_wait3A_71 = arith.constant 0 : i32
      %dma_wait3A_72 = tpu.memref_slice %arg10[%dma_wait3A_70, %dma_wait3A_71] : memref<10240x128xf32, #tpu.memory_space<vmem_shared>> -> memref<10240x128xf32, #tpu.memory_space<vmem_shared>>
      tpu.wait_indirect_dma semaphore(%run_scoped3A_60 : memref<!tpu.dma_semaphore, #tpu.memory_space<semaphore_mem>>) src(%arg8 : memref<80x128xf32, #tpu.memory_space<vmem>>) dst(%dma_wait3A_72 : memref<10240x128xf32, #tpu.memory_space<vmem_shared>>)
      tpu.yield
    }) : () -> ()
    %barrier3A_55 = arith.constant 0 : index
    tpu.barrier barrier_id(%barrier3A_55)
    %mul3A_56 = arith.constant 640 : i32
    %mul3A_57 = arith.muli %arg1, %mul3A_56 : i32
    %mul3A_58 = arith.constant 640 : i32
    %mul3A_59 = arith.muli %arg1, %mul3A_58 : i32
    "tpu.region"() ({
      %run_scoped3A_60 = tpu.sem_alloc : memref<!tpu.dma_semaphore, #tpu.memory_space<semaphore_mem>>
      %dma_start3A_61 = arith.constant 0 : i32
      %dma_start3A_62 = tpu.memref_slice %arg5[%arg0, %mul3A_59, %dma_start3A_61] : memref<2x10240x128xf32, #tpu.memory_space<hbm>> -> memref<1x640x128xf32, #tpu.memory_space<hbm>>
      %dma_start3A_63 = tpu.memref_squeeze %dma_start3A_62 : memref<1x640x128xf32, #tpu.memory_space<hbm>> -> memref<640x128xf32, #tpu.memory_space<hbm>>
      %dma_start3A_64 = arith.constant 0 : i32
      %dma_start3A_65 = tpu.memref_slice %arg10[%mul3A_57, %dma_start3A_64] : memref<10240x128xf32, #tpu.memory_space<vmem_shared>> -> memref<640x128xf32, #tpu.memory_space<vmem_shared>>
      tpu.enqueue_dma source(%dma_start3A_65 : memref<640x128xf32, #tpu.memory_space<vmem_shared>>) target(%dma_start3A_63 : memref<640x128xf32, #tpu.memory_space<hbm>>) target_semaphore(%run_scoped3A_60 : memref<!tpu.dma_semaphore, #tpu.memory_space<semaphore_mem>>)
      %dma_wait3A_66 = arith.constant 0 : i32
      %dma_wait3A_67 = tpu.memref_slice %arg5[%arg0, %mul3A_59, %dma_wait3A_66] : memref<2x10240x128xf32, #tpu.memory_space<hbm>> -> memref<1x640x128xf32, #tpu.memory_space<hbm>>
      %dma_wait3A_68 = tpu.memref_squeeze %dma_wait3A_67 : memref<1x640x128xf32, #tpu.memory_space<hbm>> -> memref<640x128xf32, #tpu.memory_space<hbm>>
      %dma_wait3A_69 = arith.constant 0 : i32
      %dma_wait3A_70 = tpu.memref_slice %arg10[%mul3A_57, %dma_wait3A_69] : memref<10240x128xf32, #tpu.memory_space<vmem_shared>> -> memref<640x128xf32, #tpu.memory_space<vmem_shared>>
      tpu.wait_dma2 semaphore(%run_scoped3A_60 : memref<!tpu.dma_semaphore, #tpu.memory_space<semaphore_mem>>) src(%dma_wait3A_70 : memref<640x128xf32, #tpu.memory_space<vmem_shared>>) dst(%dma_wait3A_68 : memref<640x128xf32, #tpu.memory_space<hbm>>)
      tpu.yield
    }) : () -> ()
    return
  }
}

#map = affine_map<(d0, d1) -> (0, 0)>
#map1 = affine_map<(d0, d1) -> (0, 0, 0)>
module attributes {stable_mosaic.version = 14 : i64} {
  func.func @k(%arg0: i32, %arg1: i32, %arg2: memref<10000x128xf32, #tpu.memory_space<hbm>>, %arg3: memref<32x10000xi32, #tpu.memory_space<hbm>>, %arg4: memref<32x125x80xi32, #tpu.memory_space<hbm>>, %arg5: memref<2x10240x128xf32, #tpu.memory_space<hbm>>, %arg6: memref<10000xi32, #tpu.memory_space<vmem>>, %arg7: memref<125x80xi32, #tpu.memory_space<vmem>>, %arg8: memref<80x128xf32, #tpu.memory_space<vmem>>, %arg9: memref<80x128xf32, #tpu.memory_space<vmem>>, %arg10: memref<10240x128xf32, #tpu.memory_space<vmem_shared>>, %arg11: memref<!tpu.dma_semaphore, #tpu.memory_space<semaphore_mem>>, %arg12: memref<!tpu.dma_semaphore, #tpu.memory_space<semaphore_mem>>) attributes {dimension_semantics = [#tpu.dimension_semantics<core_parallel>, #tpu.dimension_semantics<subcore_parallel>], iteration_bounds = array<i64: 2, 16>, scalar_prefetch = 0 : i64, scratch_operands = 7 : i64, tpu.core_type = #tpu.core_type<sc_vector_subcore>, window_params = [{transform_indices = #map}, {transform_indices = #map}, {transform_indices = #map1}, {transform_indices = #map1}]} {
    %mul3A = arith.constant 2 : i32
    %mul3A_0 = arith.muli %arg1, %mul3A : i32
    %add3A = arith.addi %mul3A_0, %arg0 : i32
    "tpu.region"() ({
      %run_scoped3A_60 = tpu.sem_alloc : memref<!tpu.dma_semaphore, #tpu.memory_space<semaphore_mem>>
      %dma_start3A_61 = arith.constant 0 : i32
      %dma_start3A_62 = tpu.memref_slice %arg3[%add3A, %dma_start3A_61] : memref<32x10000xi32, #tpu.memory_space<hbm>> -> memref<1x10000xi32, #tpu.memory_space<hbm>>
      %dma_start3A_63 = tpu.memref_squeeze %dma_start3A_62 : memref<1x10000xi32, #tpu.memory_space<hbm>> -> memref<10000xi32, #tpu.memory_space<hbm>>
      %dma_start3A_64 = arith.constant 0 : i32
      %dma_start3A_65 = tpu.memref_slice %arg3[%add3A, %dma_start3A_64] : memref<32x10000xi32, #tpu.memory_space<hbm>> -> memref<1x10000xi32, #tpu.memory_space<hbm>>
      %dma_start3A_66 = tpu.memref_squeeze %dma_start3A_65 : memref<1x10000xi32, #tpu.memory_space<hbm>> -> memref<10000xi32, #tpu.memory_space<hbm>>
      tpu.enqueue_dma source(%dma_start3A_66 : memref<10000xi32, #tpu.memory_space<hbm>>) target(%arg6 : memref<10000xi32, #tpu.memory_space<vmem>>) target_semaphore(%run_scoped3A_60 : memref<!tpu.dma_semaphore, #tpu.memory_space<semaphore_mem>>)
      %dma_wait3A_67 = arith.constant 0 : i32
      %dma_wait3A_68 = tpu.memref_slice %arg3[%add3A, %dma_wait3A_67] : memref<32x10000xi32, #tpu.memory_space<hbm>> -> memref<1x10000xi32, #tpu.memory_space<hbm>>
      %dma_wait3A_69 = tpu.memref_squeeze %dma_wait3A_68 : memref<1x10000xi32, #tpu.memory_space<hbm>> -> memref<10000xi32, #tpu.memory_space<hbm>>
      %dma_wait3A_70 = arith.constant 0 : i32
      %dma_wait3A_71 = tpu.memref_slice %arg3[%add3A, %dma_wait3A_70] : memref<32x10000xi32, #tpu.memory_space<hbm>> -> memref<1x10000xi32, #tpu.memory_space<hbm>>
      %dma_wait3A_72 = tpu.memref_squeeze %dma_wait3A_71 : memref<1x10000xi32, #tpu.memory_space<hbm>> -> memref<10000xi32, #tpu.memory_space<hbm>>
      tpu.wait_dma2 semaphore(%run_scoped3A_60 : memref<!tpu.dma_semaphore, #tpu.memory_space<semaphore_mem>>) src(%dma_wait3A_72 : memref<10000xi32, #tpu.memory_space<hbm>>) dst(%arg6 : memref<10000xi32, #tpu.memory_space<vmem>>)
      tpu.yield
    }) : () -> ()
    "tpu.region"() ({
      %run_scoped3A_60 = tpu.sem_alloc : memref<!tpu.dma_semaphore, #tpu.memory_space<semaphore_mem>>
      %dma_start3A_61 = arith.constant 0 : i32
      %dma_start3A_62 = arith.constant 0 : i32
      %dma_start3A_63 = tpu.memref_slice %arg4[%add3A, %dma_start3A_61, %dma_start3A_62] : memref<32x125x80xi32, #tpu.memory_space<hbm>> -> memref<1x125x80xi32, #tpu.memory_space<hbm>>
      %dma_start3A_64 = tpu.memref_squeeze %dma_start3A_63 : memref<1x125x80xi32, #tpu.memory_space<hbm>> -> memref<125x80xi32, #tpu.memory_space<hbm>>
      %dma_start3A_65 = arith.constant 0 : i32
      %dma_start3A_66 = arith.constant 0 : i32
      %dma_start3A_67 = tpu.memref_slice %arg4[%add3A, %dma_start3A_65, %dma_start3A_66] : memref<32x125x80xi32, #tpu.memory_space<hbm>> -> memref<1x125x80xi32, #tpu.memory_space<hbm>>
      %dma_start3A_68 = tpu.memref_squeeze %dma_start3A_67 : memref<1x125x80xi32, #tpu.memory_space<hbm>> -> memref<125x80xi32, #tpu.memory_space<hbm>>
      tpu.enqueue_dma source(%dma_start3A_68 : memref<125x80xi32, #tpu.memory_space<hbm>>) target(%arg7 : memref<125x80xi32, #tpu.memory_space<vmem>>) target_semaphore(%run_scoped3A_60 : memref<!tpu.dma_semaphore, #tpu.memory_space<semaphore_mem>>)
      %dma_wait3A_69 = arith.constant 0 : i32
      %dma_wait3A_70 = arith.constant 0 : i32
      %dma_wait3A_71 = tpu.memref_slice %arg4[%add3A, %dma_wait3A_69, %dma_wait3A_70] : memref<32x125x80xi32, #tpu.memory_space<hbm>> -> memref<1x125x80xi32, #tpu.memory_space<hbm>>
      %dma_wait3A_72 = tpu.memref_squeeze %dma_wait3A_71 : memref<1x125x80xi32, #tpu.memory_space<hbm>> -> memref<125x80xi32, #tpu.memory_space<hbm>>
      %dma_wait3A_73 = arith.constant 0 : i32
      %dma_wait3A_74 = arith.constant 0 : i32
      %dma_wait3A_75 = tpu.memref_slice %arg4[%add3A, %dma_wait3A_73, %dma_wait3A_74] : memref<32x125x80xi32, #tpu.memory_space<hbm>> -> memref<1x125x80xi32, #tpu.memory_space<hbm>>
      %dma_wait3A_76 = tpu.memref_squeeze %dma_wait3A_75 : memref<1x125x80xi32, #tpu.memory_space<hbm>> -> memref<125x80xi32, #tpu.memory_space<hbm>>
      tpu.wait_dma2 semaphore(%run_scoped3A_60 : memref<!tpu.dma_semaphore, #tpu.memory_space<semaphore_mem>>) src(%dma_wait3A_76 : memref<125x80xi32, #tpu.memory_space<hbm>>) dst(%arg7 : memref<125x80xi32, #tpu.memory_space<vmem>>)
      tpu.yield
    }) : () -> ()
    %scan3A = arith.constant 0 : i32
    %scan3A_1 = arith.constant 0 : i32
    %scan3A_2 = arith.constant 80 : i32
    %scan3A_3 = arith.addi %scan3A_1, %scan3A_2 : i32
    %scan3A_4 = arith.constant 1 : i32
    %scan3A_5 = scf.for %scan3A_60 = %scan3A_1 to %scan3A_3 step %scan3A_4 iter_args(%scan3A_61 = %scan3A) -> (i32)  : i32 {
      %broadcast_in_dim3A = arith.constant 0.000000e+00 : f32
      %broadcast_in_dim3A_62 = vector.broadcast %broadcast_in_dim3A : f32 to vector<16xf32>
      %swap3A = arith.index_cast %scan3A_60 : i32 to index
      %swap3A_63 = arith.constant 0 : index
      %swap3A_64 = tpu.vector_load %arg8[%swap3A, %swap3A_63] {strides = array<i32>} : memref<80x128xf32, #tpu.memory_space<vmem>>, vector<1x16xf32>,
      %swap3A_65 = vector.shape_cast %swap3A_64 : vector<1x16xf32> to vector<16xf32>
      %swap3A_66 = vector.shape_cast %broadcast_in_dim3A_62 : vector<16xf32> to vector<1x16xf32>
      tpu.vector_store %arg8[%swap3A, %swap3A_63], %swap3A_66 {strides = array<i32>} : memref<80x128xf32, #tpu.memory_space<vmem>>, vector<1x16xf32>,
      %broadcast_in_dim3A_67 = arith.constant 0.000000e+00 : f32
      %broadcast_in_dim3A_68 = vector.broadcast %broadcast_in_dim3A_67 : f32 to vector<16xf32>
      %swap3A_69 = arith.index_cast %scan3A_60 : i32 to index
      %swap3A_70 = arith.constant 16 : index
      %swap3A_71 = tpu.vector_load %arg8[%swap3A_69, %swap3A_70] {strides = array<i32>} : memref<80x128xf32, #tpu.memory_space<vmem>>, vector<1x16xf32>,
      %swap3A_72 = vector.shape_cast %swap3A_71 : vector<1x16xf32> to vector<16xf32>
      %swap3A_73 = vector.shape_cast %broadcast_in_dim3A_68 : vector<16xf32> to vector<1x16xf32>
      tpu.vector_store %arg8[%swap3A_69, %swap3A_70], %swap3A_73 {strides = array<i32>} : memref<80x128xf32, #tpu.memory_space<vmem>>, vector<1x16xf32>,
      %broadcast_in_dim3A_74 = arith.constant 0.000000e+00 : f32
      %broadcast_in_dim3A_75 = vector.broadcast %broadcast_in_dim3A_74 : f32 to vector<16xf32>
      %swap3A_76 = arith.index_cast %scan3A_60 : i32 to index
      %swap3A_77 = arith.constant 32 : index
      %swap3A_78 = tpu.vector_load %arg8[%swap3A_76, %swap3A_77] {strides = array<i32>} : memref<80x128xf32, #tpu.memory_space<vmem>>, vector<1x16xf32>,
      %swap3A_79 = vector.shape_cast %swap3A_78 : vector<1x16xf32> to vector<16xf32>
      %swap3A_80 = vector.shape_cast %broadcast_in_dim3A_75 : vector<16xf32> to vector<1x16xf32>
      tpu.vector_store %arg8[%swap3A_76, %swap3A_77], %swap3A_80 {strides = array<i32>} : memref<80x128xf32, #tpu.memory_space<vmem>>, vector<1x16xf32>,
      %broadcast_in_dim3A_81 = arith.constant 0.000000e+00 : f32
      %broadcast_in_dim3A_82 = vector.broadcast %broadcast_in_dim3A_81 : f32 to vector<16xf32>
      %swap3A_83 = arith.index_cast %scan3A_60 : i32 to index
      %swap3A_84 = arith.constant 48 : index
      %swap3A_85 = tpu.vector_load %arg8[%swap3A_83, %swap3A_84] {strides = array<i32>} : memref<80x128xf32, #tpu.memory_space<vmem>>, vector<1x16xf32>,
      %swap3A_86 = vector.shape_cast %swap3A_85 : vector<1x16xf32> to vector<16xf32>
      %swap3A_87 = vector.shape_cast %broadcast_in_dim3A_82 : vector<16xf32> to vector<1x16xf32>
      tpu.vector_store %arg8[%swap3A_83, %swap3A_84], %swap3A_87 {strides = array<i32>} : memref<80x128xf32, #tpu.memory_space<vmem>>, vector<1x16xf32>,
      %broadcast_in_dim3A_88 = arith.constant 0.000000e+00 : f32
      %broadcast_in_dim3A_89 = vector.broadcast %broadcast_in_dim3A_88 : f32 to vector<16xf32>
      %swap3A_90 = arith.index_cast %scan3A_60 : i32 to index
      %swap3A_91 = arith.constant 64 : index
      %swap3A_92 = tpu.vector_load %arg8[%swap3A_90, %swap3A_91] {strides = array<i32>} : memref<80x128xf32, #tpu.memory_space<vmem>>, vector<1x16xf32>,
      %swap3A_93 = vector.shape_cast %swap3A_92 : vector<1x16xf32> to vector<16xf32>
      %swap3A_94 = vector.shape_cast %broadcast_in_dim3A_89 : vector<16xf32> to vector<1x16xf32>
      tpu.vector_store %arg8[%swap3A_90, %swap3A_91], %swap3A_94 {strides = array<i32>} : memref<80x128xf32, #tpu.memory_space<vmem>>, vector<1x16xf32>,
      %broadcast_in_dim3A_95 = arith.constant 0.000000e+00 : f32
      %broadcast_in_dim3A_96 = vector.broadcast %broadcast_in_dim3A_95 : f32 to vector<16xf32>
      %swap3A_97 = arith.index_cast %scan3A_60 : i32 to index
      %swap3A_98 = arith.constant 80 : index
      %swap3A_99 = tpu.vector_load %arg8[%swap3A_97, %swap3A_98] {strides = array<i32>} : memref<80x128xf32, #tpu.memory_space<vmem>>, vector<1x16xf32>,
      %swap3A_100 = vector.shape_cast %swap3A_99 : vector<1x16xf32> to vector<16xf32>
      %swap3A_101 = vector.shape_cast %broadcast_in_dim3A_96 : vector<16xf32> to vector<1x16xf32>
      tpu.vector_store %arg8[%swap3A_97, %swap3A_98], %swap3A_101 {strides = array<i32>} : memref<80x128xf32, #tpu.memory_space<vmem>>, vector<1x16xf32>,
      %broadcast_in_dim3A_102 = arith.constant 0.000000e+00 : f32
      %broadcast_in_dim3A_103 = vector.broadcast %broadcast_in_dim3A_102 : f32 to vector<16xf32>
      %swap3A_104 = arith.index_cast %scan3A_60 : i32 to index
      %swap3A_105 = arith.constant 96 : index
      %swap3A_106 = tpu.vector_load %arg8[%swap3A_104, %swap3A_105] {strides = array<i32>} : memref<80x128xf32, #tpu.memory_space<vmem>>, vector<1x16xf32>,
      %swap3A_107 = vector.shape_cast %swap3A_106 : vector<1x16xf32> to vector<16xf32>
      %swap3A_108 = vector.shape_cast %broadcast_in_dim3A_103 : vector<16xf32> to vector<1x16xf32>
      tpu.vector_store %arg8[%swap3A_104, %swap3A_105], %swap3A_108 {strides = array<i32>} : memref<80x128xf32, #tpu.memory_space<vmem>>, vector<1x16xf32>,
      %broadcast_in_dim3A_109 = arith.constant 0.000000e+00 : f32
      %broadcast_in_dim3A_110 = vector.broadcast %broadcast_in_dim3A_109 : f32 to vector<16xf32>
      %swap3A_111 = arith.index_cast %scan3A_60 : i32 to index
      %swap3A_112 = arith.constant 112 : index
      %swap3A_113 = tpu.vector_load %arg8[%swap3A_111, %swap3A_112] {strides = array<i32>} : memref<80x128xf32, #tpu.memory_space<vmem>>, vector<1x16xf32>,
      %swap3A_114 = vector.shape_cast %swap3A_113 : vector<1x16xf32> to vector<16xf32>
      %swap3A_115 = vector.shape_cast %broadcast_in_dim3A_110 : vector<16xf32> to vector<1x16xf32>
      tpu.vector_store %arg8[%swap3A_111, %swap3A_112], %swap3A_115 {strides = array<i32>} : memref<80x128xf32, #tpu.memory_space<vmem>>, vector<1x16xf32>,
      %scan3A_116 = arith.constant 0 : i32
      scf.yield %scan3A_116 : i32
    }
    %scan3A_6 = arith.constant 80 : i32
    %mul3A_7 = arith.constant 640 : i32
    %mul3A_8 = arith.muli %arg1, %mul3A_7 : i32
    %add3A_9 = arith.constant 0 : i32
    %add3A_10 = arith.addi %mul3A_8, %add3A_9 : i32
    "tpu.region"() ({
      %run_scoped3A_60 = tpu.sem_alloc : memref<!tpu.dma_semaphore, #tpu.memory_space<semaphore_mem>>
      %dma_start3A_61 = arith.constant 0 : i32
      %dma_start3A_62 = tpu.memref_slice %arg10[%add3A_10, %dma_start3A_61] : memref<10240x128xf32, #tpu.memory_space<vmem_shared>> -> memref<80x128xf32, #tpu.memory_space<vmem_shared>>
      %dma_start3A_63 = arith.constant 0 : i32
      %dma_start3A_64 = tpu.memref_slice %arg10[%add3A_10, %dma_start3A_63] : memref<10240x128xf32, #tpu.memory_space<vmem_shared>> -> memref<80x128xf32, #tpu.memory_space<vmem_shared>>
      tpu.enqueue_dma source(%arg8 : memref<80x128xf32, #tpu.memory_space<vmem>>) target(%dma_start3A_64 : memref<80x128xf32, #tpu.memory_space<vmem_shared>>) target_semaphore(%run_scoped3A_60 : memref<!tpu.dma_semaphore, #tpu.memory_space<semaphore_mem>>)
      %dma_wait3A_65 = arith.constant 0 : i32
      %dma_wait3A_66 = tpu.memref_slice %arg10[%add3A_10, %dma_wait3A_65] : memref<10240x128xf32, #tpu.memory_space<vmem_shared>> -> memref<80x128xf32, #tpu.memory_space<vmem_shared>>
      %dma_wait3A_67 = arith.constant 0 : i32
      %dma_wait3A_68 = tpu.memref_slice %arg10[%add3A_10, %dma_wait3A_67] : memref<10240x128xf32, #tpu.memory_space<vmem_shared>> -> memref<80x128xf32, #tpu.memory_space<vmem_shared>>
      tpu.wait_dma2 semaphore(%run_scoped3A_60 : memref<!tpu.dma_semaphore, #tpu.memory_space<semaphore_mem>>) src(%arg8 : memref<80x128xf32, #tpu.memory_space<vmem>>) dst(%dma_wait3A_68 : memref<80x128xf32, #tpu.memory_space<vmem_shared>>)
      tpu.yield
    }) : () -> ()
    %mul3A_11 = arith.constant 640 : i32
    %mul3A_12 = arith.muli %arg1, %mul3A_11 : i32
    %add3A_13 = arith.constant 80 : i32
    %add3A_14 = arith.addi %mul3A_12, %add3A_13 : i32
    "tpu.region"() ({
      %run_scoped3A_60 = tpu.sem_alloc : memref<!tpu.dma_semaphore, #tpu.memory_space<semaphore_mem>>
      %dma_start3A_61 = arith.constant 0 : i32
      %dma_start3A_62 = tpu.memref_slice %arg10[%add3A_14, %dma_start3A_61] : memref<10240x128xf32, #tpu.memory_space<vmem_shared>> -> memref<80x128xf32, #tpu.memory_space<vmem_shared>>
      %dma_start3A_63 = arith.constant 0 : i32
      %dma_start3A_64 = tpu.memref_slice %arg10[%add3A_14, %dma_start3A_63] : memref<10240x128xf32, #tpu.memory_space<vmem_shared>> -> memref<80x128xf32, #tpu.memory_space<vmem_shared>>
      tpu.enqueue_dma source(%arg8 : memref<80x128xf32, #tpu.memory_space<vmem>>) target(%dma_start3A_64 : memref<80x128xf32, #tpu.memory_space<vmem_shared>>) target_semaphore(%run_scoped3A_60 : memref<!tpu.dma_semaphore, #tpu.memory_space<semaphore_mem>>)
      %dma_wait3A_65 = arith.constant 0 : i32
      %dma_wait3A_66 = tpu.memref_slice %arg10[%add3A_14, %dma_wait3A_65] : memref<10240x128xf32, #tpu.memory_space<vmem_shared>> -> memref<80x128xf32, #tpu.memory_space<vmem_shared>>
      %dma_wait3A_67 = arith.constant 0 : i32
      %dma_wait3A_68 = tpu.memref_slice %arg10[%add3A_14, %dma_wait3A_67] : memref<10240x128xf32, #tpu.memory_space<vmem_shared>> -> memref<80x128xf32, #tpu.memory_space<vmem_shared>>
      tpu.wait_dma2 semaphore(%run_scoped3A_60 : memref<!tpu.dma_semaphore, #tpu.memory_space<semaphore_mem>>) src(%arg8 : memref<80x128xf32, #tpu.memory_space<vmem>>) dst(%dma_wait3A_68 : memref<80x128xf32, #tpu.memory_space<vmem_shared>>)
      tpu.yield
    }) : () -> ()
    %mul3A_15 = arith.constant 640 : i32
    %mul3A_16 = arith.muli %arg1, %mul3A_15 : i32
    %add3A_17 = arith.constant 160 : i32
    %add3A_18 = arith.addi %mul3A_16, %add3A_17 : i32
    "tpu.region"() ({
      %run_scoped3A_60 = tpu.sem_alloc : memref<!tpu.dma_semaphore, #tpu.memory_space<semaphore_mem>>
      %dma_start3A_61 = arith.constant 0 : i32
      %dma_start3A_62 = tpu.memref_slice %arg10[%add3A_18, %dma_start3A_61] : memref<10240x128xf32, #tpu.memory_space<vmem_shared>> -> memref<80x128xf32, #tpu.memory_space<vmem_shared>>
      %dma_start3A_63 = arith.constant 0 : i32
      %dma_start3A_64 = tpu.memref_slice %arg10[%add3A_18, %dma_start3A_63] : memref<10240x128xf32, #tpu.memory_space<vmem_shared>> -> memref<80x128xf32, #tpu.memory_space<vmem_shared>>
      tpu.enqueue_dma source(%arg8 : memref<80x128xf32, #tpu.memory_space<vmem>>) target(%dma_start3A_64 : memref<80x128xf32, #tpu.memory_space<vmem_shared>>) target_semaphore(%run_scoped3A_60 : memref<!tpu.dma_semaphore, #tpu.memory_space<semaphore_mem>>)
      %dma_wait3A_65 = arith.constant 0 : i32
      %dma_wait3A_66 = tpu.memref_slice %arg10[%add3A_18, %dma_wait3A_65] : memref<10240x128xf32, #tpu.memory_space<vmem_shared>> -> memref<80x128xf32, #tpu.memory_space<vmem_shared>>
      %dma_wait3A_67 = arith.constant 0 : i32
      %dma_wait3A_68 = tpu.memref_slice %arg10[%add3A_18, %dma_wait3A_67] : memref<10240x128xf32, #tpu.memory_space<vmem_shared>> -> memref<80x128xf32, #tpu.memory_space<vmem_shared>>
      tpu.wait_dma2 semaphore(%run_scoped3A_60 : memref<!tpu.dma_semaphore, #tpu.memory_space<semaphore_mem>>) src(%arg8 : memref<80x128xf32, #tpu.memory_space<vmem>>) dst(%dma_wait3A_68 : memref<80x128xf32, #tpu.memory_space<vmem_shared>>)
      tpu.yield
    }) : () -> ()
    %mul3A_19 = arith.constant 640 : i32
    %mul3A_20 = arith.muli %arg1, %mul3A_19 : i32
    %add3A_21 = arith.constant 240 : i32
    %add3A_22 = arith.addi %mul3A_20, %add3A_21 : i32
    "tpu.region"() ({
      %run_scoped3A_60 = tpu.sem_alloc : memref<!tpu.dma_semaphore, #tpu.memory_space<semaphore_mem>>
      %dma_start3A_61 = arith.constant 0 : i32
      %dma_start3A_62 = tpu.memref_slice %arg10[%add3A_22, %dma_start3A_61] : memref<10240x128xf32, #tpu.memory_space<vmem_shared>> -> memref<80x128xf32, #tpu.memory_space<vmem_shared>>
      %dma_start3A_63 = arith.constant 0 : i32
      %dma_start3A_64 = tpu.memref_slice %arg10[%add3A_22, %dma_start3A_63] : memref<10240x128xf32, #tpu.memory_space<vmem_shared>> -> memref<80x128xf32, #tpu.memory_space<vmem_shared>>
      tpu.enqueue_dma source(%arg8 : memref<80x128xf32, #tpu.memory_space<vmem>>) target(%dma_start3A_64 : memref<80x128xf32, #tpu.memory_space<vmem_shared>>) target_semaphore(%run_scoped3A_60 : memref<!tpu.dma_semaphore, #tpu.memory_space<semaphore_mem>>)
      %dma_wait3A_65 = arith.constant 0 : i32
      %dma_wait3A_66 = tpu.memref_slice %arg10[%add3A_22, %dma_wait3A_65] : memref<10240x128xf32, #tpu.memory_space<vmem_shared>> -> memref<80x128xf32, #tpu.memory_space<vmem_shared>>
      %dma_wait3A_67 = arith.constant 0 : i32
      %dma_wait3A_68 = tpu.memref_slice %arg10[%add3A_22, %dma_wait3A_67] : memref<10240x128xf32, #tpu.memory_space<vmem_shared>> -> memref<80x128xf32, #tpu.memory_space<vmem_shared>>
      tpu.wait_dma2 semaphore(%run_scoped3A_60 : memref<!tpu.dma_semaphore, #tpu.memory_space<semaphore_mem>>) src(%arg8 : memref<80x128xf32, #tpu.memory_space<vmem>>) dst(%dma_wait3A_68 : memref<80x128xf32, #tpu.memory_space<vmem_shared>>)
      tpu.yield
    }) : () -> ()
    %mul3A_23 = arith.constant 640 : i32
    %mul3A_24 = arith.muli %arg1, %mul3A_23 : i32
    %add3A_25 = arith.constant 320 : i32
    %add3A_26 = arith.addi %mul3A_24, %add3A_25 : i32
    "tpu.region"() ({
      %run_scoped3A_60 = tpu.sem_alloc : memref<!tpu.dma_semaphore, #tpu.memory_space<semaphore_mem>>
      %dma_start3A_61 = arith.constant 0 : i32
      %dma_start3A_62 = tpu.memref_slice %arg10[%add3A_26, %dma_start3A_61] : memref<10240x128xf32, #tpu.memory_space<vmem_shared>> -> memref<80x128xf32, #tpu.memory_space<vmem_shared>>
      %dma_start3A_63 = arith.constant 0 : i32
      %dma_start3A_64 = tpu.memref_slice %arg10[%add3A_26, %dma_start3A_63] : memref<10240x128xf32, #tpu.memory_space<vmem_shared>> -> memref<80x128xf32, #tpu.memory_space<vmem_shared>>
      tpu.enqueue_dma source(%arg8 : memref<80x128xf32, #tpu.memory_space<vmem>>) target(%dma_start3A_64 : memref<80x128xf32, #tpu.memory_space<vmem_shared>>) target_semaphore(%run_scoped3A_60 : memref<!tpu.dma_semaphore, #tpu.memory_space<semaphore_mem>>)
      %dma_wait3A_65 = arith.constant 0 : i32
      %dma_wait3A_66 = tpu.memref_slice %arg10[%add3A_26, %dma_wait3A_65] : memref<10240x128xf32, #tpu.memory_space<vmem_shared>> -> memref<80x128xf32, #tpu.memory_space<vmem_shared>>
      %dma_wait3A_67 = arith.constant 0 : i32
      %dma_wait3A_68 = tpu.memref_slice %arg10[%add3A_26, %dma_wait3A_67] : memref<10240x128xf32, #tpu.memory_space<vmem_shared>> -> memref<80x128xf32, #tpu.memory_space<vmem_shared>>
      tpu.wait_dma2 semaphore(%run_scoped3A_60 : memref<!tpu.dma_semaphore, #tpu.memory_space<semaphore_mem>>) src(%arg8 : memref<80x128xf32, #tpu.memory_space<vmem>>) dst(%dma_wait3A_68 : memref<80x128xf32, #tpu.memory_space<vmem_shared>>)
      tpu.yield
    }) : () -> ()
    %mul3A_27 = arith.constant 640 : i32
    %mul3A_28 = arith.muli %arg1, %mul3A_27 : i32
    %add3A_29 = arith.constant 400 : i32
    %add3A_30 = arith.addi %mul3A_28, %add3A_29 : i32
    "tpu.region"() ({
      %run_scoped3A_60 = tpu.sem_alloc : memref<!tpu.dma_semaphore, #tpu.memory_space<semaphore_mem>>
      %dma_start3A_61 = arith.constant 0 : i32
      %dma_start3A_62 = tpu.memref_slice %arg10[%add3A_30, %dma_start3A_61] : memref<10240x128xf32, #tpu.memory_space<vmem_shared>> -> memref<80x128xf32, #tpu.memory_space<vmem_shared>>
      %dma_start3A_63 = arith.constant 0 : i32
      %dma_start3A_64 = tpu.memref_slice %arg10[%add3A_30, %dma_start3A_63] : memref<10240x128xf32, #tpu.memory_space<vmem_shared>> -> memref<80x128xf32, #tpu.memory_space<vmem_shared>>
      tpu.enqueue_dma source(%arg8 : memref<80x128xf32, #tpu.memory_space<vmem>>) target(%dma_start3A_64 : memref<80x128xf32, #tpu.memory_space<vmem_shared>>) target_semaphore(%run_scoped3A_60 : memref<!tpu.dma_semaphore, #tpu.memory_space<semaphore_mem>>)
      %dma_wait3A_65 = arith.constant 0 : i32
      %dma_wait3A_66 = tpu.memref_slice %arg10[%add3A_30, %dma_wait3A_65] : memref<10240x128xf32, #tpu.memory_space<vmem_shared>> -> memref<80x128xf32, #tpu.memory_space<vmem_shared>>
      %dma_wait3A_67 = arith.constant 0 : i32
      %dma_wait3A_68 = tpu.memref_slice %arg10[%add3A_30, %dma_wait3A_67] : memref<10240x128xf32, #tpu.memory_space<vmem_shared>> -> memref<80x128xf32, #tpu.memory_space<vmem_shared>>
      tpu.wait_dma2 semaphore(%run_scoped3A_60 : memref<!tpu.dma_semaphore, #tpu.memory_space<semaphore_mem>>) src(%arg8 : memref<80x128xf32, #tpu.memory_space<vmem>>) dst(%dma_wait3A_68 : memref<80x128xf32, #tpu.memory_space<vmem_shared>>)
      tpu.yield
    }) : () -> ()
    %mul3A_31 = arith.constant 640 : i32
    %mul3A_32 = arith.muli %arg1, %mul3A_31 : i32
    %add3A_33 = arith.constant 480 : i32
    %add3A_34 = arith.addi %mul3A_32, %add3A_33 : i32
    "tpu.region"() ({
      %run_scoped3A_60 = tpu.sem_alloc : memref<!tpu.dma_semaphore, #tpu.memory_space<semaphore_mem>>
      %dma_start3A_61 = arith.constant 0 : i32
      %dma_start3A_62 = tpu.memref_slice %arg10[%add3A_34, %dma_start3A_61] : memref<10240x128xf32, #tpu.memory_space<vmem_shared>> -> memref<80x128xf32, #tpu.memory_space<vmem_shared>>
      %dma_start3A_63 = arith.constant 0 : i32
      %dma_start3A_64 = tpu.memref_slice %arg10[%add3A_34, %dma_start3A_63] : memref<10240x128xf32, #tpu.memory_space<vmem_shared>> -> memref<80x128xf32, #tpu.memory_space<vmem_shared>>
      tpu.enqueue_dma source(%arg8 : memref<80x128xf32, #tpu.memory_space<vmem>>) target(%dma_start3A_64 : memref<80x128xf32, #tpu.memory_space<vmem_shared>>) target_semaphore(%run_scoped3A_60 : memref<!tpu.dma_semaphore, #tpu.memory_space<semaphore_mem>>)
      %dma_wait3A_65 = arith.constant 0 : i32
      %dma_wait3A_66 = tpu.memref_slice %arg10[%add3A_34, %dma_wait3A_65] : memref<10240x128xf32, #tpu.memory_space<vmem_shared>> -> memref<80x128xf32, #tpu.memory_space<vmem_shared>>
      %dma_wait3A_67 = arith.constant 0 : i32
      %dma_wait3A_68 = tpu.memref_slice %arg10[%add3A_34, %dma_wait3A_67] : memref<10240x128xf32, #tpu.memory_space<vmem_shared>> -> memref<80x128xf32, #tpu.memory_space<vmem_shared>>
      tpu.wait_dma2 semaphore(%run_scoped3A_60 : memref<!tpu.dma_semaphore, #tpu.memory_space<semaphore_mem>>) src(%arg8 : memref<80x128xf32, #tpu.memory_space<vmem>>) dst(%dma_wait3A_68 : memref<80x128xf32, #tpu.memory_space<vmem_shared>>)
      tpu.yield
    }) : () -> ()
    %mul3A_35 = arith.constant 640 : i32
    %mul3A_36 = arith.muli %arg1, %mul3A_35 : i32
    %add3A_37 = arith.constant 560 : i32
    %add3A_38 = arith.addi %mul3A_36, %add3A_37 : i32
    "tpu.region"() ({
      %run_scoped3A_60 = tpu.sem_alloc : memref<!tpu.dma_semaphore, #tpu.memory_space<semaphore_mem>>
      %dma_start3A_61 = arith.constant 0 : i32
      %dma_start3A_62 = tpu.memref_slice %arg10[%add3A_38, %dma_start3A_61] : memref<10240x128xf32, #tpu.memory_space<vmem_shared>> -> memref<80x128xf32, #tpu.memory_space<vmem_shared>>
      %dma_start3A_63 = arith.constant 0 : i32
      %dma_start3A_64 = tpu.memref_slice %arg10[%add3A_38, %dma_start3A_63] : memref<10240x128xf32, #tpu.memory_space<vmem_shared>> -> memref<80x128xf32, #tpu.memory_space<vmem_shared>>
      tpu.enqueue_dma source(%arg8 : memref<80x128xf32, #tpu.memory_space<vmem>>) target(%dma_start3A_64 : memref<80x128xf32, #tpu.memory_space<vmem_shared>>) target_semaphore(%run_scoped3A_60 : memref<!tpu.dma_semaphore, #tpu.memory_space<semaphore_mem>>)
      %dma_wait3A_65 = arith.constant 0 : i32
      %dma_wait3A_66 = tpu.memref_slice %arg10[%add3A_38, %dma_wait3A_65] : memref<10240x128xf32, #tpu.memory_space<vmem_shared>> -> memref<80x128xf32, #tpu.memory_space<vmem_shared>>
      %dma_wait3A_67 = arith.constant 0 : i32
      %dma_wait3A_68 = tpu.memref_slice %arg10[%add3A_38, %dma_wait3A_67] : memref<10240x128xf32, #tpu.memory_space<vmem_shared>> -> memref<80x128xf32, #tpu.memory_space<vmem_shared>>
      tpu.wait_dma2 semaphore(%run_scoped3A_60 : memref<!tpu.dma_semaphore, #tpu.memory_space<semaphore_mem>>) src(%arg8 : memref<80x128xf32, #tpu.memory_space<vmem>>) dst(%dma_wait3A_68 : memref<80x128xf32, #tpu.memory_space<vmem_shared>>)
      tpu.yield
    }) : () -> ()
    %barrier3A = arith.constant 0 : index
    tpu.barrier barrier_id(%barrier3A)
    %dma_start3A = arith.constant 0 : i32
    %dma_start3A_39 = tpu.memref_slice %arg6[%dma_start3A] : memref<10000xi32, #tpu.memory_space<vmem>> -> memref<80xi32, #tpu.memory_space<vmem>>
    %dma_start3A_40 = arith.constant 0 : i32
    %dma_start3A_41 = arith.constant 0 : i32
    %dma_start3A_42 = tpu.memref_slice %arg2[%dma_start3A_40, %dma_start3A_41] : memref<10000x128xf32, #tpu.memory_space<hbm>> -> memref<10000x128xf32, #tpu.memory_space<hbm>>
    tpu.enqueue_indirect_dma source(%dma_start3A_42 : memref<10000x128xf32, #tpu.memory_space<hbm>>) target(%arg8 : memref<80x128xf32, #tpu.memory_space<vmem>>) offsets(%dma_start3A_39 : memref<80xi32, #tpu.memory_space<vmem>>) semaphore(%arg11 : memref<!tpu.dma_semaphore, #tpu.memory_space<semaphore_mem>>)
    %scan3A_43 = arith.constant 0 : i32
    %scan3A_44 = arith.constant 0 : i32
    %scan3A_45 = arith.constant 62 : i32
    %scan3A_46 = arith.addi %scan3A_44, %scan3A_45 : i32
    %scan3A_47 = arith.constant 1 : i32
    %scan3A_48 = scf.for %scan3A_60 = %scan3A_44 to %scan3A_46 step %scan3A_47 iter_args(%scan3A_61 = %scan3A_43) -> (i32)  : i32 {
      %mul3A_62 = arith.constant 2 : i32
      %mul3A_63 = arith.muli %mul3A_62, %scan3A_60 : i32
      %add3A_64 = arith.constant 1 : i32
      %add3A_65 = arith.addi %mul3A_63, %add3A_64 : i32
      %mul3A_66 = arith.constant 80 : i32
      %mul3A_67 = arith.muli %add3A_65, %mul3A_66 : i32
      %dma_start3A_68 = tpu.memref_slice %arg6[%mul3A_67] : memref<10000xi32, #tpu.memory_space<vmem>> -> memref<80xi32, #tpu.memory_space<vmem>>
      %dma_start3A_69 = arith.constant 0 : i32
      %dma_start3A_70 = arith.constant 0 : i32
      %dma_start3A_71 = tpu.memref_slice %arg2[%dma_start3A_69, %dma_start3A_70] : memref<10000x128xf32, #tpu.memory_space<hbm>> -> memref<10000x128xf32, #tpu.memory_space<hbm>>
      tpu.enqueue_indirect_dma source(%dma_start3A_71 : memref<10000x128xf32, #tpu.memory_space<hbm>>) target(%arg9 : memref<80x128xf32, #tpu.memory_space<vmem>>) offsets(%dma_start3A_68 : memref<80xi32, #tpu.memory_space<vmem>>) semaphore(%arg12 : memref<!tpu.dma_semaphore, #tpu.memory_space<semaphore_mem>>)
      %dma_wait3A_72 = arith.constant 0 : i32
      %dma_wait3A_73 = arith.constant 0 : i32
      %dma_wait3A_74 = tpu.memref_slice %arg2[%dma_wait3A_72, %dma_wait3A_73] : memref<10000x128xf32, #tpu.memory_space<hbm>> -> memref<80x128xf32, #tpu.memory_space<hbm>>
      %dma_wait3A_75 = arith.constant 0 : i32
      %dma_wait3A_76 = arith.constant 0 : i32
      %dma_wait3A_77 = tpu.memref_slice %arg2[%dma_wait3A_75, %dma_wait3A_76] : memref<10000x128xf32, #tpu.memory_space<hbm>> -> memref<80x128xf32, #tpu.memory_space<hbm>>
      tpu.wait_dma2 semaphore(%arg11 : memref<!tpu.dma_semaphore, #tpu.memory_space<semaphore_mem>>) src(%dma_wait3A_77 : memref<80x128xf32, #tpu.memory_space<hbm>>) dst(%arg8 : memref<80x128xf32, #tpu.memory_space<vmem>>)
      "tpu.region"() ({
        %run_scoped3A_95 = tpu.sem_alloc : memref<!tpu.dma_semaphore, #tpu.memory_space<semaphore_mem>>
        %dma_start3A_96 = arith.constant 0 : i32
        %dma_start3A_97 = tpu.memref_slice %arg7[%mul3A_63, %dma_start3A_96] : memref<125x80xi32, #tpu.memory_space<vmem>> -> memref<1x80xi32, #tpu.memory_space<vmem>>
        %dma_start3A_98 = tpu.memref_squeeze %dma_start3A_97 : memref<1x80xi32, #tpu.memory_space<vmem>> -> memref<80xi32, #tpu.memory_space<vmem>>
        %dma_start3A_99 = arith.constant 0 : i32
        %dma_start3A_100 = arith.constant 0 : i32
        %dma_start3A_101 = tpu.memref_slice %arg10[%dma_start3A_99, %dma_start3A_100] : memref<10240x128xf32, #tpu.memory_space<vmem_shared>> -> memref<10240x128xf32, #tpu.memory_space<vmem_shared>>
        tpu.enqueue_indirect_dma source(%arg8 : memref<80x128xf32, #tpu.memory_space<vmem>>) target(%dma_start3A_101 : memref<10240x128xf32, #tpu.memory_space<vmem_shared>>) offsets(%dma_start3A_98 : memref<80xi32, #tpu.memory_space<vmem>>) semaphore(%run_scoped3A_95 : memref<!tpu.dma_semaphore, #tpu.memory_space<semaphore_mem>>) {add = true}
        %dma_wait3A_102 = arith.constant 0 : i32
        %dma_wait3A_103 = tpu.memref_slice %arg7[%mul3A_63, %dma_wait3A_102] : memref<125x80xi32, #tpu.memory_space<vmem>> -> memref<1x80xi32, #tpu.memory_space<vmem>>
        %dma_wait3A_104 = tpu.memref_squeeze %dma_wait3A_103 : memref<1x80xi32, #tpu.memory_space<vmem>> -> memref<80xi32, #tpu.memory_space<vmem>>
        %dma_wait3A_105 = arith.constant 0 : i32
        %dma_wait3A_106 = arith.constant 0 : i32
        %dma_wait3A_107 = tpu.memref_slice %arg10[%dma_wait3A_105, %dma_wait3A_106] : memref<10240x128xf32, #tpu.memory_space<vmem_shared>> -> memref<10240x128xf32, #tpu.memory_space<vmem_shared>>
        tpu.wait_indirect_dma semaphore(%run_scoped3A_95 : memref<!tpu.dma_semaphore, #tpu.memory_space<semaphore_mem>>) src(%arg8 : memref<80x128xf32, #tpu.memory_space<vmem>>) dst(%dma_wait3A_107 : memref<10240x128xf32, #tpu.memory_space<vmem_shared>>)
        tpu.yield
      }) : () -> ()
      %add3A_78 = arith.constant 2 : i32
      %add3A_79 = arith.addi %mul3A_63, %add3A_78 : i32
      %mul3A_80 = arith.constant 80 : i32
      %mul3A_81 = arith.muli %add3A_79, %mul3A_80 : i32
      %dma_start3A_82 = tpu.memref_slice %arg6[%mul3A_81] : memref<10000xi32, #tpu.memory_space<vmem>> -> memref<80xi32, #tpu.memory_space<vmem>>
      %dma_start3A_83 = arith.constant 0 : i32
      %dma_start3A_84 = arith.constant 0 : i32
      %dma_start3A_85 = tpu.memref_slice %arg2[%dma_start3A_83, %dma_start3A_84] : memref<10000x128xf32, #tpu.memory_space<hbm>> -> memref<10000x128xf32, #tpu.memory_space<hbm>>
      tpu.enqueue_indirect_dma source(%dma_start3A_85 : memref<10000x128xf32, #tpu.memory_space<hbm>>) target(%arg8 : memref<80x128xf32, #tpu.memory_space<vmem>>) offsets(%dma_start3A_82 : memref<80xi32, #tpu.memory_space<vmem>>) semaphore(%arg11 : memref<!tpu.dma_semaphore, #tpu.memory_space<semaphore_mem>>)
      %dma_wait3A_86 = arith.constant 0 : i32
      %dma_wait3A_87 = arith.constant 0 : i32
      %dma_wait3A_88 = tpu.memref_slice %arg2[%dma_wait3A_86, %dma_wait3A_87] : memref<10000x128xf32, #tpu.memory_space<hbm>> -> memref<80x128xf32, #tpu.memory_space<hbm>>
      %dma_wait3A_89 = arith.constant 0 : i32
      %dma_wait3A_90 = arith.constant 0 : i32
      %dma_wait3A_91 = tpu.memref_slice %arg2[%dma_wait3A_89, %dma_wait3A_90] : memref<10000x128xf32, #tpu.memory_space<hbm>> -> memref<80x128xf32, #tpu.memory_space<hbm>>
      tpu.wait_dma2 semaphore(%arg12 : memref<!tpu.dma_semaphore, #tpu.memory_space<semaphore_mem>>) src(%dma_wait3A_91 : memref<80x128xf32, #tpu.memory_space<hbm>>) dst(%arg9 : memref<80x128xf32, #tpu.memory_space<vmem>>)
      %add3A_92 = arith.constant 1 : i32
      %add3A_93 = arith.addi %mul3A_63, %add3A_92 : i32
      "tpu.region"() ({
        %run_scoped3A_95 = tpu.sem_alloc : memref<!tpu.dma_semaphore, #tpu.memory_space<semaphore_mem>>
        %dma_start3A_96 = arith.constant 0 : i32
        %dma_start3A_97 = tpu.memref_slice %arg7[%add3A_93, %dma_start3A_96] : memref<125x80xi32, #tpu.memory_space<vmem>> -> memref<1x80xi32, #tpu.memory_space<vmem>>
        %dma_start3A_98 = tpu.memref_squeeze %dma_start3A_97 : memref<1x80xi32, #tpu.memory_space<vmem>> -> memref<80xi32, #tpu.memory_space<vmem>>
        %dma_start3A_99 = arith.constant 0 : i32
        %dma_start3A_100 = arith.constant 0 : i32
        %dma_start3A_101 = tpu.memref_slice %arg10[%dma_start3A_99, %dma_start3A_100] : memref<10240x128xf32, #tpu.memory_space<vmem_shared>> -> memref<10240x128xf32, #tpu.memory_space<vmem_shared>>
        tpu.enqueue_indirect_dma source(%arg9 : memref<80x128xf32, #tpu.memory_space<vmem>>) target(%dma_start3A_101 : memref<10240x128xf32, #tpu.memory_space<vmem_shared>>) offsets(%dma_start3A_98 : memref<80xi32, #tpu.memory_space<vmem>>) semaphore(%run_scoped3A_95 : memref<!tpu.dma_semaphore, #tpu.memory_space<semaphore_mem>>) {add = true}
        %dma_wait3A_102 = arith.constant 0 : i32
        %dma_wait3A_103 = tpu.memref_slice %arg7[%add3A_93, %dma_wait3A_102] : memref<125x80xi32, #tpu.memory_space<vmem>> -> memref<1x80xi32, #tpu.memory_space<vmem>>
        %dma_wait3A_104 = tpu.memref_squeeze %dma_wait3A_103 : memref<1x80xi32, #tpu.memory_space<vmem>> -> memref<80xi32, #tpu.memory_space<vmem>>
        %dma_wait3A_105 = arith.constant 0 : i32
        %dma_wait3A_106 = arith.constant 0 : i32
        %dma_wait3A_107 = tpu.memref_slice %arg10[%dma_wait3A_105, %dma_wait3A_106] : memref<10240x128xf32, #tpu.memory_space<vmem_shared>> -> memref<10240x128xf32, #tpu.memory_space<vmem_shared>>
        tpu.wait_indirect_dma semaphore(%run_scoped3A_95 : memref<!tpu.dma_semaphore, #tpu.memory_space<semaphore_mem>>) src(%arg9 : memref<80x128xf32, #tpu.memory_space<vmem>>) dst(%dma_wait3A_107 : memref<10240x128xf32, #tpu.memory_space<vmem_shared>>)
        tpu.yield
      }) : () -> ()
      %scan3A_94 = arith.constant 0 : i32
      scf.yield %scan3A_94 : i32
    }
    %scan3A_49 = arith.constant 62 : i32
    %dma_wait3A = arith.constant 0 : i32
    %dma_wait3A_50 = arith.constant 0 : i32
    %dma_wait3A_51 = tpu.memref_slice %arg2[%dma_wait3A, %dma_wait3A_50] : memref<10000x128xf32, #tpu.memory_space<hbm>> -> memref<80x128xf32, #tpu.memory_space<hbm>>
    %dma_wait3A_52 = arith.constant 0 : i32
    %dma_wait3A_53 = arith.constant 0 : i32
    %dma_wait3A_54 = tpu.memref_slice %arg2[%dma_wait3A_52, %dma_wait3A_53] : memref<10000x128xf32, #tpu.memory_space<hbm>> -> memref<80x128xf32, #tpu.memory_space<hbm>>
    tpu.wait_dma2 semaphore(%arg11 : memref<!tpu.dma_semaphore, #tpu.memory_space<semaphore_mem>>) src(%dma_wait3A_54 : memref<80x128xf32, #tpu.memory_space<hbm>>) dst(%arg8 : memref<80x128xf32, #tpu.memory_space<vmem>>)
    %run_scoped3A = arith.constant 124 : i32
    "tpu.region"() ({
      %run_scoped3A_60 = tpu.sem_alloc : memref<!tpu.dma_semaphore, #tpu.memory_space<semaphore_mem>>
      %dma_start3A_61 = arith.constant 0 : i32
      %dma_start3A_62 = tpu.memref_slice %arg7[%run_scoped3A, %dma_start3A_61] : memref<125x80xi32, #tpu.memory_space<vmem>> -> memref<1x80xi32, #tpu.memory_space<vmem>>
      %dma_start3A_63 = tpu.memref_squeeze %dma_start3A_62 : memref<1x80xi32, #tpu.memory_space<vmem>> -> memref<80xi32, #tpu.memory_space<vmem>>
      %dma_start3A_64 = arith.constant 0 : i32
      %dma_start3A_65 = arith.constant 0 : i32
      %dma_start3A_66 = tpu.memref_slice %arg10[%dma_start3A_64, %dma_start3A_65] : memref<10240x128xf32, #tpu.memory_space<vmem_shared>> -> memref<10240x128xf32, #tpu.memory_space<vmem_shared>>
      tpu.enqueue_indirect_dma source(%arg8 : memref<80x128xf32, #tpu.memory_space<vmem>>) target(%dma_start3A_66 : memref<10240x128xf32, #tpu.memory_space<vmem_shared>>) offsets(%dma_start3A_63 : memref<80xi32, #tpu.memory_space<vmem>>) semaphore(%run_scoped3A_60 : memref<!tpu.dma_semaphore, #tpu.memory_space<semaphore_mem>>) {add = true}
      %dma_wait3A_67 = arith.constant 0 : i32
      %dma_wait3A_68 = tpu.memref_slice %arg7[%run_scoped3A, %dma_wait3A_67] : memref<125x80xi32, #tpu.memory_space<vmem>> -> memref<1x80xi32, #tpu.memory_space<vmem>>
      %dma_wait3A_69 = tpu.memref_squeeze %dma_wait3A_68 : memref<1x80xi32, #tpu.memory_space<vmem>> -> memref<80xi32, #tpu.memory_space<vmem>>
      %dma_wait3A_70 = arith.constant 0 : i32
      %dma_wait3A_71 = arith.constant 0 : i32
      %dma_wait3A_72 = tpu.memref_slice %arg10[%dma_wait3A_70, %dma_wait3A_71] : memref<10240x128xf32, #tpu.memory_space<vmem_shared>> -> memref<10240x128xf32, #tpu.memory_space<vmem_shared>>
      tpu.wait_indirect_dma semaphore(%run_scoped3A_60 : memref<!tpu.dma_semaphore, #tpu.memory_space<semaphore_mem>>) src(%arg8 : memref<80x128xf32, #tpu.memory_space<vmem>>) dst(%dma_wait3A_72 : memref<10240x128xf32, #tpu.memory_space<vmem_shared>>)
      tpu.yield
    }) : () -> ()
    %barrier3A_55 = arith.constant 0 : index
    tpu.barrier barrier_id(%barrier3A_55)
    %mul3A_56 = arith.constant 640 : i32
    %mul3A_57 = arith.muli %arg1, %mul3A_56 : i32
    %mul3A_58 = arith.constant 640 : i32
    %mul3A_59 = arith.muli %arg1, %mul3A_58 : i32
    "tpu.region"() ({
      %run_scoped3A_60 = tpu.sem_alloc : memref<!tpu.dma_semaphore, #tpu.memory_space<semaphore_mem>>
      %dma_start3A_61 = arith.constant 0 : i32
      %dma_start3A_62 = tpu.memref_slice %arg5[%arg0, %mul3A_59, %dma_start3A_61] : memref<2x10240x128xf32, #tpu.memory_space<hbm>> -> memref<1x640x128xf32, #tpu.memory_space<hbm>>
      %dma_start3A_63 = tpu.memref_squeeze %dma_start3A_62 : memref<1x640x128xf32, #tpu.memory_space<hbm>> -> memref<640x128xf32, #tpu.memory_space<hbm>>
      %dma_start3A_64 = arith.constant 0 : i32
      %dma_start3A_65 = tpu.memref_slice %arg10[%mul3A_57, %dma_start3A_64] : memref<10240x128xf32, #tpu.memory_space<vmem_shared>> -> memref<640x128xf32, #tpu.memory_space<vmem_shared>>
      tpu.enqueue_dma source(%dma_start3A_65 : memref<640x128xf32, #tpu.memory_space<vmem_shared>>) target(%dma_start3A_63 : memref<640x128xf32, #tpu.memory_space<hbm>>) target_semaphore(%run_scoped3A_60 : memref<!tpu.dma_semaphore, #tpu.memory_space<semaphore_mem>>)
      %dma_wait3A_66 = arith.constant 0 : i32
      %dma_wait3A_67 = tpu.memref_slice %arg5[%arg0, %mul3A_59, %dma_wait3A_66] : memref<2x10240x128xf32, #tpu.memory_space<hbm>> -> memref<1x640x128xf32, #tpu.memory_space<hbm>>
      %dma_wait3A_68 = tpu.memref_squeeze %dma_wait3A_67 : memref<1x640x128xf32, #tpu.memory_space<hbm>> -> memref<640x128xf32, #tpu.memory_space<hbm>>
      %dma_wait3A_69 = arith.constant 0 : i32
      %dma_wait3A_70 = tpu.memref_slice %arg10[%mul3A_57, %dma_wait3A_69] : memref<10240x128xf32, #tpu.memory_space<vmem_shared>> -> memref<640x128xf32, #tpu.memory_space<vmem_shared>>
      tpu.wait_dma2 semaphore(%run_scoped3A_60 : memref<!tpu.dma_semaphore, #tpu.memory_space<semaphore_mem>>) src(%dma_wait3A_70 : memref<640x128xf32, #tpu.memory_space<vmem_shared>>) dst(%dma_wait3A_68 : memref<640x128xf32, #tpu.memory_space<hbm>>)
      tpu.yield
    }) : () -> ()
    return
  }
}

#map = affine_map<(d0, d1) -> (0, 0)>
#map1 = affine_map<(d0, d1) -> (0, 0, 0)>
module attributes {stable_mosaic.version = 14 : i64} {
  func.func @k(%arg0: i32, %arg1: i32, %arg2: memref<10000x128xf32, #tpu.memory_space<hbm>>, %arg3: memref<32x10000xi32, #tpu.memory_space<hbm>>, %arg4: memref<32x125x80xi32, #tpu.memory_space<hbm>>, %arg5: memref<2x10240x128xf32, #tpu.memory_space<hbm>>, %arg6: memref<10000xi32, #tpu.memory_space<vmem>>, %arg7: memref<125x80xi32, #tpu.memory_space<vmem>>, %arg8: memref<80x128xf32, #tpu.memory_space<vmem>>, %arg9: memref<80x128xf32, #tpu.memory_space<vmem>>, %arg10: memref<10240x128xf32, #tpu.memory_space<vmem_shared>>, %arg11: memref<!tpu.dma_semaphore, #tpu.memory_space<semaphore_mem>>, %arg12: memref<!tpu.dma_semaphore, #tpu.memory_space<semaphore_mem>>) attributes {dimension_semantics = [#tpu.dimension_semantics<core_parallel>, #tpu.dimension_semantics<subcore_parallel>], iteration_bounds = array<i64: 2, 16>, scalar_prefetch = 0 : i64, scratch_operands = 7 : i64, tpu.core_type = #tpu.core_type<sc_vector_subcore>, window_params = [{transform_indices = #map}, {transform_indices = #map}, {transform_indices = #map1}, {transform_indices = #map1}]} {
    %mul3A = arith.constant 2 : i32
    %mul3A_0 = arith.muli %arg1, %mul3A : i32
    %add3A = arith.addi %mul3A_0, %arg0 : i32
    "tpu.region"() ({
      %run_scoped3A_60 = tpu.sem_alloc : memref<!tpu.dma_semaphore, #tpu.memory_space<semaphore_mem>>
      %dma_start3A_61 = arith.constant 0 : i32
      %dma_start3A_62 = tpu.memref_slice %arg3[%add3A, %dma_start3A_61] : memref<32x10000xi32, #tpu.memory_space<hbm>> -> memref<1x10000xi32, #tpu.memory_space<hbm>>
      %dma_start3A_63 = tpu.memref_squeeze %dma_start3A_62 : memref<1x10000xi32, #tpu.memory_space<hbm>> -> memref<10000xi32, #tpu.memory_space<hbm>>
      %dma_start3A_64 = arith.constant 0 : i32
      %dma_start3A_65 = tpu.memref_slice %arg3[%add3A, %dma_start3A_64] : memref<32x10000xi32, #tpu.memory_space<hbm>> -> memref<1x10000xi32, #tpu.memory_space<hbm>>
      %dma_start3A_66 = tpu.memref_squeeze %dma_start3A_65 : memref<1x10000xi32, #tpu.memory_space<hbm>> -> memref<10000xi32, #tpu.memory_space<hbm>>
      tpu.enqueue_dma source(%dma_start3A_66 : memref<10000xi32, #tpu.memory_space<hbm>>) target(%arg6 : memref<10000xi32, #tpu.memory_space<vmem>>) target_semaphore(%run_scoped3A_60 : memref<!tpu.dma_semaphore, #tpu.memory_space<semaphore_mem>>)
      %dma_wait3A_67 = arith.constant 0 : i32
      %dma_wait3A_68 = tpu.memref_slice %arg3[%add3A, %dma_wait3A_67] : memref<32x10000xi32, #tpu.memory_space<hbm>> -> memref<1x10000xi32, #tpu.memory_space<hbm>>
      %dma_wait3A_69 = tpu.memref_squeeze %dma_wait3A_68 : memref<1x10000xi32, #tpu.memory_space<hbm>> -> memref<10000xi32, #tpu.memory_space<hbm>>
      %dma_wait3A_70 = arith.constant 0 : i32
      %dma_wait3A_71 = tpu.memref_slice %arg3[%add3A, %dma_wait3A_70] : memref<32x10000xi32, #tpu.memory_space<hbm>> -> memref<1x10000xi32, #tpu.memory_space<hbm>>
      %dma_wait3A_72 = tpu.memref_squeeze %dma_wait3A_71 : memref<1x10000xi32, #tpu.memory_space<hbm>> -> memref<10000xi32, #tpu.memory_space<hbm>>
      tpu.wait_dma2 semaphore(%run_scoped3A_60 : memref<!tpu.dma_semaphore, #tpu.memory_space<semaphore_mem>>) src(%dma_wait3A_72 : memref<10000xi32, #tpu.memory_space<hbm>>) dst(%arg6 : memref<10000xi32, #tpu.memory_space<vmem>>)
      tpu.yield
    }) : () -> ()
    "tpu.region"() ({
      %run_scoped3A_60 = tpu.sem_alloc : memref<!tpu.dma_semaphore, #tpu.memory_space<semaphore_mem>>
      %dma_start3A_61 = arith.constant 0 : i32
      %dma_start3A_62 = arith.constant 0 : i32
      %dma_start3A_63 = tpu.memref_slice %arg4[%add3A, %dma_start3A_61, %dma_start3A_62] : memref<32x125x80xi32, #tpu.memory_space<hbm>> -> memref<1x125x80xi32, #tpu.memory_space<hbm>>
      %dma_start3A_64 = tpu.memref_squeeze %dma_start3A_63 : memref<1x125x80xi32, #tpu.memory_space<hbm>> -> memref<125x80xi32, #tpu.memory_space<hbm>>
      %dma_start3A_65 = arith.constant 0 : i32
      %dma_start3A_66 = arith.constant 0 : i32
      %dma_start3A_67 = tpu.memref_slice %arg4[%add3A, %dma_start3A_65, %dma_start3A_66] : memref<32x125x80xi32, #tpu.memory_space<hbm>> -> memref<1x125x80xi32, #tpu.memory_space<hbm>>
      %dma_start3A_68 = tpu.memref_squeeze %dma_start3A_67 : memref<1x125x80xi32, #tpu.memory_space<hbm>> -> memref<125x80xi32, #tpu.memory_space<hbm>>
      tpu.enqueue_dma source(%dma_start3A_68 : memref<125x80xi32, #tpu.memory_space<hbm>>) target(%arg7 : memref<125x80xi32, #tpu.memory_space<vmem>>) target_semaphore(%run_scoped3A_60 : memref<!tpu.dma_semaphore, #tpu.memory_space<semaphore_mem>>)
      %dma_wait3A_69 = arith.constant 0 : i32
      %dma_wait3A_70 = arith.constant 0 : i32
      %dma_wait3A_71 = tpu.memref_slice %arg4[%add3A, %dma_wait3A_69, %dma_wait3A_70] : memref<32x125x80xi32, #tpu.memory_space<hbm>> -> memref<1x125x80xi32, #tpu.memory_space<hbm>>
      %dma_wait3A_72 = tpu.memref_squeeze %dma_wait3A_71 : memref<1x125x80xi32, #tpu.memory_space<hbm>> -> memref<125x80xi32, #tpu.memory_space<hbm>>
      %dma_wait3A_73 = arith.constant 0 : i32
      %dma_wait3A_74 = arith.constant 0 : i32
      %dma_wait3A_75 = tpu.memref_slice %arg4[%add3A, %dma_wait3A_73, %dma_wait3A_74] : memref<32x125x80xi32, #tpu.memory_space<hbm>> -> memref<1x125x80xi32, #tpu.memory_space<hbm>>
      %dma_wait3A_76 = tpu.memref_squeeze %dma_wait3A_75 : memref<1x125x80xi32, #tpu.memory_space<hbm>> -> memref<125x80xi32, #tpu.memory_space<hbm>>
      tpu.wait_dma2 semaphore(%run_scoped3A_60 : memref<!tpu.dma_semaphore, #tpu.memory_space<semaphore_mem>>) src(%dma_wait3A_76 : memref<125x80xi32, #tpu.memory_space<hbm>>) dst(%arg7 : memref<125x80xi32, #tpu.memory_space<vmem>>)
      tpu.yield
    }) : () -> ()
    %scan3A = arith.constant 0 : i32
    %scan3A_1 = arith.constant 0 : i32
    %scan3A_2 = arith.constant 80 : i32
    %scan3A_3 = arith.addi %scan3A_1, %scan3A_2 : i32
    %scan3A_4 = arith.constant 1 : i32
    %scan3A_5 = scf.for %scan3A_60 = %scan3A_1 to %scan3A_3 step %scan3A_4 iter_args(%scan3A_61 = %scan3A) -> (i32)  : i32 {
      %broadcast_in_dim3A = arith.constant 0.000000e+00 : f32
      %broadcast_in_dim3A_62 = vector.broadcast %broadcast_in_dim3A : f32 to vector<16xf32>
      %swap3A = arith.index_cast %scan3A_60 : i32 to index
      %swap3A_63 = arith.constant 0 : index
      %swap3A_64 = tpu.vector_load %arg8[%swap3A, %swap3A_63] {strides = array<i32>} : memref<80x128xf32, #tpu.memory_space<vmem>>, vector<1x16xf32>,
      %swap3A_65 = vector.shape_cast %swap3A_64 : vector<1x16xf32> to vector<16xf32>
      %swap3A_66 = vector.shape_cast %broadcast_in_dim3A_62 : vector<16xf32> to vector<1x16xf32>
      tpu.vector_store %arg8[%swap3A, %swap3A_63], %swap3A_66 {strides = array<i32>} : memref<80x128xf32, #tpu.memory_space<vmem>>, vector<1x16xf32>,
      %broadcast_in_dim3A_67 = arith.constant 0.000000e+00 : f32
      %broadcast_in_dim3A_68 = vector.broadcast %broadcast_in_dim3A_67 : f32 to vector<16xf32>
      %swap3A_69 = arith.index_cast %scan3A_60 : i32 to index
      %swap3A_70 = arith.constant 16 : index
      %swap3A_71 = tpu.vector_load %arg8[%swap3A_69, %swap3A_70] {strides = array<i32>} : memref<80x128xf32, #tpu.memory_space<vmem>>, vector<1x16xf32>,
      %swap3A_72 = vector.shape_cast %swap3A_71 : vector<1x16xf32> to vector<16xf32>
      %swap3A_73 = vector.shape_cast %broadcast_in_dim3A_68 : vector<16xf32> to vector<1x16xf32>
      tpu.vector_store %arg8[%swap3A_69, %swap3A_70], %swap3A_73 {strides = array<i32>} : memref<80x128xf32, #tpu.memory_space<vmem>>, vector<1x16xf32>,
      %broadcast_in_dim3A_74 = arith.constant 0.000000e+00 : f32
      %broadcast_in_dim3A_75 = vector.broadcast %broadcast_in_dim3A_74 : f32 to vector<16xf32>
      %swap3A_76 = arith.index_cast %scan3A_60 : i32 to index
      %swap3A_77 = arith.constant 32 : index
      %swap3A_78 = tpu.vector_load %arg8[%swap3A_76, %swap3A_77] {strides = array<i32>} : memref<80x128xf32, #tpu.memory_space<vmem>>, vector<1x16xf32>,
      %swap3A_79 = vector.shape_cast %swap3A_78 : vector<1x16xf32> to vector<16xf32>
      %swap3A_80 = vector.shape_cast %broadcast_in_dim3A_75 : vector<16xf32> to vector<1x16xf32>
      tpu.vector_store %arg8[%swap3A_76, %swap3A_77], %swap3A_80 {strides = array<i32>} : memref<80x128xf32, #tpu.memory_space<vmem>>, vector<1x16xf32>,
      %broadcast_in_dim3A_81 = arith.constant 0.000000e+00 : f32
      %broadcast_in_dim3A_82 = vector.broadcast %broadcast_in_dim3A_81 : f32 to vector<16xf32>
      %swap3A_83 = arith.index_cast %scan3A_60 : i32 to index
      %swap3A_84 = arith.constant 48 : index
      %swap3A_85 = tpu.vector_load %arg8[%swap3A_83, %swap3A_84] {strides = array<i32>} : memref<80x128xf32, #tpu.memory_space<vmem>>, vector<1x16xf32>,
      %swap3A_86 = vector.shape_cast %swap3A_85 : vector<1x16xf32> to vector<16xf32>
      %swap3A_87 = vector.shape_cast %broadcast_in_dim3A_82 : vector<16xf32> to vector<1x16xf32>
      tpu.vector_store %arg8[%swap3A_83, %swap3A_84], %swap3A_87 {strides = array<i32>} : memref<80x128xf32, #tpu.memory_space<vmem>>, vector<1x16xf32>,
      %broadcast_in_dim3A_88 = arith.constant 0.000000e+00 : f32
      %broadcast_in_dim3A_89 = vector.broadcast %broadcast_in_dim3A_88 : f32 to vector<16xf32>
      %swap3A_90 = arith.index_cast %scan3A_60 : i32 to index
      %swap3A_91 = arith.constant 64 : index
      %swap3A_92 = tpu.vector_load %arg8[%swap3A_90, %swap3A_91] {strides = array<i32>} : memref<80x128xf32, #tpu.memory_space<vmem>>, vector<1x16xf32>,
      %swap3A_93 = vector.shape_cast %swap3A_92 : vector<1x16xf32> to vector<16xf32>
      %swap3A_94 = vector.shape_cast %broadcast_in_dim3A_89 : vector<16xf32> to vector<1x16xf32>
      tpu.vector_store %arg8[%swap3A_90, %swap3A_91], %swap3A_94 {strides = array<i32>} : memref<80x128xf32, #tpu.memory_space<vmem>>, vector<1x16xf32>,
      %broadcast_in_dim3A_95 = arith.constant 0.000000e+00 : f32
      %broadcast_in_dim3A_96 = vector.broadcast %broadcast_in_dim3A_95 : f32 to vector<16xf32>
      %swap3A_97 = arith.index_cast %scan3A_60 : i32 to index
      %swap3A_98 = arith.constant 80 : index
      %swap3A_99 = tpu.vector_load %arg8[%swap3A_97, %swap3A_98] {strides = array<i32>} : memref<80x128xf32, #tpu.memory_space<vmem>>, vector<1x16xf32>,
      %swap3A_100 = vector.shape_cast %swap3A_99 : vector<1x16xf32> to vector<16xf32>
      %swap3A_101 = vector.shape_cast %broadcast_in_dim3A_96 : vector<16xf32> to vector<1x16xf32>
      tpu.vector_store %arg8[%swap3A_97, %swap3A_98], %swap3A_101 {strides = array<i32>} : memref<80x128xf32, #tpu.memory_space<vmem>>, vector<1x16xf32>,
      %broadcast_in_dim3A_102 = arith.constant 0.000000e+00 : f32
      %broadcast_in_dim3A_103 = vector.broadcast %broadcast_in_dim3A_102 : f32 to vector<16xf32>
      %swap3A_104 = arith.index_cast %scan3A_60 : i32 to index
      %swap3A_105 = arith.constant 96 : index
      %swap3A_106 = tpu.vector_load %arg8[%swap3A_104, %swap3A_105] {strides = array<i32>} : memref<80x128xf32, #tpu.memory_space<vmem>>, vector<1x16xf32>,
      %swap3A_107 = vector.shape_cast %swap3A_106 : vector<1x16xf32> to vector<16xf32>
      %swap3A_108 = vector.shape_cast %broadcast_in_dim3A_103 : vector<16xf32> to vector<1x16xf32>
      tpu.vector_store %arg8[%swap3A_104, %swap3A_105], %swap3A_108 {strides = array<i32>} : memref<80x128xf32, #tpu.memory_space<vmem>>, vector<1x16xf32>,
      %broadcast_in_dim3A_109 = arith.constant 0.000000e+00 : f32
      %broadcast_in_dim3A_110 = vector.broadcast %broadcast_in_dim3A_109 : f32 to vector<16xf32>
      %swap3A_111 = arith.index_cast %scan3A_60 : i32 to index
      %swap3A_112 = arith.constant 112 : index
      %swap3A_113 = tpu.vector_load %arg8[%swap3A_111, %swap3A_112] {strides = array<i32>} : memref<80x128xf32, #tpu.memory_space<vmem>>, vector<1x16xf32>,
      %swap3A_114 = vector.shape_cast %swap3A_113 : vector<1x16xf32> to vector<16xf32>
      %swap3A_115 = vector.shape_cast %broadcast_in_dim3A_110 : vector<16xf32> to vector<1x16xf32>
      tpu.vector_store %arg8[%swap3A_111, %swap3A_112], %swap3A_115 {strides = array<i32>} : memref<80x128xf32, #tpu.memory_space<vmem>>, vector<1x16xf32>,
      %scan3A_116 = arith.constant 0 : i32
      scf.yield %scan3A_116 : i32
    }
    %scan3A_6 = arith.constant 80 : i32
    %mul3A_7 = arith.constant 640 : i32
    %mul3A_8 = arith.muli %arg1, %mul3A_7 : i32
    %add3A_9 = arith.constant 0 : i32
    %add3A_10 = arith.addi %mul3A_8, %add3A_9 : i32
    "tpu.region"() ({
      %run_scoped3A_60 = tpu.sem_alloc : memref<!tpu.dma_semaphore, #tpu.memory_space<semaphore_mem>>
      %dma_start3A_61 = arith.constant 0 : i32
      %dma_start3A_62 = tpu.memref_slice %arg10[%add3A_10, %dma_start3A_61] : memref<10240x128xf32, #tpu.memory_space<vmem_shared>> -> memref<80x128xf32, #tpu.memory_space<vmem_shared>>
      %dma_start3A_63 = arith.constant 0 : i32
      %dma_start3A_64 = tpu.memref_slice %arg10[%add3A_10, %dma_start3A_63] : memref<10240x128xf32, #tpu.memory_space<vmem_shared>> -> memref<80x128xf32, #tpu.memory_space<vmem_shared>>
      tpu.enqueue_dma source(%arg8 : memref<80x128xf32, #tpu.memory_space<vmem>>) target(%dma_start3A_64 : memref<80x128xf32, #tpu.memory_space<vmem_shared>>) target_semaphore(%run_scoped3A_60 : memref<!tpu.dma_semaphore, #tpu.memory_space<semaphore_mem>>)
      %dma_wait3A_65 = arith.constant 0 : i32
      %dma_wait3A_66 = tpu.memref_slice %arg10[%add3A_10, %dma_wait3A_65] : memref<10240x128xf32, #tpu.memory_space<vmem_shared>> -> memref<80x128xf32, #tpu.memory_space<vmem_shared>>
      %dma_wait3A_67 = arith.constant 0 : i32
      %dma_wait3A_68 = tpu.memref_slice %arg10[%add3A_10, %dma_wait3A_67] : memref<10240x128xf32, #tpu.memory_space<vmem_shared>> -> memref<80x128xf32, #tpu.memory_space<vmem_shared>>
      tpu.wait_dma2 semaphore(%run_scoped3A_60 : memref<!tpu.dma_semaphore, #tpu.memory_space<semaphore_mem>>) src(%arg8 : memref<80x128xf32, #tpu.memory_space<vmem>>) dst(%dma_wait3A_68 : memref<80x128xf32, #tpu.memory_space<vmem_shared>>)
      tpu.yield
    }) : () -> ()
    %mul3A_11 = arith.constant 640 : i32
    %mul3A_12 = arith.muli %arg1, %mul3A_11 : i32
    %add3A_13 = arith.constant 80 : i32
    %add3A_14 = arith.addi %mul3A_12, %add3A_13 : i32
    "tpu.region"() ({
      %run_scoped3A_60 = tpu.sem_alloc : memref<!tpu.dma_semaphore, #tpu.memory_space<semaphore_mem>>
      %dma_start3A_61 = arith.constant 0 : i32
      %dma_start3A_62 = tpu.memref_slice %arg10[%add3A_14, %dma_start3A_61] : memref<10240x128xf32, #tpu.memory_space<vmem_shared>> -> memref<80x128xf32, #tpu.memory_space<vmem_shared>>
      %dma_start3A_63 = arith.constant 0 : i32
      %dma_start3A_64 = tpu.memref_slice %arg10[%add3A_14, %dma_start3A_63] : memref<10240x128xf32, #tpu.memory_space<vmem_shared>> -> memref<80x128xf32, #tpu.memory_space<vmem_shared>>
      tpu.enqueue_dma source(%arg8 : memref<80x128xf32, #tpu.memory_space<vmem>>) target(%dma_start3A_64 : memref<80x128xf32, #tpu.memory_space<vmem_shared>>) target_semaphore(%run_scoped3A_60 : memref<!tpu.dma_semaphore, #tpu.memory_space<semaphore_mem>>)
      %dma_wait3A_65 = arith.constant 0 : i32
      %dma_wait3A_66 = tpu.memref_slice %arg10[%add3A_14, %dma_wait3A_65] : memref<10240x128xf32, #tpu.memory_space<vmem_shared>> -> memref<80x128xf32, #tpu.memory_space<vmem_shared>>
      %dma_wait3A_67 = arith.constant 0 : i32
      %dma_wait3A_68 = tpu.memref_slice %arg10[%add3A_14, %dma_wait3A_67] : memref<10240x128xf32, #tpu.memory_space<vmem_shared>> -> memref<80x128xf32, #tpu.memory_space<vmem_shared>>
      tpu.wait_dma2 semaphore(%run_scoped3A_60 : memref<!tpu.dma_semaphore, #tpu.memory_space<semaphore_mem>>) src(%arg8 : memref<80x128xf32, #tpu.memory_space<vmem>>) dst(%dma_wait3A_68 : memref<80x128xf32, #tpu.memory_space<vmem_shared>>)
      tpu.yield
    }) : () -> ()
    %mul3A_15 = arith.constant 640 : i32
    %mul3A_16 = arith.muli %arg1, %mul3A_15 : i32
    %add3A_17 = arith.constant 160 : i32
    %add3A_18 = arith.addi %mul3A_16, %add3A_17 : i32
    "tpu.region"() ({
      %run_scoped3A_60 = tpu.sem_alloc : memref<!tpu.dma_semaphore, #tpu.memory_space<semaphore_mem>>
      %dma_start3A_61 = arith.constant 0 : i32
      %dma_start3A_62 = tpu.memref_slice %arg10[%add3A_18, %dma_start3A_61] : memref<10240x128xf32, #tpu.memory_space<vmem_shared>> -> memref<80x128xf32, #tpu.memory_space<vmem_shared>>
      %dma_start3A_63 = arith.constant 0 : i32
      %dma_start3A_64 = tpu.memref_slice %arg10[%add3A_18, %dma_start3A_63] : memref<10240x128xf32, #tpu.memory_space<vmem_shared>> -> memref<80x128xf32, #tpu.memory_space<vmem_shared>>
      tpu.enqueue_dma source(%arg8 : memref<80x128xf32, #tpu.memory_space<vmem>>) target(%dma_start3A_64 : memref<80x128xf32, #tpu.memory_space<vmem_shared>>) target_semaphore(%run_scoped3A_60 : memref<!tpu.dma_semaphore, #tpu.memory_space<semaphore_mem>>)
      %dma_wait3A_65 = arith.constant 0 : i32
      %dma_wait3A_66 = tpu.memref_slice %arg10[%add3A_18, %dma_wait3A_65] : memref<10240x128xf32, #tpu.memory_space<vmem_shared>> -> memref<80x128xf32, #tpu.memory_space<vmem_shared>>
      %dma_wait3A_67 = arith.constant 0 : i32
      %dma_wait3A_68 = tpu.memref_slice %arg10[%add3A_18, %dma_wait3A_67] : memref<10240x128xf32, #tpu.memory_space<vmem_shared>> -> memref<80x128xf32, #tpu.memory_space<vmem_shared>>
      tpu.wait_dma2 semaphore(%run_scoped3A_60 : memref<!tpu.dma_semaphore, #tpu.memory_space<semaphore_mem>>) src(%arg8 : memref<80x128xf32, #tpu.memory_space<vmem>>) dst(%dma_wait3A_68 : memref<80x128xf32, #tpu.memory_space<vmem_shared>>)
      tpu.yield
    }) : () -> ()
    %mul3A_19 = arith.constant 640 : i32
    %mul3A_20 = arith.muli %arg1, %mul3A_19 : i32
    %add3A_21 = arith.constant 240 : i32
    %add3A_22 = arith.addi %mul3A_20, %add3A_21 : i32
    "tpu.region"() ({
      %run_scoped3A_60 = tpu.sem_alloc : memref<!tpu.dma_semaphore, #tpu.memory_space<semaphore_mem>>
      %dma_start3A_61 = arith.constant 0 : i32
      %dma_start3A_62 = tpu.memref_slice %arg10[%add3A_22, %dma_start3A_61] : memref<10240x128xf32, #tpu.memory_space<vmem_shared>> -> memref<80x128xf32, #tpu.memory_space<vmem_shared>>
      %dma_start3A_63 = arith.constant 0 : i32
      %dma_start3A_64 = tpu.memref_slice %arg10[%add3A_22, %dma_start3A_63] : memref<10240x128xf32, #tpu.memory_space<vmem_shared>> -> memref<80x128xf32, #tpu.memory_space<vmem_shared>>
      tpu.enqueue_dma source(%arg8 : memref<80x128xf32, #tpu.memory_space<vmem>>) target(%dma_start3A_64 : memref<80x128xf32, #tpu.memory_space<vmem_shared>>) target_semaphore(%run_scoped3A_60 : memref<!tpu.dma_semaphore, #tpu.memory_space<semaphore_mem>>)
      %dma_wait3A_65 = arith.constant 0 : i32
      %dma_wait3A_66 = tpu.memref_slice %arg10[%add3A_22, %dma_wait3A_65] : memref<10240x128xf32, #tpu.memory_space<vmem_shared>> -> memref<80x128xf32, #tpu.memory_space<vmem_shared>>
      %dma_wait3A_67 = arith.constant 0 : i32
      %dma_wait3A_68 = tpu.memref_slice %arg10[%add3A_22, %dma_wait3A_67] : memref<10240x128xf32, #tpu.memory_space<vmem_shared>> -> memref<80x128xf32, #tpu.memory_space<vmem_shared>>
      tpu.wait_dma2 semaphore(%run_scoped3A_60 : memref<!tpu.dma_semaphore, #tpu.memory_space<semaphore_mem>>) src(%arg8 : memref<80x128xf32, #tpu.memory_space<vmem>>) dst(%dma_wait3A_68 : memref<80x128xf32, #tpu.memory_space<vmem_shared>>)
      tpu.yield
    }) : () -> ()
    %mul3A_23 = arith.constant 640 : i32
    %mul3A_24 = arith.muli %arg1, %mul3A_23 : i32
    %add3A_25 = arith.constant 320 : i32
    %add3A_26 = arith.addi %mul3A_24, %add3A_25 : i32
    "tpu.region"() ({
      %run_scoped3A_60 = tpu.sem_alloc : memref<!tpu.dma_semaphore, #tpu.memory_space<semaphore_mem>>
      %dma_start3A_61 = arith.constant 0 : i32
      %dma_start3A_62 = tpu.memref_slice %arg10[%add3A_26, %dma_start3A_61] : memref<10240x128xf32, #tpu.memory_space<vmem_shared>> -> memref<80x128xf32, #tpu.memory_space<vmem_shared>>
      %dma_start3A_63 = arith.constant 0 : i32
      %dma_start3A_64 = tpu.memref_slice %arg10[%add3A_26, %dma_start3A_63] : memref<10240x128xf32, #tpu.memory_space<vmem_shared>> -> memref<80x128xf32, #tpu.memory_space<vmem_shared>>
      tpu.enqueue_dma source(%arg8 : memref<80x128xf32, #tpu.memory_space<vmem>>) target(%dma_start3A_64 : memref<80x128xf32, #tpu.memory_space<vmem_shared>>) target_semaphore(%run_scoped3A_60 : memref<!tpu.dma_semaphore, #tpu.memory_space<semaphore_mem>>)
      %dma_wait3A_65 = arith.constant 0 : i32
      %dma_wait3A_66 = tpu.memref_slice %arg10[%add3A_26, %dma_wait3A_65] : memref<10240x128xf32, #tpu.memory_space<vmem_shared>> -> memref<80x128xf32, #tpu.memory_space<vmem_shared>>
      %dma_wait3A_67 = arith.constant 0 : i32
      %dma_wait3A_68 = tpu.memref_slice %arg10[%add3A_26, %dma_wait3A_67] : memref<10240x128xf32, #tpu.memory_space<vmem_shared>> -> memref<80x128xf32, #tpu.memory_space<vmem_shared>>
      tpu.wait_dma2 semaphore(%run_scoped3A_60 : memref<!tpu.dma_semaphore, #tpu.memory_space<semaphore_mem>>) src(%arg8 : memref<80x128xf32, #tpu.memory_space<vmem>>) dst(%dma_wait3A_68 : memref<80x128xf32, #tpu.memory_space<vmem_shared>>)
      tpu.yield
    }) : () -> ()
    %mul3A_27 = arith.constant 640 : i32
    %mul3A_28 = arith.muli %arg1, %mul3A_27 : i32
    %add3A_29 = arith.constant 400 : i32
    %add3A_30 = arith.addi %mul3A_28, %add3A_29 : i32
    "tpu.region"() ({
      %run_scoped3A_60 = tpu.sem_alloc : memref<!tpu.dma_semaphore, #tpu.memory_space<semaphore_mem>>
      %dma_start3A_61 = arith.constant 0 : i32
      %dma_start3A_62 = tpu.memref_slice %arg10[%add3A_30, %dma_start3A_61] : memref<10240x128xf32, #tpu.memory_space<vmem_shared>> -> memref<80x128xf32, #tpu.memory_space<vmem_shared>>
      %dma_start3A_63 = arith.constant 0 : i32
      %dma_start3A_64 = tpu.memref_slice %arg10[%add3A_30, %dma_start3A_63] : memref<10240x128xf32, #tpu.memory_space<vmem_shared>> -> memref<80x128xf32, #tpu.memory_space<vmem_shared>>
      tpu.enqueue_dma source(%arg8 : memref<80x128xf32, #tpu.memory_space<vmem>>) target(%dma_start3A_64 : memref<80x128xf32, #tpu.memory_space<vmem_shared>>) target_semaphore(%run_scoped3A_60 : memref<!tpu.dma_semaphore, #tpu.memory_space<semaphore_mem>>)
      %dma_wait3A_65 = arith.constant 0 : i32
      %dma_wait3A_66 = tpu.memref_slice %arg10[%add3A_30, %dma_wait3A_65] : memref<10240x128xf32, #tpu.memory_space<vmem_shared>> -> memref<80x128xf32, #tpu.memory_space<vmem_shared>>
      %dma_wait3A_67 = arith.constant 0 : i32
      %dma_wait3A_68 = tpu.memref_slice %arg10[%add3A_30, %dma_wait3A_67] : memref<10240x128xf32, #tpu.memory_space<vmem_shared>> -> memref<80x128xf32, #tpu.memory_space<vmem_shared>>
      tpu.wait_dma2 semaphore(%run_scoped3A_60 : memref<!tpu.dma_semaphore, #tpu.memory_space<semaphore_mem>>) src(%arg8 : memref<80x128xf32, #tpu.memory_space<vmem>>) dst(%dma_wait3A_68 : memref<80x128xf32, #tpu.memory_space<vmem_shared>>)
      tpu.yield
    }) : () -> ()
    %mul3A_31 = arith.constant 640 : i32
    %mul3A_32 = arith.muli %arg1, %mul3A_31 : i32
    %add3A_33 = arith.constant 480 : i32
    %add3A_34 = arith.addi %mul3A_32, %add3A_33 : i32
    "tpu.region"() ({
      %run_scoped3A_60 = tpu.sem_alloc : memref<!tpu.dma_semaphore, #tpu.memory_space<semaphore_mem>>
      %dma_start3A_61 = arith.constant 0 : i32
      %dma_start3A_62 = tpu.memref_slice %arg10[%add3A_34, %dma_start3A_61] : memref<10240x128xf32, #tpu.memory_space<vmem_shared>> -> memref<80x128xf32, #tpu.memory_space<vmem_shared>>
      %dma_start3A_63 = arith.constant 0 : i32
      %dma_start3A_64 = tpu.memref_slice %arg10[%add3A_34, %dma_start3A_63] : memref<10240x128xf32, #tpu.memory_space<vmem_shared>> -> memref<80x128xf32, #tpu.memory_space<vmem_shared>>
      tpu.enqueue_dma source(%arg8 : memref<80x128xf32, #tpu.memory_space<vmem>>) target(%dma_start3A_64 : memref<80x128xf32, #tpu.memory_space<vmem_shared>>) target_semaphore(%run_scoped3A_60 : memref<!tpu.dma_semaphore, #tpu.memory_space<semaphore_mem>>)
      %dma_wait3A_65 = arith.constant 0 : i32
      %dma_wait3A_66 = tpu.memref_slice %arg10[%add3A_34, %dma_wait3A_65] : memref<10240x128xf32, #tpu.memory_space<vmem_shared>> -> memref<80x128xf32, #tpu.memory_space<vmem_shared>>
      %dma_wait3A_67 = arith.constant 0 : i32
      %dma_wait3A_68 = tpu.memref_slice %arg10[%add3A_34, %dma_wait3A_67] : memref<10240x128xf32, #tpu.memory_space<vmem_shared>> -> memref<80x128xf32, #tpu.memory_space<vmem_shared>>
      tpu.wait_dma2 semaphore(%run_scoped3A_60 : memref<!tpu.dma_semaphore, #tpu.memory_space<semaphore_mem>>) src(%arg8 : memref<80x128xf32, #tpu.memory_space<vmem>>) dst(%dma_wait3A_68 : memref<80x128xf32, #tpu.memory_space<vmem_shared>>)
      tpu.yield
    }) : () -> ()
    %mul3A_35 = arith.constant 640 : i32
    %mul3A_36 = arith.muli %arg1, %mul3A_35 : i32
    %add3A_37 = arith.constant 560 : i32
    %add3A_38 = arith.addi %mul3A_36, %add3A_37 : i32
    "tpu.region"() ({
      %run_scoped3A_60 = tpu.sem_alloc : memref<!tpu.dma_semaphore, #tpu.memory_space<semaphore_mem>>
      %dma_start3A_61 = arith.constant 0 : i32
      %dma_start3A_62 = tpu.memref_slice %arg10[%add3A_38, %dma_start3A_61] : memref<10240x128xf32, #tpu.memory_space<vmem_shared>> -> memref<80x128xf32, #tpu.memory_space<vmem_shared>>
      %dma_start3A_63 = arith.constant 0 : i32
      %dma_start3A_64 = tpu.memref_slice %arg10[%add3A_38, %dma_start3A_63] : memref<10240x128xf32, #tpu.memory_space<vmem_shared>> -> memref<80x128xf32, #tpu.memory_space<vmem_shared>>
      tpu.enqueue_dma source(%arg8 : memref<80x128xf32, #tpu.memory_space<vmem>>) target(%dma_start3A_64 : memref<80x128xf32, #tpu.memory_space<vmem_shared>>) target_semaphore(%run_scoped3A_60 : memref<!tpu.dma_semaphore, #tpu.memory_space<semaphore_mem>>)
      %dma_wait3A_65 = arith.constant 0 : i32
      %dma_wait3A_66 = tpu.memref_slice %arg10[%add3A_38, %dma_wait3A_65] : memref<10240x128xf32, #tpu.memory_space<vmem_shared>> -> memref<80x128xf32, #tpu.memory_space<vmem_shared>>
      %dma_wait3A_67 = arith.constant 0 : i32
      %dma_wait3A_68 = tpu.memref_slice %arg10[%add3A_38, %dma_wait3A_67] : memref<10240x128xf32, #tpu.memory_space<vmem_shared>> -> memref<80x128xf32, #tpu.memory_space<vmem_shared>>
      tpu.wait_dma2 semaphore(%run_scoped3A_60 : memref<!tpu.dma_semaphore, #tpu.memory_space<semaphore_mem>>) src(%arg8 : memref<80x128xf32, #tpu.memory_space<vmem>>) dst(%dma_wait3A_68 : memref<80x128xf32, #tpu.memory_space<vmem_shared>>)
      tpu.yield
    }) : () -> ()
    %barrier3A = arith.constant 0 : index
    tpu.barrier barrier_id(%barrier3A)
    %dma_start3A = arith.constant 0 : i32
    %dma_start3A_39 = tpu.memref_slice %arg6[%dma_start3A] : memref<10000xi32, #tpu.memory_space<vmem>> -> memref<80xi32, #tpu.memory_space<vmem>>
    %dma_start3A_40 = arith.constant 0 : i32
    %dma_start3A_41 = arith.constant 0 : i32
    %dma_start3A_42 = tpu.memref_slice %arg2[%dma_start3A_40, %dma_start3A_41] : memref<10000x128xf32, #tpu.memory_space<hbm>> -> memref<10000x128xf32, #tpu.memory_space<hbm>>
    tpu.enqueue_indirect_dma source(%dma_start3A_42 : memref<10000x128xf32, #tpu.memory_space<hbm>>) target(%arg8 : memref<80x128xf32, #tpu.memory_space<vmem>>) offsets(%dma_start3A_39 : memref<80xi32, #tpu.memory_space<vmem>>) semaphore(%arg11 : memref<!tpu.dma_semaphore, #tpu.memory_space<semaphore_mem>>)
    %scan3A_43 = arith.constant 0 : i32
    %scan3A_44 = arith.constant 0 : i32
    %scan3A_45 = arith.constant 62 : i32
    %scan3A_46 = arith.addi %scan3A_44, %scan3A_45 : i32
    %scan3A_47 = arith.constant 1 : i32
    %scan3A_48 = scf.for %scan3A_60 = %scan3A_44 to %scan3A_46 step %scan3A_47 iter_args(%scan3A_61 = %scan3A_43) -> (i32)  : i32 {
      %mul3A_62 = arith.constant 2 : i32
      %mul3A_63 = arith.muli %mul3A_62, %scan3A_60 : i32
      %add3A_64 = arith.constant 1 : i32
      %add3A_65 = arith.addi %mul3A_63, %add3A_64 : i32
      %mul3A_66 = arith.constant 80 : i32
      %mul3A_67 = arith.muli %add3A_65, %mul3A_66 : i32
      %dma_start3A_68 = tpu.memref_slice %arg6[%mul3A_67] : memref<10000xi32, #tpu.memory_space<vmem>> -> memref<80xi32, #tpu.memory_space<vmem>>
      %dma_start3A_69 = arith.constant 0 : i32
      %dma_start3A_70 = arith.constant 0 : i32
      %dma_start3A_71 = tpu.memref_slice %arg2[%dma_start3A_69, %dma_start3A_70] : memref<10000x128xf32, #tpu.memory_space<hbm>> -> memref<10000x128xf32, #tpu.memory_space<hbm>>
      tpu.enqueue_indirect_dma source(%dma_start3A_71 : memref<10000x128xf32, #tpu.memory_space<hbm>>) target(%arg9 : memref<80x128xf32, #tpu.memory_space<vmem>>) offsets(%dma_start3A_68 : memref<80xi32, #tpu.memory_space<vmem>>) semaphore(%arg12 : memref<!tpu.dma_semaphore, #tpu.memory_space<semaphore_mem>>)
      %dma_wait3A_72 = arith.constant 0 : i32
      %dma_wait3A_73 = arith.constant 0 : i32
      %dma_wait3A_74 = tpu.memref_slice %arg2[%dma_wait3A_72, %dma_wait3A_73] : memref<10000x128xf32, #tpu.memory_space<hbm>> -> memref<80x128xf32, #tpu.memory_space<hbm>>
      %dma_wait3A_75 = arith.constant 0 : i32
      %dma_wait3A_76 = arith.constant 0 : i32
      %dma_wait3A_77 = tpu.memref_slice %arg2[%dma_wait3A_75, %dma_wait3A_76] : memref<10000x128xf32, #tpu.memory_space<hbm>> -> memref<80x128xf32, #tpu.memory_space<hbm>>
      tpu.wait_dma2 semaphore(%arg11 : memref<!tpu.dma_semaphore, #tpu.memory_space<semaphore_mem>>) src(%dma_wait3A_77 : memref<80x128xf32, #tpu.memory_space<hbm>>) dst(%arg8 : memref<80x128xf32, #tpu.memory_space<vmem>>)
      "tpu.region"() ({
        %run_scoped3A_95 = tpu.sem_alloc : memref<!tpu.dma_semaphore, #tpu.memory_space<semaphore_mem>>
        %dma_start3A_96 = arith.constant 0 : i32
        %dma_start3A_97 = tpu.memref_slice %arg7[%mul3A_63, %dma_start3A_96] : memref<125x80xi32, #tpu.memory_space<vmem>> -> memref<1x80xi32, #tpu.memory_space<vmem>>
        %dma_start3A_98 = tpu.memref_squeeze %dma_start3A_97 : memref<1x80xi32, #tpu.memory_space<vmem>> -> memref<80xi32, #tpu.memory_space<vmem>>
        %dma_start3A_99 = arith.constant 0 : i32
        %dma_start3A_100 = arith.constant 0 : i32
        %dma_start3A_101 = tpu.memref_slice %arg10[%dma_start3A_99, %dma_start3A_100] : memref<10240x128xf32, #tpu.memory_space<vmem_shared>> -> memref<10240x128xf32, #tpu.memory_space<vmem_shared>>
        tpu.enqueue_indirect_dma source(%arg8 : memref<80x128xf32, #tpu.memory_space<vmem>>) target(%dma_start3A_101 : memref<10240x128xf32, #tpu.memory_space<vmem_shared>>) offsets(%dma_start3A_98 : memref<80xi32, #tpu.memory_space<vmem>>) semaphore(%run_scoped3A_95 : memref<!tpu.dma_semaphore, #tpu.memory_space<semaphore_mem>>) {add = true}
        %dma_wait3A_102 = arith.constant 0 : i32
        %dma_wait3A_103 = tpu.memref_slice %arg7[%mul3A_63, %dma_wait3A_102] : memref<125x80xi32, #tpu.memory_space<vmem>> -> memref<1x80xi32, #tpu.memory_space<vmem>>
        %dma_wait3A_104 = tpu.memref_squeeze %dma_wait3A_103 : memref<1x80xi32, #tpu.memory_space<vmem>> -> memref<80xi32, #tpu.memory_space<vmem>>
        %dma_wait3A_105 = arith.constant 0 : i32
        %dma_wait3A_106 = arith.constant 0 : i32
        %dma_wait3A_107 = tpu.memref_slice %arg10[%dma_wait3A_105, %dma_wait3A_106] : memref<10240x128xf32, #tpu.memory_space<vmem_shared>> -> memref<10240x128xf32, #tpu.memory_space<vmem_shared>>
        tpu.wait_indirect_dma semaphore(%run_scoped3A_95 : memref<!tpu.dma_semaphore, #tpu.memory_space<semaphore_mem>>) src(%arg8 : memref<80x128xf32, #tpu.memory_space<vmem>>) dst(%dma_wait3A_107 : memref<10240x128xf32, #tpu.memory_space<vmem_shared>>)
        tpu.yield
      }) : () -> ()
      %add3A_78 = arith.constant 2 : i32
      %add3A_79 = arith.addi %mul3A_63, %add3A_78 : i32
      %mul3A_80 = arith.constant 80 : i32
      %mul3A_81 = arith.muli %add3A_79, %mul3A_80 : i32
      %dma_start3A_82 = tpu.memref_slice %arg6[%mul3A_81] : memref<10000xi32, #tpu.memory_space<vmem>> -> memref<80xi32, #tpu.memory_space<vmem>>
      %dma_start3A_83 = arith.constant 0 : i32
      %dma_start3A_84 = arith.constant 0 : i32
      %dma_start3A_85 = tpu.memref_slice %arg2[%dma_start3A_83, %dma_start3A_84] : memref<10000x128xf32, #tpu.memory_space<hbm>> -> memref<10000x128xf32, #tpu.memory_space<hbm>>
      tpu.enqueue_indirect_dma source(%dma_start3A_85 : memref<10000x128xf32, #tpu.memory_space<hbm>>) target(%arg8 : memref<80x128xf32, #tpu.memory_space<vmem>>) offsets(%dma_start3A_82 : memref<80xi32, #tpu.memory_space<vmem>>) semaphore(%arg11 : memref<!tpu.dma_semaphore, #tpu.memory_space<semaphore_mem>>)
      %dma_wait3A_86 = arith.constant 0 : i32
      %dma_wait3A_87 = arith.constant 0 : i32
      %dma_wait3A_88 = tpu.memref_slice %arg2[%dma_wait3A_86, %dma_wait3A_87] : memref<10000x128xf32, #tpu.memory_space<hbm>> -> memref<80x128xf32, #tpu.memory_space<hbm>>
      %dma_wait3A_89 = arith.constant 0 : i32
      %dma_wait3A_90 = arith.constant 0 : i32
      %dma_wait3A_91 = tpu.memref_slice %arg2[%dma_wait3A_89, %dma_wait3A_90] : memref<10000x128xf32, #tpu.memory_space<hbm>> -> memref<80x128xf32, #tpu.memory_space<hbm>>
      tpu.wait_dma2 semaphore(%arg12 : memref<!tpu.dma_semaphore, #tpu.memory_space<semaphore_mem>>) src(%dma_wait3A_91 : memref<80x128xf32, #tpu.memory_space<hbm>>) dst(%arg9 : memref<80x128xf32, #tpu.memory_space<vmem>>)
      %add3A_92 = arith.constant 1 : i32
      %add3A_93 = arith.addi %mul3A_63, %add3A_92 : i32
      "tpu.region"() ({
        %run_scoped3A_95 = tpu.sem_alloc : memref<!tpu.dma_semaphore, #tpu.memory_space<semaphore_mem>>
        %dma_start3A_96 = arith.constant 0 : i32
        %dma_start3A_97 = tpu.memref_slice %arg7[%add3A_93, %dma_start3A_96] : memref<125x80xi32, #tpu.memory_space<vmem>> -> memref<1x80xi32, #tpu.memory_space<vmem>>
        %dma_start3A_98 = tpu.memref_squeeze %dma_start3A_97 : memref<1x80xi32, #tpu.memory_space<vmem>> -> memref<80xi32, #tpu.memory_space<vmem>>
        %dma_start3A_99 = arith.constant 0 : i32
        %dma_start3A_100 = arith.constant 0 : i32
        %dma_start3A_101 = tpu.memref_slice %arg10[%dma_start3A_99, %dma_start3A_100] : memref<10240x128xf32, #tpu.memory_space<vmem_shared>> -> memref<10240x128xf32, #tpu.memory_space<vmem_shared>>
        tpu.enqueue_indirect_dma source(%arg9 : memref<80x128xf32, #tpu.memory_space<vmem>>) target(%dma_start3A_101 : memref<10240x128xf32, #tpu.memory_space<vmem_shared>>) offsets(%dma_start3A_98 : memref<80xi32, #tpu.memory_space<vmem>>) semaphore(%run_scoped3A_95 : memref<!tpu.dma_semaphore, #tpu.memory_space<semaphore_mem>>) {add = true}
        %dma_wait3A_102 = arith.constant 0 : i32
        %dma_wait3A_103 = tpu.memref_slice %arg7[%add3A_93, %dma_wait3A_102] : memref<125x80xi32, #tpu.memory_space<vmem>> -> memref<1x80xi32, #tpu.memory_space<vmem>>
        %dma_wait3A_104 = tpu.memref_squeeze %dma_wait3A_103 : memref<1x80xi32, #tpu.memory_space<vmem>> -> memref<80xi32, #tpu.memory_space<vmem>>
        %dma_wait3A_105 = arith.constant 0 : i32
        %dma_wait3A_106 = arith.constant 0 : i32
        %dma_wait3A_107 = tpu.memref_slice %arg10[%dma_wait3A_105, %dma_wait3A_106] : memref<10240x128xf32, #tpu.memory_space<vmem_shared>> -> memref<10240x128xf32, #tpu.memory_space<vmem_shared>>
        tpu.wait_indirect_dma semaphore(%run_scoped3A_95 : memref<!tpu.dma_semaphore, #tpu.memory_space<semaphore_mem>>) src(%arg9 : memref<80x128xf32, #tpu.memory_space<vmem>>) dst(%dma_wait3A_107 : memref<10240x128xf32, #tpu.memory_space<vmem_shared>>)
        tpu.yield
      }) : () -> ()
      %scan3A_94 = arith.constant 0 : i32
      scf.yield %scan3A_94 : i32
    }
    %scan3A_49 = arith.constant 62 : i32
    %dma_wait3A = arith.constant 0 : i32
    %dma_wait3A_50 = arith.constant 0 : i32
    %dma_wait3A_51 = tpu.memref_slice %arg2[%dma_wait3A, %dma_wait3A_50] : memref<10000x128xf32, #tpu.memory_space<hbm>> -> memref<80x128xf32, #tpu.memory_space<hbm>>
    %dma_wait3A_52 = arith.constant 0 : i32
    %dma_wait3A_53 = arith.constant 0 : i32
    %dma_wait3A_54 = tpu.memref_slice %arg2[%dma_wait3A_52, %dma_wait3A_53] : memref<10000x128xf32, #tpu.memory_space<hbm>> -> memref<80x128xf32, #tpu.memory_space<hbm>>
    tpu.wait_dma2 semaphore(%arg11 : memref<!tpu.dma_semaphore, #tpu.memory_space<semaphore_mem>>) src(%dma_wait3A_54 : memref<80x128xf32, #tpu.memory_space<hbm>>) dst(%arg8 : memref<80x128xf32, #tpu.memory_space<vmem>>)
    %run_scoped3A = arith.constant 124 : i32
    "tpu.region"() ({
      %run_scoped3A_60 = tpu.sem_alloc : memref<!tpu.dma_semaphore, #tpu.memory_space<semaphore_mem>>
      %dma_start3A_61 = arith.constant 0 : i32
      %dma_start3A_62 = tpu.memref_slice %arg7[%run_scoped3A, %dma_start3A_61] : memref<125x80xi32, #tpu.memory_space<vmem>> -> memref<1x80xi32, #tpu.memory_space<vmem>>
      %dma_start3A_63 = tpu.memref_squeeze %dma_start3A_62 : memref<1x80xi32, #tpu.memory_space<vmem>> -> memref<80xi32, #tpu.memory_space<vmem>>
      %dma_start3A_64 = arith.constant 0 : i32
      %dma_start3A_65 = arith.constant 0 : i32
      %dma_start3A_66 = tpu.memref_slice %arg10[%dma_start3A_64, %dma_start3A_65] : memref<10240x128xf32, #tpu.memory_space<vmem_shared>> -> memref<10240x128xf32, #tpu.memory_space<vmem_shared>>
      tpu.enqueue_indirect_dma source(%arg8 : memref<80x128xf32, #tpu.memory_space<vmem>>) target(%dma_start3A_66 : memref<10240x128xf32, #tpu.memory_space<vmem_shared>>) offsets(%dma_start3A_63 : memref<80xi32, #tpu.memory_space<vmem>>) semaphore(%run_scoped3A_60 : memref<!tpu.dma_semaphore, #tpu.memory_space<semaphore_mem>>) {add = true}
      %dma_wait3A_67 = arith.constant 0 : i32
      %dma_wait3A_68 = tpu.memref_slice %arg7[%run_scoped3A, %dma_wait3A_67] : memref<125x80xi32, #tpu.memory_space<vmem>> -> memref<1x80xi32, #tpu.memory_space<vmem>>
      %dma_wait3A_69 = tpu.memref_squeeze %dma_wait3A_68 : memref<1x80xi32, #tpu.memory_space<vmem>> -> memref<80xi32, #tpu.memory_space<vmem>>
      %dma_wait3A_70 = arith.constant 0 : i32
      %dma_wait3A_71 = arith.constant 0 : i32
      %dma_wait3A_72 = tpu.memref_slice %arg10[%dma_wait3A_70, %dma_wait3A_71] : memref<10240x128xf32, #tpu.memory_space<vmem_shared>> -> memref<10240x128xf32, #tpu.memory_space<vmem_shared>>
      tpu.wait_indirect_dma semaphore(%run_scoped3A_60 : memref<!tpu.dma_semaphore, #tpu.memory_space<semaphore_mem>>) src(%arg8 : memref<80x128xf32, #tpu.memory_space<vmem>>) dst(%dma_wait3A_72 : memref<10240x128xf32, #tpu.memory_space<vmem_shared>>)
      tpu.yield
    }) : () -> ()
    %barrier3A_55 = arith.constant 0 : index
    tpu.barrier barrier_id(%barrier3A_55)
    %mul3A_56 = arith.constant 640 : i32
    %mul3A_57 = arith.muli %arg1, %mul3A_56 : i32
    %mul3A_58 = arith.constant 640 : i32
    %mul3A_59 = arith.muli %arg1, %mul3A_58 : i32
    "tpu.region"() ({
      %run_scoped3A_60 = tpu.sem_alloc : memref<!tpu.dma_semaphore, #tpu.memory_space<semaphore_mem>>
      %dma_start3A_61 = arith.constant 0 : i32
      %dma_start3A_62 = tpu.memref_slice %arg5[%arg0, %mul3A_59, %dma_start3A_61] : memref<2x10240x128xf32, #tpu.memory_space<hbm>> -> memref<1x640x128xf32, #tpu.memory_space<hbm>>
      %dma_start3A_63 = tpu.memref_squeeze %dma_start3A_62 : memref<1x640x128xf32, #tpu.memory_space<hbm>> -> memref<640x128xf32, #tpu.memory_space<hbm>>
      %dma_start3A_64 = arith.constant 0 : i32
      %dma_start3A_65 = tpu.memref_slice %arg10[%mul3A_57, %dma_start3A_64] : memref<10240x128xf32, #tpu.memory_space<vmem_shared>> -> memref<640x128xf32, #tpu.memory_space<vmem_shared>>
      tpu.enqueue_dma source(%dma_start3A_65 : memref<640x128xf32, #tpu.memory_space<vmem_shared>>) target(%dma_start3A_63 : memref<640x128xf32, #tpu.memory_space<hbm>>) target_semaphore(%run_scoped3A_60 : memref<!tpu.dma_semaphore, #tpu.memory_space<semaphore_mem>>)
      %dma_wait3A_66 = arith.constant 0 : i32
      %dma_wait3A_67 = tpu.memref_slice %arg5[%arg0, %mul3A_59, %dma_wait3A_66] : memref<2x10240x128xf32, #tpu.memory_space<hbm>> -> memref<1x640x128xf32, #tpu.memory_space<hbm>>
      %dma_wait3A_68 = tpu.memref_squeeze %dma_wait3A_67 : memref<1x640x128xf32, #tpu.memory_space<hbm>> -> memref<640x128xf32, #tpu.memory_space<hbm>>
      %dma_wait3A_69 = arith.constant 0 : i32
      %dma_wait3A_70 = tpu.memref_slice %arg10[%mul3A_57, %dma_wait3A_69] : memref<10240x128xf32, #tpu.memory_space<vmem_shared>> -> memref<640x128xf32, #tpu.memory_space<vmem_shared>>
      tpu.wait_dma2 semaphore(%run_scoped3A_60 : memref<!tpu.dma_semaphore, #tpu.memory_space<semaphore_mem>>) src(%dma_wait3A_70 : memref<640x128xf32, #tpu.memory_space<vmem_shared>>) dst(%dma_wait3A_68 : memref<640x128xf32, #tpu.memory_space<hbm>>)
      tpu.yield
    }) : () -> ()
    return
  }
}

#map = affine_map<(d0, d1) -> (0, 0)>
#map1 = affine_map<(d0, d1) -> (0, 0, 0)>
module attributes {stable_mosaic.version = 14 : i64} {
  func.func @k(%arg0: i32, %arg1: i32, %arg2: memref<10000x128xf32, #tpu.memory_space<hbm>>, %arg3: memref<32x10000xi32, #tpu.memory_space<hbm>>, %arg4: memref<32x125x80xi32, #tpu.memory_space<hbm>>, %arg5: memref<2x10240x128xf32, #tpu.memory_space<hbm>>, %arg6: memref<10000xi32, #tpu.memory_space<vmem>>, %arg7: memref<125x80xi32, #tpu.memory_space<vmem>>, %arg8: memref<80x128xf32, #tpu.memory_space<vmem>>, %arg9: memref<80x128xf32, #tpu.memory_space<vmem>>, %arg10: memref<10240x128xf32, #tpu.memory_space<vmem_shared>>, %arg11: memref<!tpu.dma_semaphore, #tpu.memory_space<semaphore_mem>>, %arg12: memref<!tpu.dma_semaphore, #tpu.memory_space<semaphore_mem>>) attributes {dimension_semantics = [#tpu.dimension_semantics<core_parallel>, #tpu.dimension_semantics<subcore_parallel>], iteration_bounds = array<i64: 2, 16>, scalar_prefetch = 0 : i64, scratch_operands = 7 : i64, tpu.core_type = #tpu.core_type<sc_vector_subcore>, window_params = [{transform_indices = #map}, {transform_indices = #map}, {transform_indices = #map1}, {transform_indices = #map1}]} {
    %mul3A = arith.constant 2 : i32
    %mul3A_0 = arith.muli %arg1, %mul3A : i32
    %add3A = arith.addi %mul3A_0, %arg0 : i32
    "tpu.region"() ({
      %run_scoped3A_60 = tpu.sem_alloc : memref<!tpu.dma_semaphore, #tpu.memory_space<semaphore_mem>>
      %dma_start3A_61 = arith.constant 0 : i32
      %dma_start3A_62 = tpu.memref_slice %arg3[%add3A, %dma_start3A_61] : memref<32x10000xi32, #tpu.memory_space<hbm>> -> memref<1x10000xi32, #tpu.memory_space<hbm>>
      %dma_start3A_63 = tpu.memref_squeeze %dma_start3A_62 : memref<1x10000xi32, #tpu.memory_space<hbm>> -> memref<10000xi32, #tpu.memory_space<hbm>>
      %dma_start3A_64 = arith.constant 0 : i32
      %dma_start3A_65 = tpu.memref_slice %arg3[%add3A, %dma_start3A_64] : memref<32x10000xi32, #tpu.memory_space<hbm>> -> memref<1x10000xi32, #tpu.memory_space<hbm>>
      %dma_start3A_66 = tpu.memref_squeeze %dma_start3A_65 : memref<1x10000xi32, #tpu.memory_space<hbm>> -> memref<10000xi32, #tpu.memory_space<hbm>>
      tpu.enqueue_dma source(%dma_start3A_66 : memref<10000xi32, #tpu.memory_space<hbm>>) target(%arg6 : memref<10000xi32, #tpu.memory_space<vmem>>) target_semaphore(%run_scoped3A_60 : memref<!tpu.dma_semaphore, #tpu.memory_space<semaphore_mem>>)
      %dma_wait3A_67 = arith.constant 0 : i32
      %dma_wait3A_68 = tpu.memref_slice %arg3[%add3A, %dma_wait3A_67] : memref<32x10000xi32, #tpu.memory_space<hbm>> -> memref<1x10000xi32, #tpu.memory_space<hbm>>
      %dma_wait3A_69 = tpu.memref_squeeze %dma_wait3A_68 : memref<1x10000xi32, #tpu.memory_space<hbm>> -> memref<10000xi32, #tpu.memory_space<hbm>>
      %dma_wait3A_70 = arith.constant 0 : i32
      %dma_wait3A_71 = tpu.memref_slice %arg3[%add3A, %dma_wait3A_70] : memref<32x10000xi32, #tpu.memory_space<hbm>> -> memref<1x10000xi32, #tpu.memory_space<hbm>>
      %dma_wait3A_72 = tpu.memref_squeeze %dma_wait3A_71 : memref<1x10000xi32, #tpu.memory_space<hbm>> -> memref<10000xi32, #tpu.memory_space<hbm>>
      tpu.wait_dma2 semaphore(%run_scoped3A_60 : memref<!tpu.dma_semaphore, #tpu.memory_space<semaphore_mem>>) src(%dma_wait3A_72 : memref<10000xi32, #tpu.memory_space<hbm>>) dst(%arg6 : memref<10000xi32, #tpu.memory_space<vmem>>)
      tpu.yield
    }) : () -> ()
    "tpu.region"() ({
      %run_scoped3A_60 = tpu.sem_alloc : memref<!tpu.dma_semaphore, #tpu.memory_space<semaphore_mem>>
      %dma_start3A_61 = arith.constant 0 : i32
      %dma_start3A_62 = arith.constant 0 : i32
      %dma_start3A_63 = tpu.memref_slice %arg4[%add3A, %dma_start3A_61, %dma_start3A_62] : memref<32x125x80xi32, #tpu.memory_space<hbm>> -> memref<1x125x80xi32, #tpu.memory_space<hbm>>
      %dma_start3A_64 = tpu.memref_squeeze %dma_start3A_63 : memref<1x125x80xi32, #tpu.memory_space<hbm>> -> memref<125x80xi32, #tpu.memory_space<hbm>>
      %dma_start3A_65 = arith.constant 0 : i32
      %dma_start3A_66 = arith.constant 0 : i32
      %dma_start3A_67 = tpu.memref_slice %arg4[%add3A, %dma_start3A_65, %dma_start3A_66] : memref<32x125x80xi32, #tpu.memory_space<hbm>> -> memref<1x125x80xi32, #tpu.memory_space<hbm>>
      %dma_start3A_68 = tpu.memref_squeeze %dma_start3A_67 : memref<1x125x80xi32, #tpu.memory_space<hbm>> -> memref<125x80xi32, #tpu.memory_space<hbm>>
      tpu.enqueue_dma source(%dma_start3A_68 : memref<125x80xi32, #tpu.memory_space<hbm>>) target(%arg7 : memref<125x80xi32, #tpu.memory_space<vmem>>) target_semaphore(%run_scoped3A_60 : memref<!tpu.dma_semaphore, #tpu.memory_space<semaphore_mem>>)
      %dma_wait3A_69 = arith.constant 0 : i32
      %dma_wait3A_70 = arith.constant 0 : i32
      %dma_wait3A_71 = tpu.memref_slice %arg4[%add3A, %dma_wait3A_69, %dma_wait3A_70] : memref<32x125x80xi32, #tpu.memory_space<hbm>> -> memref<1x125x80xi32, #tpu.memory_space<hbm>>
      %dma_wait3A_72 = tpu.memref_squeeze %dma_wait3A_71 : memref<1x125x80xi32, #tpu.memory_space<hbm>> -> memref<125x80xi32, #tpu.memory_space<hbm>>
      %dma_wait3A_73 = arith.constant 0 : i32
      %dma_wait3A_74 = arith.constant 0 : i32
      %dma_wait3A_75 = tpu.memref_slice %arg4[%add3A, %dma_wait3A_73, %dma_wait3A_74] : memref<32x125x80xi32, #tpu.memory_space<hbm>> -> memref<1x125x80xi32, #tpu.memory_space<hbm>>
      %dma_wait3A_76 = tpu.memref_squeeze %dma_wait3A_75 : memref<1x125x80xi32, #tpu.memory_space<hbm>> -> memref<125x80xi32, #tpu.memory_space<hbm>>
      tpu.wait_dma2 semaphore(%run_scoped3A_60 : memref<!tpu.dma_semaphore, #tpu.memory_space<semaphore_mem>>) src(%dma_wait3A_76 : memref<125x80xi32, #tpu.memory_space<hbm>>) dst(%arg7 : memref<125x80xi32, #tpu.memory_space<vmem>>)
      tpu.yield
    }) : () -> ()
    %scan3A = arith.constant 0 : i32
    %scan3A_1 = arith.constant 0 : i32
    %scan3A_2 = arith.constant 80 : i32
    %scan3A_3 = arith.addi %scan3A_1, %scan3A_2 : i32
    %scan3A_4 = arith.constant 1 : i32
    %scan3A_5 = scf.for %scan3A_60 = %scan3A_1 to %scan3A_3 step %scan3A_4 iter_args(%scan3A_61 = %scan3A) -> (i32)  : i32 {
      %broadcast_in_dim3A = arith.constant 0.000000e+00 : f32
      %broadcast_in_dim3A_62 = vector.broadcast %broadcast_in_dim3A : f32 to vector<16xf32>
      %swap3A = arith.index_cast %scan3A_60 : i32 to index
      %swap3A_63 = arith.constant 0 : index
      %swap3A_64 = tpu.vector_load %arg8[%swap3A, %swap3A_63] {strides = array<i32>} : memref<80x128xf32, #tpu.memory_space<vmem>>, vector<1x16xf32>,
      %swap3A_65 = vector.shape_cast %swap3A_64 : vector<1x16xf32> to vector<16xf32>
      %swap3A_66 = vector.shape_cast %broadcast_in_dim3A_62 : vector<16xf32> to vector<1x16xf32>
      tpu.vector_store %arg8[%swap3A, %swap3A_63], %swap3A_66 {strides = array<i32>} : memref<80x128xf32, #tpu.memory_space<vmem>>, vector<1x16xf32>,
      %broadcast_in_dim3A_67 = arith.constant 0.000000e+00 : f32
      %broadcast_in_dim3A_68 = vector.broadcast %broadcast_in_dim3A_67 : f32 to vector<16xf32>
      %swap3A_69 = arith.index_cast %scan3A_60 : i32 to index
      %swap3A_70 = arith.constant 16 : index
      %swap3A_71 = tpu.vector_load %arg8[%swap3A_69, %swap3A_70] {strides = array<i32>} : memref<80x128xf32, #tpu.memory_space<vmem>>, vector<1x16xf32>,
      %swap3A_72 = vector.shape_cast %swap3A_71 : vector<1x16xf32> to vector<16xf32>
      %swap3A_73 = vector.shape_cast %broadcast_in_dim3A_68 : vector<16xf32> to vector<1x16xf32>
      tpu.vector_store %arg8[%swap3A_69, %swap3A_70], %swap3A_73 {strides = array<i32>} : memref<80x128xf32, #tpu.memory_space<vmem>>, vector<1x16xf32>,
      %broadcast_in_dim3A_74 = arith.constant 0.000000e+00 : f32
      %broadcast_in_dim3A_75 = vector.broadcast %broadcast_in_dim3A_74 : f32 to vector<16xf32>
      %swap3A_76 = arith.index_cast %scan3A_60 : i32 to index
      %swap3A_77 = arith.constant 32 : index
      %swap3A_78 = tpu.vector_load %arg8[%swap3A_76, %swap3A_77] {strides = array<i32>} : memref<80x128xf32, #tpu.memory_space<vmem>>, vector<1x16xf32>,
      %swap3A_79 = vector.shape_cast %swap3A_78 : vector<1x16xf32> to vector<16xf32>
      %swap3A_80 = vector.shape_cast %broadcast_in_dim3A_75 : vector<16xf32> to vector<1x16xf32>
      tpu.vector_store %arg8[%swap3A_76, %swap3A_77], %swap3A_80 {strides = array<i32>} : memref<80x128xf32, #tpu.memory_space<vmem>>, vector<1x16xf32>,
      %broadcast_in_dim3A_81 = arith.constant 0.000000e+00 : f32
      %broadcast_in_dim3A_82 = vector.broadcast %broadcast_in_dim3A_81 : f32 to vector<16xf32>
      %swap3A_83 = arith.index_cast %scan3A_60 : i32 to index
      %swap3A_84 = arith.constant 48 : index
      %swap3A_85 = tpu.vector_load %arg8[%swap3A_83, %swap3A_84] {strides = array<i32>} : memref<80x128xf32, #tpu.memory_space<vmem>>, vector<1x16xf32>,
      %swap3A_86 = vector.shape_cast %swap3A_85 : vector<1x16xf32> to vector<16xf32>
      %swap3A_87 = vector.shape_cast %broadcast_in_dim3A_82 : vector<16xf32> to vector<1x16xf32>
      tpu.vector_store %arg8[%swap3A_83, %swap3A_84], %swap3A_87 {strides = array<i32>} : memref<80x128xf32, #tpu.memory_space<vmem>>, vector<1x16xf32>,
      %broadcast_in_dim3A_88 = arith.constant 0.000000e+00 : f32
      %broadcast_in_dim3A_89 = vector.broadcast %broadcast_in_dim3A_88 : f32 to vector<16xf32>
      %swap3A_90 = arith.index_cast %scan3A_60 : i32 to index
      %swap3A_91 = arith.constant 64 : index
      %swap3A_92 = tpu.vector_load %arg8[%swap3A_90, %swap3A_91] {strides = array<i32>} : memref<80x128xf32, #tpu.memory_space<vmem>>, vector<1x16xf32>,
      %swap3A_93 = vector.shape_cast %swap3A_92 : vector<1x16xf32> to vector<16xf32>
      %swap3A_94 = vector.shape_cast %broadcast_in_dim3A_89 : vector<16xf32> to vector<1x16xf32>
      tpu.vector_store %arg8[%swap3A_90, %swap3A_91], %swap3A_94 {strides = array<i32>} : memref<80x128xf32, #tpu.memory_space<vmem>>, vector<1x16xf32>,
      %broadcast_in_dim3A_95 = arith.constant 0.000000e+00 : f32
      %broadcast_in_dim3A_96 = vector.broadcast %broadcast_in_dim3A_95 : f32 to vector<16xf32>
      %swap3A_97 = arith.index_cast %scan3A_60 : i32 to index
      %swap3A_98 = arith.constant 80 : index
      %swap3A_99 = tpu.vector_load %arg8[%swap3A_97, %swap3A_98] {strides = array<i32>} : memref<80x128xf32, #tpu.memory_space<vmem>>, vector<1x16xf32>,
      %swap3A_100 = vector.shape_cast %swap3A_99 : vector<1x16xf32> to vector<16xf32>
      %swap3A_101 = vector.shape_cast %broadcast_in_dim3A_96 : vector<16xf32> to vector<1x16xf32>
      tpu.vector_store %arg8[%swap3A_97, %swap3A_98], %swap3A_101 {strides = array<i32>} : memref<80x128xf32, #tpu.memory_space<vmem>>, vector<1x16xf32>,
      %broadcast_in_dim3A_102 = arith.constant 0.000000e+00 : f32
      %broadcast_in_dim3A_103 = vector.broadcast %broadcast_in_dim3A_102 : f32 to vector<16xf32>
      %swap3A_104 = arith.index_cast %scan3A_60 : i32 to index
      %swap3A_105 = arith.constant 96 : index
      %swap3A_106 = tpu.vector_load %arg8[%swap3A_104, %swap3A_105] {strides = array<i32>} : memref<80x128xf32, #tpu.memory_space<vmem>>, vector<1x16xf32>,
      %swap3A_107 = vector.shape_cast %swap3A_106 : vector<1x16xf32> to vector<16xf32>
      %swap3A_108 = vector.shape_cast %broadcast_in_dim3A_103 : vector<16xf32> to vector<1x16xf32>
      tpu.vector_store %arg8[%swap3A_104, %swap3A_105], %swap3A_108 {strides = array<i32>} : memref<80x128xf32, #tpu.memory_space<vmem>>, vector<1x16xf32>,
      %broadcast_in_dim3A_109 = arith.constant 0.000000e+00 : f32
      %broadcast_in_dim3A_110 = vector.broadcast %broadcast_in_dim3A_109 : f32 to vector<16xf32>
      %swap3A_111 = arith.index_cast %scan3A_60 : i32 to index
      %swap3A_112 = arith.constant 112 : index
      %swap3A_113 = tpu.vector_load %arg8[%swap3A_111, %swap3A_112] {strides = array<i32>} : memref<80x128xf32, #tpu.memory_space<vmem>>, vector<1x16xf32>,
      %swap3A_114 = vector.shape_cast %swap3A_113 : vector<1x16xf32> to vector<16xf32>
      %swap3A_115 = vector.shape_cast %broadcast_in_dim3A_110 : vector<16xf32> to vector<1x16xf32>
      tpu.vector_store %arg8[%swap3A_111, %swap3A_112], %swap3A_115 {strides = array<i32>} : memref<80x128xf32, #tpu.memory_space<vmem>>, vector<1x16xf32>,
      %scan3A_116 = arith.constant 0 : i32
      scf.yield %scan3A_116 : i32
    }
    %scan3A_6 = arith.constant 80 : i32
    %mul3A_7 = arith.constant 640 : i32
    %mul3A_8 = arith.muli %arg1, %mul3A_7 : i32
    %add3A_9 = arith.constant 0 : i32
    %add3A_10 = arith.addi %mul3A_8, %add3A_9 : i32
    "tpu.region"() ({
      %run_scoped3A_60 = tpu.sem_alloc : memref<!tpu.dma_semaphore, #tpu.memory_space<semaphore_mem>>
      %dma_start3A_61 = arith.constant 0 : i32
      %dma_start3A_62 = tpu.memref_slice %arg10[%add3A_10, %dma_start3A_61] : memref<10240x128xf32, #tpu.memory_space<vmem_shared>> -> memref<80x128xf32, #tpu.memory_space<vmem_shared>>
      %dma_start3A_63 = arith.constant 0 : i32
      %dma_start3A_64 = tpu.memref_slice %arg10[%add3A_10, %dma_start3A_63] : memref<10240x128xf32, #tpu.memory_space<vmem_shared>> -> memref<80x128xf32, #tpu.memory_space<vmem_shared>>
      tpu.enqueue_dma source(%arg8 : memref<80x128xf32, #tpu.memory_space<vmem>>) target(%dma_start3A_64 : memref<80x128xf32, #tpu.memory_space<vmem_shared>>) target_semaphore(%run_scoped3A_60 : memref<!tpu.dma_semaphore, #tpu.memory_space<semaphore_mem>>)
      %dma_wait3A_65 = arith.constant 0 : i32
      %dma_wait3A_66 = tpu.memref_slice %arg10[%add3A_10, %dma_wait3A_65] : memref<10240x128xf32, #tpu.memory_space<vmem_shared>> -> memref<80x128xf32, #tpu.memory_space<vmem_shared>>
      %dma_wait3A_67 = arith.constant 0 : i32
      %dma_wait3A_68 = tpu.memref_slice %arg10[%add3A_10, %dma_wait3A_67] : memref<10240x128xf32, #tpu.memory_space<vmem_shared>> -> memref<80x128xf32, #tpu.memory_space<vmem_shared>>
      tpu.wait_dma2 semaphore(%run_scoped3A_60 : memref<!tpu.dma_semaphore, #tpu.memory_space<semaphore_mem>>) src(%arg8 : memref<80x128xf32, #tpu.memory_space<vmem>>) dst(%dma_wait3A_68 : memref<80x128xf32, #tpu.memory_space<vmem_shared>>)
      tpu.yield
    }) : () -> ()
    %mul3A_11 = arith.constant 640 : i32
    %mul3A_12 = arith.muli %arg1, %mul3A_11 : i32
    %add3A_13 = arith.constant 80 : i32
    %add3A_14 = arith.addi %mul3A_12, %add3A_13 : i32
    "tpu.region"() ({
      %run_scoped3A_60 = tpu.sem_alloc : memref<!tpu.dma_semaphore, #tpu.memory_space<semaphore_mem>>
      %dma_start3A_61 = arith.constant 0 : i32
      %dma_start3A_62 = tpu.memref_slice %arg10[%add3A_14, %dma_start3A_61] : memref<10240x128xf32, #tpu.memory_space<vmem_shared>> -> memref<80x128xf32, #tpu.memory_space<vmem_shared>>
      %dma_start3A_63 = arith.constant 0 : i32
      %dma_start3A_64 = tpu.memref_slice %arg10[%add3A_14, %dma_start3A_63] : memref<10240x128xf32, #tpu.memory_space<vmem_shared>> -> memref<80x128xf32, #tpu.memory_space<vmem_shared>>
      tpu.enqueue_dma source(%arg8 : memref<80x128xf32, #tpu.memory_space<vmem>>) target(%dma_start3A_64 : memref<80x128xf32, #tpu.memory_space<vmem_shared>>) target_semaphore(%run_scoped3A_60 : memref<!tpu.dma_semaphore, #tpu.memory_space<semaphore_mem>>)
      %dma_wait3A_65 = arith.constant 0 : i32
      %dma_wait3A_66 = tpu.memref_slice %arg10[%add3A_14, %dma_wait3A_65] : memref<10240x128xf32, #tpu.memory_space<vmem_shared>> -> memref<80x128xf32, #tpu.memory_space<vmem_shared>>
      %dma_wait3A_67 = arith.constant 0 : i32
      %dma_wait3A_68 = tpu.memref_slice %arg10[%add3A_14, %dma_wait3A_67] : memref<10240x128xf32, #tpu.memory_space<vmem_shared>> -> memref<80x128xf32, #tpu.memory_space<vmem_shared>>
      tpu.wait_dma2 semaphore(%run_scoped3A_60 : memref<!tpu.dma_semaphore, #tpu.memory_space<semaphore_mem>>) src(%arg8 : memref<80x128xf32, #tpu.memory_space<vmem>>) dst(%dma_wait3A_68 : memref<80x128xf32, #tpu.memory_space<vmem_shared>>)
      tpu.yield
    }) : () -> ()
    %mul3A_15 = arith.constant 640 : i32
    %mul3A_16 = arith.muli %arg1, %mul3A_15 : i32
    %add3A_17 = arith.constant 160 : i32
    %add3A_18 = arith.addi %mul3A_16, %add3A_17 : i32
    "tpu.region"() ({
      %run_scoped3A_60 = tpu.sem_alloc : memref<!tpu.dma_semaphore, #tpu.memory_space<semaphore_mem>>
      %dma_start3A_61 = arith.constant 0 : i32
      %dma_start3A_62 = tpu.memref_slice %arg10[%add3A_18, %dma_start3A_61] : memref<10240x128xf32, #tpu.memory_space<vmem_shared>> -> memref<80x128xf32, #tpu.memory_space<vmem_shared>>
      %dma_start3A_63 = arith.constant 0 : i32
      %dma_start3A_64 = tpu.memref_slice %arg10[%add3A_18, %dma_start3A_63] : memref<10240x128xf32, #tpu.memory_space<vmem_shared>> -> memref<80x128xf32, #tpu.memory_space<vmem_shared>>
      tpu.enqueue_dma source(%arg8 : memref<80x128xf32, #tpu.memory_space<vmem>>) target(%dma_start3A_64 : memref<80x128xf32, #tpu.memory_space<vmem_shared>>) target_semaphore(%run_scoped3A_60 : memref<!tpu.dma_semaphore, #tpu.memory_space<semaphore_mem>>)
      %dma_wait3A_65 = arith.constant 0 : i32
      %dma_wait3A_66 = tpu.memref_slice %arg10[%add3A_18, %dma_wait3A_65] : memref<10240x128xf32, #tpu.memory_space<vmem_shared>> -> memref<80x128xf32, #tpu.memory_space<vmem_shared>>
      %dma_wait3A_67 = arith.constant 0 : i32
      %dma_wait3A_68 = tpu.memref_slice %arg10[%add3A_18, %dma_wait3A_67] : memref<10240x128xf32, #tpu.memory_space<vmem_shared>> -> memref<80x128xf32, #tpu.memory_space<vmem_shared>>
      tpu.wait_dma2 semaphore(%run_scoped3A_60 : memref<!tpu.dma_semaphore, #tpu.memory_space<semaphore_mem>>) src(%arg8 : memref<80x128xf32, #tpu.memory_space<vmem>>) dst(%dma_wait3A_68 : memref<80x128xf32, #tpu.memory_space<vmem_shared>>)
      tpu.yield
    }) : () -> ()
    %mul3A_19 = arith.constant 640 : i32
    %mul3A_20 = arith.muli %arg1, %mul3A_19 : i32
    %add3A_21 = arith.constant 240 : i32
    %add3A_22 = arith.addi %mul3A_20, %add3A_21 : i32
    "tpu.region"() ({
      %run_scoped3A_60 = tpu.sem_alloc : memref<!tpu.dma_semaphore, #tpu.memory_space<semaphore_mem>>
      %dma_start3A_61 = arith.constant 0 : i32
      %dma_start3A_62 = tpu.memref_slice %arg10[%add3A_22, %dma_start3A_61] : memref<10240x128xf32, #tpu.memory_space<vmem_shared>> -> memref<80x128xf32, #tpu.memory_space<vmem_shared>>
      %dma_start3A_63 = arith.constant 0 : i32
      %dma_start3A_64 = tpu.memref_slice %arg10[%add3A_22, %dma_start3A_63] : memref<10240x128xf32, #tpu.memory_space<vmem_shared>> -> memref<80x128xf32, #tpu.memory_space<vmem_shared>>
      tpu.enqueue_dma source(%arg8 : memref<80x128xf32, #tpu.memory_space<vmem>>) target(%dma_start3A_64 : memref<80x128xf32, #tpu.memory_space<vmem_shared>>) target_semaphore(%run_scoped3A_60 : memref<!tpu.dma_semaphore, #tpu.memory_space<semaphore_mem>>)
      %dma_wait3A_65 = arith.constant 0 : i32
      %dma_wait3A_66 = tpu.memref_slice %arg10[%add3A_22, %dma_wait3A_65] : memref<10240x128xf32, #tpu.memory_space<vmem_shared>> -> memref<80x128xf32, #tpu.memory_space<vmem_shared>>
      %dma_wait3A_67 = arith.constant 0 : i32
      %dma_wait3A_68 = tpu.memref_slice %arg10[%add3A_22, %dma_wait3A_67] : memref<10240x128xf32, #tpu.memory_space<vmem_shared>> -> memref<80x128xf32, #tpu.memory_space<vmem_shared>>
      tpu.wait_dma2 semaphore(%run_scoped3A_60 : memref<!tpu.dma_semaphore, #tpu.memory_space<semaphore_mem>>) src(%arg8 : memref<80x128xf32, #tpu.memory_space<vmem>>) dst(%dma_wait3A_68 : memref<80x128xf32, #tpu.memory_space<vmem_shared>>)
      tpu.yield
    }) : () -> ()
    %mul3A_23 = arith.constant 640 : i32
    %mul3A_24 = arith.muli %arg1, %mul3A_23 : i32
    %add3A_25 = arith.constant 320 : i32
    %add3A_26 = arith.addi %mul3A_24, %add3A_25 : i32
    "tpu.region"() ({
      %run_scoped3A_60 = tpu.sem_alloc : memref<!tpu.dma_semaphore, #tpu.memory_space<semaphore_mem>>
      %dma_start3A_61 = arith.constant 0 : i32
      %dma_start3A_62 = tpu.memref_slice %arg10[%add3A_26, %dma_start3A_61] : memref<10240x128xf32, #tpu.memory_space<vmem_shared>> -> memref<80x128xf32, #tpu.memory_space<vmem_shared>>
      %dma_start3A_63 = arith.constant 0 : i32
      %dma_start3A_64 = tpu.memref_slice %arg10[%add3A_26, %dma_start3A_63] : memref<10240x128xf32, #tpu.memory_space<vmem_shared>> -> memref<80x128xf32, #tpu.memory_space<vmem_shared>>
      tpu.enqueue_dma source(%arg8 : memref<80x128xf32, #tpu.memory_space<vmem>>) target(%dma_start3A_64 : memref<80x128xf32, #tpu.memory_space<vmem_shared>>) target_semaphore(%run_scoped3A_60 : memref<!tpu.dma_semaphore, #tpu.memory_space<semaphore_mem>>)
      %dma_wait3A_65 = arith.constant 0 : i32
      %dma_wait3A_66 = tpu.memref_slice %arg10[%add3A_26, %dma_wait3A_65] : memref<10240x128xf32, #tpu.memory_space<vmem_shared>> -> memref<80x128xf32, #tpu.memory_space<vmem_shared>>
      %dma_wait3A_67 = arith.constant 0 : i32
      %dma_wait3A_68 = tpu.memref_slice %arg10[%add3A_26, %dma_wait3A_67] : memref<10240x128xf32, #tpu.memory_space<vmem_shared>> -> memref<80x128xf32, #tpu.memory_space<vmem_shared>>
      tpu.wait_dma2 semaphore(%run_scoped3A_60 : memref<!tpu.dma_semaphore, #tpu.memory_space<semaphore_mem>>) src(%arg8 : memref<80x128xf32, #tpu.memory_space<vmem>>) dst(%dma_wait3A_68 : memref<80x128xf32, #tpu.memory_space<vmem_shared>>)
      tpu.yield
    }) : () -> ()
    %mul3A_27 = arith.constant 640 : i32
    %mul3A_28 = arith.muli %arg1, %mul3A_27 : i32
    %add3A_29 = arith.constant 400 : i32
    %add3A_30 = arith.addi %mul3A_28, %add3A_29 : i32
    "tpu.region"() ({
      %run_scoped3A_60 = tpu.sem_alloc : memref<!tpu.dma_semaphore, #tpu.memory_space<semaphore_mem>>
      %dma_start3A_61 = arith.constant 0 : i32
      %dma_start3A_62 = tpu.memref_slice %arg10[%add3A_30, %dma_start3A_61] : memref<10240x128xf32, #tpu.memory_space<vmem_shared>> -> memref<80x128xf32, #tpu.memory_space<vmem_shared>>
      %dma_start3A_63 = arith.constant 0 : i32
      %dma_start3A_64 = tpu.memref_slice %arg10[%add3A_30, %dma_start3A_63] : memref<10240x128xf32, #tpu.memory_space<vmem_shared>> -> memref<80x128xf32, #tpu.memory_space<vmem_shared>>
      tpu.enqueue_dma source(%arg8 : memref<80x128xf32, #tpu.memory_space<vmem>>) target(%dma_start3A_64 : memref<80x128xf32, #tpu.memory_space<vmem_shared>>) target_semaphore(%run_scoped3A_60 : memref<!tpu.dma_semaphore, #tpu.memory_space<semaphore_mem>>)
      %dma_wait3A_65 = arith.constant 0 : i32
      %dma_wait3A_66 = tpu.memref_slice %arg10[%add3A_30, %dma_wait3A_65] : memref<10240x128xf32, #tpu.memory_space<vmem_shared>> -> memref<80x128xf32, #tpu.memory_space<vmem_shared>>
      %dma_wait3A_67 = arith.constant 0 : i32
      %dma_wait3A_68 = tpu.memref_slice %arg10[%add3A_30, %dma_wait3A_67] : memref<10240x128xf32, #tpu.memory_space<vmem_shared>> -> memref<80x128xf32, #tpu.memory_space<vmem_shared>>
      tpu.wait_dma2 semaphore(%run_scoped3A_60 : memref<!tpu.dma_semaphore, #tpu.memory_space<semaphore_mem>>) src(%arg8 : memref<80x128xf32, #tpu.memory_space<vmem>>) dst(%dma_wait3A_68 : memref<80x128xf32, #tpu.memory_space<vmem_shared>>)
      tpu.yield
    }) : () -> ()
    %mul3A_31 = arith.constant 640 : i32
    %mul3A_32 = arith.muli %arg1, %mul3A_31 : i32
    %add3A_33 = arith.constant 480 : i32
    %add3A_34 = arith.addi %mul3A_32, %add3A_33 : i32
    "tpu.region"() ({
      %run_scoped3A_60 = tpu.sem_alloc : memref<!tpu.dma_semaphore, #tpu.memory_space<semaphore_mem>>
      %dma_start3A_61 = arith.constant 0 : i32
      %dma_start3A_62 = tpu.memref_slice %arg10[%add3A_34, %dma_start3A_61] : memref<10240x128xf32, #tpu.memory_space<vmem_shared>> -> memref<80x128xf32, #tpu.memory_space<vmem_shared>>
      %dma_start3A_63 = arith.constant 0 : i32
      %dma_start3A_64 = tpu.memref_slice %arg10[%add3A_34, %dma_start3A_63] : memref<10240x128xf32, #tpu.memory_space<vmem_shared>> -> memref<80x128xf32, #tpu.memory_space<vmem_shared>>
      tpu.enqueue_dma source(%arg8 : memref<80x128xf32, #tpu.memory_space<vmem>>) target(%dma_start3A_64 : memref<80x128xf32, #tpu.memory_space<vmem_shared>>) target_semaphore(%run_scoped3A_60 : memref<!tpu.dma_semaphore, #tpu.memory_space<semaphore_mem>>)
      %dma_wait3A_65 = arith.constant 0 : i32
      %dma_wait3A_66 = tpu.memref_slice %arg10[%add3A_34, %dma_wait3A_65] : memref<10240x128xf32, #tpu.memory_space<vmem_shared>> -> memref<80x128xf32, #tpu.memory_space<vmem_shared>>
      %dma_wait3A_67 = arith.constant 0 : i32
      %dma_wait3A_68 = tpu.memref_slice %arg10[%add3A_34, %dma_wait3A_67] : memref<10240x128xf32, #tpu.memory_space<vmem_shared>> -> memref<80x128xf32, #tpu.memory_space<vmem_shared>>
      tpu.wait_dma2 semaphore(%run_scoped3A_60 : memref<!tpu.dma_semaphore, #tpu.memory_space<semaphore_mem>>) src(%arg8 : memref<80x128xf32, #tpu.memory_space<vmem>>) dst(%dma_wait3A_68 : memref<80x128xf32, #tpu.memory_space<vmem_shared>>)
      tpu.yield
    }) : () -> ()
    %mul3A_35 = arith.constant 640 : i32
    %mul3A_36 = arith.muli %arg1, %mul3A_35 : i32
    %add3A_37 = arith.constant 560 : i32
    %add3A_38 = arith.addi %mul3A_36, %add3A_37 : i32
    "tpu.region"() ({
      %run_scoped3A_60 = tpu.sem_alloc : memref<!tpu.dma_semaphore, #tpu.memory_space<semaphore_mem>>
      %dma_start3A_61 = arith.constant 0 : i32
      %dma_start3A_62 = tpu.memref_slice %arg10[%add3A_38, %dma_start3A_61] : memref<10240x128xf32, #tpu.memory_space<vmem_shared>> -> memref<80x128xf32, #tpu.memory_space<vmem_shared>>
      %dma_start3A_63 = arith.constant 0 : i32
      %dma_start3A_64 = tpu.memref_slice %arg10[%add3A_38, %dma_start3A_63] : memref<10240x128xf32, #tpu.memory_space<vmem_shared>> -> memref<80x128xf32, #tpu.memory_space<vmem_shared>>
      tpu.enqueue_dma source(%arg8 : memref<80x128xf32, #tpu.memory_space<vmem>>) target(%dma_start3A_64 : memref<80x128xf32, #tpu.memory_space<vmem_shared>>) target_semaphore(%run_scoped3A_60 : memref<!tpu.dma_semaphore, #tpu.memory_space<semaphore_mem>>)
      %dma_wait3A_65 = arith.constant 0 : i32
      %dma_wait3A_66 = tpu.memref_slice %arg10[%add3A_38, %dma_wait3A_65] : memref<10240x128xf32, #tpu.memory_space<vmem_shared>> -> memref<80x128xf32, #tpu.memory_space<vmem_shared>>
      %dma_wait3A_67 = arith.constant 0 : i32
      %dma_wait3A_68 = tpu.memref_slice %arg10[%add3A_38, %dma_wait3A_67] : memref<10240x128xf32, #tpu.memory_space<vmem_shared>> -> memref<80x128xf32, #tpu.memory_space<vmem_shared>>
      tpu.wait_dma2 semaphore(%run_scoped3A_60 : memref<!tpu.dma_semaphore, #tpu.memory_space<semaphore_mem>>) src(%arg8 : memref<80x128xf32, #tpu.memory_space<vmem>>) dst(%dma_wait3A_68 : memref<80x128xf32, #tpu.memory_space<vmem_shared>>)
      tpu.yield
    }) : () -> ()
    %barrier3A = arith.constant 0 : index
    tpu.barrier barrier_id(%barrier3A)
    %dma_start3A = arith.constant 0 : i32
    %dma_start3A_39 = tpu.memref_slice %arg6[%dma_start3A] : memref<10000xi32, #tpu.memory_space<vmem>> -> memref<80xi32, #tpu.memory_space<vmem>>
    %dma_start3A_40 = arith.constant 0 : i32
    %dma_start3A_41 = arith.constant 0 : i32
    %dma_start3A_42 = tpu.memref_slice %arg2[%dma_start3A_40, %dma_start3A_41] : memref<10000x128xf32, #tpu.memory_space<hbm>> -> memref<10000x128xf32, #tpu.memory_space<hbm>>
    tpu.enqueue_indirect_dma source(%dma_start3A_42 : memref<10000x128xf32, #tpu.memory_space<hbm>>) target(%arg8 : memref<80x128xf32, #tpu.memory_space<vmem>>) offsets(%dma_start3A_39 : memref<80xi32, #tpu.memory_space<vmem>>) semaphore(%arg11 : memref<!tpu.dma_semaphore, #tpu.memory_space<semaphore_mem>>)
    %scan3A_43 = arith.constant 0 : i32
    %scan3A_44 = arith.constant 0 : i32
    %scan3A_45 = arith.constant 62 : i32
    %scan3A_46 = arith.addi %scan3A_44, %scan3A_45 : i32
    %scan3A_47 = arith.constant 1 : i32
    %scan3A_48 = scf.for %scan3A_60 = %scan3A_44 to %scan3A_46 step %scan3A_47 iter_args(%scan3A_61 = %scan3A_43) -> (i32)  : i32 {
      %mul3A_62 = arith.constant 2 : i32
      %mul3A_63 = arith.muli %mul3A_62, %scan3A_60 : i32
      %add3A_64 = arith.constant 1 : i32
      %add3A_65 = arith.addi %mul3A_63, %add3A_64 : i32
      %mul3A_66 = arith.constant 80 : i32
      %mul3A_67 = arith.muli %add3A_65, %mul3A_66 : i32
      %dma_start3A_68 = tpu.memref_slice %arg6[%mul3A_67] : memref<10000xi32, #tpu.memory_space<vmem>> -> memref<80xi32, #tpu.memory_space<vmem>>
      %dma_start3A_69 = arith.constant 0 : i32
      %dma_start3A_70 = arith.constant 0 : i32
      %dma_start3A_71 = tpu.memref_slice %arg2[%dma_start3A_69, %dma_start3A_70] : memref<10000x128xf32, #tpu.memory_space<hbm>> -> memref<10000x128xf32, #tpu.memory_space<hbm>>
      tpu.enqueue_indirect_dma source(%dma_start3A_71 : memref<10000x128xf32, #tpu.memory_space<hbm>>) target(%arg9 : memref<80x128xf32, #tpu.memory_space<vmem>>) offsets(%dma_start3A_68 : memref<80xi32, #tpu.memory_space<vmem>>) semaphore(%arg12 : memref<!tpu.dma_semaphore, #tpu.memory_space<semaphore_mem>>)
      %dma_wait3A_72 = arith.constant 0 : i32
      %dma_wait3A_73 = arith.constant 0 : i32
      %dma_wait3A_74 = tpu.memref_slice %arg2[%dma_wait3A_72, %dma_wait3A_73] : memref<10000x128xf32, #tpu.memory_space<hbm>> -> memref<80x128xf32, #tpu.memory_space<hbm>>
      %dma_wait3A_75 = arith.constant 0 : i32
      %dma_wait3A_76 = arith.constant 0 : i32
      %dma_wait3A_77 = tpu.memref_slice %arg2[%dma_wait3A_75, %dma_wait3A_76] : memref<10000x128xf32, #tpu.memory_space<hbm>> -> memref<80x128xf32, #tpu.memory_space<hbm>>
      tpu.wait_dma2 semaphore(%arg11 : memref<!tpu.dma_semaphore, #tpu.memory_space<semaphore_mem>>) src(%dma_wait3A_77 : memref<80x128xf32, #tpu.memory_space<hbm>>) dst(%arg8 : memref<80x128xf32, #tpu.memory_space<vmem>>)
      "tpu.region"() ({
        %run_scoped3A_95 = tpu.sem_alloc : memref<!tpu.dma_semaphore, #tpu.memory_space<semaphore_mem>>
        %dma_start3A_96 = arith.constant 0 : i32
        %dma_start3A_97 = tpu.memref_slice %arg7[%mul3A_63, %dma_start3A_96] : memref<125x80xi32, #tpu.memory_space<vmem>> -> memref<1x80xi32, #tpu.memory_space<vmem>>
        %dma_start3A_98 = tpu.memref_squeeze %dma_start3A_97 : memref<1x80xi32, #tpu.memory_space<vmem>> -> memref<80xi32, #tpu.memory_space<vmem>>
        %dma_start3A_99 = arith.constant 0 : i32
        %dma_start3A_100 = arith.constant 0 : i32
        %dma_start3A_101 = tpu.memref_slice %arg10[%dma_start3A_99, %dma_start3A_100] : memref<10240x128xf32, #tpu.memory_space<vmem_shared>> -> memref<10240x128xf32, #tpu.memory_space<vmem_shared>>
        tpu.enqueue_indirect_dma source(%arg8 : memref<80x128xf32, #tpu.memory_space<vmem>>) target(%dma_start3A_101 : memref<10240x128xf32, #tpu.memory_space<vmem_shared>>) offsets(%dma_start3A_98 : memref<80xi32, #tpu.memory_space<vmem>>) semaphore(%run_scoped3A_95 : memref<!tpu.dma_semaphore, #tpu.memory_space<semaphore_mem>>) {add = true}
        %dma_wait3A_102 = arith.constant 0 : i32
        %dma_wait3A_103 = tpu.memref_slice %arg7[%mul3A_63, %dma_wait3A_102] : memref<125x80xi32, #tpu.memory_space<vmem>> -> memref<1x80xi32, #tpu.memory_space<vmem>>
        %dma_wait3A_104 = tpu.memref_squeeze %dma_wait3A_103 : memref<1x80xi32, #tpu.memory_space<vmem>> -> memref<80xi32, #tpu.memory_space<vmem>>
        %dma_wait3A_105 = arith.constant 0 : i32
        %dma_wait3A_106 = arith.constant 0 : i32
        %dma_wait3A_107 = tpu.memref_slice %arg10[%dma_wait3A_105, %dma_wait3A_106] : memref<10240x128xf32, #tpu.memory_space<vmem_shared>> -> memref<10240x128xf32, #tpu.memory_space<vmem_shared>>
        tpu.wait_indirect_dma semaphore(%run_scoped3A_95 : memref<!tpu.dma_semaphore, #tpu.memory_space<semaphore_mem>>) src(%arg8 : memref<80x128xf32, #tpu.memory_space<vmem>>) dst(%dma_wait3A_107 : memref<10240x128xf32, #tpu.memory_space<vmem_shared>>)
        tpu.yield
      }) : () -> ()
      %add3A_78 = arith.constant 2 : i32
      %add3A_79 = arith.addi %mul3A_63, %add3A_78 : i32
      %mul3A_80 = arith.constant 80 : i32
      %mul3A_81 = arith.muli %add3A_79, %mul3A_80 : i32
      %dma_start3A_82 = tpu.memref_slice %arg6[%mul3A_81] : memref<10000xi32, #tpu.memory_space<vmem>> -> memref<80xi32, #tpu.memory_space<vmem>>
      %dma_start3A_83 = arith.constant 0 : i32
      %dma_start3A_84 = arith.constant 0 : i32
      %dma_start3A_85 = tpu.memref_slice %arg2[%dma_start3A_83, %dma_start3A_84] : memref<10000x128xf32, #tpu.memory_space<hbm>> -> memref<10000x128xf32, #tpu.memory_space<hbm>>
      tpu.enqueue_indirect_dma source(%dma_start3A_85 : memref<10000x128xf32, #tpu.memory_space<hbm>>) target(%arg8 : memref<80x128xf32, #tpu.memory_space<vmem>>) offsets(%dma_start3A_82 : memref<80xi32, #tpu.memory_space<vmem>>) semaphore(%arg11 : memref<!tpu.dma_semaphore, #tpu.memory_space<semaphore_mem>>)
      %dma_wait3A_86 = arith.constant 0 : i32
      %dma_wait3A_87 = arith.constant 0 : i32
      %dma_wait3A_88 = tpu.memref_slice %arg2[%dma_wait3A_86, %dma_wait3A_87] : memref<10000x128xf32, #tpu.memory_space<hbm>> -> memref<80x128xf32, #tpu.memory_space<hbm>>
      %dma_wait3A_89 = arith.constant 0 : i32
      %dma_wait3A_90 = arith.constant 0 : i32
      %dma_wait3A_91 = tpu.memref_slice %arg2[%dma_wait3A_89, %dma_wait3A_90] : memref<10000x128xf32, #tpu.memory_space<hbm>> -> memref<80x128xf32, #tpu.memory_space<hbm>>
      tpu.wait_dma2 semaphore(%arg12 : memref<!tpu.dma_semaphore, #tpu.memory_space<semaphore_mem>>) src(%dma_wait3A_91 : memref<80x128xf32, #tpu.memory_space<hbm>>) dst(%arg9 : memref<80x128xf32, #tpu.memory_space<vmem>>)
      %add3A_92 = arith.constant 1 : i32
      %add3A_93 = arith.addi %mul3A_63, %add3A_92 : i32
      "tpu.region"() ({
        %run_scoped3A_95 = tpu.sem_alloc : memref<!tpu.dma_semaphore, #tpu.memory_space<semaphore_mem>>
        %dma_start3A_96 = arith.constant 0 : i32
        %dma_start3A_97 = tpu.memref_slice %arg7[%add3A_93, %dma_start3A_96] : memref<125x80xi32, #tpu.memory_space<vmem>> -> memref<1x80xi32, #tpu.memory_space<vmem>>
        %dma_start3A_98 = tpu.memref_squeeze %dma_start3A_97 : memref<1x80xi32, #tpu.memory_space<vmem>> -> memref<80xi32, #tpu.memory_space<vmem>>
        %dma_start3A_99 = arith.constant 0 : i32
        %dma_start3A_100 = arith.constant 0 : i32
        %dma_start3A_101 = tpu.memref_slice %arg10[%dma_start3A_99, %dma_start3A_100] : memref<10240x128xf32, #tpu.memory_space<vmem_shared>> -> memref<10240x128xf32, #tpu.memory_space<vmem_shared>>
        tpu.enqueue_indirect_dma source(%arg9 : memref<80x128xf32, #tpu.memory_space<vmem>>) target(%dma_start3A_101 : memref<10240x128xf32, #tpu.memory_space<vmem_shared>>) offsets(%dma_start3A_98 : memref<80xi32, #tpu.memory_space<vmem>>) semaphore(%run_scoped3A_95 : memref<!tpu.dma_semaphore, #tpu.memory_space<semaphore_mem>>) {add = true}
        %dma_wait3A_102 = arith.constant 0 : i32
        %dma_wait3A_103 = tpu.memref_slice %arg7[%add3A_93, %dma_wait3A_102] : memref<125x80xi32, #tpu.memory_space<vmem>> -> memref<1x80xi32, #tpu.memory_space<vmem>>
        %dma_wait3A_104 = tpu.memref_squeeze %dma_wait3A_103 : memref<1x80xi32, #tpu.memory_space<vmem>> -> memref<80xi32, #tpu.memory_space<vmem>>
        %dma_wait3A_105 = arith.constant 0 : i32
        %dma_wait3A_106 = arith.constant 0 : i32
        %dma_wait3A_107 = tpu.memref_slice %arg10[%dma_wait3A_105, %dma_wait3A_106] : memref<10240x128xf32, #tpu.memory_space<vmem_shared>> -> memref<10240x128xf32, #tpu.memory_space<vmem_shared>>
        tpu.wait_indirect_dma semaphore(%run_scoped3A_95 : memref<!tpu.dma_semaphore, #tpu.memory_space<semaphore_mem>>) src(%arg9 : memref<80x128xf32, #tpu.memory_space<vmem>>) dst(%dma_wait3A_107 : memref<10240x128xf32, #tpu.memory_space<vmem_shared>>)
        tpu.yield
      }) : () -> ()
      %scan3A_94 = arith.constant 0 : i32
      scf.yield %scan3A_94 : i32
    }
    %scan3A_49 = arith.constant 62 : i32
    %dma_wait3A = arith.constant 0 : i32
    %dma_wait3A_50 = arith.constant 0 : i32
    %dma_wait3A_51 = tpu.memref_slice %arg2[%dma_wait3A, %dma_wait3A_50] : memref<10000x128xf32, #tpu.memory_space<hbm>> -> memref<80x128xf32, #tpu.memory_space<hbm>>
    %dma_wait3A_52 = arith.constant 0 : i32
    %dma_wait3A_53 = arith.constant 0 : i32
    %dma_wait3A_54 = tpu.memref_slice %arg2[%dma_wait3A_52, %dma_wait3A_53] : memref<10000x128xf32, #tpu.memory_space<hbm>> -> memref<80x128xf32, #tpu.memory_space<hbm>>
    tpu.wait_dma2 semaphore(%arg11 : memref<!tpu.dma_semaphore, #tpu.memory_space<semaphore_mem>>) src(%dma_wait3A_54 : memref<80x128xf32, #tpu.memory_space<hbm>>) dst(%arg8 : memref<80x128xf32, #tpu.memory_space<vmem>>)
    %run_scoped3A = arith.constant 124 : i32
    "tpu.region"() ({
      %run_scoped3A_60 = tpu.sem_alloc : memref<!tpu.dma_semaphore, #tpu.memory_space<semaphore_mem>>
      %dma_start3A_61 = arith.constant 0 : i32
      %dma_start3A_62 = tpu.memref_slice %arg7[%run_scoped3A, %dma_start3A_61] : memref<125x80xi32, #tpu.memory_space<vmem>> -> memref<1x80xi32, #tpu.memory_space<vmem>>
      %dma_start3A_63 = tpu.memref_squeeze %dma_start3A_62 : memref<1x80xi32, #tpu.memory_space<vmem>> -> memref<80xi32, #tpu.memory_space<vmem>>
      %dma_start3A_64 = arith.constant 0 : i32
      %dma_start3A_65 = arith.constant 0 : i32
      %dma_start3A_66 = tpu.memref_slice %arg10[%dma_start3A_64, %dma_start3A_65] : memref<10240x128xf32, #tpu.memory_space<vmem_shared>> -> memref<10240x128xf32, #tpu.memory_space<vmem_shared>>
      tpu.enqueue_indirect_dma source(%arg8 : memref<80x128xf32, #tpu.memory_space<vmem>>) target(%dma_start3A_66 : memref<10240x128xf32, #tpu.memory_space<vmem_shared>>) offsets(%dma_start3A_63 : memref<80xi32, #tpu.memory_space<vmem>>) semaphore(%run_scoped3A_60 : memref<!tpu.dma_semaphore, #tpu.memory_space<semaphore_mem>>) {add = true}
      %dma_wait3A_67 = arith.constant 0 : i32
      %dma_wait3A_68 = tpu.memref_slice %arg7[%run_scoped3A, %dma_wait3A_67] : memref<125x80xi32, #tpu.memory_space<vmem>> -> memref<1x80xi32, #tpu.memory_space<vmem>>
      %dma_wait3A_69 = tpu.memref_squeeze %dma_wait3A_68 : memref<1x80xi32, #tpu.memory_space<vmem>> -> memref<80xi32, #tpu.memory_space<vmem>>
      %dma_wait3A_70 = arith.constant 0 : i32
      %dma_wait3A_71 = arith.constant 0 : i32
      %dma_wait3A_72 = tpu.memref_slice %arg10[%dma_wait3A_70, %dma_wait3A_71] : memref<10240x128xf32, #tpu.memory_space<vmem_shared>> -> memref<10240x128xf32, #tpu.memory_space<vmem_shared>>
      tpu.wait_indirect_dma semaphore(%run_scoped3A_60 : memref<!tpu.dma_semaphore, #tpu.memory_space<semaphore_mem>>) src(%arg8 : memref<80x128xf32, #tpu.memory_space<vmem>>) dst(%dma_wait3A_72 : memref<10240x128xf32, #tpu.memory_space<vmem_shared>>)
      tpu.yield
    }) : () -> ()
    %barrier3A_55 = arith.constant 0 : index
    tpu.barrier barrier_id(%barrier3A_55)
    %mul3A_56 = arith.constant 640 : i32
    %mul3A_57 = arith.muli %arg1, %mul3A_56 : i32
    %mul3A_58 = arith.constant 640 : i32
    %mul3A_59 = arith.muli %arg1, %mul3A_58 : i32
    "tpu.region"() ({
      %run_scoped3A_60 = tpu.sem_alloc : memref<!tpu.dma_semaphore, #tpu.memory_space<semaphore_mem>>
      %dma_start3A_61 = arith.constant 0 : i32
      %dma_start3A_62 = tpu.memref_slice %arg5[%arg0, %mul3A_59, %dma_start3A_61] : memref<2x10240x128xf32, #tpu.memory_space<hbm>> -> memref<1x640x128xf32, #tpu.memory_space<hbm>>
      %dma_start3A_63 = tpu.memref_squeeze %dma_start3A_62 : memref<1x640x128xf32, #tpu.memory_space<hbm>> -> memref<640x128xf32, #tpu.memory_space<hbm>>
      %dma_start3A_64 = arith.constant 0 : i32
      %dma_start3A_65 = tpu.memref_slice %arg10[%mul3A_57, %dma_start3A_64] : memref<10240x128xf32, #tpu.memory_space<vmem_shared>> -> memref<640x128xf32, #tpu.memory_space<vmem_shared>>
      tpu.enqueue_dma source(%dma_start3A_65 : memref<640x128xf32, #tpu.memory_space<vmem_shared>>) target(%dma_start3A_63 : memref<640x128xf32, #tpu.memory_space<hbm>>) target_semaphore(%run_scoped3A_60 : memref<!tpu.dma_semaphore, #tpu.memory_space<semaphore_mem>>)
      %dma_wait3A_66 = arith.constant 0 : i32
      %dma_wait3A_67 = tpu.memref_slice %arg5[%arg0, %mul3A_59, %dma_wait3A_66] : memref<2x10240x128xf32, #tpu.memory_space<hbm>> -> memref<1x640x128xf32, #tpu.memory_space<hbm>>
      %dma_wait3A_68 = tpu.memref_squeeze %dma_wait3A_67 : memref<1x640x128xf32, #tpu.memory_space<hbm>> -> memref<640x128xf32, #tpu.memory_space<hbm>>
      %dma_wait3A_69 = arith.constant 0 : i32
      %dma_wait3A_70 = tpu.memref_slice %arg10[%mul3A_57, %dma_wait3A_69] : memref<10240x128xf32, #tpu.memory_space<vmem_shared>> -> memref<640x128xf32, #tpu.memory_space<vmem_shared>>
      tpu.wait_dma2 semaphore(%run_scoped3A_60 : memref<!tpu.dma_semaphore, #tpu.memory_space<semaphore_mem>>) src(%dma_wait3A_70 : memref<640x128xf32, #tpu.memory_space<vmem_shared>>) dst(%dma_wait3A_68 : memref<640x128xf32, #tpu.memory_space<hbm>>)
      tpu.yield
    }) : () -> ()
    return
  }
}

module attributes {stable_mosaic.version = 14 : i64} {
  func.func @_emb_body(%arg0: memref<10000x128xf32, #tpu.memory_space<vmem>>, %arg1: memref<128x128xf32, #tpu.memory_space<vmem>>, %arg2: memref<1x128xf32, #tpu.memory_space<vmem>>, %arg3: memref<10000x128xf32, #tpu.memory_space<vmem>>) attributes {dimension_semantics = [], scalar_prefetch = 0 : i64, scratch_operands = 0 : i64, tpu.core_type = #tpu.core_type<tc>} {
    %get3A = arith.constant 0 : index
    %get3A_0 = arith.constant 0 : index
    %get3A_1 = vector.load %arg0[%get3A, %get3A_0] : memref<10000x128xf32, #tpu.memory_space<vmem>>, vector<10000x128xf32>
    %get3A_2 = arith.constant 0 : index
    %get3A_3 = arith.constant 0 : index
    %get3A_4 = vector.load %arg1[%get3A_2, %get3A_3] : memref<128x128xf32, #tpu.memory_space<vmem>>, vector<128x128xf32>
    %dot_general3A = arith.constant dense<0.000000e+00> : vector<10000x128xf32>
    %dot_general3A_5 = tpu.matmul %get3A_1, %get3A_4, %dot_general3A {dimension_numbers = #tpu.dot_dimension_numbers<[1], [0], [0], [1], [0, 0, 1, 1], [], []>, transpose_lhs_hint = false} : vector<10000x128xf32>, vector<128x128xf32>, vector<10000x128xf32> -> vector<10000x128xf32>
    %get3A_6 = arith.constant 0 : index
    %get3A_7 = arith.constant 0 : index
    %get3A_8 = vector.load %arg2[%get3A_6, %get3A_7] : memref<1x128xf32, #tpu.memory_space<vmem>>, vector<1x128xf32>
    %add3A = vector.broadcast %get3A_8 : vector<1x128xf32> to vector<10000x128xf32>
    %add3A_9 = arith.addf %dot_general3A_5, %add3A : vector<10000x128xf32>
    %gt3A = arith.constant 0.000000e+00 : f32
    %gt3A_10 = vector.broadcast %gt3A : f32 to vector<10000x128xf32>
    %gt3A_11 = arith.cmpf ogt, %add3A_9, %gt3A_10 : vector<10000x128xf32>
    %min3A = arith.constant 0.000000e+00 : f32
    %min3A_12 = vector.broadcast %min3A : f32 to vector<10000x128xf32>
    %min3A_13 = arith.minimumf %add3A_9, %min3A_12 : vector<10000x128xf32>
    %exp3A = math.exp %min3A_13 : vector<10000x128xf32>
    %sub3A = arith.constant 1.000000e+00 : f32
    %sub3A_14 = vector.broadcast %sub3A : f32 to vector<10000x128xf32>
    %sub3A_15 = arith.subf %exp3A, %sub3A_14 : vector<10000x128xf32>
    %select_n3A = arith.select %gt3A_11, %add3A_9, %sub3A_15 : vector<10000x128xi1>, vector<10000x128xf32>
    %swap3A = arith.constant 0 : index
    %swap3A_16 = arith.constant 0 : index
    %swap3A_17 = vector.load %arg3[%swap3A, %swap3A_16] : memref<10000x128xf32, #tpu.memory_space<vmem>>, vector<10000x128xf32>
    tpu.vector_store %arg3[%swap3A, %swap3A_16], %select_n3A {strides = array<i32>} : memref<10000x128xf32, #tpu.memory_space<vmem>>, vector<10000x128xf32>,
    return
  }
}

module attributes {stable_mosaic.version = 14 : i64} {
  func.func @_hw0_body(%arg0: memref<10000x128xf32, #tpu.memory_space<vmem>>, %arg1: memref<128x128xf32, #tpu.memory_space<vmem>>, %arg2: memref<10000x2xf32, #tpu.memory_space<vmem>>, %arg3: memref<10000x128xf32, #tpu.memory_space<vmem>>) attributes {dimension_semantics = [], scalar_prefetch = 0 : i64, scratch_operands = 0 : i64, tpu.core_type = #tpu.core_type<tc>} {
    %get3A = arith.constant 0 : index
    %get3A_0 = arith.constant 0 : index
    %get3A_1 = vector.load %arg2[%get3A, %get3A_0] : memref<10000x2xf32, #tpu.memory_space<vmem>>, vector<10000x1xf32>
    %get3A_2 = arith.constant 0 : index
    %get3A_3 = arith.constant 1 : index
    %get3A_4 = vector.load %arg2[%get3A_2, %get3A_3] : memref<10000x2xf32, #tpu.memory_space<vmem>>, vector<10000x1xf32>
    %add3A = arith.addf %get3A_1, %get3A_4 : vector<10000x1xf32>
    %add3A_5 = arith.constant 1.000000e+00 : f32
    %add3A_6 = vector.broadcast %add3A_5 : f32 to vector<10000x1xf32>
    %add3A_7 = arith.addf %add3A, %add3A_6 : vector<10000x1xf32>
    %rsqrt3A = math.rsqrt %add3A_7 : vector<10000x1xf32>
    %get3A_8 = arith.constant 0 : index
    %get3A_9 = arith.constant 0 : index
    %get3A_10 = vector.load %arg0[%get3A_8, %get3A_9] : memref<10000x128xf32, #tpu.memory_space<vmem>>, vector<10000x128xf32>
    %get3A_11 = arith.constant 0 : index
    %get3A_12 = arith.constant 0 : index
    %get3A_13 = vector.load %arg1[%get3A_11, %get3A_12] : memref<128x128xf32, #tpu.memory_space<vmem>>, vector<128x128xf32>
    %dot_general3A = arith.constant dense<0.000000e+00> : vector<10000x128xf32>
    %dot_general3A_14 = tpu.matmul %get3A_10, %get3A_13, %dot_general3A {dimension_numbers = #tpu.dot_dimension_numbers<[1], [0], [0], [1], [0, 0, 1, 1], [], []>, transpose_lhs_hint = false} : vector<10000x128xf32>, vector<128x128xf32>, vector<10000x128xf32> -> vector<10000x128xf32>
    %mul3A = vector.broadcast %rsqrt3A : vector<10000x1xf32> to vector<10000x128xf32>
    %mul3A_15 = arith.mulf %mul3A, %dot_general3A_14 : vector<10000x128xf32>
    %swap3A = arith.constant 0 : index
    %swap3A_16 = arith.constant 0 : index
    %swap3A_17 = vector.load %arg3[%swap3A, %swap3A_16] : memref<10000x128xf32, #tpu.memory_space<vmem>>, vector<10000x128xf32>
    tpu.vector_store %arg3[%swap3A, %swap3A_16], %mul3A_15 {strides = array<i32>} : memref<10000x128xf32, #tpu.memory_space<vmem>>, vector<10000x128xf32>,
    return
  }
}

module attributes {stable_mosaic.version = 14 : i64} {
  func.func @_conv_body(%arg0: memref<2x10240x128xf32, #tpu.memory_space<vmem>>, %arg1: memref<10000x128xf32, #tpu.memory_space<vmem>>, %arg2: memref<10000x2xf32, #tpu.memory_space<vmem>>, %arg3: memref<1x128xf32, #tpu.memory_space<vmem>>, %arg4: memref<1x128xf32, #tpu.memory_space<vmem>>, %arg5: memref<1x128xf32, #tpu.memory_space<vmem>>, %arg6: memref<128x128xf32, #tpu.memory_space<vmem>>, %arg7: memref<10000x128xf32, #tpu.memory_space<vmem>>) attributes {dimension_semantics = [], scalar_prefetch = 0 : i64, scratch_operands = 0 : i64, tpu.core_type = #tpu.core_type<tc>} {
    %get3A = arith.constant 0 : index
    %get3A_0 = arith.constant 0 : index
    %get3A_1 = vector.load %arg2[%get3A, %get3A_0] : memref<10000x2xf32, #tpu.memory_space<vmem>>, vector<10000x1xf32>
    %get3A_2 = arith.constant 0 : index
    %get3A_3 = arith.constant 1 : index
    %get3A_4 = vector.load %arg2[%get3A_2, %get3A_3] : memref<10000x2xf32, #tpu.memory_space<vmem>>, vector<10000x1xf32>
    %add3A = arith.addf %get3A_1, %get3A_4 : vector<10000x1xf32>
    %add3A_5 = arith.constant 1.000000e+00 : f32
    %add3A_6 = vector.broadcast %add3A_5 : f32 to vector<10000x1xf32>
    %add3A_7 = arith.addf %add3A, %add3A_6 : vector<10000x1xf32>
    %rsqrt3A = math.rsqrt %add3A_7 : vector<10000x1xf32>
    %get3A_8 = arith.constant 0 : index
    %get3A_9 = arith.constant 0 : index
    %get3A_10 = arith.constant 0 : index
    %get3A_11 = vector.load %arg0[%get3A_8, %get3A_9, %get3A_10] : memref<2x10240x128xf32, #tpu.memory_space<vmem>>, vector<1x10240x128xf32>
    %get3A_12 = vector.shape_cast %get3A_11 : vector<1x10240x128xf32> to vector<10240x128xf32>
    %slice3A = vector.extract_strided_slice %get3A_12 {offsets = [0, 0], sizes = [10000, 128], strides = [1, 1]} : vector<10240x128xf32> to vector<10000x128xf32>
    %get3A_13 = arith.constant 1 : index
    %get3A_14 = arith.constant 0 : index
    %get3A_15 = arith.constant 0 : index
    %get3A_16 = vector.load %arg0[%get3A_13, %get3A_14, %get3A_15] : memref<2x10240x128xf32, #tpu.memory_space<vmem>>, vector<1x10240x128xf32>
    %get3A_17 = vector.shape_cast %get3A_16 : vector<1x10240x128xf32> to vector<10240x128xf32>
    %slice3A_18 = vector.extract_strided_slice %get3A_17 {offsets = [0, 0], sizes = [10000, 128], strides = [1, 1]} : vector<10240x128xf32> to vector<10000x128xf32>
    %add3A_19 = arith.addf %slice3A, %slice3A_18 : vector<10000x128xf32>
    %get3A_20 = arith.constant 0 : index
    %get3A_21 = arith.constant 0 : index
    %get3A_22 = vector.load %arg1[%get3A_20, %get3A_21] : memref<10000x128xf32, #tpu.memory_space<vmem>>, vector<10000x128xf32>
    %add3A_23 = arith.addf %add3A_19, %get3A_22 : vector<10000x128xf32>
    %mul3A = vector.broadcast %rsqrt3A : vector<10000x1xf32> to vector<10000x128xf32>
    %mul3A_24 = arith.mulf %mul3A, %add3A_23 : vector<10000x128xf32>
    %get3A_25 = arith.constant 0 : index
    %get3A_26 = arith.constant 0 : index
    %get3A_27 = vector.load %arg3[%get3A_25, %get3A_26] : memref<1x128xf32, #tpu.memory_space<vmem>>, vector<1x128xf32>
    %add3A_28 = vector.broadcast %get3A_27 : vector<1x128xf32> to vector<10000x128xf32>
    %add3A_29 = arith.addf %mul3A_24, %add3A_28 : vector<10000x128xf32>
    %get3A_30 = arith.constant 0 : index
    %get3A_31 = arith.constant 0 : index
    %get3A_32 = vector.load %arg4[%get3A_30, %get3A_31] : memref<1x128xf32, #tpu.memory_space<vmem>>, vector<1x128xf32>
    %get3A_33 = arith.constant 0 : index
    %get3A_34 = arith.constant 0 : index
    %get3A_35 = vector.load %arg5[%get3A_33, %get3A_34] : memref<1x128xf32, #tpu.memory_space<vmem>>, vector<1x128xf32>
    %reduce_sum3A = arith.constant dense<0.000000e+00> : vector<128xf32>
    %reduce_sum3A_36 = vector.multi_reduction <add>, %add3A_29, %reduce_sum3A [0] : vector<10000x128xf32> to vector<128xf32>
    %broadcast_in_dim3A = vector.shape_cast %reduce_sum3A_36 : vector<128xf32> to vector<1x128xf32>
    %div3A = arith.constant 1.000000e+04 : f32
    %div3A_37 = vector.broadcast %div3A : f32 to vector<1x128xf32>
    %div3A_38 = arith.divf %broadcast_in_dim3A, %div3A_37 : vector<1x128xf32>
    %sub3A = vector.broadcast %div3A_38 : vector<1x128xf32> to vector<10000x128xf32>
    %sub3A_39 = arith.subf %add3A_29, %sub3A : vector<10000x128xf32>
    %integer_pow3A = arith.mulf %sub3A_39, %sub3A_39 : vector<10000x128xf32>
    %reduce_sum3A_40 = arith.constant dense<0.000000e+00> : vector<128xf32>
    %reduce_sum3A_41 = vector.multi_reduction <add>, %integer_pow3A, %reduce_sum3A_40 [0] : vector<10000x128xf32> to vector<128xf32>
    %broadcast_in_dim3A_42 = vector.shape_cast %reduce_sum3A_41 : vector<128xf32> to vector<1x128xf32>
    %div3A_43 = arith.constant 1.000000e+04 : f32
    %div3A_44 = vector.broadcast %div3A_43 : f32 to vector<1x128xf32>
    %div3A_45 = arith.divf %broadcast_in_dim3A_42, %div3A_44 : vector<1x128xf32>
    %sub3A_46 = vector.broadcast %div3A_38 : vector<1x128xf32> to vector<10000x128xf32>
    %sub3A_47 = arith.subf %add3A_29, %sub3A_46 : vector<10000x128xf32>
    %mul3A_48 = vector.broadcast %get3A_32 : vector<1x128xf32> to vector<10000x128xf32>
    %mul3A_49 = arith.mulf %mul3A_48, %sub3A_47 : vector<10000x128xf32>
    %add3A_50 = arith.constant 9.99999974E-6 : f32
    %add3A_51 = vector.broadcast %add3A_50 : f32 to vector<1x128xf32>
    %add3A_52 = arith.addf %div3A_45, %add3A_51 : vector<1x128xf32>
    %sqrt3A = math.sqrt %add3A_52 : vector<1x128xf32>
    %div3A_53 = vector.broadcast %sqrt3A : vector<1x128xf32> to vector<10000x128xf32>
    %div3A_54 = arith.divf %mul3A_49, %div3A_53 : vector<10000x128xf32>
    %add3A_55 = vector.broadcast %get3A_35 : vector<1x128xf32> to vector<10000x128xf32>
    %add3A_56 = arith.addf %div3A_54, %add3A_55 : vector<10000x128xf32>
    %max3A = arith.constant 0.000000e+00 : f32
    %max3A_57 = vector.broadcast %max3A : f32 to vector<10000x128xf32>
    %max3A_58 = arith.maximumf %add3A_56, %max3A_57 : vector<10000x128xf32>
    %get3A_59 = arith.constant 0 : index
    %get3A_60 = arith.constant 0 : index
    %get3A_61 = vector.load %arg6[%get3A_59, %get3A_60] : memref<128x128xf32, #tpu.memory_space<vmem>>, vector<128x128xf32>
    %dot_general3A = arith.constant dense<0.000000e+00> : vector<10000x128xf32>
    %dot_general3A_62 = tpu.matmul %max3A_58, %get3A_61, %dot_general3A {dimension_numbers = #tpu.dot_dimension_numbers<[1], [0], [0], [1], [0, 0, 1, 1], [], []>, transpose_lhs_hint = false} : vector<10000x128xf32>, vector<128x128xf32>, vector<10000x128xf32> -> vector<10000x128xf32>
    %mul3A_63 = vector.broadcast %rsqrt3A : vector<10000x1xf32> to vector<10000x128xf32>
    %mul3A_64 = arith.mulf %mul3A_63, %dot_general3A_62 : vector<10000x128xf32>
    %swap3A = arith.constant 0 : index
    %swap3A_65 = arith.constant 0 : index
    %swap3A_66 = vector.load %arg7[%swap3A, %swap3A_65] : memref<10000x128xf32, #tpu.memory_space<vmem>>, vector<10000x128xf32>
    tpu.vector_store %arg7[%swap3A, %swap3A_65], %mul3A_64 {strides = array<i32>} : memref<10000x128xf32, #tpu.memory_space<vmem>>, vector<10000x128xf32>,
    return
  }
}

module attributes {stable_mosaic.version = 14 : i64} {
  func.func @_conv_last_body(%arg0: memref<2x10240x128xf32, #tpu.memory_space<vmem>>, %arg1: memref<10000x128xf32, #tpu.memory_space<vmem>>, %arg2: memref<10000x2xf32, #tpu.memory_space<vmem>>, %arg3: memref<1x128xf32, #tpu.memory_space<vmem>>, %arg4: memref<1x128xf32, #tpu.memory_space<vmem>>, %arg5: memref<1x128xf32, #tpu.memory_space<vmem>>, %arg6: memref<10000x128xf32, #tpu.memory_space<vmem>>) attributes {dimension_semantics = [], scalar_prefetch = 0 : i64, scratch_operands = 0 : i64, tpu.core_type = #tpu.core_type<tc>} {
    %get3A = arith.constant 0 : index
    %get3A_0 = arith.constant 0 : index
    %get3A_1 = vector.load %arg2[%get3A, %get3A_0] : memref<10000x2xf32, #tpu.memory_space<vmem>>, vector<10000x1xf32>
    %get3A_2 = arith.constant 0 : index
    %get3A_3 = arith.constant 1 : index
    %get3A_4 = vector.load %arg2[%get3A_2, %get3A_3] : memref<10000x2xf32, #tpu.memory_space<vmem>>, vector<10000x1xf32>
    %add3A = arith.addf %get3A_1, %get3A_4 : vector<10000x1xf32>
    %add3A_5 = arith.constant 1.000000e+00 : f32
    %add3A_6 = vector.broadcast %add3A_5 : f32 to vector<10000x1xf32>
    %add3A_7 = arith.addf %add3A, %add3A_6 : vector<10000x1xf32>
    %rsqrt3A = math.rsqrt %add3A_7 : vector<10000x1xf32>
    %get3A_8 = arith.constant 0 : index
    %get3A_9 = arith.constant 0 : index
    %get3A_10 = arith.constant 0 : index
    %get3A_11 = vector.load %arg0[%get3A_8, %get3A_9, %get3A_10] : memref<2x10240x128xf32, #tpu.memory_space<vmem>>, vector<1x10240x128xf32>
    %get3A_12 = vector.shape_cast %get3A_11 : vector<1x10240x128xf32> to vector<10240x128xf32>
    %slice3A = vector.extract_strided_slice %get3A_12 {offsets = [0, 0], sizes = [10000, 128], strides = [1, 1]} : vector<10240x128xf32> to vector<10000x128xf32>
    %get3A_13 = arith.constant 1 : index
    %get3A_14 = arith.constant 0 : index
    %get3A_15 = arith.constant 0 : index
    %get3A_16 = vector.load %arg0[%get3A_13, %get3A_14, %get3A_15] : memref<2x10240x128xf32, #tpu.memory_space<vmem>>, vector<1x10240x128xf32>
    %get3A_17 = vector.shape_cast %get3A_16 : vector<1x10240x128xf32> to vector<10240x128xf32>
    %slice3A_18 = vector.extract_strided_slice %get3A_17 {offsets = [0, 0], sizes = [10000, 128], strides = [1, 1]} : vector<10240x128xf32> to vector<10000x128xf32>
    %add3A_19 = arith.addf %slice3A, %slice3A_18 : vector<10000x128xf32>
    %get3A_20 = arith.constant 0 : index
    %get3A_21 = arith.constant 0 : index
    %get3A_22 = vector.load %arg1[%get3A_20, %get3A_21] : memref<10000x128xf32, #tpu.memory_space<vmem>>, vector<10000x128xf32>
    %add3A_23 = arith.addf %add3A_19, %get3A_22 : vector<10000x128xf32>
    %mul3A = vector.broadcast %rsqrt3A : vector<10000x1xf32> to vector<10000x128xf32>
    %mul3A_24 = arith.mulf %mul3A, %add3A_23 : vector<10000x128xf32>
    %get3A_25 = arith.constant 0 : index
    %get3A_26 = arith.constant 0 : index
    %get3A_27 = vector.load %arg3[%get3A_25, %get3A_26] : memref<1x128xf32, #tpu.memory_space<vmem>>, vector<1x128xf32>
    %add3A_28 = vector.broadcast %get3A_27 : vector<1x128xf32> to vector<10000x128xf32>
    %add3A_29 = arith.addf %mul3A_24, %add3A_28 : vector<10000x128xf32>
    %get3A_30 = arith.constant 0 : index
    %get3A_31 = arith.constant 0 : index
    %get3A_32 = vector.load %arg4[%get3A_30, %get3A_31] : memref<1x128xf32, #tpu.memory_space<vmem>>, vector<1x128xf32>
    %get3A_33 = arith.constant 0 : index
    %get3A_34 = arith.constant 0 : index
    %get3A_35 = vector.load %arg5[%get3A_33, %get3A_34] : memref<1x128xf32, #tpu.memory_space<vmem>>, vector<1x128xf32>
    %reduce_sum3A = arith.constant dense<0.000000e+00> : vector<128xf32>
    %reduce_sum3A_36 = vector.multi_reduction <add>, %add3A_29, %reduce_sum3A [0] : vector<10000x128xf32> to vector<128xf32>
    %broadcast_in_dim3A = vector.shape_cast %reduce_sum3A_36 : vector<128xf32> to vector<1x128xf32>
    %div3A = arith.constant 1.000000e+04 : f32
    %div3A_37 = vector.broadcast %div3A : f32 to vector<1x128xf32>
    %div3A_38 = arith.divf %broadcast_in_dim3A, %div3A_37 : vector<1x128xf32>
    %sub3A = vector.broadcast %div3A_38 : vector<1x128xf32> to vector<10000x128xf32>
    %sub3A_39 = arith.subf %add3A_29, %sub3A : vector<10000x128xf32>
    %integer_pow3A = arith.mulf %sub3A_39, %sub3A_39 : vector<10000x128xf32>
    %reduce_sum3A_40 = arith.constant dense<0.000000e+00> : vector<128xf32>
    %reduce_sum3A_41 = vector.multi_reduction <add>, %integer_pow3A, %reduce_sum3A_40 [0] : vector<10000x128xf32> to vector<128xf32>
    %broadcast_in_dim3A_42 = vector.shape_cast %reduce_sum3A_41 : vector<128xf32> to vector<1x128xf32>
    %div3A_43 = arith.constant 1.000000e+04 : f32
    %div3A_44 = vector.broadcast %div3A_43 : f32 to vector<1x128xf32>
    %div3A_45 = arith.divf %broadcast_in_dim3A_42, %div3A_44 : vector<1x128xf32>
    %sub3A_46 = vector.broadcast %div3A_38 : vector<1x128xf32> to vector<10000x128xf32>
    %sub3A_47 = arith.subf %add3A_29, %sub3A_46 : vector<10000x128xf32>
    %mul3A_48 = vector.broadcast %get3A_32 : vector<1x128xf32> to vector<10000x128xf32>
    %mul3A_49 = arith.mulf %mul3A_48, %sub3A_47 : vector<10000x128xf32>
    %add3A_50 = arith.constant 9.99999974E-6 : f32
    %add3A_51 = vector.broadcast %add3A_50 : f32 to vector<1x128xf32>
    %add3A_52 = arith.addf %div3A_45, %add3A_51 : vector<1x128xf32>
    %sqrt3A = math.sqrt %add3A_52 : vector<1x128xf32>
    %div3A_53 = vector.broadcast %sqrt3A : vector<1x128xf32> to vector<10000x128xf32>
    %div3A_54 = arith.divf %mul3A_49, %div3A_53 : vector<10000x128xf32>
    %add3A_55 = vector.broadcast %get3A_35 : vector<1x128xf32> to vector<10000x128xf32>
    %add3A_56 = arith.addf %div3A_54, %add3A_55 : vector<10000x128xf32>
    %max3A = arith.constant 0.000000e+00 : f32
    %max3A_57 = vector.broadcast %max3A : f32 to vector<10000x128xf32>
    %max3A_58 = arith.maximumf %add3A_56, %max3A_57 : vector<10000x128xf32>
    %swap3A = arith.constant 0 : index
    %swap3A_59 = arith.constant 0 : index
    %swap3A_60 = vector.load %arg6[%swap3A, %swap3A_59] : memref<10000x128xf32, #tpu.memory_space<vmem>>, vector<10000x128xf32>
    tpu.vector_store %arg6[%swap3A, %swap3A_59], %max3A_58 {strides = array<i32>} : memref<10000x128xf32, #tpu.memory_space<vmem>>, vector<10000x128xf32>,
    return
  }
}

module attributes {stable_mosaic.version = 14 : i64} {
  func.func @_fc_body(%arg0: memref<10000x128xf32, #tpu.memory_space<vmem>>, %arg1: memref<1x10000xi32, #tpu.memory_space<vmem>>, %arg2: memref<3x128x128xf32, #tpu.memory_space<vmem>>, %arg3: memref<3x1x128xf32, #tpu.memory_space<vmem>>, %arg4: memref<3x1x128xf32, #tpu.memory_space<vmem>>, %arg5: memref<3x1x128xf32, #tpu.memory_space<vmem>>, %arg6: memref<128x128xf32, #tpu.memory_space<vmem>>, %arg7: memref<1x128xf32, #tpu.memory_space<vmem>>, %arg8: memref<256x128xf32, #tpu.memory_space<vmem>>) attributes {dimension_semantics = [], scalar_prefetch = 0 : i64, scratch_operands = 0 : i64, tpu.core_type = #tpu.core_type<tc>} {
    %get3A = arith.constant 0 : index
    %get3A_0 = arith.constant 0 : index
    %get3A_1 = vector.load %arg1[%get3A, %get3A_0] : memref<1x10000xi32, #tpu.memory_space<vmem>>, vector<1x10000xi32>
    %broadcast_in_dim3A = vector.shape_cast %get3A_1 : vector<1x10000xi32> to vector<1x10000xi32>
    %broadcast_in_dim3A_2 = vector.broadcast %broadcast_in_dim3A : vector<1x10000xi32> to vector<256x10000xi32>
    %iota3A = tpu.iota {dimensions = array<i32: 0>} : vector<256x10000xi32>
    %eq3A = arith.cmpi eq, %broadcast_in_dim3A_2, %iota3A : vector<256x10000xi32>
    %convert_element_type3A = arith.extui %eq3A : vector<256x10000xi1> to vector<256x10000xi32>
    %convert_element_type3A_3 = arith.sitofp %convert_element_type3A : vector<256x10000xi32> to vector<256x10000xf32>
    %get3A_4 = arith.constant 0 : index
    %get3A_5 = arith.constant 0 : index
    %get3A_6 = vector.load %arg0[%get3A_4, %get3A_5] : memref<10000x128xf32, #tpu.memory_space<vmem>>, vector<10000x128xf32>
    %dot_general3A = arith.constant dense<0.000000e+00> : vector<256x128xf32>
    %dot_general3A_7 = tpu.matmul %convert_element_type3A_3, %get3A_6, %dot_general3A {dimension_numbers = #tpu.dot_dimension_numbers<[1], [0], [0], [1], [0, 0, 1, 1], [], []>, transpose_lhs_hint = false} : vector<256x10000xf32>, vector<10000x128xf32>, vector<256x128xf32> -> vector<256x128xf32>
    %get3A_8 = arith.constant 0 : index
    %get3A_9 = arith.constant 0 : index
    %get3A_10 = arith.constant 0 : index
    %get3A_11 = vector.load %arg2[%get3A_8, %get3A_9, %get3A_10] : memref<3x128x128xf32, #tpu.memory_space<vmem>>, vector<1x128x128xf32>
    %get3A_12 = vector.shape_cast %get3A_11 : vector<1x128x128xf32> to vector<128x128xf32>
    %dot_general3A_13 = arith.constant dense<0.000000e+00> : vector<256x128xf32>
    %dot_general3A_14 = tpu.matmul %dot_general3A_7, %get3A_12, %dot_general3A_13 {dimension_numbers = #tpu.dot_dimension_numbers<[1], [0], [0], [1], [0, 0, 1, 1], [], []>, transpose_lhs_hint = false} : vector<256x128xf32>, vector<128x128xf32>, vector<256x128xf32> -> vector<256x128xf32>
    %get3A_15 = arith.constant 0 : index
    %get3A_16 = arith.constant 0 : index
    %get3A_17 = arith.constant 0 : index
    %get3A_18 = vector.load %arg3[%get3A_15, %get3A_16, %get3A_17] : memref<3x1x128xf32, #tpu.memory_space<vmem>>, vector<1x1x128xf32>
    %get3A_19 = vector.shape_cast %get3A_18 : vector<1x1x128xf32> to vector<1x128xf32>
    %add3A = vector.broadcast %get3A_19 : vector<1x128xf32> to vector<256x128xf32>
    %add3A_20 = arith.addf %dot_general3A_14, %add3A : vector<256x128xf32>
    %get3A_21 = arith.constant 0 : index
    %get3A_22 = arith.constant 0 : index
    %get3A_23 = arith.constant 0 : index
    %get3A_24 = vector.load %arg4[%get3A_21, %get3A_22, %get3A_23] : memref<3x1x128xf32, #tpu.memory_space<vmem>>, vector<1x1x128xf32>
    %get3A_25 = vector.shape_cast %get3A_24 : vector<1x1x128xf32> to vector<1x128xf32>
    %get3A_26 = arith.constant 0 : index
    %get3A_27 = arith.constant 0 : index
    %get3A_28 = arith.constant 0 : index
    %get3A_29 = vector.load %arg5[%get3A_26, %get3A_27, %get3A_28] : memref<3x1x128xf32, #tpu.memory_space<vmem>>, vector<1x1x128xf32>
    %get3A_30 = vector.shape_cast %get3A_29 : vector<1x1x128xf32> to vector<1x128xf32>
    %reduce_sum3A = arith.constant dense<0.000000e+00> : vector<128xf32>
    %reduce_sum3A_31 = vector.multi_reduction <add>, %add3A_20, %reduce_sum3A [0] : vector<256x128xf32> to vector<128xf32>
    %broadcast_in_dim3A_32 = vector.shape_cast %reduce_sum3A_31 : vector<128xf32> to vector<1x128xf32>
    %div3A = arith.constant 2.560000e+02 : f32
    %div3A_33 = vector.broadcast %div3A : f32 to vector<1x128xf32>
    %div3A_34 = arith.divf %broadcast_in_dim3A_32, %div3A_33 : vector<1x128xf32>
    %sub3A = vector.broadcast %div3A_34 : vector<1x128xf32> to vector<256x128xf32>
    %sub3A_35 = arith.subf %add3A_20, %sub3A : vector<256x128xf32>
    %integer_pow3A = arith.mulf %sub3A_35, %sub3A_35 : vector<256x128xf32>
    %reduce_sum3A_36 = arith.constant dense<0.000000e+00> : vector<128xf32>
    %reduce_sum3A_37 = vector.multi_reduction <add>, %integer_pow3A, %reduce_sum3A_36 [0] : vector<256x128xf32> to vector<128xf32>
    %broadcast_in_dim3A_38 = vector.shape_cast %reduce_sum3A_37 : vector<128xf32> to vector<1x128xf32>
    %div3A_39 = arith.constant 2.560000e+02 : f32
    %div3A_40 = vector.broadcast %div3A_39 : f32 to vector<1x128xf32>
    %div3A_41 = arith.divf %broadcast_in_dim3A_38, %div3A_40 : vector<1x128xf32>
    %sub3A_42 = vector.broadcast %div3A_34 : vector<1x128xf32> to vector<256x128xf32>
    %sub3A_43 = arith.subf %add3A_20, %sub3A_42 : vector<256x128xf32>
    %mul3A = vector.broadcast %get3A_25 : vector<1x128xf32> to vector<256x128xf32>
    %mul3A_44 = arith.mulf %mul3A, %sub3A_43 : vector<256x128xf32>
    %add3A_45 = arith.constant 9.99999974E-6 : f32
    %add3A_46 = vector.broadcast %add3A_45 : f32 to vector<1x128xf32>
    %add3A_47 = arith.addf %div3A_41, %add3A_46 : vector<1x128xf32>
    %sqrt3A = math.sqrt %add3A_47 : vector<1x128xf32>
    %div3A_48 = vector.broadcast %sqrt3A : vector<1x128xf32> to vector<256x128xf32>
    %div3A_49 = arith.divf %mul3A_44, %div3A_48 : vector<256x128xf32>
    %add3A_50 = vector.broadcast %get3A_30 : vector<1x128xf32> to vector<256x128xf32>
    %add3A_51 = arith.addf %div3A_49, %add3A_50 : vector<256x128xf32>
    %max3A = arith.constant 0.000000e+00 : f32
    %max3A_52 = vector.broadcast %max3A : f32 to vector<256x128xf32>
    %max3A_53 = arith.maximumf %add3A_51, %max3A_52 : vector<256x128xf32>
    %get3A_54 = arith.constant 1 : index
    %get3A_55 = arith.constant 0 : index
    %get3A_56 = arith.constant 0 : index
    %get3A_57 = vector.load %arg2[%get3A_54, %get3A_55, %get3A_56] : memref<3x128x128xf32, #tpu.memory_space<vmem>>, vector<1x128x128xf32>
    %get3A_58 = vector.shape_cast %get3A_57 : vector<1x128x128xf32> to vector<128x128xf32>
    %dot_general3A_59 = arith.constant dense<0.000000e+00> : vector<256x128xf32>
    %dot_general3A_60 = tpu.matmul %max3A_53, %get3A_58, %dot_general3A_59 {dimension_numbers = #tpu.dot_dimension_numbers<[1], [0], [0], [1], [0, 0, 1, 1], [], []>, transpose_lhs_hint = false} : vector<256x128xf32>, vector<128x128xf32>, vector<256x128xf32> -> vector<256x128xf32>
    %get3A_61 = arith.constant 1 : index
    %get3A_62 = arith.constant 0 : index
    %get3A_63 = arith.constant 0 : index
    %get3A_64 = vector.load %arg3[%get3A_61, %get3A_62, %get3A_63] : memref<3x1x128xf32, #tpu.memory_space<vmem>>, vector<1x1x128xf32>
    %get3A_65 = vector.shape_cast %get3A_64 : vector<1x1x128xf32> to vector<1x128xf32>
    %add3A_66 = vector.broadcast %get3A_65 : vector<1x128xf32> to vector<256x128xf32>
    %add3A_67 = arith.addf %dot_general3A_60, %add3A_66 : vector<256x128xf32>
    %get3A_68 = arith.constant 1 : index
    %get3A_69 = arith.constant 0 : index
    %get3A_70 = arith.constant 0 : index
    %get3A_71 = vector.load %arg4[%get3A_68, %get3A_69, %get3A_70] : memref<3x1x128xf32, #tpu.memory_space<vmem>>, vector<1x1x128xf32>
    %get3A_72 = vector.shape_cast %get3A_71 : vector<1x1x128xf32> to vector<1x128xf32>
    %get3A_73 = arith.constant 1 : index
    %get3A_74 = arith.constant 0 : index
    %get3A_75 = arith.constant 0 : index
    %get3A_76 = vector.load %arg5[%get3A_73, %get3A_74, %get3A_75] : memref<3x1x128xf32, #tpu.memory_space<vmem>>, vector<1x1x128xf32>
    %get3A_77 = vector.shape_cast %get3A_76 : vector<1x1x128xf32> to vector<1x128xf32>
    %reduce_sum3A_78 = arith.constant dense<0.000000e+00> : vector<128xf32>
    %reduce_sum3A_79 = vector.multi_reduction <add>, %add3A_67, %reduce_sum3A_78 [0] : vector<256x128xf32> to vector<128xf32>
    %broadcast_in_dim3A_80 = vector.shape_cast %reduce_sum3A_79 : vector<128xf32> to vector<1x128xf32>
    %div3A_81 = arith.constant 2.560000e+02 : f32
    %div3A_82 = vector.broadcast %div3A_81 : f32 to vector<1x128xf32>
    %div3A_83 = arith.divf %broadcast_in_dim3A_80, %div3A_82 : vector<1x128xf32>
    %sub3A_84 = vector.broadcast %div3A_83 : vector<1x128xf32> to vector<256x128xf32>
    %sub3A_85 = arith.subf %add3A_67, %sub3A_84 : vector<256x128xf32>
    %integer_pow3A_86 = arith.mulf %sub3A_85, %sub3A_85 : vector<256x128xf32>
    %reduce_sum3A_87 = arith.constant dense<0.000000e+00> : vector<128xf32>
    %reduce_sum3A_88 = vector.multi_reduction <add>, %integer_pow3A_86, %reduce_sum3A_87 [0] : vector<256x128xf32> to vector<128xf32>
    %broadcast_in_dim3A_89 = vector.shape_cast %reduce_sum3A_88 : vector<128xf32> to vector<1x128xf32>
    %div3A_90 = arith.constant 2.560000e+02 : f32
    %div3A_91 = vector.broadcast %div3A_90 : f32 to vector<1x128xf32>
    %div3A_92 = arith.divf %broadcast_in_dim3A_89, %div3A_91 : vector<1x128xf32>
    %sub3A_93 = vector.broadcast %div3A_83 : vector<1x128xf32> to vector<256x128xf32>
    %sub3A_94 = arith.subf %add3A_67, %sub3A_93 : vector<256x128xf32>
    %mul3A_95 = vector.broadcast %get3A_72 : vector<1x128xf32> to vector<256x128xf32>
    %mul3A_96 = arith.mulf %mul3A_95, %sub3A_94 : vector<256x128xf32>
    %add3A_97 = arith.constant 9.99999974E-6 : f32
    %add3A_98 = vector.broadcast %add3A_97 : f32 to vector<1x128xf32>
    %add3A_99 = arith.addf %div3A_92, %add3A_98 : vector<1x128xf32>
    %sqrt3A_100 = math.sqrt %add3A_99 : vector<1x128xf32>
    %div3A_101 = vector.broadcast %sqrt3A_100 : vector<1x128xf32> to vector<256x128xf32>
    %div3A_102 = arith.divf %mul3A_96, %div3A_101 : vector<256x128xf32>
    %add3A_103 = vector.broadcast %get3A_77 : vector<1x128xf32> to vector<256x128xf32>
    %add3A_104 = arith.addf %div3A_102, %add3A_103 : vector<256x128xf32>
    %max3A_105 = arith.constant 0.000000e+00 : f32
    %max3A_106 = vector.broadcast %max3A_105 : f32 to vector<256x128xf32>
    %max3A_107 = arith.maximumf %add3A_104, %max3A_106 : vector<256x128xf32>
    %get3A_108 = arith.constant 2 : index
    %get3A_109 = arith.constant 0 : index
    %get3A_110 = arith.constant 0 : index
    %get3A_111 = vector.load %arg2[%get3A_108, %get3A_109, %get3A_110] : memref<3x128x128xf32, #tpu.memory_space<vmem>>, vector<1x128x128xf32>
    %get3A_112 = vector.shape_cast %get3A_111 : vector<1x128x128xf32> to vector<128x128xf32>
    %dot_general3A_113 = arith.constant dense<0.000000e+00> : vector<256x128xf32>
    %dot_general3A_114 = tpu.matmul %max3A_107, %get3A_112, %dot_general3A_113 {dimension_numbers = #tpu.dot_dimension_numbers<[1], [0], [0], [1], [0, 0, 1, 1], [], []>, transpose_lhs_hint = false} : vector<256x128xf32>, vector<128x128xf32>, vector<256x128xf32> -> vector<256x128xf32>
    %get3A_115 = arith.constant 2 : index
    %get3A_116 = arith.constant 0 : index
    %get3A_117 = arith.constant 0 : index
    %get3A_118 = vector.load %arg3[%get3A_115, %get3A_116, %get3A_117] : memref<3x1x128xf32, #tpu.memory_space<vmem>>, vector<1x1x128xf32>
    %get3A_119 = vector.shape_cast %get3A_118 : vector<1x1x128xf32> to vector<1x128xf32>
    %add3A_120 = vector.broadcast %get3A_119 : vector<1x128xf32> to vector<256x128xf32>
    %add3A_121 = arith.addf %dot_general3A_114, %add3A_120 : vector<256x128xf32>
    %get3A_122 = arith.constant 2 : index
    %get3A_123 = arith.constant 0 : index
    %get3A_124 = arith.constant 0 : index
    %get3A_125 = vector.load %arg4[%get3A_122, %get3A_123, %get3A_124] : memref<3x1x128xf32, #tpu.memory_space<vmem>>, vector<1x1x128xf32>
    %get3A_126 = vector.shape_cast %get3A_125 : vector<1x1x128xf32> to vector<1x128xf32>
    %get3A_127 = arith.constant 2 : index
    %get3A_128 = arith.constant 0 : index
    %get3A_129 = arith.constant 0 : index
    %get3A_130 = vector.load %arg5[%get3A_127, %get3A_128, %get3A_129] : memref<3x1x128xf32, #tpu.memory_space<vmem>>, vector<1x1x128xf32>
    %get3A_131 = vector.shape_cast %get3A_130 : vector<1x1x128xf32> to vector<1x128xf32>
    %reduce_sum3A_132 = arith.constant dense<0.000000e+00> : vector<128xf32>
    %reduce_sum3A_133 = vector.multi_reduction <add>, %add3A_121, %reduce_sum3A_132 [0] : vector<256x128xf32> to vector<128xf32>
    %broadcast_in_dim3A_134 = vector.shape_cast %reduce_sum3A_133 : vector<128xf32> to vector<1x128xf32>
    %div3A_135 = arith.constant 2.560000e+02 : f32
    %div3A_136 = vector.broadcast %div3A_135 : f32 to vector<1x128xf32>
    %div3A_137 = arith.divf %broadcast_in_dim3A_134, %div3A_136 : vector<1x128xf32>
    %sub3A_138 = vector.broadcast %div3A_137 : vector<1x128xf32> to vector<256x128xf32>
    %sub3A_139 = arith.subf %add3A_121, %sub3A_138 : vector<256x128xf32>
    %integer_pow3A_140 = arith.mulf %sub3A_139, %sub3A_139 : vector<256x128xf32>
    %reduce_sum3A_141 = arith.constant dense<0.000000e+00> : vector<128xf32>
    %reduce_sum3A_142 = vector.multi_reduction <add>, %integer_pow3A_140, %reduce_sum3A_141 [0] : vector<256x128xf32> to vector<128xf32>
    %broadcast_in_dim3A_143 = vector.shape_cast %reduce_sum3A_142 : vector<128xf32> to vector<1x128xf32>
    %div3A_144 = arith.constant 2.560000e+02 : f32
    %div3A_145 = vector.broadcast %div3A_144 : f32 to vector<1x128xf32>
    %div3A_146 = arith.divf %broadcast_in_dim3A_143, %div3A_145 : vector<1x128xf32>
    %sub3A_147 = vector.broadcast %div3A_137 : vector<1x128xf32> to vector<256x128xf32>
    %sub3A_148 = arith.subf %add3A_121, %sub3A_147 : vector<256x128xf32>
    %mul3A_149 = vector.broadcast %get3A_126 : vector<1x128xf32> to vector<256x128xf32>
    %mul3A_150 = arith.mulf %mul3A_149, %sub3A_148 : vector<256x128xf32>
    %add3A_151 = arith.constant 9.99999974E-6 : f32
    %add3A_152 = vector.broadcast %add3A_151 : f32 to vector<1x128xf32>
    %add3A_153 = arith.addf %div3A_146, %add3A_152 : vector<1x128xf32>
    %sqrt3A_154 = math.sqrt %add3A_153 : vector<1x128xf32>
    %div3A_155 = vector.broadcast %sqrt3A_154 : vector<1x128xf32> to vector<256x128xf32>
    %div3A_156 = arith.divf %mul3A_150, %div3A_155 : vector<256x128xf32>
    %add3A_157 = vector.broadcast %get3A_131 : vector<1x128xf32> to vector<256x128xf32>
    %add3A_158 = arith.addf %div3A_156, %add3A_157 : vector<256x128xf32>
    %max3A_159 = arith.constant 0.000000e+00 : f32
    %max3A_160 = vector.broadcast %max3A_159 : f32 to vector<256x128xf32>
    %max3A_161 = arith.maximumf %add3A_158, %max3A_160 : vector<256x128xf32>
    %get3A_162 = arith.constant 0 : index
    %get3A_163 = arith.constant 0 : index
    %get3A_164 = vector.load %arg6[%get3A_162, %get3A_163] : memref<128x128xf32, #tpu.memory_space<vmem>>, vector<128x128xf32>
    %dot_general3A_165 = arith.constant dense<0.000000e+00> : vector<256x128xf32>
    %dot_general3A_166 = tpu.matmul %max3A_161, %get3A_164, %dot_general3A_165 {dimension_numbers = #tpu.dot_dimension_numbers<[1], [0], [0], [1], [0, 0, 1, 1], [], []>, transpose_lhs_hint = false} : vector<256x128xf32>, vector<128x128xf32>, vector<256x128xf32> -> vector<256x128xf32>
    %get3A_167 = arith.constant 0 : index
    %get3A_168 = arith.constant 0 : index
    %get3A_169 = vector.load %arg7[%get3A_167, %get3A_168] : memref<1x128xf32, #tpu.memory_space<vmem>>, vector<1x128xf32>
    %add3A_170 = vector.broadcast %get3A_169 : vector<1x128xf32> to vector<256x128xf32>
    %add3A_171 = arith.addf %dot_general3A_166, %add3A_170 : vector<256x128xf32>
    %iota3A_172 = tpu.iota {dimensions = array<i32: 1>} : vector<256x128xi32>
    %lt3A = arith.constant 2 : i32
    %lt3A_173 = vector.broadcast %lt3A : i32 to vector<256x128xi32>
    %lt3A_174 = arith.cmpi slt, %iota3A_172, %lt3A_173 : vector<256x128xi32>
    %jit3A = arith.constant -1.000000e+30 : f32
    %broadcast_in_dim3A_175 = vector.broadcast %jit3A : f32 to vector<256x128xf32>
    %select_n3A = arith.select %lt3A_174, %add3A_171, %broadcast_in_dim3A_175 : vector<256x128xi1>, vector<256x128xf32>
    %reduce_max3A = arith.constant dense<0xFF800000> : vector<256xf32>
    %reduce_max3A_176 = vector.multi_reduction <maximumf>, %select_n3A, %reduce_max3A [1] : vector<256x128xf32> to vector<256xf32>
    %broadcast_in_dim3A_177 = vector.shape_cast %reduce_max3A_176 : vector<256xf32> to vector<256x1xf32>
    %sub3A_178 = vector.broadcast %broadcast_in_dim3A_177 : vector<256x1xf32> to vector<256x128xf32>
    %sub3A_179 = arith.subf %add3A_171, %sub3A_178 : vector<256x128xf32>
    %exp3A = math.exp %sub3A_179 : vector<256x128xf32>
    %jit3A_180 = arith.constant 0.000000e+00 : f32
    %broadcast_in_dim3A_181 = vector.broadcast %jit3A_180 : f32 to vector<256x128xf32>
    %select_n3A_182 = arith.select %lt3A_174, %exp3A, %broadcast_in_dim3A_181 : vector<256x128xi1>, vector<256x128xf32>
    %reduce_sum3A_183 = arith.constant dense<0.000000e+00> : vector<256xf32>
    %reduce_sum3A_184 = vector.multi_reduction <add>, %select_n3A_182, %reduce_sum3A_183 [1] : vector<256x128xf32> to vector<256xf32>
    %broadcast_in_dim3A_185 = vector.shape_cast %reduce_sum3A_184 : vector<256xf32> to vector<256x1xf32>
    %log3A = math.log %broadcast_in_dim3A_185 : vector<256x1xf32>
    %add3A_186 = arith.addf %log3A, %broadcast_in_dim3A_177 : vector<256x1xf32>
    %sub3A_187 = vector.broadcast %add3A_186 : vector<256x1xf32> to vector<256x128xf32>
    %sub3A_188 = arith.subf %add3A_171, %sub3A_187 : vector<256x128xf32>
    %swap3A = arith.constant 0 : index
    %swap3A_189 = arith.constant 0 : index
    %swap3A_190 = vector.load %arg8[%swap3A, %swap3A_189] : memref<256x128xf32, #tpu.memory_space<vmem>>, vector<256x128xf32>
    tpu.vector_store %arg8[%swap3A, %swap3A_189], %sub3A_188 {strides = array<i32>} : memref<256x128xf32, #tpu.memory_space<vmem>>, vector<256x128xf32>,
    return
  }
}

</mosaic_0001>

<sc_bundles>
// kernel: kernel.16.cloned.1.call-start
scs
__scs_entry_jumppad:
0x0: {  	(pc) =	sbr.rel $0x88, $3  }
0x1: {  	(tag) =	ssettag $0x0;
	lr =	simm.s32 $0x1  }
0x2: {  	[smem:$0x3F92] =	sst lr;
	_ =	strace $0xD0000000  }
0x3: {  	_ = 	snop  }
0x4: {  	_ = 	snop  }
0x5: {  	_ = 	snop  }
0x6: {  	_ = 	snop  }
0x7: {  	_ = 	snop  }
__scs_overlays_trampoline_lowered:
0x8: {  	[smem:$0x3FA1] =	sst s0  }
0x9: {  	[smem:$0x3FA2] =	sst s1  }
0xa: {  	[smem:$0x3FA3] =	sst s2  }
0xb: {  	[smem:$0x3FA4] =	sst s3  }
0xc: {  	[smem:$0x3FA5] =	sst s4  }
0xd: {  	[smem:$0x3FA6] =	sst s5  }
0xe: {  	[smem:$0x3FA7] =	sst s6  }
0xf: {  	[smem:$0x3FA8] =	sst s7  }
0x10: {  	[smem:$0x3FA9] =	sst s8  }
0x11: {  	[smem:$0x3FAA] =	sst s9;
	s0 =	simm.s32 @!p0 $0x0  }
0x12: {  	s1 =	sld [smem:$0x3F90];
	s0 =	simm.s32 @p0 $0x1  }
0x13: {  	[smem:$0x3FAB] =	sst s0;
	s0 =	simm.s32 @!p1 $0x0  }
0x14: {  	s2 =	sld [smem:$0x3F8F];
	s0 =	simm.s32 @p1 $0x1  }
0x15: {  	[smem:$0x3FAC] =	sst s0;
	s0 =	simm.s32 @!p2 $0x0  }
0x16: {  	s3 =	sld [smem:$0x3FDB];
	s0 =	simm.s32 @p2 $0x1  }
0x17: {  	s4 =	simm.s32 $0x1BF5;
	[smem:$0x3FAE] =	sst s0  }
0x18: {  	s0 =	sld [smem:$0x3F91];
	_ =	swait.ge [sflag:s4], $0x0  }
0x19: {  	s7 =	sld [smem:$0x3F92]  }
0x1a: {  	s8 =	sadd.s32 $0xFFFFE003, lr  }
0x1b: {  	s9 =	sadd.s32 $0xFFFFFEF7, lr;
	s5 =	simm.s32 $0xFFFFFFFF;
	p2 =	slt.u32 s8, $0xFFFFF086  }
0x1c: {  	p1 =	slt.u32 s9, $0xF7A;
	s5 =	simm.s32 @!p2 $0x0  }
0x1d: {  	s5 =	simm.s32 @p1 $0x1;
	p0 =	seq.s32 s7, s2  }
0x1e: {  	s7 =	smul.u32 @!p0 $0xF7A, s2;
	p2 =	seq.s32 @!p0 s5, $0x0  }
0x1f: {  	s9 =	smul.u32 $0xF7A, s1;
	s8 =	simm.s32 @!p0 $0x1BF5;
	p2 =	por !p2, p0  }
0x20: {  	[sflag:s8] =	ssyncset.s32 @!p0 $0xFFFFF086;
	s6 =	sadd.s32 @!p0 s3, s7;
	s7 =	simm.s32 @!p0 $0x108  }
0x21: {  	s3 =	sadd.s32 s3, s9;
	s6 =	sadd.s32 @!p0 $0x88, s6;
	s7 =	simm.s32 @p2 $0x1082  }
0x22: {  	[simem:s7], [sflag:s8] =	dma.local @!p0 [hbm:s6], $0xF7A  }
0x23: {  	s9 =	sor.u32 $0xD0000000, s2;
	s6 =	simm.s32 $0x108;
	_ =	swait.ge @!p0 [sflag:s8], $0x0  }
0x24: {  	s3 =	sadd.s32 $0x88, s3;
	s6 =	simm.s32 @!p1 $0x1082;
	[sflag:s4] =	ssyncset.s32 $0xFFFFF086  }
0x25: {  	[simem:s6], [sflag:s4] =	dma.local [hbm:s3], $0xF7A  }
0x26: {  	[smem:$0x3F92] =	sst s1;
	(tag) =	ssettag s2;
	_ =	strace s9  }
0x27: {  	s1 =	sld [smem:$0x3FA2]  }
0x28: {  	s2 =	sld [smem:$0x3FA3]  }
0x29: {  	s4 =	sld [smem:$0x3FA5]  }
0x2a: {  	p0 =	seq.s32 s5, $0x0;
	s5 =	sld [smem:$0x3FA6]  }
0x2b: {  	s6 =	sld [smem:$0x3FA7]  }
0x2c: {  	s7 =	sld [smem:$0x3FA8]  }
0x2d: {  	s3 =	simm.s32 $0x108;
	s8 =	sld [smem:$0x3FA9]  }
0x2e: {  	s3 =	simm.s32 @!p0 $0x1082;
	s9 =	sld [smem:$0x3FAA]  }
0x2f: {  	lr =	sadd.s32 s0, s3;
	s0 =	sld [smem:$0x3FA1]  }
0x30: {  	s3 =	sld [smem:$0x3FA4]  }
0x31: {  	[smem:$0x3FAD] =	sst s10  }
0x32: {  	s10 =	sld [smem:$0x3FAB];
	_ =	sdelay $0x3  }
0x33: {  	p0 =	seq.s32 s10, $0x1;
	s10 =	sld [smem:$0x3FAD];
	_ =	sdelay $0x3  }
0x34: {  	[smem:$0x3FAD] =	sst s10  }
0x35: {  	s10 =	sld [smem:$0x3FAC];
	_ =	sdelay $0x3  }
0x36: {  	p1 =	seq.s32 s10, $0x1;
	s10 =	sld [smem:$0x3FAD];
	_ =	sdelay $0x3  }
0x37: {  	[smem:$0x3FAD] =	sst s10  }
0x38: {  	s10 =	sld [smem:$0x3FAE]  }
0x39: {  	_ = 	snop;
	(pc) =	sbr.ind lr, $3  }
0x3a: {  	_ = 	snop  }
0x3b: {  	_ = 	snop  }
0x3c: {  	p2 =	seq.s32 s10, $0x1;
	s10 =	sld [smem:$0x3FAD]  }
0x3d: {  	_ =	shalt  }
0x3e: {  	_ =	shalt  }
0x3f: {  	_ =	shalt  }
0x40: {  	_ =	shalt  }
0x41: {  	_ =	shalt  }
0x42: {  	_ =	shalt  }
0x43: {  	_ =	shalt  }
0x44: {  	_ =	shalt  }
0x45: {  	_ =	shalt  }
0x46: {  	_ =	shalt  }
0x47: {  	_ =	shalt  }
0x48: {  	_ =	shalt  }
0x49: {  	_ =	shalt  }
0x4a: {  	_ =	shalt  }
0x4b: {  	_ =	shalt  }
0x4c: {  	_ =	shalt  }
0x4d: {  	_ =	shalt  }
0x4e: {  	_ =	shalt  }
0x4f: {  	_ =	shalt  }
0x50: {  	_ =	shalt  }
0x51: {  	_ =	shalt  }
0x52: {  	_ =	shalt  }
0x53: {  	_ =	shalt  }
0x54: {  	_ =	shalt  }
0x55: {  	_ =	shalt  }
0x56: {  	_ =	shalt  }
0x57: {  	_ =	shalt  }
0x58: {  	_ =	shalt  }
0x59: {  	_ =	shalt  }
0x5a: {  	_ =	shalt  }
0x5b: {  	_ =	shalt  }
0x5c: {  	_ =	shalt  }
0x5d: {  	_ =	shalt  }
0x5e: {  	_ =	shalt  }
0x5f: {  	_ =	shalt  }
0x60: {  	_ =	shalt  }
0x61: {  	_ =	shalt  }
0x62: {  	_ =	shalt  }
0x63: {  	_ =	shalt  }
0x64: {  	_ =	shalt  }
0x65: {  	_ =	shalt  }
0x66: {  	_ =	shalt  }
0x67: {  	_ =	shalt  }
0x68: {  	_ =	shalt  }
0x69: {  	_ =	shalt  }
0x6a: {  	_ =	shalt  }
0x6b: {  	_ =	shalt  }
0x6c: {  	_ =	shalt  }
0x6d: {  	_ =	shalt  }
0x6e: {  	_ =	shalt  }
0x6f: {  	_ =	shalt  }
0x70: {  	_ =	shalt  }
0x71: {  	_ =	shalt  }
0x72: {  	_ =	shalt  }
0x73: {  	_ =	shalt  }
0x74: {  	_ =	shalt  }
0x75: {  	_ =	shalt  }
0x76: {  	_ =	shalt  }
0x77: {  	_ =	shalt  }
0x78: {  	_ =	shalt  }
0x79: {  	_ =	shalt  }
0x7a: {  	_ =	shalt  }
0x7b: {  	_ =	shalt  }
0x7c: {  	_ =	shalt  }
0x7d: {  	_ =	shalt  }
0x7e: {  	_ =	shalt  }
0x7f: {  	_ =	shalt  }
0x80: {  	_ =	shalt  }
0x81: {  	_ =	shalt  }
0x82: {  	_ =	shalt  }
0x83: {  	_ =	shalt  }
0x84: {  	_ =	shalt  }
0x85: {  	_ =	shalt  }
0x86: {  	_ =	shalt  }
0x87: {  	_ =	shalt  }
.Lfunc_end0:
.L_simem_size_0:
called_computation_lowered:
.L_overlay_start_0:
0x88: {  	s2 =	sld [smem:$0x3FD9]  }
0x89: {  	s3 =	sld [smem:$0x3FFE];
	_ =	sdelay $0x1  }
0x8a: {  	s1 =	srdreg.scid  }
0x8b: {  	s0 =	sand.u32 $0x1, s1  }
0x8c: {  	s16 =	sshll.u32 s0, $0xA;
	s2 =	sadd.s32 s3, s2  }
0x8d: {  	s2 =	sadd.s32 s2, s16  }
0x8e: {  	[smem:$0x3FB9] =	sst s2  }
0x8f: {  	_ = 	snop  }
0x90: {  	(tm) =	ssettm $0x1  }
0x91: {  	s17 =	sld [smem:$0x3FFB];
	_ =	sdelay $0x3  }
0x92: {  	_ =	strace s17  }
0x93: {  	s2 =	sld [smem:$0x3FFC];
	_ =	sdelay $0x3  }
0x94: {  	_ =	strace s2  }
0x95: {  	s2 =	sld [smem:$0x3FFD];
	_ =	sdelay $0x3  }
0x96: {  	_ =	strace s2  }
0x97: {  	_ =	strace $0x8FFFFFFF  }
0x98: {  	s18 =	sld [smem:$0x3FDB];
	_ =	sdelay $0x1  }
0x99: {  	s19 =	simm.s32 $_scs_section_size  }
0x9a: {  	s4 =	simm.s32 $_size__tile_overlayer_lowered;
	s5 =	simm.s32 $_tile_overlayer_lowered  }
0x9b: {  	s22 =	simm.s32 $0x1BFF;
	s21 =	sshll.u32 s5, $0x1;
	s2 =	sadd.s32 s19, s18  }
0x9c: {  	s6 =	simm.s32 $0x0;
	s20 =	sshll.u32 s4, $0x1;
	s4 =	sadd.s32 s21, s2  }
0x9d: {  	[timem:s6], [sflag:s22] =	dma.local [hbm:s4], s20  }
0x9e: {  	_ =	swait.ge [sflag:s22], s20  }
0x9f: {  	s3 =	ssub.s32 $0x0, s20;
	[sflag:s22] =	ssyncset.done $0x0  }
0xa0: {  	[sflag:s22] =	ssyncadd.s32 s3;
	_ =	sdelay $0x1  }
0xa1: {  	s23 =	simm.s32 $0x1B8B  }
0xa2: {  	_ =	swait.ge [sflag:s23], $0x1  }
0xa3: {  	[sflag:s23] =	ssyncset.done $0x0  }
0xa4: {  	s25 =	simm.s32 $0x1B8E;
	s24 =	sld [smem:$0x3FFE];
	[sflag:s23] =	ssyncadd.s32 $0xFFFFFFFF  }
0xa5: {  	s26 =	simm.s32 $execute0_lowered;
	[smem:$0x3FD2] =	sst s25  }
0xa6: {  	s4 =	sshll.u32 s26, $0x1;
	_ =	strace $0x80000046;
	[dreg:$0x1] =	wrdreg $0xFFFFFFFF  }
0xa7: {  	s28 =	simm.s32 $_size_execute0_lowered;
	s2 =	sadd.s32 s2, s4;
	[dreg:$0x0] =	wrdreg $0x0  }
0xa8: {  	s4 =	sshll.u32 s28, $0x1;
	[dreg:$0x2] =	wrdreg s2  }
0xa9: {  	[dreg:$0x3] =	wrdreg s4  }
0xaa: {  	[dreg:$0x4] =	wrdreg $0xC0  }
0xab: {  	_ =	task [dreg:s6], $0x5FFFF  }
0xac: {  	[dreg:$0x1] =	wrdreg $0xFFFFFFFF  }
0xad: {  	[dreg:$0x0] =	wrdreg $0x60  }
0xae: {  	[dreg:$0x2] =	wrdreg s24  }
0xaf: {  	[dreg:$0x3] =	wrdreg $0x40800  }
0xb0: {  	[dreg:$0x4] =	wrdreg $0x9  }
0xb1: {  	_ =	task.clear_ibuf [dreg:s6], $0x5FFFF;
	_ =	strace $0x90000046  }
0xb2: {  	s29 =	simm.s32 $0x9;
	_ =	strace $0x80000048  }
0xb3: {  	_ =	swait.ge [sflag:s29], $0x1  }
0xb4: {  	[sflag:s29] =	ssyncadd.s32 $0xFFFFFFFF  }
0xb5: {  	_ =	strace $0x90000048  }
0xb6: {  	_ =	sfence  }
0xb7: {  	s30 =	sld [smem:$0x0];
	_ =	sdelay $0x2  }
0xb8: {  	s31 =	sshll.u32 s1, $0xD;
	s1 =	sshrl.u32 s1, $0x2  }
0xb9: {  	s3 =	sand.u32 $0x4000, s31;
	s1 =	sadd.s32 s1, s30  }
0xba: {  	s0 =	sor.u32 s3, s0;
	s1 =	sshll.u32 s1, $0x11  }
0xbb: {  	s0 =	sor.u32 s1, s0  }
0xbc: {  	s0 =	sadd.s32 $0x8F2B, s0  }
0xbd: {  	[sflag:s0] =	ssyncadd.remote.s32 $0x1  }
0xbe: {  	_ =	sfence.sel $0xFFFF  }
0xbf: {  	[dreg:$0x0] =	wrdreg $0xFFFFFFFF;
	(pc) =	sbr.abs _section_cstart, $3  }
0xc0: {  	[dreg:$0x1] =	wrdreg $0xFFFFFFFF  }
0xc1: {  	_ =	task.clear_ibuf [dreg:s6], $0x2FFFF;
	_ =	strace $0x9FFFFFFF  }
0xc2: {  	(tm) =	ssettm $0x7FFFFFFF  }
0xc3: {  	_ =	shalt  }
tec
execute0_lowered:
.L_overlay_start_1:
0x0: {  	(tag) =	ssettag $0x1  }
0x1: {  	s4 =	rddreg [dreg:$0x0]  }
0x2: {  	s2 =	rddreg [dreg:$0x1]  }
0x3: {  	s0 =	rddreg [dreg:$0x2];
	s5 =	srdreg.scid  }
0x4: {  	s1 =	stileid.u32;
	s3 =	simm.s32 $0x0;
	s15 =	simm.s32 $0x1  }
0x5: {  	s16 =	simm.s32 $0x4000;
	s17 =	simm.s32 $0x50;
	s20 =	simm.s32 $0x20  }
0x6: {  	s21 =	simm.s32 $0x10;
	s22 =	simm.s32 $0x0;
	s6 =	smul.u32 $0x500, s1  }
0x7: {  	s5 =	sand.u32 $0x1, s5;
	[smem:$0x7FF] =	sst s3;
	s26 =	smul.u32 $0xA00, s1  }
0x8: {  	s29 =	sshll.u32 s1, $0xC;
	s18 =	sshll.u32 s1, $0x6;
	s7 =	sshll.u32 s5, $0x7  }
0x9: {  	_ =	strace $0x80000047;
	s8 =	sshll.u32 s5, $0xB;
	s28 =	ssub.s32 $0x2, s5  }
0xa: {  	s18 =	sor.u32 $0x1C01, s18;
	s6 =	sor.u32 s7, s6;
	s25 =	sadd.s32 s8, s4  }
0xb: {  	s30 =	sshrl.u32 s28, $0x1;
	s31 =	sshrl.u32 s26, $0x2;
	s6 =	sshrl.u32 s6, $0x3  }
0xc: {  	s5 =	sadd.s32 s29, s25;
	s14 =	ssub.s32 s28, s30;
	s13 =	sadd.s32 s6, s4  }
0xd: {  	s4 =	sadd.s32 $0x4C00, s5;
	s5 =	sadd.s32 s31, s2;
	s14 =	smax.u32 s14, $0x1  }
0xe: {  	s6 =	sadd.s32 $0x50, s5;
	s7 =	sadd.s32 $0xA0, s5;
	s8 =	sadd.s32 $0xF0, s5  }
0xf: {  	s9 =	sadd.s32 $0x140, s5;
	s10 =	sadd.s32 $0x190, s5;
	s11 =	sadd.s32 $0x1E0, s5  }
0x10: {  	v0 =	vimm.f32 $0.0e+00;
	v1 =	vimm.f32 $1.000000000e+00;
	s12 =	sadd.s32 $0x230, s5;
	s13 =	sadd.s32 $0x14C00, s13;
	s19 =	sshrl.u32 s5, $0x3  }
.LBB2_1:
0x11: {  	[tilespmem:s3], [sflag:$0x1] =	stream.linear.gather [hbm4b:s4+s3], $0x3E80, $0x38;
	[tilespmem:$0x4300] =	vst v63  }
0x12: {  	_ =	swait.ge [sflag:s15], $0x3E80  }
0x13: {  	[sflag:s15] =	ssyncset.done $0x0  }
0x14: {  	[sflag:s15] =	ssyncadd.s32 $0xFFFFC180  }
0x15: {  	[tilespmem:$0x4000] =	vst v0  }
0x16: {  	[tilespmem:$0x4010] =	vst v0  }
0x17: {  	[tilespmem:$0x4020] =	vst v0  }
0x18: {  	[tilespmem:$0x4030] =	vst v0  }
0x19: {  	[tilespmem:$0x4040] =	vst v0  }
0x1a: {  	[spmem:s5] =	stream.linear.scatter [tilespmem:s16], [sflag:$0x1], $0x50, $0x38;
	[tilespmem:$0x4300] =	vst v63  }
0x1b: {  	_ =	swait.ge [sflag:s15], $0x50  }
0x1c: {  	[sflag:s15] =	ssyncset.done $0x0  }
0x1d: {  	[sflag:s15] =	ssyncadd.s32 $0xFFFFFFB0  }
0x1e: {  	[spmem:s6] =	stream.linear.scatter [tilespmem:s16], [sflag:$0x1], $0x50, $0x38;
	[tilespmem:$0x4300] =	vst v63  }
0x1f: {  	_ =	swait.ge [sflag:s15], $0x50  }
0x20: {  	[sflag:s15] =	ssyncset.done $0x0  }
0x21: {  	[sflag:s15] =	ssyncadd.s32 $0xFFFFFFB0  }
0x22: {  	[spmem:s7] =	stream.linear.scatter [tilespmem:s16], [sflag:$0x1], $0x50, $0x38;
	[tilespmem:$0x4300] =	vst v63  }
0x23: {  	_ =	swait.ge [sflag:s15], $0x50  }
0x24: {  	[sflag:s15] =	ssyncset.done $0x0  }
0x25: {  	[sflag:s15] =	ssyncadd.s32 $0xFFFFFFB0  }
0x26: {  	[spmem:s8] =	stream.linear.scatter [tilespmem:s16], [sflag:$0x1], $0x50, $0x38;
	[tilespmem:$0x4300] =	vst v63  }
0x27: {  	_ =	swait.ge [sflag:s15], $0x50  }
0x28: {  	[sflag:s15] =	ssyncset.done $0x0  }
0x29: {  	[sflag:s15] =	ssyncadd.s32 $0xFFFFFFB0  }
0x2a: {  	[spmem:s9] =	stream.linear.scatter [tilespmem:s16], [sflag:$0x1], $0x50, $0x38;
	[tilespmem:$0x4300] =	vst v63  }
0x2b: {  	_ =	swait.ge [sflag:s15], $0x50  }
0x2c: {  	[sflag:s15] =	ssyncset.done $0x0  }
0x2d: {  	[sflag:s15] =	ssyncadd.s32 $0xFFFFFFB0  }
0x2e: {  	[spmem:s10] =	stream.linear.scatter [tilespmem:s16], [sflag:$0x1], $0x50, $0x38;
	[tilespmem:$0x4300] =	vst v63  }
0x2f: {  	_ =	swait.ge [sflag:s15], $0x50  }
0x30: {  	[sflag:s15] =	ssyncset.done $0x0  }
0x31: {  	[sflag:s15] =	ssyncadd.s32 $0xFFFFFFB0  }
0x32: {  	[spmem:s11] =	stream.linear.scatter [tilespmem:s16], [sflag:$0x1], $0x50, $0x38;
	[tilespmem:$0x4300] =	vst v63  }
0x33: {  	_ =	swait.ge [sflag:s15], $0x50  }
0x34: {  	[sflag:s15] =	ssyncset.done $0x0  }
0x35: {  	[sflag:s15] =	ssyncadd.s32 $0xFFFFFFB0  }
0x36: {  	[spmem:s12] =	stream.linear.scatter [tilespmem:s16], [sflag:$0x1], $0x50, $0x38;
	[tilespmem:$0x4300] =	vst v63  }
0x37: {  	_ =	swait.ge [sflag:s15], $0x50  }
0x38: {  	[sflag:s15] =	ssyncset.done $0x0  }
0x39: {  	[sflag:s15] =	ssyncadd.s32 $0xFFFFFFB0  }
0x3a: {  	[tilespmem:$0x4000] =	vst v1  }
0x3b: {  	[tilespmem:$0x4010] =	vst v1  }
0x3c: {  	[tilespmem:$0x4020] =	vst v1  }
0x3d: {  	[tilespmem:$0x4030] =	vst v1  }
0x3e: {  	[tilespmem:$0x4040] =	vst v1  }
0x3f: {  	s23 =	simm.s32 $0x0;
	[bflag:$0x0] =	sbarrier.arrive $0xFFFF  }
0x40: {  	[spmem:s2] =	stream.indirect.scatter.add.f32 [tilespmem:s16], [sflag:$0x1], $0x1, s23, s17, $0xb8;
	[tilespmem:$0x4300] =	vst v63  }
0x41: {  	_ =	swait.ge [sflag:s15], $0x50  }
0x42: {  	s23 =	simm.s32 $0x200;
	[sflag:s15] =	ssyncset.done $0x0  }
.LBB2_2:
0x43: {  	s24 =	sshra.s32 s23, $0x2;
	[sflag:s15] =	ssyncadd.s32 $0xFFFFFFB0;
	p0 =	sne.s32 s23, $0xF800  }
0x44: {  	[spmem:s2] =	stream.indirect.scatter.add.f32 [tilespmem:s16], [sflag:$0x1], $0x1, s24, s17, $0xb8;
	[tilespmem:$0x4300] =	vst v63  }
.Ltmp0:
0x45: {  	_ = 	snop;
	(pc) =	sbr.rel @p0 .LBB2_2-.Ltmp0, $4  }
0x46: {  	_ = 	snop  }
0x47: {  	s23 =	sadd.s32 $0x200, s23  }
0x48: {  	_ =	swait.ge [sflag:s15], $0x50  }
0x49: {  	[sflag:s15] =	ssyncset.done $0x0  }
0x4a: {  	s22 =	sadd.s32 $0x1, s22  }
0x4b: {  	[sflag:s15] =	ssyncadd.s32 $0xFFFFFFB0;
	p0 =	sne.s32 s22, s14  }
.Ltmp1:
0x4c: {  	[bflag:$0x0] =	sbarrier.arrive $0xFFFF;
	(pc) =	sbr.rel @p0 .LBB2_1-.Ltmp1, $4  }
0x4d: {  	[hbm:s13@s20], [sflag:s18] =	dma.strided [spmem:s19@s21], $0x50, s15, $0x10   }
0x4e: {  	_ =	swait.ge [sflag:s15], $0x50  }
0x4f: {  	[sflag:s15] =	ssyncset.done $0x0  }
0x50: {  	[sflag:s15] =	ssyncadd.s32 $0xFFFFFFB0  }
0x51: {  	_ =	sfence.sel $0x180000  }
0x52: {  	[bflag:$0x0] =	sbarrier.arrive $0xFFFF  }
0x53: {  	p0 =	sne.s32 s1, $0x0;
	_ =	strace $0x90000047  }
0x54: {  	s0 =	sadd.s32 @!p0 $0x100000, s0;
	[bflag:$0x2] =	sbarrier.arrive $0xFFFF  }
0x55: {  	[sflag:s0] =	ssyncadd.tile.s32 @!p0 $0x1;
	_ =	shalt  }
.Lfunc_end2:
_tile_overlayer_lowered:
.L_overlay_start_2:
0x56: {  	(tag) =	ssettag $0x2  }
0x57: {  	s0 =	rddreg [dreg:$0x0];
	s2 =	stileid.u32  }
0x58: {  	s1 =	rddreg [dreg:$0x1];
	p0 =	sne.s32 s2, $0x0  }
0x59: {  	s3 =	rddreg [dreg:$0x2];
	[bflag:$0x3] =	sbarrier.arrive $0xFFFF;
	s2 =	simm.s32 @!p0 $0x1C01  }
0x5a: {  	[timem:s3], [sflag:s2] =	dma.local @!p0 [hbm:s0], s1  }
0x5b: {  	s0 =	simm.s32 @!p0 $0x1  }
0x5c: {  	_ =	swait.ge @!p0 [sflag:s0], s1  }
0x5d: {  	s1 =	ssub.s32 @!p0 $0x0, s1;
	[sflag:s0] =	ssyncset.done @!p0 $0x0  }
0x5e: {  	[sflag:s0] =	ssyncadd.s32 @!p0 s1  }
0x5f: {  	[bflag:$0x3] =	sbarrier.arrive $0xFFFF  }
0x60: {  	_ =	shalt  }

// kernel: kernel.19.cloned.1.call-start
scs
__scs_entry_jumppad:
0x0: {  	(pc) =	sbr.rel $0x88, $3  }
0x1: {  	(tag) =	ssettag $0x0;
	lr =	simm.s32 $0x1  }
0x2: {  	[smem:$0x3F92] =	sst lr;
	_ =	strace $0xD0000000  }
0x3: {  	_ = 	snop  }
0x4: {  	_ = 	snop  }
0x5: {  	_ = 	snop  }
0x6: {  	_ = 	snop  }
0x7: {  	_ = 	snop  }
__scs_overlays_trampoline_lowered:
0x8: {  	[smem:$0x3FA1] =	sst s0  }
0x9: {  	[smem:$0x3FA2] =	sst s1  }
0xa: {  	[smem:$0x3FA3] =	sst s2  }
0xb: {  	[smem:$0x3FA4] =	sst s3  }
0xc: {  	[smem:$0x3FA5] =	sst s4  }
0xd: {  	[smem:$0x3FA6] =	sst s5  }
0xe: {  	[smem:$0x3FA7] =	sst s6  }
0xf: {  	[smem:$0x3FA8] =	sst s7  }
0x10: {  	[smem:$0x3FA9] =	sst s8  }
0x11: {  	[smem:$0x3FAA] =	sst s9;
	s0 =	simm.s32 @!p0 $0x0  }
0x12: {  	s1 =	sld [smem:$0x3F90];
	s0 =	simm.s32 @p0 $0x1  }
0x13: {  	[smem:$0x3FAB] =	sst s0;
	s0 =	simm.s32 @!p1 $0x0  }
0x14: {  	s2 =	sld [smem:$0x3F8F];
	s0 =	simm.s32 @p1 $0x1  }
0x15: {  	[smem:$0x3FAC] =	sst s0;
	s0 =	simm.s32 @!p2 $0x0  }
0x16: {  	s3 =	sld [smem:$0x3FDB];
	s0 =	simm.s32 @p2 $0x1  }
0x17: {  	s4 =	simm.s32 $0x1BF5;
	[smem:$0x3FAE] =	sst s0  }
0x18: {  	s0 =	sld [smem:$0x3F91];
	_ =	swait.ge [sflag:s4], $0x0  }
0x19: {  	s7 =	sld [smem:$0x3F92]  }
0x1a: {  	s8 =	sadd.s32 $0xFFFFE003, lr  }
0x1b: {  	s9 =	sadd.s32 $0xFFFFFEF7, lr;
	s5 =	simm.s32 $0xFFFFFFFF;
	p2 =	slt.u32 s8, $0xFFFFF086  }
0x1c: {  	p1 =	slt.u32 s9, $0xF7A;
	s5 =	simm.s32 @!p2 $0x0  }
0x1d: {  	s5 =	simm.s32 @p1 $0x1;
	p0 =	seq.s32 s7, s2  }
0x1e: {  	s7 =	smul.u32 @!p0 $0xF7A, s2;
	p2 =	seq.s32 @!p0 s5, $0x0  }
0x1f: {  	s9 =	smul.u32 $0xF7A, s1;
	s8 =	simm.s32 @!p0 $0x1BF5;
	p2 =	por !p2, p0  }
0x20: {  	[sflag:s8] =	ssyncset.s32 @!p0 $0xFFFFF086;
	s6 =	sadd.s32 @!p0 s3, s7;
	s7 =	simm.s32 @!p0 $0x108  }
0x21: {  	s3 =	sadd.s32 s3, s9;
	s6 =	sadd.s32 @!p0 $0x88, s6;
	s7 =	simm.s32 @p2 $0x1082  }
0x22: {  	[simem:s7], [sflag:s8] =	dma.local @!p0 [hbm:s6], $0xF7A  }
0x23: {  	s9 =	sor.u32 $0xD0000000, s2;
	s6 =	simm.s32 $0x108;
	_ =	swait.ge @!p0 [sflag:s8], $0x0  }
0x24: {  	s3 =	sadd.s32 $0x88, s3;
	s6 =	simm.s32 @!p1 $0x1082;
	[sflag:s4] =	ssyncset.s32 $0xFFFFF086  }
0x25: {  	[simem:s6], [sflag:s4] =	dma.local [hbm:s3], $0xF7A  }
0x26: {  	[smem:$0x3F92] =	sst s1;
	(tag) =	ssettag s2;
	_ =	strace s9  }
0x27: {  	s1 =	sld [smem:$0x3FA2]  }
0x28: {  	s2 =	sld [smem:$0x3FA3]  }
0x29: {  	s4 =	sld [smem:$0x3FA5]  }
0x2a: {  	p0 =	seq.s32 s5, $0x0;
	s5 =	sld [smem:$0x3FA6]  }
0x2b: {  	s6 =	sld [smem:$0x3FA7]  }
0x2c: {  	s7 =	sld [smem:$0x3FA8]  }
0x2d: {  	s3 =	simm.s32 $0x108;
	s8 =	sld [smem:$0x3FA9]  }
0x2e: {  	s3 =	simm.s32 @!p0 $0x1082;
	s9 =	sld [smem:$0x3FAA]  }
0x2f: {  	lr =	sadd.s32 s0, s3;
	s0 =	sld [smem:$0x3FA1]  }
0x30: {  	s3 =	sld [smem:$0x3FA4]  }
0x31: {  	[smem:$0x3FAD] =	sst s10  }
0x32: {  	s10 =	sld [smem:$0x3FAB];
	_ =	sdelay $0x3  }
0x33: {  	p0 =	seq.s32 s10, $0x1;
	s10 =	sld [smem:$0x3FAD];
	_ =	sdelay $0x3  }
0x34: {  	[smem:$0x3FAD] =	sst s10  }
0x35: {  	s10 =	sld [smem:$0x3FAC];
	_ =	sdelay $0x3  }
0x36: {  	p1 =	seq.s32 s10, $0x1;
	s10 =	sld [smem:$0x3FAD];
	_ =	sdelay $0x3  }
0x37: {  	[smem:$0x3FAD] =	sst s10  }
0x38: {  	s10 =	sld [smem:$0x3FAE]  }
0x39: {  	_ = 	snop;
	(pc) =	sbr.ind lr, $3  }
0x3a: {  	_ = 	snop  }
0x3b: {  	_ = 	snop  }
0x3c: {  	p2 =	seq.s32 s10, $0x1;
	s10 =	sld [smem:$0x3FAD]  }
0x3d: {  	_ =	shalt  }
0x3e: {  	_ =	shalt  }
0x3f: {  	_ =	shalt  }
0x40: {  	_ =	shalt  }
0x41: {  	_ =	shalt  }
0x42: {  	_ =	shalt  }
0x43: {  	_ =	shalt  }
0x44: {  	_ =	shalt  }
0x45: {  	_ =	shalt  }
0x46: {  	_ =	shalt  }
0x47: {  	_ =	shalt  }
0x48: {  	_ =	shalt  }
0x49: {  	_ =	shalt  }
0x4a: {  	_ =	shalt  }
0x4b: {  	_ =	shalt  }
0x4c: {  	_ =	shalt  }
0x4d: {  	_ =	shalt  }
0x4e: {  	_ =	shalt  }
0x4f: {  	_ =	shalt  }
0x50: {  	_ =	shalt  }
0x51: {  	_ =	shalt  }
0x52: {  	_ =	shalt  }
0x53: {  	_ =	shalt  }
0x54: {  	_ =	shalt  }
0x55: {  	_ =	shalt  }
0x56: {  	_ =	shalt  }
0x57: {  	_ =	shalt  }
0x58: {  	_ =	shalt  }
0x59: {  	_ =	shalt  }
0x5a: {  	_ =	shalt  }
0x5b: {  	_ =	shalt  }
0x5c: {  	_ =	shalt  }
0x5d: {  	_ =	shalt  }
0x5e: {  	_ =	shalt  }
0x5f: {  	_ =	shalt  }
0x60: {  	_ =	shalt  }
0x61: {  	_ =	shalt  }
0x62: {  	_ =	shalt  }
0x63: {  	_ =	shalt  }
0x64: {  	_ =	shalt  }
0x65: {  	_ =	shalt  }
0x66: {  	_ =	shalt  }
0x67: {  	_ =	shalt  }
0x68: {  	_ =	shalt  }
0x69: {  	_ =	shalt  }
0x6a: {  	_ =	shalt  }
0x6b: {  	_ =	shalt  }
0x6c: {  	_ =	shalt  }
0x6d: {  	_ =	shalt  }
0x6e: {  	_ =	shalt  }
0x6f: {  	_ =	shalt  }
0x70: {  	_ =	shalt  }
0x71: {  	_ =	shalt  }
0x72: {  	_ =	shalt  }
0x73: {  	_ =	shalt  }
0x74: {  	_ =	shalt  }
0x75: {  	_ =	shalt  }
0x76: {  	_ =	shalt  }
0x77: {  	_ =	shalt  }
0x78: {  	_ =	shalt  }
0x79: {  	_ =	shalt  }
0x7a: {  	_ =	shalt  }
0x7b: {  	_ =	shalt  }
0x7c: {  	_ =	shalt  }
0x7d: {  	_ =	shalt  }
0x7e: {  	_ =	shalt  }
0x7f: {  	_ =	shalt  }
0x80: {  	_ =	shalt  }
0x81: {  	_ =	shalt  }
0x82: {  	_ =	shalt  }
0x83: {  	_ =	shalt  }
0x84: {  	_ =	shalt  }
0x85: {  	_ =	shalt  }
0x86: {  	_ =	shalt  }
0x87: {  	_ =	shalt  }
.Lfunc_end0:
.L_simem_size_0:
called_computation.1_lowered:
.L_overlay_start_0:
0x88: {  	s2 =	sld [smem:$0x3FD9]  }
0x89: {  	s3 =	sld [smem:$0x3FFE];
	_ =	sdelay $0x1  }
0x8a: {  	s1 =	srdreg.scid  }
0x8b: {  	s0 =	sand.u32 $0x1, s1  }
0x8c: {  	s16 =	sshll.u32 s0, $0xA;
	s2 =	sadd.s32 s3, s2  }
0x8d: {  	s2 =	sadd.s32 s2, s16  }
0x8e: {  	[smem:$0x3FB9] =	sst s2  }
0x8f: {  	_ = 	snop  }
0x90: {  	(tm) =	ssettm $0x1  }
0x91: {  	s17 =	sld [smem:$0x3FFB];
	_ =	sdelay $0x3  }
0x92: {  	_ =	strace s17  }
0x93: {  	s2 =	sld [smem:$0x3FFC];
	_ =	sdelay $0x3  }
0x94: {  	_ =	strace s2  }
0x95: {  	s2 =	sld [smem:$0x3FFD];
	_ =	sdelay $0x3  }
0x96: {  	_ =	strace s2  }
0x97: {  	_ =	strace $0x8FFFFFFF  }
0x98: {  	s18 =	sld [smem:$0x3FDB];
	_ =	sdelay $0x1  }
0x99: {  	s19 =	simm.s32 $_scs_section_size  }
0x9a: {  	s4 =	simm.s32 $_size__tile_overlayer_lowered;
	s5 =	simm.s32 $_tile_overlayer_lowered  }
0x9b: {  	s22 =	simm.s32 $0x1BFF;
	s21 =	sshll.u32 s5, $0x1;
	s2 =	sadd.s32 s19, s18  }
0x9c: {  	s6 =	simm.s32 $0x0;
	s20 =	sshll.u32 s4, $0x1;
	s4 =	sadd.s32 s21, s2  }
0x9d: {  	[timem:s6], [sflag:s22] =	dma.local [hbm:s4], s20  }
0x9e: {  	_ =	swait.ge [sflag:s22], s20  }
0x9f: {  	s3 =	ssub.s32 $0x0, s20;
	[sflag:s22] =	ssyncset.done $0x0  }
0xa0: {  	[sflag:s22] =	ssyncadd.s32 s3;
	_ =	sdelay $0x1  }
0xa1: {  	s23 =	simm.s32 $0x1B8B  }
0xa2: {  	_ =	swait.ge [sflag:s23], $0x1  }
0xa3: {  	[sflag:s23] =	ssyncset.done $0x0  }
0xa4: {  	s25 =	simm.s32 $0x1B8E;
	s24 =	sld [smem:$0x3FFE];
	[sflag:s23] =	ssyncadd.s32 $0xFFFFFFFF  }
0xa5: {  	s26 =	simm.s32 $execute0_lowered;
	[smem:$0x3FD2] =	sst s25  }
0xa6: {  	s4 =	sshll.u32 s26, $0x1;
	_ =	strace $0x80000049;
	[dreg:$0x1] =	wrdreg $0xFFFFFFFF  }
0xa7: {  	s28 =	simm.s32 $_size_execute0_lowered;
	s2 =	sadd.s32 s2, s4;
	[dreg:$0x0] =	wrdreg $0x0  }
0xa8: {  	s4 =	sshll.u32 s28, $0x1;
	[dreg:$0x2] =	wrdreg s2  }
0xa9: {  	[dreg:$0x3] =	wrdreg s4  }
0xaa: {  	[dreg:$0x4] =	wrdreg $0xC0  }
0xab: {  	_ =	task [dreg:s6], $0x5FFFF  }
0xac: {  	[dreg:$0x1] =	wrdreg $0xFFFFFFFF  }
0xad: {  	[dreg:$0x0] =	wrdreg $0x60  }
0xae: {  	[dreg:$0x2] =	wrdreg s24  }
0xaf: {  	[dreg:$0x3] =	wrdreg $0xB7800  }
0xb0: {  	[dreg:$0x4] =	wrdreg $0x9  }
0xb1: {  	_ =	task.clear_ibuf [dreg:s6], $0x5FFFF;
	_ =	strace $0x90000049  }
0xb2: {  	s29 =	simm.s32 $0x9;
	_ =	strace $0x8000004B  }
0xb3: {  	_ =	swait.ge [sflag:s29], $0x1  }
0xb4: {  	[sflag:s29] =	ssyncadd.s32 $0xFFFFFFFF  }
0xb5: {  	_ =	strace $0x9000004B  }
0xb6: {  	_ =	sfence  }
0xb7: {  	s30 =	sld [smem:$0x0];
	_ =	sdelay $0x2  }
0xb8: {  	s31 =	sshll.u32 s1, $0xD;
	s1 =	sshrl.u32 s1, $0x2  }
0xb9: {  	s3 =	sand.u32 $0x4000, s31;
	s1 =	sadd.s32 s1, s30  }
0xba: {  	s0 =	sor.u32 s3, s0;
	s1 =	sshll.u32 s1, $0x11  }
0xbb: {  	s0 =	sor.u32 s1, s0  }
0xbc: {  	s0 =	sadd.s32 $0x8F2B, s0  }
0xbd: {  	[sflag:s0] =	ssyncadd.remote.s32 $0x1  }
0xbe: {  	_ =	sfence.sel $0xFFFF  }
0xbf: {  	[dreg:$0x0] =	wrdreg $0xFFFFFFFF;
	(pc) =	sbr.abs _section_cstart, $3  }
0xc0: {  	[dreg:$0x1] =	wrdreg $0xFFFFFFFF  }
0xc1: {  	_ =	task.clear_ibuf [dreg:s6], $0x2FFFF;
	_ =	strace $0x9FFFFFFF  }
0xc2: {  	(tm) =	ssettm $0x7FFFFFFF  }
0xc3: {  	_ =	shalt  }
tec
execute0_lowered:
.L_overlay_start_1:
0x0: {  	(tag) =	ssettag $0x1  }
0x1: {  	s1 =	srdreg.scid;
	s6 =	rddreg [dreg:$0x0]  }
0x2: {  	s0 =	stileid.u32;
	s2 =	rddreg [dreg:$0x1];
	s17 =	simm.s32 $0x80  }
0x3: {  	s18 =	simm.s32 $0x400;
	s19 =	simm.s32 $0x3;
	s20 =	simm.s32 $0x2780  }
0x4: {  	s21 =	simm.s32 $0x6780;
	s22 =	simm.s32 $0x50;
	s10 =	smul.u32 $0x14000, s0  }
0x5: {  	s23 =	simm.s32 $0x8F80;
	s25 =	sshrl.u32 s0, $0x2;
	s29 =	smul.u32 $0x50000, s0  }
0x6: {  	s5 =	sand.u32 $0x1, s1;
	s24 =	sshll.u32 s0, $0x1;
	s4 =	smul.u32 $0x13C00, s25  }
0x7: {  	s28 =	simm.s32 $0x0;
	s7 =	sor.u32 s5, s24;
	s26 =	smul.u32 $0x140000, s5  }
0x8: {  	s5 =	ssub.s32 $0x2, s5;
	s24 =	simm.s32 $0x1;
	s25 =	simm.s32 $0x2  }
0x9: {  	s3 =	sshll.u32 s7, $0x7;
	s7 =	sshll.u32 s7, $0xB;
	s30 =	sshrl.u32 s5, $0x1  }
0xa: {  	s31 =	sshrl.u32 s29, $0x2;
	s8 =	sand.u32 $0x380, s3;
	s3 =	simm.s32 $0x0  }
0xb: {  	s7 =	sadd.s32 s7, s6;
	s16 =	ssub.s32 s5, s30;
	s4 =	sor.u32 s4, s8  }
0xc: {  	[smem:$0x7FF] =	sst s3;
	s8 =	sadd.s32 s10, s26;
	s7 =	sadd.s32 $0x4C00, s7  }
0xd: {  	s16 =	smax.u32 s16, $0x1;
	s26 =	simm.s32 $0x6580;
	s9 =	sshrl.u32 s4, $0x3  }
0xe: {  	_ =	strace $0x8000004A;
	s4 =	sadd.s32 $0x1F400, s6;
	s8 =	sshrl.u32 s8, $0x3  }
0xf: {  	s9 =	sadd.s32 s9, s6;
	s15 =	sadd.s32 s8, s6;
	s6 =	sadd.s32 s31, s2  }
0x10: {  	s5 =	sadd.s32 $0x15600, s9;
	s8 =	sadd.s32 $0x2800, s6;
	s9 =	sadd.s32 $0x5000, s6  }
0x11: {  	s10 =	sadd.s32 $0x7800, s6;
	s11 =	sadd.s32 $0xA000, s6;
	s12 =	sadd.s32 $0xC800, s6  }
0x12: {  	v0 =	vimm.f32 $0.0e+00;
	s13 =	sadd.s32 $0xF000, s6;
	s14 =	sadd.s32 $0x11800, s6;
	s15 =	sadd.s32 $0x46600, s15  }
.LBB2_1:
0x13: {  	[tilespmem:s3], [sflag:$0x3] =	stream.strided.gather [hbm4b:s5+s17], $0x2780, s18, s17, $0x38;
	[tilespmem:$0x1F780] =	vst v63  }
0x14: {  	_ =	swait.ge [sflag:s19], $0x2780  }
0x15: {  	[sflag:s19] =	ssyncset.done $0x0  }
0x16: {  	[sflag:s19] =	ssyncadd.s32 $0xFFFFD880  }
0x17: {  	[tilespmem:s20], [sflag:$0x3] =	stream.linear.gather [hbm4b:s7+s3], $0x3E80, $0x38;
	[tilespmem:$0x1F780] =	vst v63  }
0x18: {  	_ =	swait.ge [sflag:s19], $0x3E80  }
0x19: {  	[sflag:s19] =	ssyncset.done $0x0  }
0x1a: {  	s29 =	simm.s32 $0x0;
	s30 =	simm.s32 $0x200;
	[sflag:s19] =	ssyncadd.s32 $0xFFFFC180  }
.LBB2_2:
0x1b: {  	p0 =	sne.s32 s30, $0x9E00;
	[tilespmem:s29+$0x67F0] =	vst v0  }
0x1c: {  	[tilespmem:s29+$0x6780] =	vst v0  }
0x1d: {  	[tilespmem:s29+$0x6790] =	vst v0  }
.Ltmp0:
0x1e: {  	[tilespmem:s29+$0x67A0] =	vst v0;
	(pc) =	sbr.rel @p0 .LBB2_2-.Ltmp0, $4  }
0x1f: {  	[tilespmem:s29+$0x67B0] =	vst v0  }
0x20: {  	[tilespmem:s29+$0x67C0] =	vst v0  }
0x21: {  	[tilespmem:s29+$0x67D0] =	vst v0  }
0x22: {  	[tilespmem:s29+$0x67E0] =	vst v0;
	s29 =	sshra.s32 s30, $0x2;
	s30 =	sadd.s32 $0x200, s30  }
0x23: {  	[tilespmem:s29+$0x67F0] =	vst v0  }
0x24: {  	[tilespmem:s29+$0x6780] =	vst v0  }
0x25: {  	[tilespmem:s29+$0x6790] =	vst v0  }
0x26: {  	[tilespmem:s29+$0x67A0] =	vst v0  }
0x27: {  	[tilespmem:s29+$0x67B0] =	vst v0  }
0x28: {  	[tilespmem:s29+$0x67C0] =	vst v0  }
0x29: {  	[tilespmem:s29+$0x67D0] =	vst v0  }
0x2a: {  	[tilespmem:s29+$0x67E0] =	vst v0  }
0x2b: {  	[spmem:s6] =	stream.linear.scatter [tilespmem:s21], [sflag:$0x3], $0x2800, $0x38;
	[tilespmem:$0x1F780] =	vst v63  }
0x2c: {  	_ =	swait.ge [sflag:s19], $0x2800  }
0x2d: {  	[sflag:s19] =	ssyncset.done $0x0  }
0x2e: {  	[sflag:s19] =	ssyncadd.s32 $0xFFFFD800  }
0x2f: {  	[spmem:s8] =	stream.linear.scatter [tilespmem:s21], [sflag:$0x3], $0x2800, $0x38;
	[tilespmem:$0x1F780] =	vst v63  }
0x30: {  	_ =	swait.ge [sflag:s19], $0x2800  }
0x31: {  	[sflag:s19] =	ssyncset.done $0x0  }
0x32: {  	[sflag:s19] =	ssyncadd.s32 $0xFFFFD800  }
0x33: {  	[spmem:s9] =	stream.linear.scatter [tilespmem:s21], [sflag:$0x3], $0x2800, $0x38;
	[tilespmem:$0x1F780] =	vst v63  }
0x34: {  	_ =	swait.ge [sflag:s19], $0x2800  }
0x35: {  	[sflag:s19] =	ssyncset.done $0x0  }
0x36: {  	[sflag:s19] =	ssyncadd.s32 $0xFFFFD800  }
0x37: {  	[spmem:s10] =	stream.linear.scatter [tilespmem:s21], [sflag:$0x3], $0x2800, $0x38;
	[tilespmem:$0x1F780] =	vst v63  }
0x38: {  	_ =	swait.ge [sflag:s19], $0x2800  }
0x39: {  	[sflag:s19] =	ssyncset.done $0x0  }
0x3a: {  	[sflag:s19] =	ssyncadd.s32 $0xFFFFD800  }
0x3b: {  	[spmem:s11] =	stream.linear.scatter [tilespmem:s21], [sflag:$0x3], $0x2800, $0x38;
	[tilespmem:$0x1F780] =	vst v63  }
0x3c: {  	_ =	swait.ge [sflag:s19], $0x2800  }
0x3d: {  	[sflag:s19] =	ssyncset.done $0x0  }
0x3e: {  	[sflag:s19] =	ssyncadd.s32 $0xFFFFD800  }
0x3f: {  	[spmem:s12] =	stream.linear.scatter [tilespmem:s21], [sflag:$0x3], $0x2800, $0x38;
	[tilespmem:$0x1F780] =	vst v63  }
0x40: {  	_ =	swait.ge [sflag:s19], $0x2800  }
0x41: {  	[sflag:s19] =	ssyncset.done $0x0  }
0x42: {  	[sflag:s19] =	ssyncadd.s32 $0xFFFFD800  }
0x43: {  	[spmem:s13] =	stream.linear.scatter [tilespmem:s21], [sflag:$0x3], $0x2800, $0x38;
	[tilespmem:$0x1F780] =	vst v63  }
0x44: {  	_ =	swait.ge [sflag:s19], $0x2800  }
0x45: {  	[sflag:s19] =	ssyncset.done $0x0  }
0x46: {  	[sflag:s19] =	ssyncadd.s32 $0xFFFFD800  }
0x47: {  	[spmem:s14] =	stream.linear.scatter [tilespmem:s21], [sflag:$0x3], $0x2800, $0x38;
	[tilespmem:$0x1F780] =	vst v63  }
0x48: {  	_ =	swait.ge [sflag:s19], $0x2800  }
0x49: {  	[sflag:s19] =	ssyncset.done $0x0  }
0x4a: {  	[sflag:s19] =	ssyncadd.s32 $0xFFFFD800  }
0x4b: {  	s29 =	simm.s32 $0x0;
	[bflag:$0x0] =	sbarrier.arrive $0xFFFF  }
0x4c: {  	[tilespmem:s21], [sflag:$0x1] =	stream.indirect.gather [hbm4b:s4+s22], $0x80, s29, s22, $0xb8;
	[tilespmem:$0x1F780] =	vst v63  }
0x4d: {  	s29 =	simm.s32 $0x50  }
0x4e: {  	[tilespmem:s23], [sflag:$0x2] =	stream.indirect.gather [hbm4b:s4+s22], $0x80, s29, s22, $0xb8;
	[tilespmem:$0x1F780] =	vst v63  }
0x4f: {  	_ =	swait.ge [sflag:s24], $0x2800  }
0x50: {  	[sflag:s24] =	ssyncset.done $0x0  }
0x51: {  	s29 =	simm.s32 $0x2780;
	[sflag:s24] =	ssyncadd.s32 $0xFFFFD800  }
0x52: {  	[spmem:s2] =	stream.indirect.scatter.add.f32 [tilespmem:s21], [sflag:$0x3], $0x80, s29, s22, $0xb8;
	[tilespmem:$0x1F780] =	vst v63  }
0x53: {  	_ =	swait.ge [sflag:s19], $0x2800  }
0x54: {  	[sflag:s19] =	ssyncset.done $0x0  }
0x55: {  	s29 =	simm.s32 $0xA0;
	[sflag:s19] =	ssyncadd.s32 $0xFFFFD800  }
0x56: {  	[tilespmem:s21], [sflag:$0x1] =	stream.indirect.gather [hbm4b:s4+s22], $0x80, s29, s22, $0xb8;
	[tilespmem:$0x1F780] =	vst v63  }
0x57: {  	_ =	swait.ge [sflag:s25], $0x2800  }
0x58: {  	[sflag:s25] =	ssyncset.done $0x0  }
0x59: {  	s29 =	simm.s32 $0x2800;
	[sflag:s25] =	ssyncadd.s32 $0xFFFFD800  }
0x5a: {  	[spmem:s2] =	stream.indirect.scatter.add.f32 [tilespmem:s23], [sflag:$0x3], $0x80, s29, s22, $0xb8;
	[tilespmem:$0x1F780] =	vst v63  }
0x5b: {  	s30 =	simm.s32 $0x400;
	_ =	swait.ge [sflag:s19], $0x2800  }
0x5c: {  	s31 =	simm.s32 $0x800;
	s29 =	simm.s32 $0x140;
	[sflag:s19] =	ssyncset.done $0x0  }
.LBB2_4:
0x5d: {  	p0 =	sne.s32 s31, $0xF400;
	s1 =	sadd.s32 $0xFFFFFFB0, s29;
	[sflag:s19] =	ssyncadd.s32 $0xFFFFD800  }
0x5e: {  	[tilespmem:s23], [sflag:$0x2] =	stream.indirect.gather [hbm4b:s4+s22], $0x80, s1, s22, $0xb8;
	[tilespmem:$0x1F780] =	vst v63  }
0x5f: {  	s1 =	smov.u32 s31;
	s31 =	sadd.s32 $0x400, s31;
	_ =	swait.ge [sflag:s24], $0x2800  }
0x60: {  	s0 =	sshra.s32 s30, $0x2;
	s30 =	smov.u32 s1;
	[sflag:s24] =	ssyncset.done $0x0  }
0x61: {  	s1 =	sadd.s32 $0x2780, s0;
	[sflag:s24] =	ssyncadd.s32 $0xFFFFD800  }
0x62: {  	[spmem:s2] =	stream.indirect.scatter.add.f32 [tilespmem:s21], [sflag:$0x3], $0x80, s1, s22, $0xb8;
	[tilespmem:$0x1F780] =	vst v63  }
0x63: {  	_ =	swait.ge [sflag:s19], $0x2800  }
0x64: {  	[sflag:s19] =	ssyncset.done $0x0  }
0x65: {  	[sflag:s19] =	ssyncadd.s32 $0xFFFFD800  }
0x66: {  	[tilespmem:s21], [sflag:$0x1] =	stream.indirect.gather [hbm4b:s4+s22], $0x80, s29, s22, $0xb8;
	[tilespmem:$0x1F780] =	vst v63  }
0x67: {  	_ =	swait.ge [sflag:s25], $0x2800  }
.Ltmp1:
0x68: {  	[sflag:s25] =	ssyncset.done $0x0;
	(pc) =	sbr.rel @p0 .LBB2_4-.Ltmp1, $4  }
0x69: {  	s0 =	sadd.s32 $0x2800, s0;
	[sflag:s25] =	ssyncadd.s32 $0xFFFFD800  }
0x6a: {  	[spmem:s2] =	stream.indirect.scatter.add.f32 [tilespmem:s23], [sflag:$0x3], $0x80, s0, s22, $0xb8;
	[tilespmem:$0x1F780] =	vst v63  }
0x6b: {  	_ =	swait.ge [sflag:s19], $0x2800  }
0x6c: {  	s29 =	sadd.s32 $0xA0, s29;
	[sflag:s19] =	ssyncset.done $0x0  }
0x6d: {  	s0 =	sadd.s32 $0xFFFFFFB0, s29;
	[sflag:s19] =	ssyncadd.s32 $0xFFFFD800  }
0x6e: {  	[tilespmem:s23], [sflag:$0x2] =	stream.indirect.gather [hbm4b:s4+s22], $0x80, s0, s22, $0xb8;
	[tilespmem:$0x1F780] =	vst v63  }
0x6f: {  	_ =	swait.ge [sflag:s24], $0x2800  }
0x70: {  	s31 =	sshra.s32 s30, $0x2;
	[sflag:s24] =	ssyncset.done $0x0  }
0x71: {  	s1 =	sadd.s32 $0x2780, s31;
	[sflag:s24] =	ssyncadd.s32 $0xFFFFD800  }
0x72: {  	[spmem:s2] =	stream.indirect.scatter.add.f32 [tilespmem:s21], [sflag:$0x3], $0x80, s1, s22, $0xb8;
	[tilespmem:$0x1F780] =	vst v63  }
0x73: {  	_ =	swait.ge [sflag:s19], $0x2800  }
0x74: {  	[sflag:s19] =	ssyncset.done $0x0  }
0x75: {  	[sflag:s19] =	ssyncadd.s32 $0xFFFFD800  }
0x76: {  	[tilespmem:s21], [sflag:$0x1] =	stream.indirect.gather [hbm4b:s4+s22], $0x80, s29, s22, $0xb8;
	[tilespmem:$0x1F780] =	vst v63  }
0x77: {  	_ =	swait.ge [sflag:s25], $0x2800  }
0x78: {  	[sflag:s25] =	ssyncset.done $0x0  }
0x79: {  	s0 =	sadd.s32 $0x2800, s31;
	[sflag:s25] =	ssyncadd.s32 $0xFFFFD800  }
0x7a: {  	[spmem:s2] =	stream.indirect.scatter.add.f32 [tilespmem:s23], [sflag:$0x3], $0x80, s0, s22, $0xb8;
	[tilespmem:$0x1F780] =	vst v63  }
0x7b: {  	_ =	swait.ge [sflag:s19], $0x2800  }
0x7c: {  	[sflag:s19] =	ssyncset.done $0x0  }
0x7d: {  	[sflag:s19] =	ssyncadd.s32 $0xFFFFD800  }
0x7e: {  	_ =	swait.ge [sflag:s24], $0x2800  }
0x7f: {  	[sflag:s24] =	ssyncset.done $0x0  }
0x80: {  	[sflag:s24] =	ssyncadd.s32 $0xFFFFD800  }
0x81: {  	[spmem:s2] =	stream.indirect.scatter.add.f32 [tilespmem:s21], [sflag:$0x3], $0x80, s26, s22, $0xb8;
	[tilespmem:$0x1F780] =	vst v63  }
0x82: {  	s30 =	stileid.u32;
	_ =	swait.ge [sflag:s19], $0x2800  }
0x83: {  	s28 =	sadd.s32 $0x1, s28;
	s31 =	sshrl.u32 s6, $0x3;
	[sflag:s19] =	ssyncset.done $0x0  }
0x84: {  	p0 =	sne.s32 s28, s16;
	s0 =	sshll.u32 s30, $0x6;
	[sflag:s19] =	ssyncadd.s32 $0xFFFFD800  }
.Ltmp2:
0x85: {  	s0 =	sor.u32 $0x1C03, s0;
	[bflag:$0x0] =	sbarrier.arrive $0xFFFF;
	(pc) =	sbr.rel @p0 .LBB2_1-.Ltmp2, $4  }
0x86: {  	[hbm:s15], [sflag:s0] =	dma.local [spmem:s31], $0x2800  }
0x87: {  	_ =	swait.ge [sflag:s19], $0x2800  }
0x88: {  	[sflag:s19] =	ssyncset.done $0x0  }
0x89: {  	[sflag:s19] =	ssyncadd.s32 $0xFFFFD800  }
0x8a: {  	_ =	sfence.sel $0x180000  }
0x8b: {  	[bflag:$0x0] =	sbarrier.arrive $0xFFFF  }
0x8c: {  	_ =	strace $0x9000004A  }
0x8d: {  	s0 =	stileid.u32;
	[bflag:$0x2] =	sbarrier.arrive $0xFFFF  }
0x8e: {  	p0 =	sne.s32 s0, $0x0;
	s0 =	rddreg [dreg:$0x2]  }
0x8f: {  	s0 =	sadd.s32 @!p0 $0x100000, s0  }
0x90: {  	[sflag:s0] =	ssyncadd.tile.s32 @!p0 $0x1;
	_ =	shalt  }
.Lfunc_end2:
_tile_overlayer_lowered:
.L_overlay_start_2:
0x91: {  	(tag) =	ssettag $0x2  }
0x92: {  	s0 =	rddreg [dreg:$0x0];
	s2 =	stileid.u32  }
0x93: {  	s1 =	rddreg [dreg:$0x1];
	p0 =	sne.s32 s2, $0x0  }
0x94: {  	s3 =	rddreg [dreg:$0x2];
	[bflag:$0x3] =	sbarrier.arrive $0xFFFF;
	s2 =	simm.s32 @!p0 $0x1C03  }
0x95: {  	[timem:s3], [sflag:s2] =	dma.local @!p0 [hbm:s0], s1  }
0x96: {  	s0 =	simm.s32 @!p0 $0x3  }
0x97: {  	_ =	swait.ge @!p0 [sflag:s0], s1  }
0x98: {  	s1 =	ssub.s32 @!p0 $0x0, s1;
	[sflag:s0] =	ssyncset.done @!p0 $0x0  }
0x99: {  	[sflag:s0] =	ssyncadd.s32 @!p0 s1  }
0x9a: {  	[bflag:$0x3] =	sbarrier.arrive $0xFFFF  }
0x9b: {  	_ =	shalt  }

// kernel: kernel.22.cloned.1.call-start
scs
__scs_entry_jumppad:
0x0: {  	(pc) =	sbr.rel $0x88, $3  }
0x1: {  	(tag) =	ssettag $0x0;
	lr =	simm.s32 $0x1  }
0x2: {  	[smem:$0x3F92] =	sst lr;
	_ =	strace $0xD0000000  }
0x3: {  	_ = 	snop  }
0x4: {  	_ = 	snop  }
0x5: {  	_ = 	snop  }
0x6: {  	_ = 	snop  }
0x7: {  	_ = 	snop  }
__scs_overlays_trampoline_lowered:
0x8: {  	[smem:$0x3FA1] =	sst s0  }
0x9: {  	[smem:$0x3FA2] =	sst s1  }
0xa: {  	[smem:$0x3FA3] =	sst s2  }
0xb: {  	[smem:$0x3FA4] =	sst s3  }
0xc: {  	[smem:$0x3FA5] =	sst s4  }
0xd: {  	[smem:$0x3FA6] =	sst s5  }
0xe: {  	[smem:$0x3FA7] =	sst s6  }
0xf: {  	[smem:$0x3FA8] =	sst s7  }
0x10: {  	[smem:$0x3FA9] =	sst s8  }
0x11: {  	[smem:$0x3FAA] =	sst s9;
	s0 =	simm.s32 @!p0 $0x0  }
0x12: {  	s1 =	sld [smem:$0x3F90];
	s0 =	simm.s32 @p0 $0x1  }
0x13: {  	[smem:$0x3FAB] =	sst s0;
	s0 =	simm.s32 @!p1 $0x0  }
0x14: {  	s2 =	sld [smem:$0x3F8F];
	s0 =	simm.s32 @p1 $0x1  }
0x15: {  	[smem:$0x3FAC] =	sst s0;
	s0 =	simm.s32 @!p2 $0x0  }
0x16: {  	s3 =	sld [smem:$0x3FDB];
	s0 =	simm.s32 @p2 $0x1  }
0x17: {  	s4 =	simm.s32 $0x1BF5;
	[smem:$0x3FAE] =	sst s0  }
0x18: {  	s0 =	sld [smem:$0x3F91];
	_ =	swait.ge [sflag:s4], $0x0  }
0x19: {  	s7 =	sld [smem:$0x3F92]  }
0x1a: {  	s8 =	sadd.s32 $0xFFFFE003, lr  }
0x1b: {  	s9 =	sadd.s32 $0xFFFFFEF7, lr;
	s5 =	simm.s32 $0xFFFFFFFF;
	p2 =	slt.u32 s8, $0xFFFFF086  }
0x1c: {  	p1 =	slt.u32 s9, $0xF7A;
	s5 =	simm.s32 @!p2 $0x0  }
0x1d: {  	s5 =	simm.s32 @p1 $0x1;
	p0 =	seq.s32 s7, s2  }
0x1e: {  	s7 =	smul.u32 @!p0 $0xF7A, s2;
	p2 =	seq.s32 @!p0 s5, $0x0  }
0x1f: {  	s9 =	smul.u32 $0xF7A, s1;
	s8 =	simm.s32 @!p0 $0x1BF5;
	p2 =	por !p2, p0  }
0x20: {  	[sflag:s8] =	ssyncset.s32 @!p0 $0xFFFFF086;
	s6 =	sadd.s32 @!p0 s3, s7;
	s7 =	simm.s32 @!p0 $0x108  }
0x21: {  	s3 =	sadd.s32 s3, s9;
	s6 =	sadd.s32 @!p0 $0x88, s6;
	s7 =	simm.s32 @p2 $0x1082  }
0x22: {  	[simem:s7], [sflag:s8] =	dma.local @!p0 [hbm:s6], $0xF7A  }
0x23: {  	s9 =	sor.u32 $0xD0000000, s2;
	s6 =	simm.s32 $0x108;
	_ =	swait.ge @!p0 [sflag:s8], $0x0  }
0x24: {  	s3 =	sadd.s32 $0x88, s3;
	s6 =	simm.s32 @!p1 $0x1082;
	[sflag:s4] =	ssyncset.s32 $0xFFFFF086  }
0x25: {  	[simem:s6], [sflag:s4] =	dma.local [hbm:s3], $0xF7A  }
0x26: {  	[smem:$0x3F92] =	sst s1;
	(tag) =	ssettag s2;
	_ =	strace s9  }
0x27: {  	s1 =	sld [smem:$0x3FA2]  }
0x28: {  	s2 =	sld [smem:$0x3FA3]  }
0x29: {  	s4 =	sld [smem:$0x3FA5]  }
0x2a: {  	p0 =	seq.s32 s5, $0x0;
	s5 =	sld [smem:$0x3FA6]  }
0x2b: {  	s6 =	sld [smem:$0x3FA7]  }
0x2c: {  	s7 =	sld [smem:$0x3FA8]  }
0x2d: {  	s3 =	simm.s32 $0x108;
	s8 =	sld [smem:$0x3FA9]  }
0x2e: {  	s3 =	simm.s32 @!p0 $0x1082;
	s9 =	sld [smem:$0x3FAA]  }
0x2f: {  	lr =	sadd.s32 s0, s3;
	s0 =	sld [smem:$0x3FA1]  }
0x30: {  	s3 =	sld [smem:$0x3FA4]  }
0x31: {  	[smem:$0x3FAD] =	sst s10  }
0x32: {  	s10 =	sld [smem:$0x3FAB];
	_ =	sdelay $0x3  }
0x33: {  	p0 =	seq.s32 s10, $0x1;
	s10 =	sld [smem:$0x3FAD];
	_ =	sdelay $0x3  }
0x34: {  	[smem:$0x3FAD] =	sst s10  }
0x35: {  	s10 =	sld [smem:$0x3FAC];
	_ =	sdelay $0x3  }
0x36: {  	p1 =	seq.s32 s10, $0x1;
	s10 =	sld [smem:$0x3FAD];
	_ =	sdelay $0x3  }
0x37: {  	[smem:$0x3FAD] =	sst s10  }
0x38: {  	s10 =	sld [smem:$0x3FAE]  }
0x39: {  	_ = 	snop;
	(pc) =	sbr.ind lr, $3  }
0x3a: {  	_ = 	snop  }
0x3b: {  	_ = 	snop  }
0x3c: {  	p2 =	seq.s32 s10, $0x1;
	s10 =	sld [smem:$0x3FAD]  }
0x3d: {  	_ =	shalt  }
0x3e: {  	_ =	shalt  }
0x3f: {  	_ =	shalt  }
0x40: {  	_ =	shalt  }
0x41: {  	_ =	shalt  }
0x42: {  	_ =	shalt  }
0x43: {  	_ =	shalt  }
0x44: {  	_ =	shalt  }
0x45: {  	_ =	shalt  }
0x46: {  	_ =	shalt  }
0x47: {  	_ =	shalt  }
0x48: {  	_ =	shalt  }
0x49: {  	_ =	shalt  }
0x4a: {  	_ =	shalt  }
0x4b: {  	_ =	shalt  }
0x4c: {  	_ =	shalt  }
0x4d: {  	_ =	shalt  }
0x4e: {  	_ =	shalt  }
0x4f: {  	_ =	shalt  }
0x50: {  	_ =	shalt  }
0x51: {  	_ =	shalt  }
0x52: {  	_ =	shalt  }
0x53: {  	_ =	shalt  }
0x54: {  	_ =	shalt  }
0x55: {  	_ =	shalt  }
0x56: {  	_ =	shalt  }
0x57: {  	_ =	shalt  }
0x58: {  	_ =	shalt  }
0x59: {  	_ =	shalt  }
0x5a: {  	_ =	shalt  }
0x5b: {  	_ =	shalt  }
0x5c: {  	_ =	shalt  }
0x5d: {  	_ =	shalt  }
0x5e: {  	_ =	shalt  }
0x5f: {  	_ =	shalt  }
0x60: {  	_ =	shalt  }
0x61: {  	_ =	shalt  }
0x62: {  	_ =	shalt  }
0x63: {  	_ =	shalt  }
0x64: {  	_ =	shalt  }
0x65: {  	_ =	shalt  }
0x66: {  	_ =	shalt  }
0x67: {  	_ =	shalt  }
0x68: {  	_ =	shalt  }
0x69: {  	_ =	shalt  }
0x6a: {  	_ =	shalt  }
0x6b: {  	_ =	shalt  }
0x6c: {  	_ =	shalt  }
0x6d: {  	_ =	shalt  }
0x6e: {  	_ =	shalt  }
0x6f: {  	_ =	shalt  }
0x70: {  	_ =	shalt  }
0x71: {  	_ =	shalt  }
0x72: {  	_ =	shalt  }
0x73: {  	_ =	shalt  }
0x74: {  	_ =	shalt  }
0x75: {  	_ =	shalt  }
0x76: {  	_ =	shalt  }
0x77: {  	_ =	shalt  }
0x78: {  	_ =	shalt  }
0x79: {  	_ =	shalt  }
0x7a: {  	_ =	shalt  }
0x7b: {  	_ =	shalt  }
0x7c: {  	_ =	shalt  }
0x7d: {  	_ =	shalt  }
0x7e: {  	_ =	shalt  }
0x7f: {  	_ =	shalt  }
0x80: {  	_ =	shalt  }
0x81: {  	_ =	shalt  }
0x82: {  	_ =	shalt  }
0x83: {  	_ =	shalt  }
0x84: {  	_ =	shalt  }
0x85: {  	_ =	shalt  }
0x86: {  	_ =	shalt  }
0x87: {  	_ =	shalt  }
.Lfunc_end0:
.L_simem_size_0:
called_computation.2_lowered:
.L_overlay_start_0:
0x88: {  	s2 =	sld [smem:$0x3FD9]  }
0x89: {  	s3 =	sld [smem:$0x3FFE];
	_ =	sdelay $0x1  }
0x8a: {  	s1 =	srdreg.scid  }
0x8b: {  	s0 =	sand.u32 $0x1, s1  }
0x8c: {  	s16 =	sshll.u32 s0, $0xA;
	s2 =	sadd.s32 s3, s2  }
0x8d: {  	s2 =	sadd.s32 s2, s16  }
0x8e: {  	[smem:$0x3FB9] =	sst s2  }
0x8f: {  	_ = 	snop  }
0x90: {  	(tm) =	ssettm $0x1  }
0x91: {  	s17 =	sld [smem:$0x3FFB];
	_ =	sdelay $0x3  }
0x92: {  	_ =	strace s17  }
0x93: {  	s2 =	sld [smem:$0x3FFC];
	_ =	sdelay $0x3  }
0x94: {  	_ =	strace s2  }
0x95: {  	s2 =	sld [smem:$0x3FFD];
	_ =	sdelay $0x3  }
0x96: {  	_ =	strace s2  }
0x97: {  	_ =	strace $0x8FFFFFFF  }
0x98: {  	s18 =	sld [smem:$0x3FDB];
	_ =	sdelay $0x1  }
0x99: {  	s19 =	simm.s32 $_scs_section_size  }
0x9a: {  	s4 =	simm.s32 $_size__tile_overlayer_lowered;
	s5 =	simm.s32 $_tile_overlayer_lowered  }
0x9b: {  	s22 =	simm.s32 $0x1BFF;
	s21 =	sshll.u32 s5, $0x1;
	s2 =	sadd.s32 s19, s18  }
0x9c: {  	s6 =	simm.s32 $0x0;
	s20 =	sshll.u32 s4, $0x1;
	s4 =	sadd.s32 s21, s2  }
0x9d: {  	[timem:s6], [sflag:s22] =	dma.local [hbm:s4], s20  }
0x9e: {  	_ =	swait.ge [sflag:s22], s20  }
0x9f: {  	s3 =	ssub.s32 $0x0, s20;
	[sflag:s22] =	ssyncset.done $0x0  }
0xa0: {  	[sflag:s22] =	ssyncadd.s32 s3;
	_ =	sdelay $0x1  }
0xa1: {  	s23 =	simm.s32 $0x1B8B  }
0xa2: {  	_ =	swait.ge [sflag:s23], $0x1  }
0xa3: {  	[sflag:s23] =	ssyncset.done $0x0  }
0xa4: {  	s25 =	simm.s32 $0x1B8E;
	s24 =	sld [smem:$0x3FFE];
	[sflag:s23] =	ssyncadd.s32 $0xFFFFFFFF  }
0xa5: {  	s26 =	simm.s32 $execute0_lowered;
	[smem:$0x3FD2] =	sst s25  }
0xa6: {  	s4 =	sshll.u32 s26, $0x1;
	_ =	strace $0x8000004C;
	[dreg:$0x1] =	wrdreg $0xFFFFFFFF  }
0xa7: {  	s28 =	simm.s32 $_size_execute0_lowered;
	s2 =	sadd.s32 s2, s4;
	[dreg:$0x0] =	wrdreg $0x0  }
0xa8: {  	s4 =	sshll.u32 s28, $0x1;
	[dreg:$0x2] =	wrdreg s2  }
0xa9: {  	[dreg:$0x3] =	wrdreg s4  }
0xaa: {  	[dreg:$0x4] =	wrdreg $0xC0  }
0xab: {  	_ =	task [dreg:s6], $0x5FFFF  }
0xac: {  	[dreg:$0x1] =	wrdreg $0xFFFFFFFF  }
0xad: {  	[dreg:$0x0] =	wrdreg $0x60  }
0xae: {  	[dreg:$0x2] =	wrdreg s24  }
0xaf: {  	[dreg:$0x3] =	wrdreg $0xB7800  }
0xb0: {  	[dreg:$0x4] =	wrdreg $0x9  }
0xb1: {  	_ =	task.clear_ibuf [dreg:s6], $0x5FFFF;
	_ =	strace $0x9000004C  }
0xb2: {  	s29 =	simm.s32 $0x9;
	_ =	strace $0x8000004E  }
0xb3: {  	_ =	swait.ge [sflag:s29], $0x1  }
0xb4: {  	[sflag:s29] =	ssyncadd.s32 $0xFFFFFFFF  }
0xb5: {  	_ =	strace $0x9000004E  }
0xb6: {  	_ =	sfence  }
0xb7: {  	s30 =	sld [smem:$0x0];
	_ =	sdelay $0x2  }
0xb8: {  	s31 =	sshll.u32 s1, $0xD;
	s1 =	sshrl.u32 s1, $0x2  }
0xb9: {  	s3 =	sand.u32 $0x4000, s31;
	s1 =	sadd.s32 s1, s30  }
0xba: {  	s0 =	sor.u32 s3, s0;
	s1 =	sshll.u32 s1, $0x11  }
0xbb: {  	s0 =	sor.u32 s1, s0  }
0xbc: {  	s0 =	sadd.s32 $0x8F2B, s0  }
0xbd: {  	[sflag:s0] =	ssyncadd.remote.s32 $0x1  }
0xbe: {  	_ =	sfence.sel $0xFFFF  }
0xbf: {  	[dreg:$0x0] =	wrdreg $0xFFFFFFFF;
	(pc) =	sbr.abs _section_cstart, $3  }
0xc0: {  	[dreg:$0x1] =	wrdreg $0xFFFFFFFF  }
0xc1: {  	_ =	task.clear_ibuf [dreg:s6], $0x2FFFF;
	_ =	strace $0x9FFFFFFF  }
0xc2: {  	(tm) =	ssettm $0x7FFFFFFF  }
0xc3: {  	_ =	shalt  }
tec
execute0_lowered:
.L_overlay_start_1:
0x0: {  	(tag) =	ssettag $0x1  }
0x1: {  	s1 =	srdreg.scid;
	s6 =	rddreg [dreg:$0x0]  }
0x2: {  	s0 =	stileid.u32;
	s2 =	rddreg [dreg:$0x1];
	s17 =	simm.s32 $0x80  }
0x3: {  	s18 =	simm.s32 $0x400;
	s19 =	simm.s32 $0x3;
	s20 =	simm.s32 $0x2780  }
0x4: {  	s21 =	simm.s32 $0x6780;
	s22 =	simm.s32 $0x50;
	s10 =	smul.u32 $0x14000, s0  }
0x5: {  	s23 =	simm.s32 $0x8F80;
	s25 =	sshrl.u32 s0, $0x2;
	s29 =	smul.u32 $0x50000, s0  }
0x6: {  	s5 =	sand.u32 $0x1, s1;
	s24 =	sshll.u32 s0, $0x1;
	s4 =	smul.u32 $0x13C00, s25  }
0x7: {  	s28 =	simm.s32 $0x0;
	s7 =	sor.u32 s5, s24;
	s26 =	smul.u32 $0x140000, s5  }
0x8: {  	s5 =	ssub.s32 $0x2, s5;
	s24 =	simm.s32 $0x1;
	s25 =	simm.s32 $0x2  }
0x9: {  	s3 =	sshll.u32 s7, $0x7;
	s7 =	sshll.u32 s7, $0xB;
	s30 =	sshrl.u32 s5, $0x1  }
0xa: {  	s31 =	sshrl.u32 s29, $0x2;
	s8 =	sand.u32 $0x380, s3;
	s3 =	simm.s32 $0x0  }
0xb: {  	s7 =	sadd.s32 s7, s6;
	s16 =	ssub.s32 s5, s30;
	s4 =	sor.u32 s4, s8  }
0xc: {  	[smem:$0x7FF] =	sst s3;
	s8 =	sadd.s32 s10, s26;
	s7 =	sadd.s32 $0x4C00, s7  }
0xd: {  	s16 =	smax.u32 s16, $0x1;
	s26 =	simm.s32 $0x6580;
	s9 =	sshrl.u32 s4, $0x3  }
0xe: {  	_ =	strace $0x8000004D;
	s4 =	sadd.s32 $0x1F400, s6;
	s8 =	sshrl.u32 s8, $0x3  }
0xf: {  	s9 =	sadd.s32 s9, s6;
	s15 =	sadd.s32 s8, s6;
	s6 =	sadd.s32 s31, s2  }
0x10: {  	s5 =	sadd.s32 $0x15600, s9;
	s8 =	sadd.s32 $0x2800, s6;
	s9 =	sadd.s32 $0x5000, s6  }
0x11: {  	s10 =	sadd.s32 $0x7800, s6;
	s11 =	sadd.s32 $0xA000, s6;
	s12 =	sadd.s32 $0xC800, s6  }
0x12: {  	v0 =	vimm.f32 $0.0e+00;
	s13 =	sadd.s32 $0xF000, s6;
	s14 =	sadd.s32 $0x11800, s6;
	s15 =	sadd.s32 $0x46600, s15  }
.LBB2_1:
0x13: {  	[tilespmem:s3], [sflag:$0x3] =	stream.strided.gather [hbm4b:s5+s17], $0x2780, s18, s17, $0x38;
	[tilespmem:$0x1F780] =	vst v63  }
0x14: {  	_ =	swait.ge [sflag:s19], $0x2780  }
0x15: {  	[sflag:s19] =	ssyncset.done $0x0  }
0x16: {  	[sflag:s19] =	ssyncadd.s32 $0xFFFFD880  }
0x17: {  	[tilespmem:s20], [sflag:$0x3] =	stream.linear.gather [hbm4b:s7+s3], $0x3E80, $0x38;
	[tilespmem:$0x1F780] =	vst v63  }
0x18: {  	_ =	swait.ge [sflag:s19], $0x3E80  }
0x19: {  	[sflag:s19] =	ssyncset.done $0x0  }
0x1a: {  	s29 =	simm.s32 $0x0;
	s30 =	simm.s32 $0x200;
	[sflag:s19] =	ssyncadd.s32 $0xFFFFC180  }
.LBB2_2:
0x1b: {  	p0 =	sne.s32 s30, $0x9E00;
	[tilespmem:s29+$0x67F0] =	vst v0  }
0x1c: {  	[tilespmem:s29+$0x6780] =	vst v0  }
0x1d: {  	[tilespmem:s29+$0x6790] =	vst v0  }
.Ltmp0:
0x1e: {  	[tilespmem:s29+$0x67A0] =	vst v0;
	(pc) =	sbr.rel @p0 .LBB2_2-.Ltmp0, $4  }
0x1f: {  	[tilespmem:s29+$0x67B0] =	vst v0  }
0x20: {  	[tilespmem:s29+$0x67C0] =	vst v0  }
0x21: {  	[tilespmem:s29+$0x67D0] =	vst v0  }
0x22: {  	[tilespmem:s29+$0x67E0] =	vst v0;
	s29 =	sshra.s32 s30, $0x2;
	s30 =	sadd.s32 $0x200, s30  }
0x23: {  	[tilespmem:s29+$0x67F0] =	vst v0  }
0x24: {  	[tilespmem:s29+$0x6780] =	vst v0  }
0x25: {  	[tilespmem:s29+$0x6790] =	vst v0  }
0x26: {  	[tilespmem:s29+$0x67A0] =	vst v0  }
0x27: {  	[tilespmem:s29+$0x67B0] =	vst v0  }
0x28: {  	[tilespmem:s29+$0x67C0] =	vst v0  }
0x29: {  	[tilespmem:s29+$0x67D0] =	vst v0  }
0x2a: {  	[tilespmem:s29+$0x67E0] =	vst v0  }
0x2b: {  	[spmem:s6] =	stream.linear.scatter [tilespmem:s21], [sflag:$0x3], $0x2800, $0x38;
	[tilespmem:$0x1F780] =	vst v63  }
0x2c: {  	_ =	swait.ge [sflag:s19], $0x2800  }
0x2d: {  	[sflag:s19] =	ssyncset.done $0x0  }
0x2e: {  	[sflag:s19] =	ssyncadd.s32 $0xFFFFD800  }
0x2f: {  	[spmem:s8] =	stream.linear.scatter [tilespmem:s21], [sflag:$0x3], $0x2800, $0x38;
	[tilespmem:$0x1F780] =	vst v63  }
0x30: {  	_ =	swait.ge [sflag:s19], $0x2800  }
0x31: {  	[sflag:s19] =	ssyncset.done $0x0  }
0x32: {  	[sflag:s19] =	ssyncadd.s32 $0xFFFFD800  }
0x33: {  	[spmem:s9] =	stream.linear.scatter [tilespmem:s21], [sflag:$0x3], $0x2800, $0x38;
	[tilespmem:$0x1F780] =	vst v63  }
0x34: {  	_ =	swait.ge [sflag:s19], $0x2800  }
0x35: {  	[sflag:s19] =	ssyncset.done $0x0  }
0x36: {  	[sflag:s19] =	ssyncadd.s32 $0xFFFFD800  }
0x37: {  	[spmem:s10] =	stream.linear.scatter [tilespmem:s21], [sflag:$0x3], $0x2800, $0x38;
	[tilespmem:$0x1F780] =	vst v63  }
0x38: {  	_ =	swait.ge [sflag:s19], $0x2800  }
0x39: {  	[sflag:s19] =	ssyncset.done $0x0  }
0x3a: {  	[sflag:s19] =	ssyncadd.s32 $0xFFFFD800  }
0x3b: {  	[spmem:s11] =	stream.linear.scatter [tilespmem:s21], [sflag:$0x3], $0x2800, $0x38;
	[tilespmem:$0x1F780] =	vst v63  }
0x3c: {  	_ =	swait.ge [sflag:s19], $0x2800  }
0x3d: {  	[sflag:s19] =	ssyncset.done $0x0  }
0x3e: {  	[sflag:s19] =	ssyncadd.s32 $0xFFFFD800  }
0x3f: {  	[spmem:s12] =	stream.linear.scatter [tilespmem:s21], [sflag:$0x3], $0x2800, $0x38;
	[tilespmem:$0x1F780] =	vst v63  }
0x40: {  	_ =	swait.ge [sflag:s19], $0x2800  }
0x41: {  	[sflag:s19] =	ssyncset.done $0x0  }
0x42: {  	[sflag:s19] =	ssyncadd.s32 $0xFFFFD800  }
0x43: {  	[spmem:s13] =	stream.linear.scatter [tilespmem:s21], [sflag:$0x3], $0x2800, $0x38;
	[tilespmem:$0x1F780] =	vst v63  }
0x44: {  	_ =	swait.ge [sflag:s19], $0x2800  }
0x45: {  	[sflag:s19] =	ssyncset.done $0x0  }
0x46: {  	[sflag:s19] =	ssyncadd.s32 $0xFFFFD800  }
0x47: {  	[spmem:s14] =	stream.linear.scatter [tilespmem:s21], [sflag:$0x3], $0x2800, $0x38;
	[tilespmem:$0x1F780] =	vst v63  }
0x48: {  	_ =	swait.ge [sflag:s19], $0x2800  }
0x49: {  	[sflag:s19] =	ssyncset.done $0x0  }
0x4a: {  	[sflag:s19] =	ssyncadd.s32 $0xFFFFD800  }
0x4b: {  	s29 =	simm.s32 $0x0;
	[bflag:$0x0] =	sbarrier.arrive $0xFFFF  }
0x4c: {  	[tilespmem:s21], [sflag:$0x1] =	stream.indirect.gather [hbm4b:s4+s22], $0x80, s29, s22, $0xb8;
	[tilespmem:$0x1F780] =	vst v63  }
0x4d: {  	s29 =	simm.s32 $0x50  }
0x4e: {  	[tilespmem:s23], [sflag:$0x2] =	stream.indirect.gather [hbm4b:s4+s22], $0x80, s29, s22, $0xb8;
	[tilespmem:$0x1F780] =	vst v63  }
0x4f: {  	_ =	swait.ge [sflag:s24], $0x2800  }
0x50: {  	[sflag:s24] =	ssyncset.done $0x0  }
0x51: {  	s29 =	simm.s32 $0x2780;
	[sflag:s24] =	ssyncadd.s32 $0xFFFFD800  }
0x52: {  	[spmem:s2] =	stream.indirect.scatter.add.f32 [tilespmem:s21], [sflag:$0x3], $0x80, s29, s22, $0xb8;
	[tilespmem:$0x1F780] =	vst v63  }
0x53: {  	_ =	swait.ge [sflag:s19], $0x2800  }
0x54: {  	[sflag:s19] =	ssyncset.done $0x0  }
0x55: {  	s29 =	simm.s32 $0xA0;
	[sflag:s19] =	ssyncadd.s32 $0xFFFFD800  }
0x56: {  	[tilespmem:s21], [sflag:$0x1] =	stream.indirect.gather [hbm4b:s4+s22], $0x80, s29, s22, $0xb8;
	[tilespmem:$0x1F780] =	vst v63  }
0x57: {  	_ =	swait.ge [sflag:s25], $0x2800  }
0x58: {  	[sflag:s25] =	ssyncset.done $0x0  }
0x59: {  	s29 =	simm.s32 $0x2800;
	[sflag:s25] =	ssyncadd.s32 $0xFFFFD800  }
0x5a: {  	[spmem:s2] =	stream.indirect.scatter.add.f32 [tilespmem:s23], [sflag:$0x3], $0x80, s29, s22, $0xb8;
	[tilespmem:$0x1F780] =	vst v63  }
0x5b: {  	s30 =	simm.s32 $0x400;
	_ =	swait.ge [sflag:s19], $0x2800  }
0x5c: {  	s31 =	simm.s32 $0x800;
	s29 =	simm.s32 $0x140;
	[sflag:s19] =	ssyncset.done $0x0  }
.LBB2_4:
0x5d: {  	p0 =	sne.s32 s31, $0xF400;
	s1 =	sadd.s32 $0xFFFFFFB0, s29;
	[sflag:s19] =	ssyncadd.s32 $0xFFFFD800  }
0x5e: {  	[tilespmem:s23], [sflag:$0x2] =	stream.indirect.gather [hbm4b:s4+s22], $0x80, s1, s22, $0xb8;
	[tilespmem:$0x1F780] =	vst v63  }
0x5f: {  	s1 =	smov.u32 s31;
	s31 =	sadd.s32 $0x400, s31;
	_ =	swait.ge [sflag:s24], $0x2800  }
0x60: {  	s0 =	sshra.s32 s30, $0x2;
	s30 =	smov.u32 s1;
	[sflag:s24] =	ssyncset.done $0x0  }
0x61: {  	s1 =	sadd.s32 $0x2780, s0;
	[sflag:s24] =	ssyncadd.s32 $0xFFFFD800  }
0x62: {  	[spmem:s2] =	stream.indirect.scatter.add.f32 [tilespmem:s21], [sflag:$0x3], $0x80, s1, s22, $0xb8;
	[tilespmem:$0x1F780] =	vst v63  }
0x63: {  	_ =	swait.ge [sflag:s19], $0x2800  }
0x64: {  	[sflag:s19] =	ssyncset.done $0x0  }
0x65: {  	[sflag:s19] =	ssyncadd.s32 $0xFFFFD800  }
0x66: {  	[tilespmem:s21], [sflag:$0x1] =	stream.indirect.gather [hbm4b:s4+s22], $0x80, s29, s22, $0xb8;
	[tilespmem:$0x1F780] =	vst v63  }
0x67: {  	_ =	swait.ge [sflag:s25], $0x2800  }
.Ltmp1:
0x68: {  	[sflag:s25] =	ssyncset.done $0x0;
	(pc) =	sbr.rel @p0 .LBB2_4-.Ltmp1, $4  }
0x69: {  	s0 =	sadd.s32 $0x2800, s0;
	[sflag:s25] =	ssyncadd.s32 $0xFFFFD800  }
0x6a: {  	[spmem:s2] =	stream.indirect.scatter.add.f32 [tilespmem:s23], [sflag:$0x3], $0x80, s0, s22, $0xb8;
	[tilespmem:$0x1F780] =	vst v63  }
0x6b: {  	_ =	swait.ge [sflag:s19], $0x2800  }
0x6c: {  	s29 =	sadd.s32 $0xA0, s29;
	[sflag:s19] =	ssyncset.done $0x0  }
0x6d: {  	s0 =	sadd.s32 $0xFFFFFFB0, s29;
	[sflag:s19] =	ssyncadd.s32 $0xFFFFD800  }
0x6e: {  	[tilespmem:s23], [sflag:$0x2] =	stream.indirect.gather [hbm4b:s4+s22], $0x80, s0, s22, $0xb8;
	[tilespmem:$0x1F780] =	vst v63  }
0x6f: {  	_ =	swait.ge [sflag:s24], $0x2800  }
0x70: {  	s31 =	sshra.s32 s30, $0x2;
	[sflag:s24] =	ssyncset.done $0x0  }
0x71: {  	s1 =	sadd.s32 $0x2780, s31;
	[sflag:s24] =	ssyncadd.s32 $0xFFFFD800  }
0x72: {  	[spmem:s2] =	stream.indirect.scatter.add.f32 [tilespmem:s21], [sflag:$0x3], $0x80, s1, s22, $0xb8;
	[tilespmem:$0x1F780] =	vst v63  }
0x73: {  	_ =	swait.ge [sflag:s19], $0x2800  }
0x74: {  	[sflag:s19] =	ssyncset.done $0x0  }
0x75: {  	[sflag:s19] =	ssyncadd.s32 $0xFFFFD800  }
0x76: {  	[tilespmem:s21], [sflag:$0x1] =	stream.indirect.gather [hbm4b:s4+s22], $0x80, s29, s22, $0xb8;
	[tilespmem:$0x1F780] =	vst v63  }
0x77: {  	_ =	swait.ge [sflag:s25], $0x2800  }
0x78: {  	[sflag:s25] =	ssyncset.done $0x0  }
0x79: {  	s0 =	sadd.s32 $0x2800, s31;
	[sflag:s25] =	ssyncadd.s32 $0xFFFFD800  }
0x7a: {  	[spmem:s2] =	stream.indirect.scatter.add.f32 [tilespmem:s23], [sflag:$0x3], $0x80, s0, s22, $0xb8;
	[tilespmem:$0x1F780] =	vst v63  }
0x7b: {  	_ =	swait.ge [sflag:s19], $0x2800  }
0x7c: {  	[sflag:s19] =	ssyncset.done $0x0  }
0x7d: {  	[sflag:s19] =	ssyncadd.s32 $0xFFFFD800  }
0x7e: {  	_ =	swait.ge [sflag:s24], $0x2800  }
0x7f: {  	[sflag:s24] =	ssyncset.done $0x0  }
0x80: {  	[sflag:s24] =	ssyncadd.s32 $0xFFFFD800  }
0x81: {  	[spmem:s2] =	stream.indirect.scatter.add.f32 [tilespmem:s21], [sflag:$0x3], $0x80, s26, s22, $0xb8;
	[tilespmem:$0x1F780] =	vst v63  }
0x82: {  	s30 =	stileid.u32;
	_ =	swait.ge [sflag:s19], $0x2800  }
0x83: {  	s28 =	sadd.s32 $0x1, s28;
	s31 =	sshrl.u32 s6, $0x3;
	[sflag:s19] =	ssyncset.done $0x0  }
0x84: {  	p0 =	sne.s32 s28, s16;
	s0 =	sshll.u32 s30, $0x6;
	[sflag:s19] =	ssyncadd.s32 $0xFFFFD800  }
.Ltmp2:
0x85: {  	s0 =	sor.u32 $0x1C03, s0;
	[bflag:$0x0] =	sbarrier.arrive $0xFFFF;
	(pc) =	sbr.rel @p0 .LBB2_1-.Ltmp2, $4  }
0x86: {  	[hbm:s15], [sflag:s0] =	dma.local [spmem:s31], $0x2800  }
0x87: {  	_ =	swait.ge [sflag:s19], $0x2800  }
0x88: {  	[sflag:s19] =	ssyncset.done $0x0  }
0x89: {  	[sflag:s19] =	ssyncadd.s32 $0xFFFFD800  }
0x8a: {  	_ =	sfence.sel $0x180000  }
0x8b: {  	[bflag:$0x0] =	sbarrier.arrive $0xFFFF  }
0x8c: {  	_ =	strace $0x9000004D  }
0x8d: {  	s0 =	stileid.u32;
	[bflag:$0x2] =	sbarrier.arrive $0xFFFF  }
0x8e: {  	p0 =	sne.s32 s0, $0x0;
	s0 =	rddreg [dreg:$0x2]  }
0x8f: {  	s0 =	sadd.s32 @!p0 $0x100000, s0  }
0x90: {  	[sflag:s0] =	ssyncadd.tile.s32 @!p0 $0x1;
	_ =	shalt  }
.Lfunc_end2:
_tile_overlayer_lowered:
.L_overlay_start_2:
0x91: {  	(tag) =	ssettag $0x2  }
0x92: {  	s0 =	rddreg [dreg:$0x0];
	s2 =	stileid.u32  }
0x93: {  	s1 =	rddreg [dreg:$0x1];
	p0 =	sne.s32 s2, $0x0  }
0x94: {  	s3 =	rddreg [dreg:$0x2];
	[bflag:$0x3] =	sbarrier.arrive $0xFFFF;
	s2 =	simm.s32 @!p0 $0x1C03  }
0x95: {  	[timem:s3], [sflag:s2] =	dma.local @!p0 [hbm:s0], s1  }
0x96: {  	s0 =	simm.s32 @!p0 $0x3  }
0x97: {  	_ =	swait.ge @!p0 [sflag:s0], s1  }
0x98: {  	s1 =	ssub.s32 @!p0 $0x0, s1;
	[sflag:s0] =	ssyncset.done @!p0 $0x0  }
0x99: {  	[sflag:s0] =	ssyncadd.s32 @!p0 s1  }
0x9a: {  	[bflag:$0x3] =	sbarrier.arrive $0xFFFF  }
0x9b: {  	_ =	shalt  }

// kernel: kernel.25.cloned.1.call-start
scs
__scs_entry_jumppad:
0x0: {  	(pc) =	sbr.rel $0x88, $3  }
0x1: {  	(tag) =	ssettag $0x0;
	lr =	simm.s32 $0x1  }
0x2: {  	[smem:$0x3F92] =	sst lr;
	_ =	strace $0xD0000000  }
0x3: {  	_ = 	snop  }
0x4: {  	_ = 	snop  }
0x5: {  	_ = 	snop  }
0x6: {  	_ = 	snop  }
0x7: {  	_ = 	snop  }
__scs_overlays_trampoline_lowered:
0x8: {  	[smem:$0x3FA1] =	sst s0  }
0x9: {  	[smem:$0x3FA2] =	sst s1  }
0xa: {  	[smem:$0x3FA3] =	sst s2  }
0xb: {  	[smem:$0x3FA4] =	sst s3  }
0xc: {  	[smem:$0x3FA5] =	sst s4  }
0xd: {  	[smem:$0x3FA6] =	sst s5  }
0xe: {  	[smem:$0x3FA7] =	sst s6  }
0xf: {  	[smem:$0x3FA8] =	sst s7  }
0x10: {  	[smem:$0x3FA9] =	sst s8  }
0x11: {  	[smem:$0x3FAA] =	sst s9;
	s0 =	simm.s32 @!p0 $0x0  }
0x12: {  	s1 =	sld [smem:$0x3F90];
	s0 =	simm.s32 @p0 $0x1  }
0x13: {  	[smem:$0x3FAB] =	sst s0;
	s0 =	simm.s32 @!p1 $0x0  }
0x14: {  	s2 =	sld [smem:$0x3F8F];
	s0 =	simm.s32 @p1 $0x1  }
0x15: {  	[smem:$0x3FAC] =	sst s0;
	s0 =	simm.s32 @!p2 $0x0  }
0x16: {  	s3 =	sld [smem:$0x3FDB];
	s0 =	simm.s32 @p2 $0x1  }
0x17: {  	s4 =	simm.s32 $0x1BF5;
	[smem:$0x3FAE] =	sst s0  }
0x18: {  	s0 =	sld [smem:$0x3F91];
	_ =	swait.ge [sflag:s4], $0x0  }
0x19: {  	s7 =	sld [smem:$0x3F92]  }
0x1a: {  	s8 =	sadd.s32 $0xFFFFE003, lr  }
0x1b: {  	s9 =	sadd.s32 $0xFFFFFEF7, lr;
	s5 =	simm.s32 $0xFFFFFFFF;
	p2 =	slt.u32 s8, $0xFFFFF086  }
0x1c: {  	p1 =	slt.u32 s9, $0xF7A;
	s5 =	simm.s32 @!p2 $0x0  }
0x1d: {  	s5 =	simm.s32 @p1 $0x1;
	p0 =	seq.s32 s7, s2  }
0x1e: {  	s7 =	smul.u32 @!p0 $0xF7A, s2;
	p2 =	seq.s32 @!p0 s5, $0x0  }
0x1f: {  	s9 =	smul.u32 $0xF7A, s1;
	s8 =	simm.s32 @!p0 $0x1BF5;
	p2 =	por !p2, p0  }
0x20: {  	[sflag:s8] =	ssyncset.s32 @!p0 $0xFFFFF086;
	s6 =	sadd.s32 @!p0 s3, s7;
	s7 =	simm.s32 @!p0 $0x108  }
0x21: {  	s3 =	sadd.s32 s3, s9;
	s6 =	sadd.s32 @!p0 $0x88, s6;
	s7 =	simm.s32 @p2 $0x1082  }
0x22: {  	[simem:s7], [sflag:s8] =	dma.local @!p0 [hbm:s6], $0xF7A  }
0x23: {  	s9 =	sor.u32 $0xD0000000, s2;
	s6 =	simm.s32 $0x108;
	_ =	swait.ge @!p0 [sflag:s8], $0x0  }
0x24: {  	s3 =	sadd.s32 $0x88, s3;
	s6 =	simm.s32 @!p1 $0x1082;
	[sflag:s4] =	ssyncset.s32 $0xFFFFF086  }
0x25: {  	[simem:s6], [sflag:s4] =	dma.local [hbm:s3], $0xF7A  }
0x26: {  	[smem:$0x3F92] =	sst s1;
	(tag) =	ssettag s2;
	_ =	strace s9  }
0x27: {  	s1 =	sld [smem:$0x3FA2]  }
0x28: {  	s2 =	sld [smem:$0x3FA3]  }
0x29: {  	s4 =	sld [smem:$0x3FA5]  }
0x2a: {  	p0 =	seq.s32 s5, $0x0;
	s5 =	sld [smem:$0x3FA6]  }
0x2b: {  	s6 =	sld [smem:$0x3FA7]  }
0x2c: {  	s7 =	sld [smem:$0x3FA8]  }
0x2d: {  	s3 =	simm.s32 $0x108;
	s8 =	sld [smem:$0x3FA9]  }
0x2e: {  	s3 =	simm.s32 @!p0 $0x1082;
	s9 =	sld [smem:$0x3FAA]  }
0x2f: {  	lr =	sadd.s32 s0, s3;
	s0 =	sld [smem:$0x3FA1]  }
0x30: {  	s3 =	sld [smem:$0x3FA4]  }
0x31: {  	[smem:$0x3FAD] =	sst s10  }
0x32: {  	s10 =	sld [smem:$0x3FAB];
	_ =	sdelay $0x3  }
0x33: {  	p0 =	seq.s32 s10, $0x1;
	s10 =	sld [smem:$0x3FAD];
	_ =	sdelay $0x3  }
0x34: {  	[smem:$0x3FAD] =	sst s10  }
0x35: {  	s10 =	sld [smem:$0x3FAC];
	_ =	sdelay $0x3  }
0x36: {  	p1 =	seq.s32 s10, $0x1;
	s10 =	sld [smem:$0x3FAD];
	_ =	sdelay $0x3  }
0x37: {  	[smem:$0x3FAD] =	sst s10  }
0x38: {  	s10 =	sld [smem:$0x3FAE]  }
0x39: {  	_ = 	snop;
	(pc) =	sbr.ind lr, $3  }
0x3a: {  	_ = 	snop  }
0x3b: {  	_ = 	snop  }
0x3c: {  	p2 =	seq.s32 s10, $0x1;
	s10 =	sld [smem:$0x3FAD]  }
0x3d: {  	_ =	shalt  }
0x3e: {  	_ =	shalt  }
0x3f: {  	_ =	shalt  }
0x40: {  	_ =	shalt  }
0x41: {  	_ =	shalt  }
0x42: {  	_ =	shalt  }
0x43: {  	_ =	shalt  }
0x44: {  	_ =	shalt  }
0x45: {  	_ =	shalt  }
0x46: {  	_ =	shalt  }
0x47: {  	_ =	shalt  }
0x48: {  	_ =	shalt  }
0x49: {  	_ =	shalt  }
0x4a: {  	_ =	shalt  }
0x4b: {  	_ =	shalt  }
0x4c: {  	_ =	shalt  }
0x4d: {  	_ =	shalt  }
0x4e: {  	_ =	shalt  }
0x4f: {  	_ =	shalt  }
0x50: {  	_ =	shalt  }
0x51: {  	_ =	shalt  }
0x52: {  	_ =	shalt  }
0x53: {  	_ =	shalt  }
0x54: {  	_ =	shalt  }
0x55: {  	_ =	shalt  }
0x56: {  	_ =	shalt  }
0x57: {  	_ =	shalt  }
0x58: {  	_ =	shalt  }
0x59: {  	_ =	shalt  }
0x5a: {  	_ =	shalt  }
0x5b: {  	_ =	shalt  }
0x5c: {  	_ =	shalt  }
0x5d: {  	_ =	shalt  }
0x5e: {  	_ =	shalt  }
0x5f: {  	_ =	shalt  }
0x60: {  	_ =	shalt  }
0x61: {  	_ =	shalt  }
0x62: {  	_ =	shalt  }
0x63: {  	_ =	shalt  }
0x64: {  	_ =	shalt  }
0x65: {  	_ =	shalt  }
0x66: {  	_ =	shalt  }
0x67: {  	_ =	shalt  }
0x68: {  	_ =	shalt  }
0x69: {  	_ =	shalt  }
0x6a: {  	_ =	shalt  }
0x6b: {  	_ =	shalt  }
0x6c: {  	_ =	shalt  }
0x6d: {  	_ =	shalt  }
0x6e: {  	_ =	shalt  }
0x6f: {  	_ =	shalt  }
0x70: {  	_ =	shalt  }
0x71: {  	_ =	shalt  }
0x72: {  	_ =	shalt  }
0x73: {  	_ =	shalt  }
0x74: {  	_ =	shalt  }
0x75: {  	_ =	shalt  }
0x76: {  	_ =	shalt  }
0x77: {  	_ =	shalt  }
0x78: {  	_ =	shalt  }
0x79: {  	_ =	shalt  }
0x7a: {  	_ =	shalt  }
0x7b: {  	_ =	shalt  }
0x7c: {  	_ =	shalt  }
0x7d: {  	_ =	shalt  }
0x7e: {  	_ =	shalt  }
0x7f: {  	_ =	shalt  }
0x80: {  	_ =	shalt  }
0x81: {  	_ =	shalt  }
0x82: {  	_ =	shalt  }
0x83: {  	_ =	shalt  }
0x84: {  	_ =	shalt  }
0x85: {  	_ =	shalt  }
0x86: {  	_ =	shalt  }
0x87: {  	_ =	shalt  }
.Lfunc_end0:
.L_simem_size_0:
called_computation.3_lowered:
.L_overlay_start_0:
0x88: {  	s2 =	sld [smem:$0x3FD9]  }
0x89: {  	s3 =	sld [smem:$0x3FFE];
	_ =	sdelay $0x1  }
0x8a: {  	s1 =	srdreg.scid  }
0x8b: {  	s0 =	sand.u32 $0x1, s1  }
0x8c: {  	s16 =	sshll.u32 s0, $0xA;
	s2 =	sadd.s32 s3, s2  }
0x8d: {  	s2 =	sadd.s32 s2, s16  }
0x8e: {  	[smem:$0x3FB9] =	sst s2  }
0x8f: {  	_ = 	snop  }
0x90: {  	(tm) =	ssettm $0x1  }
0x91: {  	s17 =	sld [smem:$0x3FFB];
	_ =	sdelay $0x3  }
0x92: {  	_ =	strace s17  }
0x93: {  	s2 =	sld [smem:$0x3FFC];
	_ =	sdelay $0x3  }
0x94: {  	_ =	strace s2  }
0x95: {  	s2 =	sld [smem:$0x3FFD];
	_ =	sdelay $0x3  }
0x96: {  	_ =	strace s2  }
0x97: {  	_ =	strace $0x8FFFFFFF  }
0x98: {  	s18 =	sld [smem:$0x3FDB];
	_ =	sdelay $0x1  }
0x99: {  	s19 =	simm.s32 $_scs_section_size  }
0x9a: {  	s4 =	simm.s32 $_size__tile_overlayer_lowered;
	s5 =	simm.s32 $_tile_overlayer_lowered  }
0x9b: {  	s22 =	simm.s32 $0x1BFF;
	s21 =	sshll.u32 s5, $0x1;
	s2 =	sadd.s32 s19, s18  }
0x9c: {  	s6 =	simm.s32 $0x0;
	s20 =	sshll.u32 s4, $0x1;
	s4 =	sadd.s32 s21, s2  }
0x9d: {  	[timem:s6], [sflag:s22] =	dma.local [hbm:s4], s20  }
0x9e: {  	_ =	swait.ge [sflag:s22], s20  }
0x9f: {  	s3 =	ssub.s32 $0x0, s20;
	[sflag:s22] =	ssyncset.done $0x0  }
0xa0: {  	[sflag:s22] =	ssyncadd.s32 s3;
	_ =	sdelay $0x1  }
0xa1: {  	s23 =	simm.s32 $0x1B8B  }
0xa2: {  	_ =	swait.ge [sflag:s23], $0x1  }
0xa3: {  	[sflag:s23] =	ssyncset.done $0x0  }
0xa4: {  	s25 =	simm.s32 $0x1B8E;
	s24 =	sld [smem:$0x3FFE];
	[sflag:s23] =	ssyncadd.s32 $0xFFFFFFFF  }
0xa5: {  	s26 =	simm.s32 $execute0_lowered;
	[smem:$0x3FD2] =	sst s25  }
0xa6: {  	s4 =	sshll.u32 s26, $0x1;
	_ =	strace $0x8000004F;
	[dreg:$0x1] =	wrdreg $0xFFFFFFFF  }
0xa7: {  	s28 =	simm.s32 $_size_execute0_lowered;
	s2 =	sadd.s32 s2, s4;
	[dreg:$0x0] =	wrdreg $0x0  }
0xa8: {  	s4 =	sshll.u32 s28, $0x1;
	[dreg:$0x2] =	wrdreg s2  }
0xa9: {  	[dreg:$0x3] =	wrdreg s4  }
0xaa: {  	[dreg:$0x4] =	wrdreg $0xC0  }
0xab: {  	_ =	task [dreg:s6], $0x5FFFF  }
0xac: {  	[dreg:$0x1] =	wrdreg $0xFFFFFFFF  }
0xad: {  	[dreg:$0x0] =	wrdreg $0x60  }
0xae: {  	[dreg:$0x2] =	wrdreg s24  }
0xaf: {  	[dreg:$0x3] =	wrdreg $0xB7800  }
0xb0: {  	[dreg:$0x4] =	wrdreg $0x9  }
0xb1: {  	_ =	task.clear_ibuf [dreg:s6], $0x5FFFF;
	_ =	strace $0x9000004F  }
0xb2: {  	s29 =	simm.s32 $0x9;
	_ =	strace $0x80000051  }
0xb3: {  	_ =	swait.ge [sflag:s29], $0x1  }
0xb4: {  	[sflag:s29] =	ssyncadd.s32 $0xFFFFFFFF  }
0xb5: {  	_ =	strace $0x90000051  }
0xb6: {  	_ =	sfence  }
0xb7: {  	s30 =	sld [smem:$0x0];
	_ =	sdelay $0x2  }
0xb8: {  	s31 =	sshll.u32 s1, $0xD;
	s1 =	sshrl.u32 s1, $0x2  }
0xb9: {  	s3 =	sand.u32 $0x4000, s31;
	s1 =	sadd.s32 s1, s30  }
0xba: {  	s0 =	sor.u32 s3, s0;
	s1 =	sshll.u32 s1, $0x11  }
0xbb: {  	s0 =	sor.u32 s1, s0  }
0xbc: {  	s0 =	sadd.s32 $0x8F2B, s0  }
0xbd: {  	[sflag:s0] =	ssyncadd.remote.s32 $0x1  }
0xbe: {  	_ =	sfence.sel $0xFFFF  }
0xbf: {  	[dreg:$0x0] =	wrdreg $0xFFFFFFFF;
	(pc) =	sbr.abs _section_cstart, $3  }
0xc0: {  	[dreg:$0x1] =	wrdreg $0xFFFFFFFF  }
0xc1: {  	_ =	task.clear_ibuf [dreg:s6], $0x2FFFF;
	_ =	strace $0x9FFFFFFF  }
0xc2: {  	(tm) =	ssettm $0x7FFFFFFF  }
0xc3: {  	_ =	shalt  }
tec
execute0_lowered:
.L_overlay_start_1:
0x0: {  	(tag) =	ssettag $0x1  }
0x1: {  	s1 =	srdreg.scid;
	s6 =	rddreg [dreg:$0x0]  }
0x2: {  	s0 =	stileid.u32;
	s2 =	rddreg [dreg:$0x1];
	s17 =	simm.s32 $0x80  }
0x3: {  	s18 =	simm.s32 $0x400;
	s19 =	simm.s32 $0x3;
	s20 =	simm.s32 $0x2780  }
0x4: {  	s21 =	simm.s32 $0x6780;
	s22 =	simm.s32 $0x50;
	s10 =	smul.u32 $0x14000, s0  }
0x5: {  	s23 =	simm.s32 $0x8F80;
	s25 =	sshrl.u32 s0, $0x2;
	s29 =	smul.u32 $0x50000, s0  }
0x6: {  	s5 =	sand.u32 $0x1, s1;
	s24 =	sshll.u32 s0, $0x1;
	s4 =	smul.u32 $0x13C00, s25  }
0x7: {  	s28 =	simm.s32 $0x0;
	s7 =	sor.u32 s5, s24;
	s26 =	smul.u32 $0x140000, s5  }
0x8: {  	s5 =	ssub.s32 $0x2, s5;
	s24 =	simm.s32 $0x1;
	s25 =	simm.s32 $0x2  }
0x9: {  	s3 =	sshll.u32 s7, $0x7;
	s7 =	sshll.u32 s7, $0xB;
	s30 =	sshrl.u32 s5, $0x1  }
0xa: {  	s31 =	sshrl.u32 s29, $0x2;
	s8 =	sand.u32 $0x380, s3;
	s3 =	simm.s32 $0x0  }
0xb: {  	s7 =	sadd.s32 s7, s6;
	s16 =	ssub.s32 s5, s30;
	s4 =	sor.u32 s4, s8  }
0xc: {  	[smem:$0x7FF] =	sst s3;
	s8 =	sadd.s32 s10, s26;
	s7 =	sadd.s32 $0x4C00, s7  }
0xd: {  	s16 =	smax.u32 s16, $0x1;
	s26 =	simm.s32 $0x6580;
	s9 =	sshrl.u32 s4, $0x3  }
0xe: {  	_ =	strace $0x80000050;
	s4 =	sadd.s32 $0x1F400, s6;
	s8 =	sshrl.u32 s8, $0x3  }
0xf: {  	s9 =	sadd.s32 s9, s6;
	s15 =	sadd.s32 s8, s6;
	s6 =	sadd.s32 s31, s2  }
0x10: {  	s5 =	sadd.s32 $0x15600, s9;
	s8 =	sadd.s32 $0x2800, s6;
	s9 =	sadd.s32 $0x5000, s6  }
0x11: {  	s10 =	sadd.s32 $0x7800, s6;
	s11 =	sadd.s32 $0xA000, s6;
	s12 =	sadd.s32 $0xC800, s6  }
0x12: {  	v0 =	vimm.f32 $0.0e+00;
	s13 =	sadd.s32 $0xF000, s6;
	s14 =	sadd.s32 $0x11800, s6;
	s15 =	sadd.s32 $0x46600, s15  }
.LBB2_1:
0x13: {  	[tilespmem:s3], [sflag:$0x3] =	stream.strided.gather [hbm4b:s5+s17], $0x2780, s18, s17, $0x38;
	[tilespmem:$0x1F780] =	vst v63  }
0x14: {  	_ =	swait.ge [sflag:s19], $0x2780  }
0x15: {  	[sflag:s19] =	ssyncset.done $0x0  }
0x16: {  	[sflag:s19] =	ssyncadd.s32 $0xFFFFD880  }
0x17: {  	[tilespmem:s20], [sflag:$0x3] =	stream.linear.gather [hbm4b:s7+s3], $0x3E80, $0x38;
	[tilespmem:$0x1F780] =	vst v63  }
0x18: {  	_ =	swait.ge [sflag:s19], $0x3E80  }
0x19: {  	[sflag:s19] =	ssyncset.done $0x0  }
0x1a: {  	s29 =	simm.s32 $0x0;
	s30 =	simm.s32 $0x200;
	[sflag:s19] =	ssyncadd.s32 $0xFFFFC180  }
.LBB2_2:
0x1b: {  	p0 =	sne.s32 s30, $0x9E00;
	[tilespmem:s29+$0x67F0] =	vst v0  }
0x1c: {  	[tilespmem:s29+$0x6780] =	vst v0  }
0x1d: {  	[tilespmem:s29+$0x6790] =	vst v0  }
.Ltmp0:
0x1e: {  	[tilespmem:s29+$0x67A0] =	vst v0;
	(pc) =	sbr.rel @p0 .LBB2_2-.Ltmp0, $4  }
0x1f: {  	[tilespmem:s29+$0x67B0] =	vst v0  }
0x20: {  	[tilespmem:s29+$0x67C0] =	vst v0  }
0x21: {  	[tilespmem:s29+$0x67D0] =	vst v0  }
0x22: {  	[tilespmem:s29+$0x67E0] =	vst v0;
	s29 =	sshra.s32 s30, $0x2;
	s30 =	sadd.s32 $0x200, s30  }
0x23: {  	[tilespmem:s29+$0x67F0] =	vst v0  }
0x24: {  	[tilespmem:s29+$0x6780] =	vst v0  }
0x25: {  	[tilespmem:s29+$0x6790] =	vst v0  }
0x26: {  	[tilespmem:s29+$0x67A0] =	vst v0  }
0x27: {  	[tilespmem:s29+$0x67B0] =	vst v0  }
0x28: {  	[tilespmem:s29+$0x67C0] =	vst v0  }
0x29: {  	[tilespmem:s29+$0x67D0] =	vst v0  }
0x2a: {  	[tilespmem:s29+$0x67E0] =	vst v0  }
0x2b: {  	[spmem:s6] =	stream.linear.scatter [tilespmem:s21], [sflag:$0x3], $0x2800, $0x38;
	[tilespmem:$0x1F780] =	vst v63  }
0x2c: {  	_ =	swait.ge [sflag:s19], $0x2800  }
0x2d: {  	[sflag:s19] =	ssyncset.done $0x0  }
0x2e: {  	[sflag:s19] =	ssyncadd.s32 $0xFFFFD800  }
0x2f: {  	[spmem:s8] =	stream.linear.scatter [tilespmem:s21], [sflag:$0x3], $0x2800, $0x38;
	[tilespmem:$0x1F780] =	vst v63  }
0x30: {  	_ =	swait.ge [sflag:s19], $0x2800  }
0x31: {  	[sflag:s19] =	ssyncset.done $0x0  }
0x32: {  	[sflag:s19] =	ssyncadd.s32 $0xFFFFD800  }
0x33: {  	[spmem:s9] =	stream.linear.scatter [tilespmem:s21], [sflag:$0x3], $0x2800, $0x38;
	[tilespmem:$0x1F780] =	vst v63  }
0x34: {  	_ =	swait.ge [sflag:s19], $0x2800  }
0x35: {  	[sflag:s19] =	ssyncset.done $0x0  }
0x36: {  	[sflag:s19] =	ssyncadd.s32 $0xFFFFD800  }
0x37: {  	[spmem:s10] =	stream.linear.scatter [tilespmem:s21], [sflag:$0x3], $0x2800, $0x38;
	[tilespmem:$0x1F780] =	vst v63  }
0x38: {  	_ =	swait.ge [sflag:s19], $0x2800  }
0x39: {  	[sflag:s19] =	ssyncset.done $0x0  }
0x3a: {  	[sflag:s19] =	ssyncadd.s32 $0xFFFFD800  }
0x3b: {  	[spmem:s11] =	stream.linear.scatter [tilespmem:s21], [sflag:$0x3], $0x2800, $0x38;
	[tilespmem:$0x1F780] =	vst v63  }
0x3c: {  	_ =	swait.ge [sflag:s19], $0x2800  }
0x3d: {  	[sflag:s19] =	ssyncset.done $0x0  }
0x3e: {  	[sflag:s19] =	ssyncadd.s32 $0xFFFFD800  }
0x3f: {  	[spmem:s12] =	stream.linear.scatter [tilespmem:s21], [sflag:$0x3], $0x2800, $0x38;
	[tilespmem:$0x1F780] =	vst v63  }
0x40: {  	_ =	swait.ge [sflag:s19], $0x2800  }
0x41: {  	[sflag:s19] =	ssyncset.done $0x0  }
0x42: {  	[sflag:s19] =	ssyncadd.s32 $0xFFFFD800  }
0x43: {  	[spmem:s13] =	stream.linear.scatter [tilespmem:s21], [sflag:$0x3], $0x2800, $0x38;
	[tilespmem:$0x1F780] =	vst v63  }
0x44: {  	_ =	swait.ge [sflag:s19], $0x2800  }
0x45: {  	[sflag:s19] =	ssyncset.done $0x0  }
0x46: {  	[sflag:s19] =	ssyncadd.s32 $0xFFFFD800  }
0x47: {  	[spmem:s14] =	stream.linear.scatter [tilespmem:s21], [sflag:$0x3], $0x2800, $0x38;
	[tilespmem:$0x1F780] =	vst v63  }
0x48: {  	_ =	swait.ge [sflag:s19], $0x2800  }
0x49: {  	[sflag:s19] =	ssyncset.done $0x0  }
0x4a: {  	[sflag:s19] =	ssyncadd.s32 $0xFFFFD800  }
0x4b: {  	s29 =	simm.s32 $0x0;
	[bflag:$0x0] =	sbarrier.arrive $0xFFFF  }
0x4c: {  	[tilespmem:s21], [sflag:$0x1] =	stream.indirect.gather [hbm4b:s4+s22], $0x80, s29, s22, $0xb8;
	[tilespmem:$0x1F780] =	vst v63  }
0x4d: {  	s29 =	simm.s32 $0x50  }
0x4e: {  	[tilespmem:s23], [sflag:$0x2] =	stream.indirect.gather [hbm4b:s4+s22], $0x80, s29, s22, $0xb8;
	[tilespmem:$0x1F780] =	vst v63  }
0x4f: {  	_ =	swait.ge [sflag:s24], $0x2800  }
0x50: {  	[sflag:s24] =	ssyncset.done $0x0  }
0x51: {  	s29 =	simm.s32 $0x2780;
	[sflag:s24] =	ssyncadd.s32 $0xFFFFD800  }
0x52: {  	[spmem:s2] =	stream.indirect.scatter.add.f32 [tilespmem:s21], [sflag:$0x3], $0x80, s29, s22, $0xb8;
	[tilespmem:$0x1F780] =	vst v63  }
0x53: {  	_ =	swait.ge [sflag:s19], $0x2800  }
0x54: {  	[sflag:s19] =	ssyncset.done $0x0  }
0x55: {  	s29 =	simm.s32 $0xA0;
	[sflag:s19] =	ssyncadd.s32 $0xFFFFD800  }
0x56: {  	[tilespmem:s21], [sflag:$0x1] =	stream.indirect.gather [hbm4b:s4+s22], $0x80, s29, s22, $0xb8;
	[tilespmem:$0x1F780] =	vst v63  }
0x57: {  	_ =	swait.ge [sflag:s25], $0x2800  }
0x58: {  	[sflag:s25] =	ssyncset.done $0x0  }
0x59: {  	s29 =	simm.s32 $0x2800;
	[sflag:s25] =	ssyncadd.s32 $0xFFFFD800  }
0x5a: {  	[spmem:s2] =	stream.indirect.scatter.add.f32 [tilespmem:s23], [sflag:$0x3], $0x80, s29, s22, $0xb8;
	[tilespmem:$0x1F780] =	vst v63  }
0x5b: {  	s30 =	simm.s32 $0x400;
	_ =	swait.ge [sflag:s19], $0x2800  }
0x5c: {  	s31 =	simm.s32 $0x800;
	s29 =	simm.s32 $0x140;
	[sflag:s19] =	ssyncset.done $0x0  }
.LBB2_4:
0x5d: {  	p0 =	sne.s32 s31, $0xF400;
	s1 =	sadd.s32 $0xFFFFFFB0, s29;
	[sflag:s19] =	ssyncadd.s32 $0xFFFFD800  }
0x5e: {  	[tilespmem:s23], [sflag:$0x2] =	stream.indirect.gather [hbm4b:s4+s22], $0x80, s1, s22, $0xb8;
	[tilespmem:$0x1F780] =	vst v63  }
0x5f: {  	s1 =	smov.u32 s31;
	s31 =	sadd.s32 $0x400, s31;
	_ =	swait.ge [sflag:s24], $0x2800  }
0x60: {  	s0 =	sshra.s32 s30, $0x2;
	s30 =	smov.u32 s1;
	[sflag:s24] =	ssyncset.done $0x0  }
0x61: {  	s1 =	sadd.s32 $0x2780, s0;
	[sflag:s24] =	ssyncadd.s32 $0xFFFFD800  }
0x62: {  	[spmem:s2] =	stream.indirect.scatter.add.f32 [tilespmem:s21], [sflag:$0x3], $0x80, s1, s22, $0xb8;
	[tilespmem:$0x1F780] =	vst v63  }
0x63: {  	_ =	swait.ge [sflag:s19], $0x2800  }
0x64: {  	[sflag:s19] =	ssyncset.done $0x0  }
0x65: {  	[sflag:s19] =	ssyncadd.s32 $0xFFFFD800  }
0x66: {  	[tilespmem:s21], [sflag:$0x1] =	stream.indirect.gather [hbm4b:s4+s22], $0x80, s29, s22, $0xb8;
	[tilespmem:$0x1F780] =	vst v63  }
0x67: {  	_ =	swait.ge [sflag:s25], $0x2800  }
.Ltmp1:
0x68: {  	[sflag:s25] =	ssyncset.done $0x0;
	(pc) =	sbr.rel @p0 .LBB2_4-.Ltmp1, $4  }
0x69: {  	s0 =	sadd.s32 $0x2800, s0;
	[sflag:s25] =	ssyncadd.s32 $0xFFFFD800  }
0x6a: {  	[spmem:s2] =	stream.indirect.scatter.add.f32 [tilespmem:s23], [sflag:$0x3], $0x80, s0, s22, $0xb8;
	[tilespmem:$0x1F780] =	vst v63  }
0x6b: {  	_ =	swait.ge [sflag:s19], $0x2800  }
0x6c: {  	s29 =	sadd.s32 $0xA0, s29;
	[sflag:s19] =	ssyncset.done $0x0  }
0x6d: {  	s0 =	sadd.s32 $0xFFFFFFB0, s29;
	[sflag:s19] =	ssyncadd.s32 $0xFFFFD800  }
0x6e: {  	[tilespmem:s23], [sflag:$0x2] =	stream.indirect.gather [hbm4b:s4+s22], $0x80, s0, s22, $0xb8;
	[tilespmem:$0x1F780] =	vst v63  }
0x6f: {  	_ =	swait.ge [sflag:s24], $0x2800  }
0x70: {  	s31 =	sshra.s32 s30, $0x2;
	[sflag:s24] =	ssyncset.done $0x0  }
0x71: {  	s1 =	sadd.s32 $0x2780, s31;
	[sflag:s24] =	ssyncadd.s32 $0xFFFFD800  }
0x72: {  	[spmem:s2] =	stream.indirect.scatter.add.f32 [tilespmem:s21], [sflag:$0x3], $0x80, s1, s22, $0xb8;
	[tilespmem:$0x1F780] =	vst v63  }
0x73: {  	_ =	swait.ge [sflag:s19], $0x2800  }
0x74: {  	[sflag:s19] =	ssyncset.done $0x0  }
0x75: {  	[sflag:s19] =	ssyncadd.s32 $0xFFFFD800  }
0x76: {  	[tilespmem:s21], [sflag:$0x1] =	stream.indirect.gather [hbm4b:s4+s22], $0x80, s29, s22, $0xb8;
	[tilespmem:$0x1F780] =	vst v63  }
0x77: {  	_ =	swait.ge [sflag:s25], $0x2800  }
0x78: {  	[sflag:s25] =	ssyncset.done $0x0  }
0x79: {  	s0 =	sadd.s32 $0x2800, s31;
	[sflag:s25] =	ssyncadd.s32 $0xFFFFD800  }
0x7a: {  	[spmem:s2] =	stream.indirect.scatter.add.f32 [tilespmem:s23], [sflag:$0x3], $0x80, s0, s22, $0xb8;
	[tilespmem:$0x1F780] =	vst v63  }
0x7b: {  	_ =	swait.ge [sflag:s19], $0x2800  }
0x7c: {  	[sflag:s19] =	ssyncset.done $0x0  }
0x7d: {  	[sflag:s19] =	ssyncadd.s32 $0xFFFFD800  }
0x7e: {  	_ =	swait.ge [sflag:s24], $0x2800  }
0x7f: {  	[sflag:s24] =	ssyncset.done $0x0  }
0x80: {  	[sflag:s24] =	ssyncadd.s32 $0xFFFFD800  }
0x81: {  	[spmem:s2] =	stream.indirect.scatter.add.f32 [tilespmem:s21], [sflag:$0x3], $0x80, s26, s22, $0xb8;
	[tilespmem:$0x1F780] =	vst v63  }
0x82: {  	s30 =	stileid.u32;
	_ =	swait.ge [sflag:s19], $0x2800  }
0x83: {  	s28 =	sadd.s32 $0x1, s28;
	s31 =	sshrl.u32 s6, $0x3;
	[sflag:s19] =	ssyncset.done $0x0  }
0x84: {  	p0 =	sne.s32 s28, s16;
	s0 =	sshll.u32 s30, $0x6;
	[sflag:s19] =	ssyncadd.s32 $0xFFFFD800  }
.Ltmp2:
0x85: {  	s0 =	sor.u32 $0x1C03, s0;
	[bflag:$0x0] =	sbarrier.arrive $0xFFFF;
	(pc) =	sbr.rel @p0 .LBB2_1-.Ltmp2, $4  }
0x86: {  	[hbm:s15], [sflag:s0] =	dma.local [spmem:s31], $0x2800  }
0x87: {  	_ =	swait.ge [sflag:s19], $0x2800  }
0x88: {  	[sflag:s19] =	ssyncset.done $0x0  }
0x89: {  	[sflag:s19] =	ssyncadd.s32 $0xFFFFD800  }
0x8a: {  	_ =	sfence.sel $0x180000  }
0x8b: {  	[bflag:$0x0] =	sbarrier.arrive $0xFFFF  }
0x8c: {  	_ =	strace $0x90000050  }
0x8d: {  	s0 =	stileid.u32;
	[bflag:$0x2] =	sbarrier.arrive $0xFFFF  }
0x8e: {  	p0 =	sne.s32 s0, $0x0;
	s0 =	rddreg [dreg:$0x2]  }
0x8f: {  	s0 =	sadd.s32 @!p0 $0x100000, s0  }
0x90: {  	[sflag:s0] =	ssyncadd.tile.s32 @!p0 $0x1;
	_ =	shalt  }
.Lfunc_end2:
_tile_overlayer_lowered:
.L_overlay_start_2:
0x91: {  	(tag) =	ssettag $0x2  }
0x92: {  	s0 =	rddreg [dreg:$0x0];
	s2 =	stileid.u32  }
0x93: {  	s1 =	rddreg [dreg:$0x1];
	p0 =	sne.s32 s2, $0x0  }
0x94: {  	s3 =	rddreg [dreg:$0x2];
	[bflag:$0x3] =	sbarrier.arrive $0xFFFF;
	s2 =	simm.s32 @!p0 $0x1C03  }
0x95: {  	[timem:s3], [sflag:s2] =	dma.local @!p0 [hbm:s0], s1  }
0x96: {  	s0 =	simm.s32 @!p0 $0x3  }
0x97: {  	_ =	swait.ge @!p0 [sflag:s0], s1  }
0x98: {  	s1 =	ssub.s32 @!p0 $0x0, s1;
	[sflag:s0] =	ssyncset.done @!p0 $0x0  }
0x99: {  	[sflag:s0] =	ssyncadd.s32 @!p0 s1  }
0x9a: {  	[bflag:$0x3] =	sbarrier.arrive $0xFFFF  }
0x9b: {  	_ =	shalt  }

// kernel: kernel.28.cloned.1.call-start
scs
__scs_entry_jumppad:
0x0: {  	(pc) =	sbr.rel $0x88, $3  }
0x1: {  	(tag) =	ssettag $0x0;
	lr =	simm.s32 $0x1  }
0x2: {  	[smem:$0x3F92] =	sst lr;
	_ =	strace $0xD0000000  }
0x3: {  	_ = 	snop  }
0x4: {  	_ = 	snop  }
0x5: {  	_ = 	snop  }
0x6: {  	_ = 	snop  }
0x7: {  	_ = 	snop  }
__scs_overlays_trampoline_lowered:
0x8: {  	[smem:$0x3FA1] =	sst s0  }
0x9: {  	[smem:$0x3FA2] =	sst s1  }
0xa: {  	[smem:$0x3FA3] =	sst s2  }
0xb: {  	[smem:$0x3FA4] =	sst s3  }
0xc: {  	[smem:$0x3FA5] =	sst s4  }
0xd: {  	[smem:$0x3FA6] =	sst s5  }
0xe: {  	[smem:$0x3FA7] =	sst s6  }
0xf: {  	[smem:$0x3FA8] =	sst s7  }
0x10: {  	[smem:$0x3FA9] =	sst s8  }
0x11: {  	[smem:$0x3FAA] =	sst s9;
	s0 =	simm.s32 @!p0 $0x0  }
0x12: {  	s1 =	sld [smem:$0x3F90];
	s0 =	simm.s32 @p0 $0x1  }
0x13: {  	[smem:$0x3FAB] =	sst s0;
	s0 =	simm.s32 @!p1 $0x0  }
0x14: {  	s2 =	sld [smem:$0x3F8F];
	s0 =	simm.s32 @p1 $0x1  }
0x15: {  	[smem:$0x3FAC] =	sst s0;
	s0 =	simm.s32 @!p2 $0x0  }
0x16: {  	s3 =	sld [smem:$0x3FDB];
	s0 =	simm.s32 @p2 $0x1  }
0x17: {  	s4 =	simm.s32 $0x1BF5;
	[smem:$0x3FAE] =	sst s0  }
0x18: {  	s0 =	sld [smem:$0x3F91];
	_ =	swait.ge [sflag:s4], $0x0  }
0x19: {  	s7 =	sld [smem:$0x3F92]  }
0x1a: {  	s8 =	sadd.s32 $0xFFFFE003, lr  }
0x1b: {  	s9 =	sadd.s32 $0xFFFFFEF7, lr;
	s5 =	simm.s32 $0xFFFFFFFF;
	p2 =	slt.u32 s8, $0xFFFFF086  }
0x1c: {  	p1 =	slt.u32 s9, $0xF7A;
	s5 =	simm.s32 @!p2 $0x0  }
0x1d: {  	s5 =	simm.s32 @p1 $0x1;
	p0 =	seq.s32 s7, s2  }
0x1e: {  	s7 =	smul.u32 @!p0 $0xF7A, s2;
	p2 =	seq.s32 @!p0 s5, $0x0  }
0x1f: {  	s9 =	smul.u32 $0xF7A, s1;
	s8 =	simm.s32 @!p0 $0x1BF5;
	p2 =	por !p2, p0  }
0x20: {  	[sflag:s8] =	ssyncset.s32 @!p0 $0xFFFFF086;
	s6 =	sadd.s32 @!p0 s3, s7;
	s7 =	simm.s32 @!p0 $0x108  }
0x21: {  	s3 =	sadd.s32 s3, s9;
	s6 =	sadd.s32 @!p0 $0x88, s6;
	s7 =	simm.s32 @p2 $0x1082  }
0x22: {  	[simem:s7], [sflag:s8] =	dma.local @!p0 [hbm:s6], $0xF7A  }
0x23: {  	s9 =	sor.u32 $0xD0000000, s2;
	s6 =	simm.s32 $0x108;
	_ =	swait.ge @!p0 [sflag:s8], $0x0  }
0x24: {  	s3 =	sadd.s32 $0x88, s3;
	s6 =	simm.s32 @!p1 $0x1082;
	[sflag:s4] =	ssyncset.s32 $0xFFFFF086  }
0x25: {  	[simem:s6], [sflag:s4] =	dma.local [hbm:s3], $0xF7A  }
0x26: {  	[smem:$0x3F92] =	sst s1;
	(tag) =	ssettag s2;
	_ =	strace s9  }
0x27: {  	s1 =	sld [smem:$0x3FA2]  }
0x28: {  	s2 =	sld [smem:$0x3FA3]  }
0x29: {  	s4 =	sld [smem:$0x3FA5]  }
0x2a: {  	p0 =	seq.s32 s5, $0x0;
	s5 =	sld [smem:$0x3FA6]  }
0x2b: {  	s6 =	sld [smem:$0x3FA7]  }
0x2c: {  	s7 =	sld [smem:$0x3FA8]  }
0x2d: {  	s3 =	simm.s32 $0x108;
	s8 =	sld [smem:$0x3FA9]  }
0x2e: {  	s3 =	simm.s32 @!p0 $0x1082;
	s9 =	sld [smem:$0x3FAA]  }
0x2f: {  	lr =	sadd.s32 s0, s3;
	s0 =	sld [smem:$0x3FA1]  }
0x30: {  	s3 =	sld [smem:$0x3FA4]  }
0x31: {  	[smem:$0x3FAD] =	sst s10  }
0x32: {  	s10 =	sld [smem:$0x3FAB];
	_ =	sdelay $0x3  }
0x33: {  	p0 =	seq.s32 s10, $0x1;
	s10 =	sld [smem:$0x3FAD];
	_ =	sdelay $0x3  }
0x34: {  	[smem:$0x3FAD] =	sst s10  }
0x35: {  	s10 =	sld [smem:$0x3FAC];
	_ =	sdelay $0x3  }
0x36: {  	p1 =	seq.s32 s10, $0x1;
	s10 =	sld [smem:$0x3FAD];
	_ =	sdelay $0x3  }
0x37: {  	[smem:$0x3FAD] =	sst s10  }
0x38: {  	s10 =	sld [smem:$0x3FAE]  }
0x39: {  	_ = 	snop;
	(pc) =	sbr.ind lr, $3  }
0x3a: {  	_ = 	snop  }
0x3b: {  	_ = 	snop  }
0x3c: {  	p2 =	seq.s32 s10, $0x1;
	s10 =	sld [smem:$0x3FAD]  }
0x3d: {  	_ =	shalt  }
0x3e: {  	_ =	shalt  }
0x3f: {  	_ =	shalt  }
0x40: {  	_ =	shalt  }
0x41: {  	_ =	shalt  }
0x42: {  	_ =	shalt  }
0x43: {  	_ =	shalt  }
0x44: {  	_ =	shalt  }
0x45: {  	_ =	shalt  }
0x46: {  	_ =	shalt  }
0x47: {  	_ =	shalt  }
0x48: {  	_ =	shalt  }
0x49: {  	_ =	shalt  }
0x4a: {  	_ =	shalt  }
0x4b: {  	_ =	shalt  }
0x4c: {  	_ =	shalt  }
0x4d: {  	_ =	shalt  }
0x4e: {  	_ =	shalt  }
0x4f: {  	_ =	shalt  }
0x50: {  	_ =	shalt  }
0x51: {  	_ =	shalt  }
0x52: {  	_ =	shalt  }
0x53: {  	_ =	shalt  }
0x54: {  	_ =	shalt  }
0x55: {  	_ =	shalt  }
0x56: {  	_ =	shalt  }
0x57: {  	_ =	shalt  }
0x58: {  	_ =	shalt  }
0x59: {  	_ =	shalt  }
0x5a: {  	_ =	shalt  }
0x5b: {  	_ =	shalt  }
0x5c: {  	_ =	shalt  }
0x5d: {  	_ =	shalt  }
0x5e: {  	_ =	shalt  }
0x5f: {  	_ =	shalt  }
0x60: {  	_ =	shalt  }
0x61: {  	_ =	shalt  }
0x62: {  	_ =	shalt  }
0x63: {  	_ =	shalt  }
0x64: {  	_ =	shalt  }
0x65: {  	_ =	shalt  }
0x66: {  	_ =	shalt  }
0x67: {  	_ =	shalt  }
0x68: {  	_ =	shalt  }
0x69: {  	_ =	shalt  }
0x6a: {  	_ =	shalt  }
0x6b: {  	_ =	shalt  }
0x6c: {  	_ =	shalt  }
0x6d: {  	_ =	shalt  }
0x6e: {  	_ =	shalt  }
0x6f: {  	_ =	shalt  }
0x70: {  	_ =	shalt  }
0x71: {  	_ =	shalt  }
0x72: {  	_ =	shalt  }
0x73: {  	_ =	shalt  }
0x74: {  	_ =	shalt  }
0x75: {  	_ =	shalt  }
0x76: {  	_ =	shalt  }
0x77: {  	_ =	shalt  }
0x78: {  	_ =	shalt  }
0x79: {  	_ =	shalt  }
0x7a: {  	_ =	shalt  }
0x7b: {  	_ =	shalt  }
0x7c: {  	_ =	shalt  }
0x7d: {  	_ =	shalt  }
0x7e: {  	_ =	shalt  }
0x7f: {  	_ =	shalt  }
0x80: {  	_ =	shalt  }
0x81: {  	_ =	shalt  }
0x82: {  	_ =	shalt  }
0x83: {  	_ =	shalt  }
0x84: {  	_ =	shalt  }
0x85: {  	_ =	shalt  }
0x86: {  	_ =	shalt  }
0x87: {  	_ =	shalt  }
.Lfunc_end0:
.L_simem_size_0:
called_computation.4_lowered:
.L_overlay_start_0:
0x88: {  	s2 =	sld [smem:$0x3FD9]  }
0x89: {  	s3 =	sld [smem:$0x3FFE];
	_ =	sdelay $0x1  }
0x8a: {  	s1 =	srdreg.scid  }
0x8b: {  	s0 =	sand.u32 $0x1, s1  }
0x8c: {  	s16 =	sshll.u32 s0, $0xA;
	s2 =	sadd.s32 s3, s2  }
0x8d: {  	s2 =	sadd.s32 s2, s16  }
0x8e: {  	[smem:$0x3FB9] =	sst s2  }
0x8f: {  	_ = 	snop  }
0x90: {  	(tm) =	ssettm $0x1  }
0x91: {  	s17 =	sld [smem:$0x3FFB];
	_ =	sdelay $0x3  }
0x92: {  	_ =	strace s17  }
0x93: {  	s2 =	sld [smem:$0x3FFC];
	_ =	sdelay $0x3  }
0x94: {  	_ =	strace s2  }
0x95: {  	s2 =	sld [smem:$0x3FFD];
	_ =	sdelay $0x3  }
0x96: {  	_ =	strace s2  }
0x97: {  	_ =	strace $0x8FFFFFFF  }
0x98: {  	s18 =	sld [smem:$0x3FDB];
	_ =	sdelay $0x1  }
0x99: {  	s19 =	simm.s32 $_scs_section_size  }
0x9a: {  	s4 =	simm.s32 $_size__tile_overlayer_lowered;
	s5 =	simm.s32 $_tile_overlayer_lowered  }
0x9b: {  	s22 =	simm.s32 $0x1BFF;
	s21 =	sshll.u32 s5, $0x1;
	s2 =	sadd.s32 s19, s18  }
0x9c: {  	s6 =	simm.s32 $0x0;
	s20 =	sshll.u32 s4, $0x1;
	s4 =	sadd.s32 s21, s2  }
0x9d: {  	[timem:s6], [sflag:s22] =	dma.local [hbm:s4], s20  }
0x9e: {  	_ =	swait.ge [sflag:s22], s20  }
0x9f: {  	s3 =	ssub.s32 $0x0, s20;
	[sflag:s22] =	ssyncset.done $0x0  }
0xa0: {  	[sflag:s22] =	ssyncadd.s32 s3;
	_ =	sdelay $0x1  }
0xa1: {  	s23 =	simm.s32 $0x1B8B  }
0xa2: {  	_ =	swait.ge [sflag:s23], $0x1  }
0xa3: {  	[sflag:s23] =	ssyncset.done $0x0  }
0xa4: {  	s25 =	simm.s32 $0x1B8E;
	s24 =	sld [smem:$0x3FFE];
	[sflag:s23] =	ssyncadd.s32 $0xFFFFFFFF  }
0xa5: {  	s26 =	simm.s32 $execute0_lowered;
	[smem:$0x3FD2] =	sst s25  }
0xa6: {  	s4 =	sshll.u32 s26, $0x1;
	_ =	strace $0x80000052;
	[dreg:$0x1] =	wrdreg $0xFFFFFFFF  }
0xa7: {  	s28 =	simm.s32 $_size_execute0_lowered;
	s2 =	sadd.s32 s2, s4;
	[dreg:$0x0] =	wrdreg $0x0  }
0xa8: {  	s4 =	sshll.u32 s28, $0x1;
	[dreg:$0x2] =	wrdreg s2  }
0xa9: {  	[dreg:$0x3] =	wrdreg s4  }
0xaa: {  	[dreg:$0x4] =	wrdreg $0xC0  }
0xab: {  	_ =	task [dreg:s6], $0x5FFFF  }
0xac: {  	[dreg:$0x1] =	wrdreg $0xFFFFFFFF  }
0xad: {  	[dreg:$0x0] =	wrdreg $0x60  }
0xae: {  	[dreg:$0x2] =	wrdreg s24  }
0xaf: {  	[dreg:$0x3] =	wrdreg $0xB7800  }
0xb0: {  	[dreg:$0x4] =	wrdreg $0x9  }
0xb1: {  	_ =	task.clear_ibuf [dreg:s6], $0x5FFFF;
	_ =	strace $0x90000052  }
0xb2: {  	s29 =	simm.s32 $0x9;
	_ =	strace $0x80000054  }
0xb3: {  	_ =	swait.ge [sflag:s29], $0x1  }
0xb4: {  	[sflag:s29] =	ssyncadd.s32 $0xFFFFFFFF  }
0xb5: {  	_ =	strace $0x90000054  }
0xb6: {  	_ =	sfence  }
0xb7: {  	s30 =	sld [smem:$0x0];
	_ =	sdelay $0x2  }
0xb8: {  	s31 =	sshll.u32 s1, $0xD;
	s1 =	sshrl.u32 s1, $0x2  }
0xb9: {  	s3 =	sand.u32 $0x4000, s31;
	s1 =	sadd.s32 s1, s30  }
0xba: {  	s0 =	sor.u32 s3, s0;
	s1 =	sshll.u32 s1, $0x11  }
0xbb: {  	s0 =	sor.u32 s1, s0  }
0xbc: {  	s0 =	sadd.s32 $0x8F2B, s0  }
0xbd: {  	[sflag:s0] =	ssyncadd.remote.s32 $0x1  }
0xbe: {  	_ =	sfence.sel $0xFFFF  }
0xbf: {  	[dreg:$0x0] =	wrdreg $0xFFFFFFFF;
	(pc) =	sbr.abs _section_cstart, $3  }
0xc0: {  	[dreg:$0x1] =	wrdreg $0xFFFFFFFF  }
0xc1: {  	_ =	task.clear_ibuf [dreg:s6], $0x2FFFF;
	_ =	strace $0x9FFFFFFF  }
0xc2: {  	(tm) =	ssettm $0x7FFFFFFF  }
0xc3: {  	_ =	shalt  }
tec
execute0_lowered:
.L_overlay_start_1:
0x0: {  	(tag) =	ssettag $0x1  }
0x1: {  	s1 =	srdreg.scid;
	s6 =	rddreg [dreg:$0x0]  }
0x2: {  	s0 =	stileid.u32;
	s2 =	rddreg [dreg:$0x1];
	s17 =	simm.s32 $0x80  }
0x3: {  	s18 =	simm.s32 $0x400;
	s19 =	simm.s32 $0x3;
	s20 =	simm.s32 $0x2780  }
0x4: {  	s21 =	simm.s32 $0x6780;
	s22 =	simm.s32 $0x50;
	s10 =	smul.u32 $0x14000, s0  }
0x5: {  	s23 =	simm.s32 $0x8F80;
	s25 =	sshrl.u32 s0, $0x2;
	s29 =	smul.u32 $0x50000, s0  }
0x6: {  	s5 =	sand.u32 $0x1, s1;
	s24 =	sshll.u32 s0, $0x1;
	s4 =	smul.u32 $0x13C00, s25  }
0x7: {  	s28 =	simm.s32 $0x0;
	s7 =	sor.u32 s5, s24;
	s26 =	smul.u32 $0x140000, s5  }
0x8: {  	s5 =	ssub.s32 $0x2, s5;
	s24 =	simm.s32 $0x1;
	s25 =	simm.s32 $0x2  }
0x9: {  	s3 =	sshll.u32 s7, $0x7;
	s7 =	sshll.u32 s7, $0xB;
	s30 =	sshrl.u32 s5, $0x1  }
0xa: {  	s31 =	sshrl.u32 s29, $0x2;
	s8 =	sand.u32 $0x380, s3;
	s3 =	simm.s32 $0x0  }
0xb: {  	s7 =	sadd.s32 s7, s6;
	s16 =	ssub.s32 s5, s30;
	s4 =	sor.u32 s4, s8  }
0xc: {  	[smem:$0x7FF] =	sst s3;
	s8 =	sadd.s32 s10, s26;
	s7 =	sadd.s32 $0x4C00, s7  }
0xd: {  	s16 =	smax.u32 s16, $0x1;
	s26 =	simm.s32 $0x6580;
	s9 =	sshrl.u32 s4, $0x3  }
0xe: {  	_ =	strace $0x80000053;
	s4 =	sadd.s32 $0x1F400, s6;
	s8 =	sshrl.u32 s8, $0x3  }
0xf: {  	s9 =	sadd.s32 s9, s6;
	s15 =	sadd.s32 s8, s6;
	s6 =	sadd.s32 s31, s2  }
0x10: {  	s5 =	sadd.s32 $0x15600, s9;
	s8 =	sadd.s32 $0x2800, s6;
	s9 =	sadd.s32 $0x5000, s6  }
0x11: {  	s10 =	sadd.s32 $0x7800, s6;
	s11 =	sadd.s32 $0xA000, s6;
	s12 =	sadd.s32 $0xC800, s6  }
0x12: {  	v0 =	vimm.f32 $0.0e+00;
	s13 =	sadd.s32 $0xF000, s6;
	s14 =	sadd.s32 $0x11800, s6;
	s15 =	sadd.s32 $0x46600, s15  }
.LBB2_1:
0x13: {  	[tilespmem:s3], [sflag:$0x3] =	stream.strided.gather [hbm4b:s5+s17], $0x2780, s18, s17, $0x38;
	[tilespmem:$0x1F780] =	vst v63  }
0x14: {  	_ =	swait.ge [sflag:s19], $0x2780  }
0x15: {  	[sflag:s19] =	ssyncset.done $0x0  }
0x16: {  	[sflag:s19] =	ssyncadd.s32 $0xFFFFD880  }
0x17: {  	[tilespmem:s20], [sflag:$0x3] =	stream.linear.gather [hbm4b:s7+s3], $0x3E80, $0x38;
	[tilespmem:$0x1F780] =	vst v63  }
0x18: {  	_ =	swait.ge [sflag:s19], $0x3E80  }
0x19: {  	[sflag:s19] =	ssyncset.done $0x0  }
0x1a: {  	s29 =	simm.s32 $0x0;
	s30 =	simm.s32 $0x200;
	[sflag:s19] =	ssyncadd.s32 $0xFFFFC180  }
.LBB2_2:
0x1b: {  	p0 =	sne.s32 s30, $0x9E00;
	[tilespmem:s29+$0x67F0] =	vst v0  }
0x1c: {  	[tilespmem:s29+$0x6780] =	vst v0  }
0x1d: {  	[tilespmem:s29+$0x6790] =	vst v0  }
.Ltmp0:
0x1e: {  	[tilespmem:s29+$0x67A0] =	vst v0;
	(pc) =	sbr.rel @p0 .LBB2_2-.Ltmp0, $4  }
0x1f: {  	[tilespmem:s29+$0x67B0] =	vst v0  }
0x20: {  	[tilespmem:s29+$0x67C0] =	vst v0  }
0x21: {  	[tilespmem:s29+$0x67D0] =	vst v0  }
0x22: {  	[tilespmem:s29+$0x67E0] =	vst v0;
	s29 =	sshra.s32 s30, $0x2;
	s30 =	sadd.s32 $0x200, s30  }
0x23: {  	[tilespmem:s29+$0x67F0] =	vst v0  }
0x24: {  	[tilespmem:s29+$0x6780] =	vst v0  }
0x25: {  	[tilespmem:s29+$0x6790] =	vst v0  }
0x26: {  	[tilespmem:s29+$0x67A0] =	vst v0  }
0x27: {  	[tilespmem:s29+$0x67B0] =	vst v0  }
0x28: {  	[tilespmem:s29+$0x67C0] =	vst v0  }
0x29: {  	[tilespmem:s29+$0x67D0] =	vst v0  }
0x2a: {  	[tilespmem:s29+$0x67E0] =	vst v0  }
0x2b: {  	[spmem:s6] =	stream.linear.scatter [tilespmem:s21], [sflag:$0x3], $0x2800, $0x38;
	[tilespmem:$0x1F780] =	vst v63  }
0x2c: {  	_ =	swait.ge [sflag:s19], $0x2800  }
0x2d: {  	[sflag:s19] =	ssyncset.done $0x0  }
0x2e: {  	[sflag:s19] =	ssyncadd.s32 $0xFFFFD800  }
0x2f: {  	[spmem:s8] =	stream.linear.scatter [tilespmem:s21], [sflag:$0x3], $0x2800, $0x38;
	[tilespmem:$0x1F780] =	vst v63  }
0x30: {  	_ =	swait.ge [sflag:s19], $0x2800  }
0x31: {  	[sflag:s19] =	ssyncset.done $0x0  }
0x32: {  	[sflag:s19] =	ssyncadd.s32 $0xFFFFD800  }
0x33: {  	[spmem:s9] =	stream.linear.scatter [tilespmem:s21], [sflag:$0x3], $0x2800, $0x38;
	[tilespmem:$0x1F780] =	vst v63  }
0x34: {  	_ =	swait.ge [sflag:s19], $0x2800  }
0x35: {  	[sflag:s19] =	ssyncset.done $0x0  }
0x36: {  	[sflag:s19] =	ssyncadd.s32 $0xFFFFD800  }
0x37: {  	[spmem:s10] =	stream.linear.scatter [tilespmem:s21], [sflag:$0x3], $0x2800, $0x38;
	[tilespmem:$0x1F780] =	vst v63  }
0x38: {  	_ =	swait.ge [sflag:s19], $0x2800  }
0x39: {  	[sflag:s19] =	ssyncset.done $0x0  }
0x3a: {  	[sflag:s19] =	ssyncadd.s32 $0xFFFFD800  }
0x3b: {  	[spmem:s11] =	stream.linear.scatter [tilespmem:s21], [sflag:$0x3], $0x2800, $0x38;
	[tilespmem:$0x1F780] =	vst v63  }
0x3c: {  	_ =	swait.ge [sflag:s19], $0x2800  }
0x3d: {  	[sflag:s19] =	ssyncset.done $0x0  }
0x3e: {  	[sflag:s19] =	ssyncadd.s32 $0xFFFFD800  }
0x3f: {  	[spmem:s12] =	stream.linear.scatter [tilespmem:s21], [sflag:$0x3], $0x2800, $0x38;
	[tilespmem:$0x1F780] =	vst v63  }
0x40: {  	_ =	swait.ge [sflag:s19], $0x2800  }
0x41: {  	[sflag:s19] =	ssyncset.done $0x0  }
0x42: {  	[sflag:s19] =	ssyncadd.s32 $0xFFFFD800  }
0x43: {  	[spmem:s13] =	stream.linear.scatter [tilespmem:s21], [sflag:$0x3], $0x2800, $0x38;
	[tilespmem:$0x1F780] =	vst v63  }
0x44: {  	_ =	swait.ge [sflag:s19], $0x2800  }
0x45: {  	[sflag:s19] =	ssyncset.done $0x0  }
0x46: {  	[sflag:s19] =	ssyncadd.s32 $0xFFFFD800  }
0x47: {  	[spmem:s14] =	stream.linear.scatter [tilespmem:s21], [sflag:$0x3], $0x2800, $0x38;
	[tilespmem:$0x1F780] =	vst v63  }
0x48: {  	_ =	swait.ge [sflag:s19], $0x2800  }
0x49: {  	[sflag:s19] =	ssyncset.done $0x0  }
0x4a: {  	[sflag:s19] =	ssyncadd.s32 $0xFFFFD800  }
0x4b: {  	s29 =	simm.s32 $0x0;
	[bflag:$0x0] =	sbarrier.arrive $0xFFFF  }
0x4c: {  	[tilespmem:s21], [sflag:$0x1] =	stream.indirect.gather [hbm4b:s4+s22], $0x80, s29, s22, $0xb8;
	[tilespmem:$0x1F780] =	vst v63  }
0x4d: {  	s29 =	simm.s32 $0x50  }
0x4e: {  	[tilespmem:s23], [sflag:$0x2] =	stream.indirect.gather [hbm4b:s4+s22], $0x80, s29, s22, $0xb8;
	[tilespmem:$0x1F780] =	vst v63  }
0x4f: {  	_ =	swait.ge [sflag:s24], $0x2800  }
0x50: {  	[sflag:s24] =	ssyncset.done $0x0  }
0x51: {  	s29 =	simm.s32 $0x2780;
	[sflag:s24] =	ssyncadd.s32 $0xFFFFD800  }
0x52: {  	[spmem:s2] =	stream.indirect.scatter.add.f32 [tilespmem:s21], [sflag:$0x3], $0x80, s29, s22, $0xb8;
	[tilespmem:$0x1F780] =	vst v63  }
0x53: {  	_ =	swait.ge [sflag:s19], $0x2800  }
0x54: {  	[sflag:s19] =	ssyncset.done $0x0  }
0x55: {  	s29 =	simm.s32 $0xA0;
	[sflag:s19] =	ssyncadd.s32 $0xFFFFD800  }
0x56: {  	[tilespmem:s21], [sflag:$0x1] =	stream.indirect.gather [hbm4b:s4+s22], $0x80, s29, s22, $0xb8;
	[tilespmem:$0x1F780] =	vst v63  }
0x57: {  	_ =	swait.ge [sflag:s25], $0x2800  }
0x58: {  	[sflag:s25] =	ssyncset.done $0x0  }
0x59: {  	s29 =	simm.s32 $0x2800;
	[sflag:s25] =	ssyncadd.s32 $0xFFFFD800  }
0x5a: {  	[spmem:s2] =	stream.indirect.scatter.add.f32 [tilespmem:s23], [sflag:$0x3], $0x80, s29, s22, $0xb8;
	[tilespmem:$0x1F780] =	vst v63  }
0x5b: {  	s30 =	simm.s32 $0x400;
	_ =	swait.ge [sflag:s19], $0x2800  }
0x5c: {  	s31 =	simm.s32 $0x800;
	s29 =	simm.s32 $0x140;
	[sflag:s19] =	ssyncset.done $0x0  }
.LBB2_4:
0x5d: {  	p0 =	sne.s32 s31, $0xF400;
	s1 =	sadd.s32 $0xFFFFFFB0, s29;
	[sflag:s19] =	ssyncadd.s32 $0xFFFFD800  }
0x5e: {  	[tilespmem:s23], [sflag:$0x2] =	stream.indirect.gather [hbm4b:s4+s22], $0x80, s1, s22, $0xb8;
	[tilespmem:$0x1F780] =	vst v63  }
0x5f: {  	s1 =	smov.u32 s31;
	s31 =	sadd.s32 $0x400, s31;
	_ =	swait.ge [sflag:s24], $0x2800  }
0x60: {  	s0 =	sshra.s32 s30, $0x2;
	s30 =	smov.u32 s1;
	[sflag:s24] =	ssyncset.done $0x0  }
0x61: {  	s1 =	sadd.s32 $0x2780, s0;
	[sflag:s24] =	ssyncadd.s32 $0xFFFFD800  }
0x62: {  	[spmem:s2] =	stream.indirect.scatter.add.f32 [tilespmem:s21], [sflag:$0x3], $0x80, s1, s22, $0xb8;
	[tilespmem:$0x1F780] =	vst v63  }
0x63: {  	_ =	swait.ge [sflag:s19], $0x2800  }
0x64: {  	[sflag:s19] =	ssyncset.done $0x0  }
0x65: {  	[sflag:s19] =	ssyncadd.s32 $0xFFFFD800  }
0x66: {  	[tilespmem:s21], [sflag:$0x1] =	stream.indirect.gather [hbm4b:s4+s22], $0x80, s29, s22, $0xb8;
	[tilespmem:$0x1F780] =	vst v63  }
0x67: {  	_ =	swait.ge [sflag:s25], $0x2800  }
.Ltmp1:
0x68: {  	[sflag:s25] =	ssyncset.done $0x0;
	(pc) =	sbr.rel @p0 .LBB2_4-.Ltmp1, $4  }
0x69: {  	s0 =	sadd.s32 $0x2800, s0;
	[sflag:s25] =	ssyncadd.s32 $0xFFFFD800  }
0x6a: {  	[spmem:s2] =	stream.indirect.scatter.add.f32 [tilespmem:s23], [sflag:$0x3], $0x80, s0, s22, $0xb8;
	[tilespmem:$0x1F780] =	vst v63  }
0x6b: {  	_ =	swait.ge [sflag:s19], $0x2800  }
0x6c: {  	s29 =	sadd.s32 $0xA0, s29;
	[sflag:s19] =	ssyncset.done $0x0  }
0x6d: {  	s0 =	sadd.s32 $0xFFFFFFB0, s29;
	[sflag:s19] =	ssyncadd.s32 $0xFFFFD800  }
0x6e: {  	[tilespmem:s23], [sflag:$0x2] =	stream.indirect.gather [hbm4b:s4+s22], $0x80, s0, s22, $0xb8;
	[tilespmem:$0x1F780] =	vst v63  }
0x6f: {  	_ =	swait.ge [sflag:s24], $0x2800  }
0x70: {  	s31 =	sshra.s32 s30, $0x2;
	[sflag:s24] =	ssyncset.done $0x0  }
0x71: {  	s1 =	sadd.s32 $0x2780, s31;
	[sflag:s24] =	ssyncadd.s32 $0xFFFFD800  }
0x72: {  	[spmem:s2] =	stream.indirect.scatter.add.f32 [tilespmem:s21], [sflag:$0x3], $0x80, s1, s22, $0xb8;
	[tilespmem:$0x1F780] =	vst v63  }
0x73: {  	_ =	swait.ge [sflag:s19], $0x2800  }
0x74: {  	[sflag:s19] =	ssyncset.done $0x0  }
0x75: {  	[sflag:s19] =	ssyncadd.s32 $0xFFFFD800  }
0x76: {  	[tilespmem:s21], [sflag:$0x1] =	stream.indirect.gather [hbm4b:s4+s22], $0x80, s29, s22, $0xb8;
	[tilespmem:$0x1F780] =	vst v63  }
0x77: {  	_ =	swait.ge [sflag:s25], $0x2800  }
0x78: {  	[sflag:s25] =	ssyncset.done $0x0  }
0x79: {  	s0 =	sadd.s32 $0x2800, s31;
	[sflag:s25] =	ssyncadd.s32 $0xFFFFD800  }
0x7a: {  	[spmem:s2] =	stream.indirect.scatter.add.f32 [tilespmem:s23], [sflag:$0x3], $0x80, s0, s22, $0xb8;
	[tilespmem:$0x1F780] =	vst v63  }
0x7b: {  	_ =	swait.ge [sflag:s19], $0x2800  }
0x7c: {  	[sflag:s19] =	ssyncset.done $0x0  }
0x7d: {  	[sflag:s19] =	ssyncadd.s32 $0xFFFFD800  }
0x7e: {  	_ =	swait.ge [sflag:s24], $0x2800  }
0x7f: {  	[sflag:s24] =	ssyncset.done $0x0  }
0x80: {  	[sflag:s24] =	ssyncadd.s32 $0xFFFFD800  }
0x81: {  	[spmem:s2] =	stream.indirect.scatter.add.f32 [tilespmem:s21], [sflag:$0x3], $0x80, s26, s22, $0xb8;
	[tilespmem:$0x1F780] =	vst v63  }
0x82: {  	s30 =	stileid.u32;
	_ =	swait.ge [sflag:s19], $0x2800  }
0x83: {  	s28 =	sadd.s32 $0x1, s28;
	s31 =	sshrl.u32 s6, $0x3;
	[sflag:s19] =	ssyncset.done $0x0  }
0x84: {  	p0 =	sne.s32 s28, s16;
	s0 =	sshll.u32 s30, $0x6;
	[sflag:s19] =	ssyncadd.s32 $0xFFFFD800  }
.Ltmp2:
0x85: {  	s0 =	sor.u32 $0x1C03, s0;
	[bflag:$0x0] =	sbarrier.arrive $0xFFFF;
	(pc) =	sbr.rel @p0 .LBB2_1-.Ltmp2, $4  }
0x86: {  	[hbm:s15], [sflag:s0] =	dma.local [spmem:s31], $0x2800  }
0x87: {  	_ =	swait.ge [sflag:s19], $0x2800  }
0x88: {  	[sflag:s19] =	ssyncset.done $0x0  }
0x89: {  	[sflag:s19] =	ssyncadd.s32 $0xFFFFD800  }
0x8a: {  	_ =	sfence.sel $0x180000  }
0x8b: {  	[bflag:$0x0] =	sbarrier.arrive $0xFFFF  }
0x8c: {  	_ =	strace $0x90000053  }
0x8d: {  	s0 =	stileid.u32;
	[bflag:$0x2] =	sbarrier.arrive $0xFFFF  }
0x8e: {  	p0 =	sne.s32 s0, $0x0;
	s0 =	rddreg [dreg:$0x2]  }
0x8f: {  	s0 =	sadd.s32 @!p0 $0x100000, s0  }
0x90: {  	[sflag:s0] =	ssyncadd.tile.s32 @!p0 $0x1;
	_ =	shalt  }
.Lfunc_end2:
_tile_overlayer_lowered:
.L_overlay_start_2:
0x91: {  	(tag) =	ssettag $0x2  }
0x92: {  	s0 =	rddreg [dreg:$0x0];
	s2 =	stileid.u32  }
0x93: {  	s1 =	rddreg [dreg:$0x1];
	p0 =	sne.s32 s2, $0x0  }
0x94: {  	s3 =	rddreg [dreg:$0x2];
	[bflag:$0x3] =	sbarrier.arrive $0xFFFF;
	s2 =	simm.s32 @!p0 $0x1C03  }
0x95: {  	[timem:s3], [sflag:s2] =	dma.local @!p0 [hbm:s0], s1  }
0x96: {  	s0 =	simm.s32 @!p0 $0x3  }
0x97: {  	_ =	swait.ge @!p0 [sflag:s0], s1  }
0x98: {  	s1 =	ssub.s32 @!p0 $0x0, s1;
	[sflag:s0] =	ssyncset.done @!p0 $0x0  }
0x99: {  	[sflag:s0] =	ssyncadd.s32 @!p0 s1  }
0x9a: {  	[bflag:$0x3] =	sbarrier.arrive $0xFFFF  }
0x9b: {  	_ =	shalt  }

// kernel: kernel.31.cloned.1.call-start
scs
__scs_entry_jumppad:
0x0: {  	(pc) =	sbr.rel $0x88, $3  }
0x1: {  	(tag) =	ssettag $0x0;
	lr =	simm.s32 $0x1  }
0x2: {  	[smem:$0x3F92] =	sst lr;
	_ =	strace $0xD0000000  }
0x3: {  	_ = 	snop  }
0x4: {  	_ = 	snop  }
0x5: {  	_ = 	snop  }
0x6: {  	_ = 	snop  }
0x7: {  	_ = 	snop  }
__scs_overlays_trampoline_lowered:
0x8: {  	[smem:$0x3FA1] =	sst s0  }
0x9: {  	[smem:$0x3FA2] =	sst s1  }
0xa: {  	[smem:$0x3FA3] =	sst s2  }
0xb: {  	[smem:$0x3FA4] =	sst s3  }
0xc: {  	[smem:$0x3FA5] =	sst s4  }
0xd: {  	[smem:$0x3FA6] =	sst s5  }
0xe: {  	[smem:$0x3FA7] =	sst s6  }
0xf: {  	[smem:$0x3FA8] =	sst s7  }
0x10: {  	[smem:$0x3FA9] =	sst s8  }
0x11: {  	[smem:$0x3FAA] =	sst s9;
	s0 =	simm.s32 @!p0 $0x0  }
0x12: {  	s1 =	sld [smem:$0x3F90];
	s0 =	simm.s32 @p0 $0x1  }
0x13: {  	[smem:$0x3FAB] =	sst s0;
	s0 =	simm.s32 @!p1 $0x0  }
0x14: {  	s2 =	sld [smem:$0x3F8F];
	s0 =	simm.s32 @p1 $0x1  }
0x15: {  	[smem:$0x3FAC] =	sst s0;
	s0 =	simm.s32 @!p2 $0x0  }
0x16: {  	s3 =	sld [smem:$0x3FDB];
	s0 =	simm.s32 @p2 $0x1  }
0x17: {  	s4 =	simm.s32 $0x1BF5;
	[smem:$0x3FAE] =	sst s0  }
0x18: {  	s0 =	sld [smem:$0x3F91];
	_ =	swait.ge [sflag:s4], $0x0  }
0x19: {  	s7 =	sld [smem:$0x3F92]  }
0x1a: {  	s8 =	sadd.s32 $0xFFFFE003, lr  }
0x1b: {  	s9 =	sadd.s32 $0xFFFFFEF7, lr;
	s5 =	simm.s32 $0xFFFFFFFF;
	p2 =	slt.u32 s8, $0xFFFFF086  }
0x1c: {  	p1 =	slt.u32 s9, $0xF7A;
	s5 =	simm.s32 @!p2 $0x0  }
0x1d: {  	s5 =	simm.s32 @p1 $0x1;
	p0 =	seq.s32 s7, s2  }
0x1e: {  	s7 =	smul.u32 @!p0 $0xF7A, s2;
	p2 =	seq.s32 @!p0 s5, $0x0  }
0x1f: {  	s9 =	smul.u32 $0xF7A, s1;
	s8 =	simm.s32 @!p0 $0x1BF5;
	p2 =	por !p2, p0  }
0x20: {  	[sflag:s8] =	ssyncset.s32 @!p0 $0xFFFFF086;
	s6 =	sadd.s32 @!p0 s3, s7;
	s7 =	simm.s32 @!p0 $0x108  }
0x21: {  	s3 =	sadd.s32 s3, s9;
	s6 =	sadd.s32 @!p0 $0x88, s6;
	s7 =	simm.s32 @p2 $0x1082  }
0x22: {  	[simem:s7], [sflag:s8] =	dma.local @!p0 [hbm:s6], $0xF7A  }
0x23: {  	s9 =	sor.u32 $0xD0000000, s2;
	s6 =	simm.s32 $0x108;
	_ =	swait.ge @!p0 [sflag:s8], $0x0  }
0x24: {  	s3 =	sadd.s32 $0x88, s3;
	s6 =	simm.s32 @!p1 $0x1082;
	[sflag:s4] =	ssyncset.s32 $0xFFFFF086  }
0x25: {  	[simem:s6], [sflag:s4] =	dma.local [hbm:s3], $0xF7A  }
0x26: {  	[smem:$0x3F92] =	sst s1;
	(tag) =	ssettag s2;
	_ =	strace s9  }
0x27: {  	s1 =	sld [smem:$0x3FA2]  }
0x28: {  	s2 =	sld [smem:$0x3FA3]  }
0x29: {  	s4 =	sld [smem:$0x3FA5]  }
0x2a: {  	p0 =	seq.s32 s5, $0x0;
	s5 =	sld [smem:$0x3FA6]  }
0x2b: {  	s6 =	sld [smem:$0x3FA7]  }
0x2c: {  	s7 =	sld [smem:$0x3FA8]  }
0x2d: {  	s3 =	simm.s32 $0x108;
	s8 =	sld [smem:$0x3FA9]  }
0x2e: {  	s3 =	simm.s32 @!p0 $0x1082;
	s9 =	sld [smem:$0x3FAA]  }
0x2f: {  	lr =	sadd.s32 s0, s3;
	s0 =	sld [smem:$0x3FA1]  }
0x30: {  	s3 =	sld [smem:$0x3FA4]  }
0x31: {  	[smem:$0x3FAD] =	sst s10  }
0x32: {  	s10 =	sld [smem:$0x3FAB];
	_ =	sdelay $0x3  }
0x33: {  	p0 =	seq.s32 s10, $0x1;
	s10 =	sld [smem:$0x3FAD];
	_ =	sdelay $0x3  }
0x34: {  	[smem:$0x3FAD] =	sst s10  }
0x35: {  	s10 =	sld [smem:$0x3FAC];
	_ =	sdelay $0x3  }
0x36: {  	p1 =	seq.s32 s10, $0x1;
	s10 =	sld [smem:$0x3FAD];
	_ =	sdelay $0x3  }
0x37: {  	[smem:$0x3FAD] =	sst s10  }
0x38: {  	s10 =	sld [smem:$0x3FAE]  }
0x39: {  	_ = 	snop;
	(pc) =	sbr.ind lr, $3  }
0x3a: {  	_ = 	snop  }
0x3b: {  	_ = 	snop  }
0x3c: {  	p2 =	seq.s32 s10, $0x1;
	s10 =	sld [smem:$0x3FAD]  }
0x3d: {  	_ =	shalt  }
0x3e: {  	_ =	shalt  }
0x3f: {  	_ =	shalt  }
0x40: {  	_ =	shalt  }
0x41: {  	_ =	shalt  }
0x42: {  	_ =	shalt  }
0x43: {  	_ =	shalt  }
0x44: {  	_ =	shalt  }
0x45: {  	_ =	shalt  }
0x46: {  	_ =	shalt  }
0x47: {  	_ =	shalt  }
0x48: {  	_ =	shalt  }
0x49: {  	_ =	shalt  }
0x4a: {  	_ =	shalt  }
0x4b: {  	_ =	shalt  }
0x4c: {  	_ =	shalt  }
0x4d: {  	_ =	shalt  }
0x4e: {  	_ =	shalt  }
0x4f: {  	_ =	shalt  }
0x50: {  	_ =	shalt  }
0x51: {  	_ =	shalt  }
0x52: {  	_ =	shalt  }
0x53: {  	_ =	shalt  }
0x54: {  	_ =	shalt  }
0x55: {  	_ =	shalt  }
0x56: {  	_ =	shalt  }
0x57: {  	_ =	shalt  }
0x58: {  	_ =	shalt  }
0x59: {  	_ =	shalt  }
0x5a: {  	_ =	shalt  }
0x5b: {  	_ =	shalt  }
0x5c: {  	_ =	shalt  }
0x5d: {  	_ =	shalt  }
0x5e: {  	_ =	shalt  }
0x5f: {  	_ =	shalt  }
0x60: {  	_ =	shalt  }
0x61: {  	_ =	shalt  }
0x62: {  	_ =	shalt  }
0x63: {  	_ =	shalt  }
0x64: {  	_ =	shalt  }
0x65: {  	_ =	shalt  }
0x66: {  	_ =	shalt  }
0x67: {  	_ =	shalt  }
0x68: {  	_ =	shalt  }
0x69: {  	_ =	shalt  }
0x6a: {  	_ =	shalt  }
0x6b: {  	_ =	shalt  }
0x6c: {  	_ =	shalt  }
0x6d: {  	_ =	shalt  }
0x6e: {  	_ =	shalt  }
0x6f: {  	_ =	shalt  }
0x70: {  	_ =	shalt  }
0x71: {  	_ =	shalt  }
0x72: {  	_ =	shalt  }
0x73: {  	_ =	shalt  }
0x74: {  	_ =	shalt  }
0x75: {  	_ =	shalt  }
0x76: {  	_ =	shalt  }
0x77: {  	_ =	shalt  }
0x78: {  	_ =	shalt  }
0x79: {  	_ =	shalt  }
0x7a: {  	_ =	shalt  }
0x7b: {  	_ =	shalt  }
0x7c: {  	_ =	shalt  }
0x7d: {  	_ =	shalt  }
0x7e: {  	_ =	shalt  }
0x7f: {  	_ =	shalt  }
0x80: {  	_ =	shalt  }
0x81: {  	_ =	shalt  }
0x82: {  	_ =	shalt  }
0x83: {  	_ =	shalt  }
0x84: {  	_ =	shalt  }
0x85: {  	_ =	shalt  }
0x86: {  	_ =	shalt  }
0x87: {  	_ =	shalt  }
.Lfunc_end0:
.L_simem_size_0:
called_computation.5_lowered:
.L_overlay_start_0:
0x88: {  	s2 =	sld [smem:$0x3FD9]  }
0x89: {  	s3 =	sld [smem:$0x3FFE];
	_ =	sdelay $0x1  }
0x8a: {  	s1 =	srdreg.scid  }
0x8b: {  	s0 =	sand.u32 $0x1, s1  }
0x8c: {  	s16 =	sshll.u32 s0, $0xA;
	s2 =	sadd.s32 s3, s2  }
0x8d: {  	s2 =	sadd.s32 s2, s16  }
0x8e: {  	[smem:$0x3FB9] =	sst s2  }
0x8f: {  	_ = 	snop  }
0x90: {  	(tm) =	ssettm $0x1  }
0x91: {  	s17 =	sld [smem:$0x3FFB];
	_ =	sdelay $0x3  }
0x92: {  	_ =	strace s17  }
0x93: {  	s2 =	sld [smem:$0x3FFC];
	_ =	sdelay $0x3  }
0x94: {  	_ =	strace s2  }
0x95: {  	s2 =	sld [smem:$0x3FFD];
	_ =	sdelay $0x3  }
0x96: {  	_ =	strace s2  }
0x97: {  	_ =	strace $0x8FFFFFFF  }
0x98: {  	s18 =	sld [smem:$0x3FDB];
	_ =	sdelay $0x1  }
0x99: {  	s19 =	simm.s32 $_scs_section_size  }
0x9a: {  	s4 =	simm.s32 $_size__tile_overlayer_lowered;
	s5 =	simm.s32 $_tile_overlayer_lowered  }
0x9b: {  	s22 =	simm.s32 $0x1BFF;
	s21 =	sshll.u32 s5, $0x1;
	s2 =	sadd.s32 s19, s18  }
0x9c: {  	s6 =	simm.s32 $0x0;
	s20 =	sshll.u32 s4, $0x1;
	s4 =	sadd.s32 s21, s2  }
0x9d: {  	[timem:s6], [sflag:s22] =	dma.local [hbm:s4], s20  }
0x9e: {  	_ =	swait.ge [sflag:s22], s20  }
0x9f: {  	s3 =	ssub.s32 $0x0, s20;
	[sflag:s22] =	ssyncset.done $0x0  }
0xa0: {  	[sflag:s22] =	ssyncadd.s32 s3;
	_ =	sdelay $0x1  }
0xa1: {  	s23 =	simm.s32 $0x1B8B  }
0xa2: {  	_ =	swait.ge [sflag:s23], $0x1  }
0xa3: {  	[sflag:s23] =	ssyncset.done $0x0  }
0xa4: {  	s25 =	simm.s32 $0x1B8E;
	s24 =	sld [smem:$0x3FFE];
	[sflag:s23] =	ssyncadd.s32 $0xFFFFFFFF  }
0xa5: {  	s26 =	simm.s32 $execute0_lowered;
	[smem:$0x3FD2] =	sst s25  }
0xa6: {  	s4 =	sshll.u32 s26, $0x1;
	_ =	strace $0x80000055;
	[dreg:$0x1] =	wrdreg $0xFFFFFFFF  }
0xa7: {  	s28 =	simm.s32 $_size_execute0_lowered;
	s2 =	sadd.s32 s2, s4;
	[dreg:$0x0] =	wrdreg $0x0  }
0xa8: {  	s4 =	sshll.u32 s28, $0x1;
	[dreg:$0x2] =	wrdreg s2  }
0xa9: {  	[dreg:$0x3] =	wrdreg s4  }
0xaa: {  	[dreg:$0x4] =	wrdreg $0xC0  }
0xab: {  	_ =	task [dreg:s6], $0x5FFFF  }
0xac: {  	[dreg:$0x1] =	wrdreg $0xFFFFFFFF  }
0xad: {  	[dreg:$0x0] =	wrdreg $0x60  }
0xae: {  	[dreg:$0x2] =	wrdreg s24  }
0xaf: {  	[dreg:$0x3] =	wrdreg $0xB7800  }
0xb0: {  	[dreg:$0x4] =	wrdreg $0x9  }
0xb1: {  	_ =	task.clear_ibuf [dreg:s6], $0x5FFFF;
	_ =	strace $0x90000055  }
0xb2: {  	s29 =	simm.s32 $0x9;
	_ =	strace $0x80000057  }
0xb3: {  	_ =	swait.ge [sflag:s29], $0x1  }
0xb4: {  	[sflag:s29] =	ssyncadd.s32 $0xFFFFFFFF  }
0xb5: {  	_ =	strace $0x90000057  }
0xb6: {  	_ =	sfence  }
0xb7: {  	s30 =	sld [smem:$0x0];
	_ =	sdelay $0x2  }
0xb8: {  	s31 =	sshll.u32 s1, $0xD;
	s1 =	sshrl.u32 s1, $0x2  }
0xb9: {  	s3 =	sand.u32 $0x4000, s31;
	s1 =	sadd.s32 s1, s30  }
0xba: {  	s0 =	sor.u32 s3, s0;
	s1 =	sshll.u32 s1, $0x11  }
0xbb: {  	s0 =	sor.u32 s1, s0  }
0xbc: {  	s0 =	sadd.s32 $0x8F2B, s0  }
0xbd: {  	[sflag:s0] =	ssyncadd.remote.s32 $0x1  }
0xbe: {  	_ =	sfence.sel $0xFFFF  }
0xbf: {  	[dreg:$0x0] =	wrdreg $0xFFFFFFFF;
	(pc) =	sbr.abs _section_cstart, $3  }
0xc0: {  	[dreg:$0x1] =	wrdreg $0xFFFFFFFF  }
0xc1: {  	_ =	task.clear_ibuf [dreg:s6], $0x2FFFF;
	_ =	strace $0x9FFFFFFF  }
0xc2: {  	(tm) =	ssettm $0x7FFFFFFF  }
0xc3: {  	_ =	shalt  }
tec
execute0_lowered:
.L_overlay_start_1:
0x0: {  	(tag) =	ssettag $0x1  }
0x1: {  	s1 =	srdreg.scid;
	s6 =	rddreg [dreg:$0x0]  }
0x2: {  	s0 =	stileid.u32;
	s2 =	rddreg [dreg:$0x1];
	s17 =	simm.s32 $0x80  }
0x3: {  	s18 =	simm.s32 $0x400;
	s19 =	simm.s32 $0x3;
	s20 =	simm.s32 $0x2780  }
0x4: {  	s21 =	simm.s32 $0x6780;
	s22 =	simm.s32 $0x50;
	s10 =	smul.u32 $0x14000, s0  }
0x5: {  	s23 =	simm.s32 $0x8F80;
	s25 =	sshrl.u32 s0, $0x2;
	s29 =	smul.u32 $0x50000, s0  }
0x6: {  	s5 =	sand.u32 $0x1, s1;
	s24 =	sshll.u32 s0, $0x1;
	s4 =	smul.u32 $0x13C00, s25  }
0x7: {  	s28 =	simm.s32 $0x0;
	s7 =	sor.u32 s5, s24;
	s26 =	smul.u32 $0x140000, s5  }
0x8: {  	s5 =	ssub.s32 $0x2, s5;
	s24 =	simm.s32 $0x1;
	s25 =	simm.s32 $0x2  }
0x9: {  	s3 =	sshll.u32 s7, $0x7;
	s7 =	sshll.u32 s7, $0xB;
	s30 =	sshrl.u32 s5, $0x1  }
0xa: {  	s31 =	sshrl.u32 s29, $0x2;
	s8 =	sand.u32 $0x380, s3;
	s3 =	simm.s32 $0x0  }
0xb: {  	s7 =	sadd.s32 s7, s6;
	s16 =	ssub.s32 s5, s30;
	s4 =	sor.u32 s4, s8  }
0xc: {  	[smem:$0x7FF] =	sst s3;
	s8 =	sadd.s32 s10, s26;
	s7 =	sadd.s32 $0x4C00, s7  }
0xd: {  	s16 =	smax.u32 s16, $0x1;
	s26 =	simm.s32 $0x6580;
	s9 =	sshrl.u32 s4, $0x3  }
0xe: {  	_ =	strace $0x80000056;
	s4 =	sadd.s32 $0x1F400, s6;
	s8 =	sshrl.u32 s8, $0x3  }
0xf: {  	s9 =	sadd.s32 s9, s6;
	s15 =	sadd.s32 s8, s6;
	s6 =	sadd.s32 s31, s2  }
0x10: {  	s5 =	sadd.s32 $0x15600, s9;
	s8 =	sadd.s32 $0x2800, s6;
	s9 =	sadd.s32 $0x5000, s6  }
0x11: {  	s10 =	sadd.s32 $0x7800, s6;
	s11 =	sadd.s32 $0xA000, s6;
	s12 =	sadd.s32 $0xC800, s6  }
0x12: {  	v0 =	vimm.f32 $0.0e+00;
	s13 =	sadd.s32 $0xF000, s6;
	s14 =	sadd.s32 $0x11800, s6;
	s15 =	sadd.s32 $0x46600, s15  }
.LBB2_1:
0x13: {  	[tilespmem:s3], [sflag:$0x3] =	stream.strided.gather [hbm4b:s5+s17], $0x2780, s18, s17, $0x38;
	[tilespmem:$0x1F780] =	vst v63  }
0x14: {  	_ =	swait.ge [sflag:s19], $0x2780  }
0x15: {  	[sflag:s19] =	ssyncset.done $0x0  }
0x16: {  	[sflag:s19] =	ssyncadd.s32 $0xFFFFD880  }
0x17: {  	[tilespmem:s20], [sflag:$0x3] =	stream.linear.gather [hbm4b:s7+s3], $0x3E80, $0x38;
	[tilespmem:$0x1F780] =	vst v63  }
0x18: {  	_ =	swait.ge [sflag:s19], $0x3E80  }
0x19: {  	[sflag:s19] =	ssyncset.done $0x0  }
0x1a: {  	s29 =	simm.s32 $0x0;
	s30 =	simm.s32 $0x200;
	[sflag:s19] =	ssyncadd.s32 $0xFFFFC180  }
.LBB2_2:
0x1b: {  	p0 =	sne.s32 s30, $0x9E00;
	[tilespmem:s29+$0x67F0] =	vst v0  }
0x1c: {  	[tilespmem:s29+$0x6780] =	vst v0  }
0x1d: {  	[tilespmem:s29+$0x6790] =	vst v0  }
.Ltmp0:
0x1e: {  	[tilespmem:s29+$0x67A0] =	vst v0;
	(pc) =	sbr.rel @p0 .LBB2_2-.Ltmp0, $4  }
0x1f: {  	[tilespmem:s29+$0x67B0] =	vst v0  }
0x20: {  	[tilespmem:s29+$0x67C0] =	vst v0  }
0x21: {  	[tilespmem:s29+$0x67D0] =	vst v0  }
0x22: {  	[tilespmem:s29+$0x67E0] =	vst v0;
	s29 =	sshra.s32 s30, $0x2;
	s30 =	sadd.s32 $0x200, s30  }
0x23: {  	[tilespmem:s29+$0x67F0] =	vst v0  }
0x24: {  	[tilespmem:s29+$0x6780] =	vst v0  }
0x25: {  	[tilespmem:s29+$0x6790] =	vst v0  }
0x26: {  	[tilespmem:s29+$0x67A0] =	vst v0  }
0x27: {  	[tilespmem:s29+$0x67B0] =	vst v0  }
0x28: {  	[tilespmem:s29+$0x67C0] =	vst v0  }
0x29: {  	[tilespmem:s29+$0x67D0] =	vst v0  }
0x2a: {  	[tilespmem:s29+$0x67E0] =	vst v0  }
0x2b: {  	[spmem:s6] =	stream.linear.scatter [tilespmem:s21], [sflag:$0x3], $0x2800, $0x38;
	[tilespmem:$0x1F780] =	vst v63  }
0x2c: {  	_ =	swait.ge [sflag:s19], $0x2800  }
0x2d: {  	[sflag:s19] =	ssyncset.done $0x0  }
0x2e: {  	[sflag:s19] =	ssyncadd.s32 $0xFFFFD800  }
0x2f: {  	[spmem:s8] =	stream.linear.scatter [tilespmem:s21], [sflag:$0x3], $0x2800, $0x38;
	[tilespmem:$0x1F780] =	vst v63  }
0x30: {  	_ =	swait.ge [sflag:s19], $0x2800  }
0x31: {  	[sflag:s19] =	ssyncset.done $0x0  }
0x32: {  	[sflag:s19] =	ssyncadd.s32 $0xFFFFD800  }
0x33: {  	[spmem:s9] =	stream.linear.scatter [tilespmem:s21], [sflag:$0x3], $0x2800, $0x38;
	[tilespmem:$0x1F780] =	vst v63  }
0x34: {  	_ =	swait.ge [sflag:s19], $0x2800  }
0x35: {  	[sflag:s19] =	ssyncset.done $0x0  }
0x36: {  	[sflag:s19] =	ssyncadd.s32 $0xFFFFD800  }
0x37: {  	[spmem:s10] =	stream.linear.scatter [tilespmem:s21], [sflag:$0x3], $0x2800, $0x38;
	[tilespmem:$0x1F780] =	vst v63  }
0x38: {  	_ =	swait.ge [sflag:s19], $0x2800  }
0x39: {  	[sflag:s19] =	ssyncset.done $0x0  }
0x3a: {  	[sflag:s19] =	ssyncadd.s32 $0xFFFFD800  }
0x3b: {  	[spmem:s11] =	stream.linear.scatter [tilespmem:s21], [sflag:$0x3], $0x2800, $0x38;
	[tilespmem:$0x1F780] =	vst v63  }
0x3c: {  	_ =	swait.ge [sflag:s19], $0x2800  }
0x3d: {  	[sflag:s19] =	ssyncset.done $0x0  }
0x3e: {  	[sflag:s19] =	ssyncadd.s32 $0xFFFFD800  }
0x3f: {  	[spmem:s12] =	stream.linear.scatter [tilespmem:s21], [sflag:$0x3], $0x2800, $0x38;
	[tilespmem:$0x1F780] =	vst v63  }
0x40: {  	_ =	swait.ge [sflag:s19], $0x2800  }
0x41: {  	[sflag:s19] =	ssyncset.done $0x0  }
0x42: {  	[sflag:s19] =	ssyncadd.s32 $0xFFFFD800  }
0x43: {  	[spmem:s13] =	stream.linear.scatter [tilespmem:s21], [sflag:$0x3], $0x2800, $0x38;
	[tilespmem:$0x1F780] =	vst v63  }
0x44: {  	_ =	swait.ge [sflag:s19], $0x2800  }
0x45: {  	[sflag:s19] =	ssyncset.done $0x0  }
0x46: {  	[sflag:s19] =	ssyncadd.s32 $0xFFFFD800  }
0x47: {  	[spmem:s14] =	stream.linear.scatter [tilespmem:s21], [sflag:$0x3], $0x2800, $0x38;
	[tilespmem:$0x1F780] =	vst v63  }
0x48: {  	_ =	swait.ge [sflag:s19], $0x2800  }
0x49: {  	[sflag:s19] =	ssyncset.done $0x0  }
0x4a: {  	[sflag:s19] =	ssyncadd.s32 $0xFFFFD800  }
0x4b: {  	s29 =	simm.s32 $0x0;
	[bflag:$0x0] =	sbarrier.arrive $0xFFFF  }
0x4c: {  	[tilespmem:s21], [sflag:$0x1] =	stream.indirect.gather [hbm4b:s4+s22], $0x80, s29, s22, $0xb8;
	[tilespmem:$0x1F780] =	vst v63  }
0x4d: {  	s29 =	simm.s32 $0x50  }
0x4e: {  	[tilespmem:s23], [sflag:$0x2] =	stream.indirect.gather [hbm4b:s4+s22], $0x80, s29, s22, $0xb8;
	[tilespmem:$0x1F780] =	vst v63  }
0x4f: {  	_ =	swait.ge [sflag:s24], $0x2800  }
0x50: {  	[sflag:s24] =	ssyncset.done $0x0  }
0x51: {  	s29 =	simm.s32 $0x2780;
	[sflag:s24] =	ssyncadd.s32 $0xFFFFD800  }
0x52: {  	[spmem:s2] =	stream.indirect.scatter.add.f32 [tilespmem:s21], [sflag:$0x3], $0x80, s29, s22, $0xb8;
	[tilespmem:$0x1F780] =	vst v63  }
0x53: {  	_ =	swait.ge [sflag:s19], $0x2800  }
0x54: {  	[sflag:s19] =	ssyncset.done $0x0  }
0x55: {  	s29 =	simm.s32 $0xA0;
	[sflag:s19] =	ssyncadd.s32 $0xFFFFD800  }
0x56: {  	[tilespmem:s21], [sflag:$0x1] =	stream.indirect.gather [hbm4b:s4+s22], $0x80, s29, s22, $0xb8;
	[tilespmem:$0x1F780] =	vst v63  }
0x57: {  	_ =	swait.ge [sflag:s25], $0x2800  }
0x58: {  	[sflag:s25] =	ssyncset.done $0x0  }
0x59: {  	s29 =	simm.s32 $0x2800;
	[sflag:s25] =	ssyncadd.s32 $0xFFFFD800  }
0x5a: {  	[spmem:s2] =	stream.indirect.scatter.add.f32 [tilespmem:s23], [sflag:$0x3], $0x80, s29, s22, $0xb8;
	[tilespmem:$0x1F780] =	vst v63  }
0x5b: {  	s30 =	simm.s32 $0x400;
	_ =	swait.ge [sflag:s19], $0x2800  }
0x5c: {  	s31 =	simm.s32 $0x800;
	s29 =	simm.s32 $0x140;
	[sflag:s19] =	ssyncset.done $0x0  }
.LBB2_4:
0x5d: {  	p0 =	sne.s32 s31, $0xF400;
	s1 =	sadd.s32 $0xFFFFFFB0, s29;
	[sflag:s19] =	ssyncadd.s32 $0xFFFFD800  }
0x5e: {  	[tilespmem:s23], [sflag:$0x2] =	stream.indirect.gather [hbm4b:s4+s22], $0x80, s1, s22, $0xb8;
	[tilespmem:$0x1F780] =	vst v63  }
0x5f: {  	s1 =	smov.u32 s31;
	s31 =	sadd.s32 $0x400, s31;
	_ =	swait.ge [sflag:s24], $0x2800  }
0x60: {  	s0 =	sshra.s32 s30, $0x2;
	s30 =	smov.u32 s1;
	[sflag:s24] =	ssyncset.done $0x0  }
0x61: {  	s1 =	sadd.s32 $0x2780, s0;
	[sflag:s24] =	ssyncadd.s32 $0xFFFFD800  }
0x62: {  	[spmem:s2] =	stream.indirect.scatter.add.f32 [tilespmem:s21], [sflag:$0x3], $0x80, s1, s22, $0xb8;
	[tilespmem:$0x1F780] =	vst v63  }
0x63: {  	_ =	swait.ge [sflag:s19], $0x2800  }
0x64: {  	[sflag:s19] =	ssyncset.done $0x0  }
0x65: {  	[sflag:s19] =	ssyncadd.s32 $0xFFFFD800  }
0x66: {  	[tilespmem:s21], [sflag:$0x1] =	stream.indirect.gather [hbm4b:s4+s22], $0x80, s29, s22, $0xb8;
	[tilespmem:$0x1F780] =	vst v63  }
0x67: {  	_ =	swait.ge [sflag:s25], $0x2800  }
.Ltmp1:
0x68: {  	[sflag:s25] =	ssyncset.done $0x0;
	(pc) =	sbr.rel @p0 .LBB2_4-.Ltmp1, $4  }
0x69: {  	s0 =	sadd.s32 $0x2800, s0;
	[sflag:s25] =	ssyncadd.s32 $0xFFFFD800  }
0x6a: {  	[spmem:s2] =	stream.indirect.scatter.add.f32 [tilespmem:s23], [sflag:$0x3], $0x80, s0, s22, $0xb8;
	[tilespmem:$0x1F780] =	vst v63  }
0x6b: {  	_ =	swait.ge [sflag:s19], $0x2800  }
0x6c: {  	s29 =	sadd.s32 $0xA0, s29;
	[sflag:s19] =	ssyncset.done $0x0  }
0x6d: {  	s0 =	sadd.s32 $0xFFFFFFB0, s29;
	[sflag:s19] =	ssyncadd.s32 $0xFFFFD800  }
0x6e: {  	[tilespmem:s23], [sflag:$0x2] =	stream.indirect.gather [hbm4b:s4+s22], $0x80, s0, s22, $0xb8;
	[tilespmem:$0x1F780] =	vst v63  }
0x6f: {  	_ =	swait.ge [sflag:s24], $0x2800  }
0x70: {  	s31 =	sshra.s32 s30, $0x2;
	[sflag:s24] =	ssyncset.done $0x0  }
0x71: {  	s1 =	sadd.s32 $0x2780, s31;
	[sflag:s24] =	ssyncadd.s32 $0xFFFFD800  }
0x72: {  	[spmem:s2] =	stream.indirect.scatter.add.f32 [tilespmem:s21], [sflag:$0x3], $0x80, s1, s22, $0xb8;
	[tilespmem:$0x1F780] =	vst v63  }
0x73: {  	_ =	swait.ge [sflag:s19], $0x2800  }
0x74: {  	[sflag:s19] =	ssyncset.done $0x0  }
0x75: {  	[sflag:s19] =	ssyncadd.s32 $0xFFFFD800  }
0x76: {  	[tilespmem:s21], [sflag:$0x1] =	stream.indirect.gather [hbm4b:s4+s22], $0x80, s29, s22, $0xb8;
	[tilespmem:$0x1F780] =	vst v63  }
0x77: {  	_ =	swait.ge [sflag:s25], $0x2800  }
0x78: {  	[sflag:s25] =	ssyncset.done $0x0  }
0x79: {  	s0 =	sadd.s32 $0x2800, s31;
	[sflag:s25] =	ssyncadd.s32 $0xFFFFD800  }
0x7a: {  	[spmem:s2] =	stream.indirect.scatter.add.f32 [tilespmem:s23], [sflag:$0x3], $0x80, s0, s22, $0xb8;
	[tilespmem:$0x1F780] =	vst v63  }
0x7b: {  	_ =	swait.ge [sflag:s19], $0x2800  }
0x7c: {  	[sflag:s19] =	ssyncset.done $0x0  }
0x7d: {  	[sflag:s19] =	ssyncadd.s32 $0xFFFFD800  }
0x7e: {  	_ =	swait.ge [sflag:s24], $0x2800  }
0x7f: {  	[sflag:s24] =	ssyncset.done $0x0  }
0x80: {  	[sflag:s24] =	ssyncadd.s32 $0xFFFFD800  }
0x81: {  	[spmem:s2] =	stream.indirect.scatter.add.f32 [tilespmem:s21], [sflag:$0x3], $0x80, s26, s22, $0xb8;
	[tilespmem:$0x1F780] =	vst v63  }
0x82: {  	s30 =	stileid.u32;
	_ =	swait.ge [sflag:s19], $0x2800  }
0x83: {  	s28 =	sadd.s32 $0x1, s28;
	s31 =	sshrl.u32 s6, $0x3;
	[sflag:s19] =	ssyncset.done $0x0  }
0x84: {  	p0 =	sne.s32 s28, s16;
	s0 =	sshll.u32 s30, $0x6;
	[sflag:s19] =	ssyncadd.s32 $0xFFFFD800  }
.Ltmp2:
0x85: {  	s0 =	sor.u32 $0x1C03, s0;
	[bflag:$0x0] =	sbarrier.arrive $0xFFFF;
	(pc) =	sbr.rel @p0 .LBB2_1-.Ltmp2, $4  }
0x86: {  	[hbm:s15], [sflag:s0] =	dma.local [spmem:s31], $0x2800  }
0x87: {  	_ =	swait.ge [sflag:s19], $0x2800  }
0x88: {  	[sflag:s19] =	ssyncset.done $0x0  }
0x89: {  	[sflag:s19] =	ssyncadd.s32 $0xFFFFD800  }
0x8a: {  	_ =	sfence.sel $0x180000  }
0x8b: {  	[bflag:$0x0] =	sbarrier.arrive $0xFFFF  }
0x8c: {  	_ =	strace $0x90000056  }
0x8d: {  	s0 =	stileid.u32;
	[bflag:$0x2] =	sbarrier.arrive $0xFFFF  }
0x8e: {  	p0 =	sne.s32 s0, $0x0;
	s0 =	rddreg [dreg:$0x2]  }
0x8f: {  	s0 =	sadd.s32 @!p0 $0x100000, s0  }
0x90: {  	[sflag:s0] =	ssyncadd.tile.s32 @!p0 $0x1;
	_ =	shalt  }
.Lfunc_end2:
_tile_overlayer_lowered:
.L_overlay_start_2:
0x91: {  	(tag) =	ssettag $0x2  }
0x92: {  	s0 =	rddreg [dreg:$0x0];
	s2 =	stileid.u32  }
0x93: {  	s1 =	rddreg [dreg:$0x1];
	p0 =	sne.s32 s2, $0x0  }
0x94: {  	s3 =	rddreg [dreg:$0x2];
	[bflag:$0x3] =	sbarrier.arrive $0xFFFF;
	s2 =	simm.s32 @!p0 $0x1C03  }
0x95: {  	[timem:s3], [sflag:s2] =	dma.local @!p0 [hbm:s0], s1  }
0x96: {  	s0 =	simm.s32 @!p0 $0x3  }
0x97: {  	_ =	swait.ge @!p0 [sflag:s0], s1  }
0x98: {  	s1 =	ssub.s32 @!p0 $0x0, s1;
	[sflag:s0] =	ssyncset.done @!p0 $0x0  }
0x99: {  	[sflag:s0] =	ssyncadd.s32 @!p0 s1  }
0x9a: {  	[bflag:$0x3] =	sbarrier.arrive $0xFFFF  }
0x9b: {  	_ =	shalt  }

</sc_bundles>
